<compile_context>
chip_gen: v7x
topology: tpu7x:2x2x1
jax: 0.10.2.dev20260603
libtpu: 0.0.44.dev20260713+nightly
codegen_flags: <defaults>
</compile_context>

<pallas_src>
import functools

import jax
import jax.numpy as jnp
from jax import lax
from jax.experimental import pallas as pl
from jax.experimental.pallas import tpu as pltpu
from jax.experimental.pallas import tpu_sc as plsc

NNODE = 10000
NPAD = 10240
ROWB = 2048
NRB = NPAD // ROWB
NSEG = 256
EDGES = 320000
E2 = EDGES + NNODE
EPW = 10368
E2P = EPW * 32
STEPS = EPW // 128
ROWS_PER_SUB = NPAD // 16



def _sc_scatter_body(nch, *refs):
    g_refs = refs[:nch]
    src_hbm, dst_hbm, zeros_hbm = refs[nch:nch + 3]
    out_refs = refs[nch + 3:2 * nch + 3]
    src_v = refs[2 * nch + 3:2 * nch + 5]
    dst_v = refs[2 * nch + 5:2 * nch + 7]
    rows_v = refs[2 * nch + 7:2 * nch + 9]
    sems = refs[2 * nch + 9:2 * nch + 11]
    ssems = refs[2 * nch + 11:2 * nch + 13]
    acc = refs[2 * nch + 13]

    c = lax.axis_index("c")
    sid = lax.axis_index("s")
    wbase = pl.multiple_of((c * 16 + sid) * 128, 128)
    rbase = pl.multiple_of(sid * ROWS_PER_SUB, 8)

    for ch in range(nch):
        g = g_refs[ch]
        pltpu.sync_copy(zeros_hbm.at[pl.ds(rbase, ROWS_PER_SUB)],
                        acc.at[pl.ds(rbase, ROWS_PER_SUB)])
        plsc.subcore_barrier()

        pltpu.sync_copy(src_hbm.at[pl.ds(wbase, 128)], src_v[0])
        pltpu.sync_copy(dst_hbm.at[pl.ds(wbase, 128)], dst_v[0])
        pltpu.async_copy(g.at[src_v[0]], rows_v[0], sems[0])
        pltpu.sync_copy(src_hbm.at[pl.ds(wbase + 4096, 128)], src_v[1])

        def pair(s, _):
            for b in range(2):
                t = s + b
                o = (b + 1) % 2

                @pl.when(t < STEPS)
                def _():
                    pltpu.make_async_copy(g.at[src_v[b]], rows_v[b],
                                          sems[b]).wait()

                    @pl.when(t + 1 < STEPS)
                    def _():
                        @pl.when(t >= 1)
                        def _():
                            pltpu.make_async_copy(
                                rows_v[o], acc.at[dst_v[o]], ssems[o]).wait()

                        pltpu.async_copy(g.at[src_v[o]], rows_v[o], sems[o])
                        off1 = pl.multiple_of(wbase + (t + 1) * 4096, 128)
                        pltpu.sync_copy(dst_hbm.at[pl.ds(off1, 128)],
                                        dst_v[o])

                    pltpu.async_copy(rows_v[b], acc.at[dst_v[b]], ssems[b],
                                     add=True)

                    @pl.when(t + 2 < STEPS)
                    def _():
                        off = pl.multiple_of(wbase + (t + 2) * 4096, 128)
                        pltpu.sync_copy(src_hbm.at[pl.ds(off, 128)], src_v[b])
            return 0

        lax.fori_loop(0, (STEPS + 1) // 2, lambda i, cc: pair(2 * i, cc), 0)
        pltpu.make_async_copy(rows_v[0], acc.at[dst_v[0]], ssems[0]).wait()
        pltpu.make_async_copy(rows_v[1], acc.at[dst_v[1]], ssems[1]).wait()
        plsc.subcore_barrier()
        pltpu.sync_copy(acc.at[pl.ds(rbase, ROWS_PER_SUB)],
                        out_refs[ch].at[c, pl.ds(rbase, ROWS_PER_SUB)])
        plsc.subcore_barrier()


def _sc_scatter(nch, g_list, src, dst, zeros):
    mesh = plsc.VectorSubcoreMesh(core_axis_name="c", subcore_axis_name="s")
    kern = pl.kernel(
        functools.partial(_sc_scatter_body, nch),
        out_type=[jax.ShapeDtypeStruct((2, NPAD, 128), jnp.float32)
                  for _ in range(nch)],
        mesh=mesh,
        scratch_types=[
            pltpu.VMEM((128,), jnp.int32),
            pltpu.VMEM((128,), jnp.int32),
            pltpu.VMEM((128,), jnp.int32),
            pltpu.VMEM((128,), jnp.int32),
            pltpu.VMEM((128, 128), jnp.float32),
            pltpu.VMEM((128, 128), jnp.float32),
            pltpu.SemaphoreType.DMA,
            pltpu.SemaphoreType.DMA,
            pltpu.SemaphoreType.DMA,
            pltpu.SemaphoreType.DMA,
            pltpu.VMEM_SHARED((NPAD, 128), jnp.float32),
        ],
    )
    return kern(*g_list, src, dst, zeros)


def _sc_deg_body(dst_hbm, ones_hbm, zeros_hbm, out_ref,
                 dst_v, ones_v, acc):
    c = lax.axis_index("c")
    sid = lax.axis_index("s")
    wbase = pl.multiple_of((c * 16 + sid) * 128, 128)
    rbase = pl.multiple_of(sid * ROWS_PER_SUB, 8)

    pltpu.sync_copy(ones_hbm, ones_v)
    pltpu.sync_copy(zeros_hbm.at[pl.ds(rbase, ROWS_PER_SUB)],
                    acc.at[pl.ds(rbase, ROWS_PER_SUB)])
    plsc.subcore_barrier()

    def step(t, _):
        off = pl.multiple_of(wbase + t * 4096, 128)
        pltpu.sync_copy(dst_hbm.at[pl.ds(off, 128)], dst_v)
        pltpu.sync_copy(ones_v, acc.at[dst_v], add=True)
        return 0

    lax.fori_loop(0, STEPS, step, 0)
    plsc.subcore_barrier()
    pltpu.sync_copy(acc.at[pl.ds(rbase, ROWS_PER_SUB)],
                    out_ref.at[c, pl.ds(rbase, ROWS_PER_SUB)])


def _sc_deg(dst, ones, zeros):
    mesh = plsc.VectorSubcoreMesh(core_axis_name="c", subcore_axis_name="s")
    kern = pl.kernel(
        _sc_deg_body,
        out_type=jax.ShapeDtypeStruct((2, NPAD, 128), jnp.float32),
        mesh=mesh,
        scratch_types=[
            pltpu.VMEM((128,), jnp.int32),
            pltpu.VMEM((128, 128), jnp.float32),
            pltpu.VMEM_SHARED((NPAD, 128), jnp.float32),
        ],
    )
    return kern(dst, ones, zeros)



def _dinv_body(deg_ref, dinv_ref):
    d = deg_ref[0] + deg_ref[1]
    dinv_ref[...] = jnp.where(d > 0, lax.rsqrt(d), 0.0)


def _dinv(deg):
    return pl.pallas_call(
        _dinv_body,
        grid=(NRB,),
        in_specs=[pl.BlockSpec((2, ROWB, 128), lambda r: (0, r, 0))],
        out_specs=pl.BlockSpec((ROWB, 128), lambda r: (r, 0)),
        out_shape=jax.ShapeDtypeStruct((NPAD, 128), jnp.float32),
    )(deg)


def _mm_body(nch, h_ref, w_ref, dinv_ref, g_ref):
    acc = jnp.dot(h_ref[...], w_ref[...],
                  preferred_element_type=jnp.float32,
                  precision=lax.Precision.HIGHEST)
    dinv = dinv_ref[...]
    for ch in range(nch):
        g_ref[ch] = acc[:, ch * 128:(ch + 1) * 128] * dinv


def _mm_scale(h, w, dinv):
    k, dout = w.shape
    nch = dout // 128
    return pl.pallas_call(
        functools.partial(_mm_body, nch),
        grid=(NRB,),
        in_specs=[
            pl.BlockSpec((ROWB, k), lambda r: (r, 0)),
            pl.BlockSpec((k, dout), lambda r: (0, 0)),
            pl.BlockSpec((ROWB, 128), lambda r: (r, 0)),
        ],
        out_specs=pl.BlockSpec((nch, ROWB, 128), lambda r: (0, r, 0)),
        out_shape=jax.ShapeDtypeStruct((nch, NPAD, 128), jnp.float32),
    )(h, w, dinv)


def _epi_body(nch, *refs):
    p_refs = refs[:nch]
    b_ref, dinv_ref = refs[nch], refs[nch + 1]
    out_ref = refs[nch + 2]
    dinv = dinv_ref[...]
    for ch in range(nch):
        s = p_refs[ch][0] + p_refs[ch][1]
        out_ref[:, ch * 128:(ch + 1) * 128] = jax.nn.relu(
            dinv * s + b_ref[0, ch * 128:(ch + 1) * 128][None, :])


def _epilogue(p_list, b, dinv):
    nch = len(p_list)
    dout = nch * 128
    return pl.pallas_call(
        functools.partial(_epi_body, nch),
        grid=(NRB,),
        in_specs=(
            [pl.BlockSpec((2, ROWB, 128), lambda r: (0, r, 0))
             for _ in range(nch)]
            + [pl.BlockSpec((1, dout), lambda r: (0, 0)),
               pl.BlockSpec((ROWB, 128), lambda r: (r, 0))]
        ),
        out_specs=pl.BlockSpec((ROWB, dout), lambda r: (r, 0)),
        out_shape=jax.ShapeDtypeStruct((NPAD, dout), jnp.float32),
    )(*p_list, b.reshape(1, dout), dinv)


def _pool_body(h_ref, batch_ref, out_ref):
    r = pl.program_id(0)

    @pl.when(r == 0)
    def _():
        out_ref[...] = jnp.zeros_like(out_ref)

    h = h_ref[...]
    b = batch_ref[...]
    smin = jnp.min(b)
    smax = jnp.minimum(jnp.max(b), NSEG - 1)
    segcol = lax.broadcasted_iota(jnp.int32, (NSEG, 1), 0)

    def body(g, res):
        mrow = jnp.max(jnp.where(b == g, h, 0.0), axis=0, keepdims=True)
        return jnp.where(segcol == g, jnp.maximum(res, mrow), res)

    res = lax.fori_loop(smin, smax + 1, body,
                        jnp.zeros_like(out_ref[...]))
    out_ref[...] = jnp.maximum(out_ref[...], res)


def _pool(h3, batch2d):
    return pl.pallas_call(
        _pool_body,
        grid=(NRB,),
        in_specs=[pl.BlockSpec((ROWB, 512), lambda r: (r, 0)),
                  pl.BlockSpec((ROWB, 1), lambda r: (r, 0))],
        out_specs=pl.BlockSpec((NSEG, 512), lambda r: (0, 0)),
        out_shape=jax.ShapeDtypeStruct((NSEG, 512), jnp.float32),
    )(h3, batch2d)


def _mlp_body(p_ref, w1_ref, b1_ref, w2_ref, b2_ref, out_ref):
    z = jax.nn.relu(
        jnp.dot(p_ref[...], w1_ref[...],
                preferred_element_type=jnp.float32,
                precision=lax.Precision.HIGHEST) + b1_ref[...])
    out_ref[...] = jax.nn.relu(
        jnp.dot(z, w2_ref[...],
                preferred_element_type=jnp.float32,
                precision=lax.Precision.HIGHEST) + b2_ref[...])


def _mlp(pooled, wg1, bg1, wg2, bg2):
    return pl.pallas_call(
        _mlp_body,
        out_shape=jax.ShapeDtypeStruct((NSEG, 128), jnp.float32),
    )(pooled, wg1, bg1.reshape(1, 1024), wg2, bg2.reshape(1, 128))



def kernel(x, edge_index, batch, W1, b1, W2, b2, W3, b3, Wg1, bg1, Wg2, bg2):
    loop = jnp.arange(NNODE, dtype=edge_index.dtype)
    padv = jnp.full((E2P - E2,), NNODE, dtype=edge_index.dtype)
    src = jnp.concatenate([edge_index[0], loop, padv]).astype(jnp.int32)
    dst = jnp.concatenate([edge_index[1], loop, padv]).astype(jnp.int32)

    xp = jnp.zeros((NPAD, 128), x.dtype).at[:NNODE].set(x)
    zeros = jnp.zeros((NPAD, 128), jnp.float32)
    ones = jnp.ones((128, 128), jnp.float32)
    batch2d = jnp.full((NPAD, 1), NSEG, jnp.int32).at[:NNODE, 0].set(
        batch.astype(jnp.int32))

    deg = _sc_deg(dst, ones, zeros)
    dinv = _dinv(deg)

    h = xp
    for w, b in ((W1, b1), (W2, b2), (W3, b3)):
        nch = w.shape[1] // 128
        g = _mm_scale(h, w, dinv)
        g_list = [g[ch] for ch in range(nch)]
        p_list = _sc_scatter(nch, g_list, src, dst, zeros)
        if not isinstance(p_list, (list, tuple)):
            p_list = [p_list]
        p_list = list(p_list)
        h = _epilogue(p_list, b, dinv)

    pooled = _pool(h, batch2d)
    return _mlp(pooled, Wg1, bg1, Wg2, bg2)

# --- scband reference (transcript-rebuilt; emitter-appended) ---
"""Pipeline reference for scband-molecular-emb-2551210574176 (READ-ONLY COPY).

The authoritative reference and input builder live on the scoring server;
editing this copy changes nothing except your own understanding.
"""

import jax, jax.numpy as jnp
import numpy as np

N = 10000
E = 320000
G = 256
D = 128


def gcn_conv(x, W, b, src, dst, num_nodes):
    # PyG GCNConv: h = D^{-1/2} (A + I) D^{-1/2} x W + b  (self-loops already in src/dst)
    deg = jnp.zeros((num_nodes,), x.dtype).at[dst].add(1.0)
    dinv = jnp.where(deg > 0, 1.0 / jnp.sqrt(deg), 0.0)
    norm = dinv[src] * dinv[dst]
    h = x @ W
    msg = h[src] * norm[:, None]
    out = jnp.zeros((num_nodes, h.shape[1]), h.dtype).at[dst].add(msg)
    return out + b


def setup_inputs(seed: int = 0) -> dict:
    key = jax.random.key(seed)
    ks = jax.random.split(key, 16)
    x = jax.random.normal(ks[0], (N, D), dtype=jnp.float32)
    edge_index = jax.random.randint(ks[1], (2, E), 0, N)
    batch = jnp.sort(jax.random.randint(ks[2], (N,), 0, G))
    def lin(k, fan_in, fan_out):
        kw, kb = jax.random.split(k)
        W = jax.random.normal(kw, (fan_in, fan_out), jnp.float32) * (1.0 / np.sqrt(fan_in))
        b = jnp.zeros((fan_out,), jnp.float32)
        return W, b
    W1, b1 = lin(ks[3], D, D)
    W2, b2 = lin(ks[4], D, 2 * D)
    W3, b3 = lin(ks[5], 2 * D, 4 * D)
    Wg1, bg1 = lin(ks[6], 4 * D, 1024)
    Wg2, bg2 = lin(ks[7], 1024, 128)
    return {"x": x, "edge_index": edge_index, "batch": batch,
            "W1": W1, "b1": b1, "W2": W2, "b2": b2, "W3": W3, "b3": b3,
            "Wg1": Wg1, "bg1": bg1, "Wg2": Wg2, "bg2": bg2}


def reference(x, edge_index, batch, W1, b1, W2, b2, W3, b3, Wg1, bg1, Wg2, bg2):
    loop = jnp.arange(N, dtype=edge_index.dtype)
    src = jnp.concatenate([edge_index[0], loop])
    dst = jnp.concatenate([edge_index[1], loop])
    h = jax.nn.relu(gcn_conv(x, W1, b1, src, dst, N))
    h = jax.nn.relu(gcn_conv(h, W2, b2, src, dst, N))
    h = jax.nn.relu(gcn_conv(h, W3, b3, src, dst, N))
    pooled = jax.ops.segment_max(h, batch, num_segments=G)
    pooled = jnp.where(jnp.isfinite(pooled), pooled, 0.0)
    z = jax.nn.relu(pooled @ Wg1 + bg1)
    # dropout is identity in eval mode
    z = z @ Wg2 + bg2
    return jax.nn.relu(z)

if __name__ == "__main__":
    import jax
    _d = setup_inputs()
    print(jax.jit(kernel)(*tuple(_d.values())))

</pallas_src>

<mosaic_0001>
#map = affine_map<(d0, d1) -> (0, 0)>
#map1 = affine_map<(d0, d1) -> (0)>
#map2 = affine_map<(d0, d1) -> (0, 0, 0)>
module attributes {stable_mosaic.version = 14 : i64} {
  func.func @_sc_scatter_body(%arg0: i32, %arg1: i32, %arg2: memref<10240x128xf32, #tpu.memory_space<hbm>>, %arg3: memref<10240x128xf32, #tpu.memory_space<hbm>>, %arg4: memref<331776xi32, #tpu.memory_space<hbm>>, %arg5: memref<331776xi32, #tpu.memory_space<hbm>>, %arg6: memref<10240x128xf32, #tpu.memory_space<hbm>>, %arg7: memref<2x10240x128xf32, #tpu.memory_space<hbm>>, %arg8: memref<2x10240x128xf32, #tpu.memory_space<hbm>>, %arg9: memref<128xi32, #tpu.memory_space<vmem>>, %arg10: memref<128xi32, #tpu.memory_space<vmem>>, %arg11: memref<128xi32, #tpu.memory_space<vmem>>, %arg12: memref<128xi32, #tpu.memory_space<vmem>>, %arg13: memref<128x128xf32, #tpu.memory_space<vmem>>, %arg14: memref<128x128xf32, #tpu.memory_space<vmem>>, %arg15: memref<!tpu.dma_semaphore, #tpu.memory_space<semaphore_mem>>, %arg16: memref<!tpu.dma_semaphore, #tpu.memory_space<semaphore_mem>>, %arg17: memref<!tpu.dma_semaphore, #tpu.memory_space<semaphore_mem>>, %arg18: memref<!tpu.dma_semaphore, #tpu.memory_space<semaphore_mem>>, %arg19: memref<10240x128xf32, #tpu.memory_space<vmem_shared>>) attributes {dimension_semantics = [#tpu.dimension_semantics<core_parallel>, #tpu.dimension_semantics<subcore_parallel>], iteration_bounds = array<i64: 2, 16>, scalar_prefetch = 0 : i64, scratch_operands = 11 : i64, tpu.core_type = #tpu.core_type<sc_vector_subcore>, window_params = [{transform_indices = #map}, {transform_indices = #map}, {transform_indices = #map1}, {transform_indices = #map1}, {transform_indices = #map}, {transform_indices = #map2}, {transform_indices = #map2}]} {
    %mul3A = arith.constant 16 : i32
    %mul3A_0 = arith.muli %arg0, %mul3A : i32
    %add3A = arith.addi %mul3A_0, %arg1 : i32
    %mul3A_1 = arith.constant 128 : i32
    %mul3A_2 = arith.muli %add3A, %mul3A_1 : i32
    %multiple_of3A = tpu.assume_multiple %mul3A_2, 128 : i32
    %mul3A_3 = arith.constant 640 : i32
    %mul3A_4 = arith.muli %arg1, %mul3A_3 : i32
    %multiple_of3A_5 = tpu.assume_multiple %mul3A_4, 8 : i32
    "tpu.region"() ({
      %run_scoped3A = tpu.sem_alloc : memref<!tpu.dma_semaphore, #tpu.memory_space<semaphore_mem>>
      %dma_start3A_44 = arith.constant 0 : i32
      %dma_start3A_45 = tpu.memref_slice %arg19[%multiple_of3A_5, %dma_start3A_44] : memref<10240x128xf32, #tpu.memory_space<vmem_shared>> -> memref<640x128xf32, #tpu.memory_space<vmem_shared>>
      %dma_start3A_46 = arith.constant 0 : i32
      %dma_start3A_47 = tpu.memref_slice %arg6[%multiple_of3A_5, %dma_start3A_46] : memref<10240x128xf32, #tpu.memory_space<hbm>> -> memref<640x128xf32, #tpu.memory_space<hbm>>
      tpu.enqueue_dma source(%dma_start3A_47 : memref<640x128xf32, #tpu.memory_space<hbm>>) target(%dma_start3A_45 : memref<640x128xf32, #tpu.memory_space<vmem_shared>>) target_semaphore(%run_scoped3A : memref<!tpu.dma_semaphore, #tpu.memory_space<semaphore_mem>>)
      %dma_wait3A_48 = arith.constant 0 : i32
      %dma_wait3A_49 = tpu.memref_slice %arg19[%multiple_of3A_5, %dma_wait3A_48] : memref<10240x128xf32, #tpu.memory_space<vmem_shared>> -> memref<640x128xf32, #tpu.memory_space<vmem_shared>>
      %dma_wait3A_50 = arith.constant 0 : i32
      %dma_wait3A_51 = tpu.memref_slice %arg6[%multiple_of3A_5, %dma_wait3A_50] : memref<10240x128xf32, #tpu.memory_space<hbm>> -> memref<640x128xf32, #tpu.memory_space<hbm>>
      tpu.wait_dma2 semaphore(%run_scoped3A : memref<!tpu.dma_semaphore, #tpu.memory_space<semaphore_mem>>) src(%dma_wait3A_51 : memref<640x128xf32, #tpu.memory_space<hbm>>) dst(%dma_wait3A_49 : memref<640x128xf32, #tpu.memory_space<vmem_shared>>)
      tpu.yield
    }) : () -> ()
    %barrier3A = arith.constant 0 : index
    tpu.barrier barrier_id(%barrier3A)
    "tpu.region"() ({
      %run_scoped3A = tpu.sem_alloc : memref<!tpu.dma_semaphore, #tpu.memory_space<semaphore_mem>>
      %dma_start3A_44 = tpu.memref_slice %arg4[%multiple_of3A] : memref<331776xi32, #tpu.memory_space<hbm>> -> memref<128xi32, #tpu.memory_space<hbm>>
      %dma_start3A_45 = tpu.memref_slice %arg4[%multiple_of3A] : memref<331776xi32, #tpu.memory_space<hbm>> -> memref<128xi32, #tpu.memory_space<hbm>>
      tpu.enqueue_dma source(%dma_start3A_45 : memref<128xi32, #tpu.memory_space<hbm>>) target(%arg9 : memref<128xi32, #tpu.memory_space<vmem>>) target_semaphore(%run_scoped3A : memref<!tpu.dma_semaphore, #tpu.memory_space<semaphore_mem>>)
      %dma_wait3A_46 = tpu.memref_slice %arg4[%multiple_of3A] : memref<331776xi32, #tpu.memory_space<hbm>> -> memref<128xi32, #tpu.memory_space<hbm>>
      %dma_wait3A_47 = tpu.memref_slice %arg4[%multiple_of3A] : memref<331776xi32, #tpu.memory_space<hbm>> -> memref<128xi32, #tpu.memory_space<hbm>>
      tpu.wait_dma2 semaphore(%run_scoped3A : memref<!tpu.dma_semaphore, #tpu.memory_space<semaphore_mem>>) src(%dma_wait3A_47 : memref<128xi32, #tpu.memory_space<hbm>>) dst(%arg9 : memref<128xi32, #tpu.memory_space<vmem>>)
      tpu.yield
    }) : () -> ()
    "tpu.region"() ({
      %run_scoped3A = tpu.sem_alloc : memref<!tpu.dma_semaphore, #tpu.memory_space<semaphore_mem>>
      %dma_start3A_44 = tpu.memref_slice %arg5[%multiple_of3A] : memref<331776xi32, #tpu.memory_space<hbm>> -> memref<128xi32, #tpu.memory_space<hbm>>
      %dma_start3A_45 = tpu.memref_slice %arg5[%multiple_of3A] : memref<331776xi32, #tpu.memory_space<hbm>> -> memref<128xi32, #tpu.memory_space<hbm>>
      tpu.enqueue_dma source(%dma_start3A_45 : memref<128xi32, #tpu.memory_space<hbm>>) target(%arg11 : memref<128xi32, #tpu.memory_space<vmem>>) target_semaphore(%run_scoped3A : memref<!tpu.dma_semaphore, #tpu.memory_space<semaphore_mem>>)
      %dma_wait3A_46 = tpu.memref_slice %arg5[%multiple_of3A] : memref<331776xi32, #tpu.memory_space<hbm>> -> memref<128xi32, #tpu.memory_space<hbm>>
      %dma_wait3A_47 = tpu.memref_slice %arg5[%multiple_of3A] : memref<331776xi32, #tpu.memory_space<hbm>> -> memref<128xi32, #tpu.memory_space<hbm>>
      tpu.wait_dma2 semaphore(%run_scoped3A : memref<!tpu.dma_semaphore, #tpu.memory_space<semaphore_mem>>) src(%dma_wait3A_47 : memref<128xi32, #tpu.memory_space<hbm>>) dst(%arg11 : memref<128xi32, #tpu.memory_space<vmem>>)
      tpu.yield
    }) : () -> ()
    %dma_start3A = arith.constant 0 : i32
    %dma_start3A_6 = arith.constant 0 : i32
    %dma_start3A_7 = tpu.memref_slice %arg2[%dma_start3A, %dma_start3A_6] : memref<10240x128xf32, #tpu.memory_space<hbm>> -> memref<10240x128xf32, #tpu.memory_space<hbm>>
    tpu.enqueue_indirect_dma source(%dma_start3A_7 : memref<10240x128xf32, #tpu.memory_space<hbm>>) target(%arg13 : memref<128x128xf32, #tpu.memory_space<vmem>>) offsets(%arg9 : memref<128xi32, #tpu.memory_space<vmem>>) semaphore(%arg15 : memref<!tpu.dma_semaphore, #tpu.memory_space<semaphore_mem>>)
    %add3A_8 = arith.constant 4096 : i32
    %add3A_9 = arith.addi %multiple_of3A, %add3A_8 : i32
    "tpu.region"() ({
      %run_scoped3A = tpu.sem_alloc : memref<!tpu.dma_semaphore, #tpu.memory_space<semaphore_mem>>
      %dma_start3A_44 = tpu.memref_slice %arg4[%add3A_9] : memref<331776xi32, #tpu.memory_space<hbm>> -> memref<128xi32, #tpu.memory_space<hbm>>
      %dma_start3A_45 = tpu.memref_slice %arg4[%add3A_9] : memref<331776xi32, #tpu.memory_space<hbm>> -> memref<128xi32, #tpu.memory_space<hbm>>
      tpu.enqueue_dma source(%dma_start3A_45 : memref<128xi32, #tpu.memory_space<hbm>>) target(%arg10 : memref<128xi32, #tpu.memory_space<vmem>>) target_semaphore(%run_scoped3A : memref<!tpu.dma_semaphore, #tpu.memory_space<semaphore_mem>>)
      %dma_wait3A_46 = tpu.memref_slice %arg4[%add3A_9] : memref<331776xi32, #tpu.memory_space<hbm>> -> memref<128xi32, #tpu.memory_space<hbm>>
      %dma_wait3A_47 = tpu.memref_slice %arg4[%add3A_9] : memref<331776xi32, #tpu.memory_space<hbm>> -> memref<128xi32, #tpu.memory_space<hbm>>
      tpu.wait_dma2 semaphore(%run_scoped3A : memref<!tpu.dma_semaphore, #tpu.memory_space<semaphore_mem>>) src(%dma_wait3A_47 : memref<128xi32, #tpu.memory_space<hbm>>) dst(%arg10 : memref<128xi32, #tpu.memory_space<vmem>>)
      tpu.yield
    }) : () -> ()
    %scan3A = arith.constant 0 : i32
    %scan3A_10 = arith.constant 0 : i32
    %scan3A_11 = arith.constant 41 : i32
    %scan3A_12 = arith.addi %scan3A_10, %scan3A_11 : i32
    %scan3A_13 = arith.constant 1 : i32
    %scan3A_14 = scf.for %scan3A_44 = %scan3A_10 to %scan3A_12 step %scan3A_13 iter_args(%scan3A_45 = %scan3A) -> (i32)  : i32 {
      %mul3A_46 = arith.constant 2 : i32
      %mul3A_47 = arith.muli %mul3A_46, %scan3A_44 : i32
      %add3A_48 = arith.constant 0 : i32
      %add3A_49 = arith.addi %mul3A_47, %add3A_48 : i32
      %lt3A = arith.constant 81 : i32
      %lt3A_50 = arith.cmpi slt, %add3A_49, %lt3A : i32
      %convert_element_type3A = arith.extui %lt3A_50 : i1 to i32
      %cond3A = arith.constant 0 : i32
      %cond3A_51 = arith.cmpi ne, %convert_element_type3A, %cond3A : i32
      scf.if %cond3A_51 {
        %dma_wait3A_60 = arith.constant 0 : i32
        %dma_wait3A_61 = arith.constant 0 : i32
        %dma_wait3A_62 = tpu.memref_slice %arg2[%dma_wait3A_60, %dma_wait3A_61] : memref<10240x128xf32, #tpu.memory_space<hbm>> -> memref<10240x128xf32, #tpu.memory_space<hbm>>
        tpu.wait_indirect_dma semaphore(%arg15 : memref<!tpu.dma_semaphore, #tpu.memory_space<semaphore_mem>>) src(%dma_wait3A_62 : memref<10240x128xf32, #tpu.memory_space<hbm>>) dst(%arg13 : memref<128x128xf32, #tpu.memory_space<vmem>>)
        %add3A_63 = arith.constant 1 : i32
        %add3A_64 = arith.addi %add3A_49, %add3A_63 : i32
        %lt3A_65 = arith.constant 81 : i32
        %lt3A_66 = arith.cmpi slt, %add3A_64, %lt3A_65 : i32
        %convert_element_type3A_67 = arith.extui %lt3A_66 : i1 to i32
        %cond3A_68 = arith.constant 0 : i32
        %cond3A_69 = arith.cmpi ne, %convert_element_type3A_67, %cond3A_68 : i32
        scf.if %cond3A_69 {
          %ge3A = arith.constant 1 : i32
          %ge3A_80 = arith.cmpi sge, %add3A_49, %ge3A : i32
          %convert_element_type3A_81 = arith.extui %ge3A_80 : i1 to i32
          %cond3A_82 = arith.constant 0 : i32
          %cond3A_83 = arith.cmpi ne, %convert_element_type3A_81, %cond3A_82 : i32
          scf.if %cond3A_83 {
            %dma_wait3A_93 = arith.constant 0 : i32
            %dma_wait3A_94 = arith.constant 0 : i32
            %dma_wait3A_95 = tpu.memref_slice %arg19[%dma_wait3A_93, %dma_wait3A_94] : memref<10240x128xf32, #tpu.memory_space<vmem_shared>> -> memref<10240x128xf32, #tpu.memory_space<vmem_shared>>
            tpu.wait_indirect_dma semaphore(%arg18 : memref<!tpu.dma_semaphore, #tpu.memory_space<semaphore_mem>>) src(%arg14 : memref<128x128xf32, #tpu.memory_space<vmem>>) dst(%dma_wait3A_95 : memref<10240x128xf32, #tpu.memory_space<vmem_shared>>)
          } else {
          }
          %dma_start3A_84 = arith.constant 0 : i32
          %dma_start3A_85 = arith.constant 0 : i32
          %dma_start3A_86 = tpu.memref_slice %arg2[%dma_start3A_84, %dma_start3A_85] : memref<10240x128xf32, #tpu.memory_space<hbm>> -> memref<10240x128xf32, #tpu.memory_space<hbm>>
          tpu.enqueue_indirect_dma source(%dma_start3A_86 : memref<10240x128xf32, #tpu.memory_space<hbm>>) target(%arg14 : memref<128x128xf32, #tpu.memory_space<vmem>>) offsets(%arg10 : memref<128xi32, #tpu.memory_space<vmem>>) semaphore(%arg16 : memref<!tpu.dma_semaphore, #tpu.memory_space<semaphore_mem>>)
          %add3A_87 = arith.constant 1 : i32
          %add3A_88 = arith.addi %add3A_49, %add3A_87 : i32
          %mul3A_89 = arith.constant 4096 : i32
          %mul3A_90 = arith.muli %add3A_88, %mul3A_89 : i32
          %add3A_91 = arith.addi %multiple_of3A, %mul3A_90 : i32
          %multiple_of3A_92 = tpu.assume_multiple %add3A_91, 128 : i32
          "tpu.region"() ({
            %run_scoped3A = tpu.sem_alloc : memref<!tpu.dma_semaphore, #tpu.memory_space<semaphore_mem>>
            %dma_start3A_93 = tpu.memref_slice %arg5[%multiple_of3A_92] : memref<331776xi32, #tpu.memory_space<hbm>> -> memref<128xi32, #tpu.memory_space<hbm>>
            %dma_start3A_94 = tpu.memref_slice %arg5[%multiple_of3A_92] : memref<331776xi32, #tpu.memory_space<hbm>> -> memref<128xi32, #tpu.memory_space<hbm>>
            tpu.enqueue_dma source(%dma_start3A_94 : memref<128xi32, #tpu.memory_space<hbm>>) target(%arg12 : memref<128xi32, #tpu.memory_space<vmem>>) target_semaphore(%run_scoped3A : memref<!tpu.dma_semaphore, #tpu.memory_space<semaphore_mem>>)
            %dma_wait3A_95 = tpu.memref_slice %arg5[%multiple_of3A_92] : memref<331776xi32, #tpu.memory_space<hbm>> -> memref<128xi32, #tpu.memory_space<hbm>>
            %dma_wait3A_96 = tpu.memref_slice %arg5[%multiple_of3A_92] : memref<331776xi32, #tpu.memory_space<hbm>> -> memref<128xi32, #tpu.memory_space<hbm>>
            tpu.wait_dma2 semaphore(%run_scoped3A : memref<!tpu.dma_semaphore, #tpu.memory_space<semaphore_mem>>) src(%dma_wait3A_96 : memref<128xi32, #tpu.memory_space<hbm>>) dst(%arg12 : memref<128xi32, #tpu.memory_space<vmem>>)
            tpu.yield
          }) : () -> ()
        } else {
        }
        %dma_start3A_70 = arith.constant 0 : i32
        %dma_start3A_71 = arith.constant 0 : i32
        %dma_start3A_72 = tpu.memref_slice %arg19[%dma_start3A_70, %dma_start3A_71] : memref<10240x128xf32, #tpu.memory_space<vmem_shared>> -> memref<10240x128xf32, #tpu.memory_space<vmem_shared>>
        tpu.enqueue_indirect_dma source(%arg13 : memref<128x128xf32, #tpu.memory_space<vmem>>) target(%dma_start3A_72 : memref<10240x128xf32, #tpu.memory_space<vmem_shared>>) offsets(%arg11 : memref<128xi32, #tpu.memory_space<vmem>>) semaphore(%arg17 : memref<!tpu.dma_semaphore, #tpu.memory_space<semaphore_mem>>) {add = true}
        %add3A_73 = arith.constant 2 : i32
        %add3A_74 = arith.addi %add3A_49, %add3A_73 : i32
        %lt3A_75 = arith.constant 81 : i32
        %lt3A_76 = arith.cmpi slt, %add3A_74, %lt3A_75 : i32
        %convert_element_type3A_77 = arith.extui %lt3A_76 : i1 to i32
        %cond3A_78 = arith.constant 0 : i32
        %cond3A_79 = arith.cmpi ne, %convert_element_type3A_77, %cond3A_78 : i32
        scf.if %cond3A_79 {
          %add3A_80 = arith.constant 2 : i32
          %add3A_81 = arith.addi %add3A_49, %add3A_80 : i32
          %mul3A_82 = arith.constant 4096 : i32
          %mul3A_83 = arith.muli %add3A_81, %mul3A_82 : i32
          %add3A_84 = arith.addi %multiple_of3A, %mul3A_83 : i32
          %multiple_of3A_85 = tpu.assume_multiple %add3A_84, 128 : i32
          "tpu.region"() ({
            %run_scoped3A = tpu.sem_alloc : memref<!tpu.dma_semaphore, #tpu.memory_space<semaphore_mem>>
            %dma_start3A_86 = tpu.memref_slice %arg4[%multiple_of3A_85] : memref<331776xi32, #tpu.memory_space<hbm>> -> memref<128xi32, #tpu.memory_space<hbm>>
            %dma_start3A_87 = tpu.memref_slice %arg4[%multiple_of3A_85] : memref<331776xi32, #tpu.memory_space<hbm>> -> memref<128xi32, #tpu.memory_space<hbm>>
            tpu.enqueue_dma source(%dma_start3A_87 : memref<128xi32, #tpu.memory_space<hbm>>) target(%arg9 : memref<128xi32, #tpu.memory_space<vmem>>) target_semaphore(%run_scoped3A : memref<!tpu.dma_semaphore, #tpu.memory_space<semaphore_mem>>)
            %dma_wait3A_88 = tpu.memref_slice %arg4[%multiple_of3A_85] : memref<331776xi32, #tpu.memory_space<hbm>> -> memref<128xi32, #tpu.memory_space<hbm>>
            %dma_wait3A_89 = tpu.memref_slice %arg4[%multiple_of3A_85] : memref<331776xi32, #tpu.memory_space<hbm>> -> memref<128xi32, #tpu.memory_space<hbm>>
            tpu.wait_dma2 semaphore(%run_scoped3A : memref<!tpu.dma_semaphore, #tpu.memory_space<semaphore_mem>>) src(%dma_wait3A_89 : memref<128xi32, #tpu.memory_space<hbm>>) dst(%arg9 : memref<128xi32, #tpu.memory_space<vmem>>)
            tpu.yield
          }) : () -> ()
        } else {
        }
      } else {
      }
      %add3A_52 = arith.constant 1 : i32
      %add3A_53 = arith.addi %mul3A_47, %add3A_52 : i32
      %lt3A_54 = arith.constant 81 : i32
      %lt3A_55 = arith.cmpi slt, %add3A_53, %lt3A_54 : i32
      %convert_element_type3A_56 = arith.extui %lt3A_55 : i1 to i32
      %cond3A_57 = arith.constant 0 : i32
      %cond3A_58 = arith.cmpi ne, %convert_element_type3A_56, %cond3A_57 : i32
      scf.if %cond3A_58 {
        %dma_wait3A_60 = arith.constant 0 : i32
        %dma_wait3A_61 = arith.constant 0 : i32
        %dma_wait3A_62 = tpu.memref_slice %arg2[%dma_wait3A_60, %dma_wait3A_61] : memref<10240x128xf32, #tpu.memory_space<hbm>> -> memref<10240x128xf32, #tpu.memory_space<hbm>>
        tpu.wait_indirect_dma semaphore(%arg16 : memref<!tpu.dma_semaphore, #tpu.memory_space<semaphore_mem>>) src(%dma_wait3A_62 : memref<10240x128xf32, #tpu.memory_space<hbm>>) dst(%arg14 : memref<128x128xf32, #tpu.memory_space<vmem>>)
        %add3A_63 = arith.constant 1 : i32
        %add3A_64 = arith.addi %add3A_53, %add3A_63 : i32
        %lt3A_65 = arith.constant 81 : i32
        %lt3A_66 = arith.cmpi slt, %add3A_64, %lt3A_65 : i32
        %convert_element_type3A_67 = arith.extui %lt3A_66 : i1 to i32
        %cond3A_68 = arith.constant 0 : i32
        %cond3A_69 = arith.cmpi ne, %convert_element_type3A_67, %cond3A_68 : i32
        scf.if %cond3A_69 {
          %ge3A = arith.constant 1 : i32
          %ge3A_80 = arith.cmpi sge, %add3A_53, %ge3A : i32
          %convert_element_type3A_81 = arith.extui %ge3A_80 : i1 to i32
          %cond3A_82 = arith.constant 0 : i32
          %cond3A_83 = arith.cmpi ne, %convert_element_type3A_81, %cond3A_82 : i32
          scf.if %cond3A_83 {
            %dma_wait3A_93 = arith.constant 0 : i32
            %dma_wait3A_94 = arith.constant 0 : i32
            %dma_wait3A_95 = tpu.memref_slice %arg19[%dma_wait3A_93, %dma_wait3A_94] : memref<10240x128xf32, #tpu.memory_space<vmem_shared>> -> memref<10240x128xf32, #tpu.memory_space<vmem_shared>>
            tpu.wait_indirect_dma semaphore(%arg17 : memref<!tpu.dma_semaphore, #tpu.memory_space<semaphore_mem>>) src(%arg13 : memref<128x128xf32, #tpu.memory_space<vmem>>) dst(%dma_wait3A_95 : memref<10240x128xf32, #tpu.memory_space<vmem_shared>>)
          } else {
          }
          %dma_start3A_84 = arith.constant 0 : i32
          %dma_start3A_85 = arith.constant 0 : i32
          %dma_start3A_86 = tpu.memref_slice %arg2[%dma_start3A_84, %dma_start3A_85] : memref<10240x128xf32, #tpu.memory_space<hbm>> -> memref<10240x128xf32, #tpu.memory_space<hbm>>
          tpu.enqueue_indirect_dma source(%dma_start3A_86 : memref<10240x128xf32, #tpu.memory_space<hbm>>) target(%arg13 : memref<128x128xf32, #tpu.memory_space<vmem>>) offsets(%arg9 : memref<128xi32, #tpu.memory_space<vmem>>) semaphore(%arg15 : memref<!tpu.dma_semaphore, #tpu.memory_space<semaphore_mem>>)
          %add3A_87 = arith.constant 1 : i32
          %add3A_88 = arith.addi %add3A_53, %add3A_87 : i32
          %mul3A_89 = arith.constant 4096 : i32
          %mul3A_90 = arith.muli %add3A_88, %mul3A_89 : i32
          %add3A_91 = arith.addi %multiple_of3A, %mul3A_90 : i32
          %multiple_of3A_92 = tpu.assume_multiple %add3A_91, 128 : i32
          "tpu.region"() ({
            %run_scoped3A = tpu.sem_alloc : memref<!tpu.dma_semaphore, #tpu.memory_space<semaphore_mem>>
            %dma_start3A_93 = tpu.memref_slice %arg5[%multiple_of3A_92] : memref<331776xi32, #tpu.memory_space<hbm>> -> memref<128xi32, #tpu.memory_space<hbm>>
            %dma_start3A_94 = tpu.memref_slice %arg5[%multiple_of3A_92] : memref<331776xi32, #tpu.memory_space<hbm>> -> memref<128xi32, #tpu.memory_space<hbm>>
            tpu.enqueue_dma source(%dma_start3A_94 : memref<128xi32, #tpu.memory_space<hbm>>) target(%arg11 : memref<128xi32, #tpu.memory_space<vmem>>) target_semaphore(%run_scoped3A : memref<!tpu.dma_semaphore, #tpu.memory_space<semaphore_mem>>)
            %dma_wait3A_95 = tpu.memref_slice %arg5[%multiple_of3A_92] : memref<331776xi32, #tpu.memory_space<hbm>> -> memref<128xi32, #tpu.memory_space<hbm>>
            %dma_wait3A_96 = tpu.memref_slice %arg5[%multiple_of3A_92] : memref<331776xi32, #tpu.memory_space<hbm>> -> memref<128xi32, #tpu.memory_space<hbm>>
            tpu.wait_dma2 semaphore(%run_scoped3A : memref<!tpu.dma_semaphore, #tpu.memory_space<semaphore_mem>>) src(%dma_wait3A_96 : memref<128xi32, #tpu.memory_space<hbm>>) dst(%arg11 : memref<128xi32, #tpu.memory_space<vmem>>)
            tpu.yield
          }) : () -> ()
        } else {
        }
        %dma_start3A_70 = arith.constant 0 : i32
        %dma_start3A_71 = arith.constant 0 : i32
        %dma_start3A_72 = tpu.memref_slice %arg19[%dma_start3A_70, %dma_start3A_71] : memref<10240x128xf32, #tpu.memory_space<vmem_shared>> -> memref<10240x128xf32, #tpu.memory_space<vmem_shared>>
        tpu.enqueue_indirect_dma source(%arg14 : memref<128x128xf32, #tpu.memory_space<vmem>>) target(%dma_start3A_72 : memref<10240x128xf32, #tpu.memory_space<vmem_shared>>) offsets(%arg12 : memref<128xi32, #tpu.memory_space<vmem>>) semaphore(%arg18 : memref<!tpu.dma_semaphore, #tpu.memory_space<semaphore_mem>>) {add = true}
        %add3A_73 = arith.constant 2 : i32
        %add3A_74 = arith.addi %add3A_53, %add3A_73 : i32
        %lt3A_75 = arith.constant 81 : i32
        %lt3A_76 = arith.cmpi slt, %add3A_74, %lt3A_75 : i32
        %convert_element_type3A_77 = arith.extui %lt3A_76 : i1 to i32
        %cond3A_78 = arith.constant 0 : i32
        %cond3A_79 = arith.cmpi ne, %convert_element_type3A_77, %cond3A_78 : i32
        scf.if %cond3A_79 {
          %add3A_80 = arith.constant 2 : i32
          %add3A_81 = arith.addi %add3A_53, %add3A_80 : i32
          %mul3A_82 = arith.constant 4096 : i32
          %mul3A_83 = arith.muli %add3A_81, %mul3A_82 : i32
          %add3A_84 = arith.addi %multiple_of3A, %mul3A_83 : i32
          %multiple_of3A_85 = tpu.assume_multiple %add3A_84, 128 : i32
          "tpu.region"() ({
            %run_scoped3A = tpu.sem_alloc : memref<!tpu.dma_semaphore, #tpu.memory_space<semaphore_mem>>
            %dma_start3A_86 = tpu.memref_slice %arg4[%multiple_of3A_85] : memref<331776xi32, #tpu.memory_space<hbm>> -> memref<128xi32, #tpu.memory_space<hbm>>
            %dma_start3A_87 = tpu.memref_slice %arg4[%multiple_of3A_85] : memref<331776xi32, #tpu.memory_space<hbm>> -> memref<128xi32, #tpu.memory_space<hbm>>
            tpu.enqueue_dma source(%dma_start3A_87 : memref<128xi32, #tpu.memory_space<hbm>>) target(%arg10 : memref<128xi32, #tpu.memory_space<vmem>>) target_semaphore(%run_scoped3A : memref<!tpu.dma_semaphore, #tpu.memory_space<semaphore_mem>>)
            %dma_wait3A_88 = tpu.memref_slice %arg4[%multiple_of3A_85] : memref<331776xi32, #tpu.memory_space<hbm>> -> memref<128xi32, #tpu.memory_space<hbm>>
            %dma_wait3A_89 = tpu.memref_slice %arg4[%multiple_of3A_85] : memref<331776xi32, #tpu.memory_space<hbm>> -> memref<128xi32, #tpu.memory_space<hbm>>
            tpu.wait_dma2 semaphore(%run_scoped3A : memref<!tpu.dma_semaphore, #tpu.memory_space<semaphore_mem>>) src(%dma_wait3A_89 : memref<128xi32, #tpu.memory_space<hbm>>) dst(%arg10 : memref<128xi32, #tpu.memory_space<vmem>>)
            tpu.yield
          }) : () -> ()
        } else {
        }
      } else {
      }
      %scan3A_59 = arith.constant 0 : i32
      scf.yield %scan3A_59 : i32
    }
    %scan3A_15 = arith.constant 41 : i32
    %dma_wait3A = arith.constant 0 : i32
    %dma_wait3A_16 = arith.constant 0 : i32
    %dma_wait3A_17 = tpu.memref_slice %arg19[%dma_wait3A, %dma_wait3A_16] : memref<10240x128xf32, #tpu.memory_space<vmem_shared>> -> memref<10240x128xf32, #tpu.memory_space<vmem_shared>>
    tpu.wait_indirect_dma semaphore(%arg17 : memref<!tpu.dma_semaphore, #tpu.memory_space<semaphore_mem>>) src(%arg13 : memref<128x128xf32, #tpu.memory_space<vmem>>) dst(%dma_wait3A_17 : memref<10240x128xf32, #tpu.memory_space<vmem_shared>>)
    %dma_wait3A_18 = arith.constant 0 : i32
    %dma_wait3A_19 = arith.constant 0 : i32
    %dma_wait3A_20 = tpu.memref_slice %arg19[%dma_wait3A_18, %dma_wait3A_19] : memref<10240x128xf32, #tpu.memory_space<vmem_shared>> -> memref<10240x128xf32, #tpu.memory_space<vmem_shared>>
    tpu.wait_indirect_dma semaphore(%arg18 : memref<!tpu.dma_semaphore, #tpu.memory_space<semaphore_mem>>) src(%arg14 : memref<128x128xf32, #tpu.memory_space<vmem>>) dst(%dma_wait3A_20 : memref<10240x128xf32, #tpu.memory_space<vmem_shared>>)
    %barrier3A_21 = arith.constant 0 : index
    tpu.barrier barrier_id(%barrier3A_21)
    "tpu.region"() ({
      %run_scoped3A = tpu.sem_alloc : memref<!tpu.dma_semaphore, #tpu.memory_space<semaphore_mem>>
      %dma_start3A_44 = arith.constant 0 : i32
      %dma_start3A_45 = tpu.memref_slice %arg7[%arg0, %multiple_of3A_5, %dma_start3A_44] : memref<2x10240x128xf32, #tpu.memory_space<hbm>> -> memref<1x640x128xf32, #tpu.memory_space<hbm>>
      %dma_start3A_46 = tpu.memref_squeeze %dma_start3A_45 : memref<1x640x128xf32, #tpu.memory_space<hbm>> -> memref<640x128xf32, #tpu.memory_space<hbm>>
      %dma_start3A_47 = arith.constant 0 : i32
      %dma_start3A_48 = tpu.memref_slice %arg19[%multiple_of3A_5, %dma_start3A_47] : memref<10240x128xf32, #tpu.memory_space<vmem_shared>> -> memref<640x128xf32, #tpu.memory_space<vmem_shared>>
      tpu.enqueue_dma source(%dma_start3A_48 : memref<640x128xf32, #tpu.memory_space<vmem_shared>>) target(%dma_start3A_46 : memref<640x128xf32, #tpu.memory_space<hbm>>) target_semaphore(%run_scoped3A : memref<!tpu.dma_semaphore, #tpu.memory_space<semaphore_mem>>)
      %dma_wait3A_49 = arith.constant 0 : i32
      %dma_wait3A_50 = tpu.memref_slice %arg7[%arg0, %multiple_of3A_5, %dma_wait3A_49] : memref<2x10240x128xf32, #tpu.memory_space<hbm>> -> memref<1x640x128xf32, #tpu.memory_space<hbm>>
      %dma_wait3A_51 = tpu.memref_squeeze %dma_wait3A_50 : memref<1x640x128xf32, #tpu.memory_space<hbm>> -> memref<640x128xf32, #tpu.memory_space<hbm>>
      %dma_wait3A_52 = arith.constant 0 : i32
      %dma_wait3A_53 = tpu.memref_slice %arg19[%multiple_of3A_5, %dma_wait3A_52] : memref<10240x128xf32, #tpu.memory_space<vmem_shared>> -> memref<640x128xf32, #tpu.memory_space<vmem_shared>>
      tpu.wait_dma2 semaphore(%run_scoped3A : memref<!tpu.dma_semaphore, #tpu.memory_space<semaphore_mem>>) src(%dma_wait3A_53 : memref<640x128xf32, #tpu.memory_space<vmem_shared>>) dst(%dma_wait3A_51 : memref<640x128xf32, #tpu.memory_space<hbm>>)
      tpu.yield
    }) : () -> ()
    %barrier3A_22 = arith.constant 0 : index
    tpu.barrier barrier_id(%barrier3A_22)
    "tpu.region"() ({
      %run_scoped3A = tpu.sem_alloc : memref<!tpu.dma_semaphore, #tpu.memory_space<semaphore_mem>>
      %dma_start3A_44 = arith.constant 0 : i32
      %dma_start3A_45 = tpu.memref_slice %arg19[%multiple_of3A_5, %dma_start3A_44] : memref<10240x128xf32, #tpu.memory_space<vmem_shared>> -> memref<640x128xf32, #tpu.memory_space<vmem_shared>>
      %dma_start3A_46 = arith.constant 0 : i32
      %dma_start3A_47 = tpu.memref_slice %arg6[%multiple_of3A_5, %dma_start3A_46] : memref<10240x128xf32, #tpu.memory_space<hbm>> -> memref<640x128xf32, #tpu.memory_space<hbm>>
      tpu.enqueue_dma source(%dma_start3A_47 : memref<640x128xf32, #tpu.memory_space<hbm>>) target(%dma_start3A_45 : memref<640x128xf32, #tpu.memory_space<vmem_shared>>) target_semaphore(%run_scoped3A : memref<!tpu.dma_semaphore, #tpu.memory_space<semaphore_mem>>)
      %dma_wait3A_48 = arith.constant 0 : i32
      %dma_wait3A_49 = tpu.memref_slice %arg19[%multiple_of3A_5, %dma_wait3A_48] : memref<10240x128xf32, #tpu.memory_space<vmem_shared>> -> memref<640x128xf32, #tpu.memory_space<vmem_shared>>
      %dma_wait3A_50 = arith.constant 0 : i32
      %dma_wait3A_51 = tpu.memref_slice %arg6[%multiple_of3A_5, %dma_wait3A_50] : memref<10240x128xf32, #tpu.memory_space<hbm>> -> memref<640x128xf32, #tpu.memory_space<hbm>>
      tpu.wait_dma2 semaphore(%run_scoped3A : memref<!tpu.dma_semaphore, #tpu.memory_space<semaphore_mem>>) src(%dma_wait3A_51 : memref<640x128xf32, #tpu.memory_space<hbm>>) dst(%dma_wait3A_49 : memref<640x128xf32, #tpu.memory_space<vmem_shared>>)
      tpu.yield
    }) : () -> ()
    %barrier3A_23 = arith.constant 0 : index
    tpu.barrier barrier_id(%barrier3A_23)
    "tpu.region"() ({
      %run_scoped3A = tpu.sem_alloc : memref<!tpu.dma_semaphore, #tpu.memory_space<semaphore_mem>>
      %dma_start3A_44 = tpu.memref_slice %arg4[%multiple_of3A] : memref<331776xi32, #tpu.memory_space<hbm>> -> memref<128xi32, #tpu.memory_space<hbm>>
      %dma_start3A_45 = tpu.memref_slice %arg4[%multiple_of3A] : memref<331776xi32, #tpu.memory_space<hbm>> -> memref<128xi32, #tpu.memory_space<hbm>>
      tpu.enqueue_dma source(%dma_start3A_45 : memref<128xi32, #tpu.memory_space<hbm>>) target(%arg9 : memref<128xi32, #tpu.memory_space<vmem>>) target_semaphore(%run_scoped3A : memref<!tpu.dma_semaphore, #tpu.memory_space<semaphore_mem>>)
      %dma_wait3A_46 = tpu.memref_slice %arg4[%multiple_of3A] : memref<331776xi32, #tpu.memory_space<hbm>> -> memref<128xi32, #tpu.memory_space<hbm>>
      %dma_wait3A_47 = tpu.memref_slice %arg4[%multiple_of3A] : memref<331776xi32, #tpu.memory_space<hbm>> -> memref<128xi32, #tpu.memory_space<hbm>>
      tpu.wait_dma2 semaphore(%run_scoped3A : memref<!tpu.dma_semaphore, #tpu.memory_space<semaphore_mem>>) src(%dma_wait3A_47 : memref<128xi32, #tpu.memory_space<hbm>>) dst(%arg9 : memref<128xi32, #tpu.memory_space<vmem>>)
      tpu.yield
    }) : () -> ()
    "tpu.region"() ({
      %run_scoped3A = tpu.sem_alloc : memref<!tpu.dma_semaphore, #tpu.memory_space<semaphore_mem>>
      %dma_start3A_44 = tpu.memref_slice %arg5[%multiple_of3A] : memref<331776xi32, #tpu.memory_space<hbm>> -> memref<128xi32, #tpu.memory_space<hbm>>
      %dma_start3A_45 = tpu.memref_slice %arg5[%multiple_of3A] : memref<331776xi32, #tpu.memory_space<hbm>> -> memref<128xi32, #tpu.memory_space<hbm>>
      tpu.enqueue_dma source(%dma_start3A_45 : memref<128xi32, #tpu.memory_space<hbm>>) target(%arg11 : memref<128xi32, #tpu.memory_space<vmem>>) target_semaphore(%run_scoped3A : memref<!tpu.dma_semaphore, #tpu.memory_space<semaphore_mem>>)
      %dma_wait3A_46 = tpu.memref_slice %arg5[%multiple_of3A] : memref<331776xi32, #tpu.memory_space<hbm>> -> memref<128xi32, #tpu.memory_space<hbm>>
      %dma_wait3A_47 = tpu.memref_slice %arg5[%multiple_of3A] : memref<331776xi32, #tpu.memory_space<hbm>> -> memref<128xi32, #tpu.memory_space<hbm>>
      tpu.wait_dma2 semaphore(%run_scoped3A : memref<!tpu.dma_semaphore, #tpu.memory_space<semaphore_mem>>) src(%dma_wait3A_47 : memref<128xi32, #tpu.memory_space<hbm>>) dst(%arg11 : memref<128xi32, #tpu.memory_space<vmem>>)
      tpu.yield
    }) : () -> ()
    %dma_start3A_24 = arith.constant 0 : i32
    %dma_start3A_25 = arith.constant 0 : i32
    %dma_start3A_26 = tpu.memref_slice %arg3[%dma_start3A_24, %dma_start3A_25] : memref<10240x128xf32, #tpu.memory_space<hbm>> -> memref<10240x128xf32, #tpu.memory_space<hbm>>
    tpu.enqueue_indirect_dma source(%dma_start3A_26 : memref<10240x128xf32, #tpu.memory_space<hbm>>) target(%arg13 : memref<128x128xf32, #tpu.memory_space<vmem>>) offsets(%arg9 : memref<128xi32, #tpu.memory_space<vmem>>) semaphore(%arg15 : memref<!tpu.dma_semaphore, #tpu.memory_space<semaphore_mem>>)
    %add3A_27 = arith.constant 4096 : i32
    %add3A_28 = arith.addi %multiple_of3A, %add3A_27 : i32
    "tpu.region"() ({
      %run_scoped3A = tpu.sem_alloc : memref<!tpu.dma_semaphore, #tpu.memory_space<semaphore_mem>>
      %dma_start3A_44 = tpu.memref_slice %arg4[%add3A_28] : memref<331776xi32, #tpu.memory_space<hbm>> -> memref<128xi32, #tpu.memory_space<hbm>>
      %dma_start3A_45 = tpu.memref_slice %arg4[%add3A_28] : memref<331776xi32, #tpu.memory_space<hbm>> -> memref<128xi32, #tpu.memory_space<hbm>>
      tpu.enqueue_dma source(%dma_start3A_45 : memref<128xi32, #tpu.memory_space<hbm>>) target(%arg10 : memref<128xi32, #tpu.memory_space<vmem>>) target_semaphore(%run_scoped3A : memref<!tpu.dma_semaphore, #tpu.memory_space<semaphore_mem>>)
      %dma_wait3A_46 = tpu.memref_slice %arg4[%add3A_28] : memref<331776xi32, #tpu.memory_space<hbm>> -> memref<128xi32, #tpu.memory_space<hbm>>
      %dma_wait3A_47 = tpu.memref_slice %arg4[%add3A_28] : memref<331776xi32, #tpu.memory_space<hbm>> -> memref<128xi32, #tpu.memory_space<hbm>>
      tpu.wait_dma2 semaphore(%run_scoped3A : memref<!tpu.dma_semaphore, #tpu.memory_space<semaphore_mem>>) src(%dma_wait3A_47 : memref<128xi32, #tpu.memory_space<hbm>>) dst(%arg10 : memref<128xi32, #tpu.memory_space<vmem>>)
      tpu.yield
    }) : () -> ()
    %scan3A_29 = arith.constant 0 : i32
    %scan3A_30 = arith.constant 0 : i32
    %scan3A_31 = arith.constant 41 : i32
    %scan3A_32 = arith.addi %scan3A_30, %scan3A_31 : i32
    %scan3A_33 = arith.constant 1 : i32
    %scan3A_34 = scf.for %scan3A_44 = %scan3A_30 to %scan3A_32 step %scan3A_33 iter_args(%scan3A_45 = %scan3A_29) -> (i32)  : i32 {
      %mul3A_46 = arith.constant 2 : i32
      %mul3A_47 = arith.muli %mul3A_46, %scan3A_44 : i32
      %add3A_48 = arith.constant 0 : i32
      %add3A_49 = arith.addi %mul3A_47, %add3A_48 : i32
      %lt3A = arith.constant 81 : i32
      %lt3A_50 = arith.cmpi slt, %add3A_49, %lt3A : i32
      %convert_element_type3A = arith.extui %lt3A_50 : i1 to i32
      %cond3A = arith.constant 0 : i32
      %cond3A_51 = arith.cmpi ne, %convert_element_type3A, %cond3A : i32
      scf.if %cond3A_51 {
        %dma_wait3A_60 = arith.constant 0 : i32
        %dma_wait3A_61 = arith.constant 0 : i32
        %dma_wait3A_62 = tpu.memref_slice %arg3[%dma_wait3A_60, %dma_wait3A_61] : memref<10240x128xf32, #tpu.memory_space<hbm>> -> memref<10240x128xf32, #tpu.memory_space<hbm>>
        tpu.wait_indirect_dma semaphore(%arg15 : memref<!tpu.dma_semaphore, #tpu.memory_space<semaphore_mem>>) src(%dma_wait3A_62 : memref<10240x128xf32, #tpu.memory_space<hbm>>) dst(%arg13 : memref<128x128xf32, #tpu.memory_space<vmem>>)
        %add3A_63 = arith.constant 1 : i32
        %add3A_64 = arith.addi %add3A_49, %add3A_63 : i32
        %lt3A_65 = arith.constant 81 : i32
        %lt3A_66 = arith.cmpi slt, %add3A_64, %lt3A_65 : i32
        %convert_element_type3A_67 = arith.extui %lt3A_66 : i1 to i32
        %cond3A_68 = arith.constant 0 : i32
        %cond3A_69 = arith.cmpi ne, %convert_element_type3A_67, %cond3A_68 : i32
        scf.if %cond3A_69 {
          %ge3A = arith.constant 1 : i32
          %ge3A_80 = arith.cmpi sge, %add3A_49, %ge3A : i32
          %convert_element_type3A_81 = arith.extui %ge3A_80 : i1 to i32
          %cond3A_82 = arith.constant 0 : i32
          %cond3A_83 = arith.cmpi ne, %convert_element_type3A_81, %cond3A_82 : i32
          scf.if %cond3A_83 {
            %dma_wait3A_93 = arith.constant 0 : i32
            %dma_wait3A_94 = arith.constant 0 : i32
            %dma_wait3A_95 = tpu.memref_slice %arg19[%dma_wait3A_93, %dma_wait3A_94] : memref<10240x128xf32, #tpu.memory_space<vmem_shared>> -> memref<10240x128xf32, #tpu.memory_space<vmem_shared>>
            tpu.wait_indirect_dma semaphore(%arg18 : memref<!tpu.dma_semaphore, #tpu.memory_space<semaphore_mem>>) src(%arg14 : memref<128x128xf32, #tpu.memory_space<vmem>>) dst(%dma_wait3A_95 : memref<10240x128xf32, #tpu.memory_space<vmem_shared>>)
          } else {
          }
          %dma_start3A_84 = arith.constant 0 : i32
          %dma_start3A_85 = arith.constant 0 : i32
          %dma_start3A_86 = tpu.memref_slice %arg3[%dma_start3A_84, %dma_start3A_85] : memref<10240x128xf32, #tpu.memory_space<hbm>> -> memref<10240x128xf32, #tpu.memory_space<hbm>>
          tpu.enqueue_indirect_dma source(%dma_start3A_86 : memref<10240x128xf32, #tpu.memory_space<hbm>>) target(%arg14 : memref<128x128xf32, #tpu.memory_space<vmem>>) offsets(%arg10 : memref<128xi32, #tpu.memory_space<vmem>>) semaphore(%arg16 : memref<!tpu.dma_semaphore, #tpu.memory_space<semaphore_mem>>)
          %add3A_87 = arith.constant 1 : i32
          %add3A_88 = arith.addi %add3A_49, %add3A_87 : i32
          %mul3A_89 = arith.constant 4096 : i32
          %mul3A_90 = arith.muli %add3A_88, %mul3A_89 : i32
          %add3A_91 = arith.addi %multiple_of3A, %mul3A_90 : i32
          %multiple_of3A_92 = tpu.assume_multiple %add3A_91, 128 : i32
          "tpu.region"() ({
            %run_scoped3A = tpu.sem_alloc : memref<!tpu.dma_semaphore, #tpu.memory_space<semaphore_mem>>
            %dma_start3A_93 = tpu.memref_slice %arg5[%multiple_of3A_92] : memref<331776xi32, #tpu.memory_space<hbm>> -> memref<128xi32, #tpu.memory_space<hbm>>
            %dma_start3A_94 = tpu.memref_slice %arg5[%multiple_of3A_92] : memref<331776xi32, #tpu.memory_space<hbm>> -> memref<128xi32, #tpu.memory_space<hbm>>
            tpu.enqueue_dma source(%dma_start3A_94 : memref<128xi32, #tpu.memory_space<hbm>>) target(%arg12 : memref<128xi32, #tpu.memory_space<vmem>>) target_semaphore(%run_scoped3A : memref<!tpu.dma_semaphore, #tpu.memory_space<semaphore_mem>>)
            %dma_wait3A_95 = tpu.memref_slice %arg5[%multiple_of3A_92] : memref<331776xi32, #tpu.memory_space<hbm>> -> memref<128xi32, #tpu.memory_space<hbm>>
            %dma_wait3A_96 = tpu.memref_slice %arg5[%multiple_of3A_92] : memref<331776xi32, #tpu.memory_space<hbm>> -> memref<128xi32, #tpu.memory_space<hbm>>
            tpu.wait_dma2 semaphore(%run_scoped3A : memref<!tpu.dma_semaphore, #tpu.memory_space<semaphore_mem>>) src(%dma_wait3A_96 : memref<128xi32, #tpu.memory_space<hbm>>) dst(%arg12 : memref<128xi32, #tpu.memory_space<vmem>>)
            tpu.yield
          }) : () -> ()
        } else {
        }
        %dma_start3A_70 = arith.constant 0 : i32
        %dma_start3A_71 = arith.constant 0 : i32
        %dma_start3A_72 = tpu.memref_slice %arg19[%dma_start3A_70, %dma_start3A_71] : memref<10240x128xf32, #tpu.memory_space<vmem_shared>> -> memref<10240x128xf32, #tpu.memory_space<vmem_shared>>
        tpu.enqueue_indirect_dma source(%arg13 : memref<128x128xf32, #tpu.memory_space<vmem>>) target(%dma_start3A_72 : memref<10240x128xf32, #tpu.memory_space<vmem_shared>>) offsets(%arg11 : memref<128xi32, #tpu.memory_space<vmem>>) semaphore(%arg17 : memref<!tpu.dma_semaphore, #tpu.memory_space<semaphore_mem>>) {add = true}
        %add3A_73 = arith.constant 2 : i32
        %add3A_74 = arith.addi %add3A_49, %add3A_73 : i32
        %lt3A_75 = arith.constant 81 : i32
        %lt3A_76 = arith.cmpi slt, %add3A_74, %lt3A_75 : i32
        %convert_element_type3A_77 = arith.extui %lt3A_76 : i1 to i32
        %cond3A_78 = arith.constant 0 : i32
        %cond3A_79 = arith.cmpi ne, %convert_element_type3A_77, %cond3A_78 : i32
        scf.if %cond3A_79 {
          %add3A_80 = arith.constant 2 : i32
          %add3A_81 = arith.addi %add3A_49, %add3A_80 : i32
          %mul3A_82 = arith.constant 4096 : i32
          %mul3A_83 = arith.muli %add3A_81, %mul3A_82 : i32
          %add3A_84 = arith.addi %multiple_of3A, %mul3A_83 : i32
          %multiple_of3A_85 = tpu.assume_multiple %add3A_84, 128 : i32
          "tpu.region"() ({
            %run_scoped3A = tpu.sem_alloc : memref<!tpu.dma_semaphore, #tpu.memory_space<semaphore_mem>>
            %dma_start3A_86 = tpu.memref_slice %arg4[%multiple_of3A_85] : memref<331776xi32, #tpu.memory_space<hbm>> -> memref<128xi32, #tpu.memory_space<hbm>>
            %dma_start3A_87 = tpu.memref_slice %arg4[%multiple_of3A_85] : memref<331776xi32, #tpu.memory_space<hbm>> -> memref<128xi32, #tpu.memory_space<hbm>>
            tpu.enqueue_dma source(%dma_start3A_87 : memref<128xi32, #tpu.memory_space<hbm>>) target(%arg9 : memref<128xi32, #tpu.memory_space<vmem>>) target_semaphore(%run_scoped3A : memref<!tpu.dma_semaphore, #tpu.memory_space<semaphore_mem>>)
            %dma_wait3A_88 = tpu.memref_slice %arg4[%multiple_of3A_85] : memref<331776xi32, #tpu.memory_space<hbm>> -> memref<128xi32, #tpu.memory_space<hbm>>
            %dma_wait3A_89 = tpu.memref_slice %arg4[%multiple_of3A_85] : memref<331776xi32, #tpu.memory_space<hbm>> -> memref<128xi32, #tpu.memory_space<hbm>>
            tpu.wait_dma2 semaphore(%run_scoped3A : memref<!tpu.dma_semaphore, #tpu.memory_space<semaphore_mem>>) src(%dma_wait3A_89 : memref<128xi32, #tpu.memory_space<hbm>>) dst(%arg9 : memref<128xi32, #tpu.memory_space<vmem>>)
            tpu.yield
          }) : () -> ()
        } else {
        }
      } else {
      }
      %add3A_52 = arith.constant 1 : i32
      %add3A_53 = arith.addi %mul3A_47, %add3A_52 : i32
      %lt3A_54 = arith.constant 81 : i32
      %lt3A_55 = arith.cmpi slt, %add3A_53, %lt3A_54 : i32
      %convert_element_type3A_56 = arith.extui %lt3A_55 : i1 to i32
      %cond3A_57 = arith.constant 0 : i32
      %cond3A_58 = arith.cmpi ne, %convert_element_type3A_56, %cond3A_57 : i32
      scf.if %cond3A_58 {
        %dma_wait3A_60 = arith.constant 0 : i32
        %dma_wait3A_61 = arith.constant 0 : i32
        %dma_wait3A_62 = tpu.memref_slice %arg3[%dma_wait3A_60, %dma_wait3A_61] : memref<10240x128xf32, #tpu.memory_space<hbm>> -> memref<10240x128xf32, #tpu.memory_space<hbm>>
        tpu.wait_indirect_dma semaphore(%arg16 : memref<!tpu.dma_semaphore, #tpu.memory_space<semaphore_mem>>) src(%dma_wait3A_62 : memref<10240x128xf32, #tpu.memory_space<hbm>>) dst(%arg14 : memref<128x128xf32, #tpu.memory_space<vmem>>)
        %add3A_63 = arith.constant 1 : i32
        %add3A_64 = arith.addi %add3A_53, %add3A_63 : i32
        %lt3A_65 = arith.constant 81 : i32
        %lt3A_66 = arith.cmpi slt, %add3A_64, %lt3A_65 : i32
        %convert_element_type3A_67 = arith.extui %lt3A_66 : i1 to i32
        %cond3A_68 = arith.constant 0 : i32
        %cond3A_69 = arith.cmpi ne, %convert_element_type3A_67, %cond3A_68 : i32
        scf.if %cond3A_69 {
          %ge3A = arith.constant 1 : i32
          %ge3A_80 = arith.cmpi sge, %add3A_53, %ge3A : i32
          %convert_element_type3A_81 = arith.extui %ge3A_80 : i1 to i32
          %cond3A_82 = arith.constant 0 : i32
          %cond3A_83 = arith.cmpi ne, %convert_element_type3A_81, %cond3A_82 : i32
          scf.if %cond3A_83 {
            %dma_wait3A_93 = arith.constant 0 : i32
            %dma_wait3A_94 = arith.constant 0 : i32
            %dma_wait3A_95 = tpu.memref_slice %arg19[%dma_wait3A_93, %dma_wait3A_94] : memref<10240x128xf32, #tpu.memory_space<vmem_shared>> -> memref<10240x128xf32, #tpu.memory_space<vmem_shared>>
            tpu.wait_indirect_dma semaphore(%arg17 : memref<!tpu.dma_semaphore, #tpu.memory_space<semaphore_mem>>) src(%arg13 : memref<128x128xf32, #tpu.memory_space<vmem>>) dst(%dma_wait3A_95 : memref<10240x128xf32, #tpu.memory_space<vmem_shared>>)
          } else {
          }
          %dma_start3A_84 = arith.constant 0 : i32
          %dma_start3A_85 = arith.constant 0 : i32
          %dma_start3A_86 = tpu.memref_slice %arg3[%dma_start3A_84, %dma_start3A_85] : memref<10240x128xf32, #tpu.memory_space<hbm>> -> memref<10240x128xf32, #tpu.memory_space<hbm>>
          tpu.enqueue_indirect_dma source(%dma_start3A_86 : memref<10240x128xf32, #tpu.memory_space<hbm>>) target(%arg13 : memref<128x128xf32, #tpu.memory_space<vmem>>) offsets(%arg9 : memref<128xi32, #tpu.memory_space<vmem>>) semaphore(%arg15 : memref<!tpu.dma_semaphore, #tpu.memory_space<semaphore_mem>>)
          %add3A_87 = arith.constant 1 : i32
          %add3A_88 = arith.addi %add3A_53, %add3A_87 : i32
          %mul3A_89 = arith.constant 4096 : i32
          %mul3A_90 = arith.muli %add3A_88, %mul3A_89 : i32
          %add3A_91 = arith.addi %multiple_of3A, %mul3A_90 : i32
          %multiple_of3A_92 = tpu.assume_multiple %add3A_91, 128 : i32
          "tpu.region"() ({
            %run_scoped3A = tpu.sem_alloc : memref<!tpu.dma_semaphore, #tpu.memory_space<semaphore_mem>>
            %dma_start3A_93 = tpu.memref_slice %arg5[%multiple_of3A_92] : memref<331776xi32, #tpu.memory_space<hbm>> -> memref<128xi32, #tpu.memory_space<hbm>>
            %dma_start3A_94 = tpu.memref_slice %arg5[%multiple_of3A_92] : memref<331776xi32, #tpu.memory_space<hbm>> -> memref<128xi32, #tpu.memory_space<hbm>>
            tpu.enqueue_dma source(%dma_start3A_94 : memref<128xi32, #tpu.memory_space<hbm>>) target(%arg11 : memref<128xi32, #tpu.memory_space<vmem>>) target_semaphore(%run_scoped3A : memref<!tpu.dma_semaphore, #tpu.memory_space<semaphore_mem>>)
            %dma_wait3A_95 = tpu.memref_slice %arg5[%multiple_of3A_92] : memref<331776xi32, #tpu.memory_space<hbm>> -> memref<128xi32, #tpu.memory_space<hbm>>
            %dma_wait3A_96 = tpu.memref_slice %arg5[%multiple_of3A_92] : memref<331776xi32, #tpu.memory_space<hbm>> -> memref<128xi32, #tpu.memory_space<hbm>>
            tpu.wait_dma2 semaphore(%run_scoped3A : memref<!tpu.dma_semaphore, #tpu.memory_space<semaphore_mem>>) src(%dma_wait3A_96 : memref<128xi32, #tpu.memory_space<hbm>>) dst(%arg11 : memref<128xi32, #tpu.memory_space<vmem>>)
            tpu.yield
          }) : () -> ()
        } else {
        }
        %dma_start3A_70 = arith.constant 0 : i32
        %dma_start3A_71 = arith.constant 0 : i32
        %dma_start3A_72 = tpu.memref_slice %arg19[%dma_start3A_70, %dma_start3A_71] : memref<10240x128xf32, #tpu.memory_space<vmem_shared>> -> memref<10240x128xf32, #tpu.memory_space<vmem_shared>>
        tpu.enqueue_indirect_dma source(%arg14 : memref<128x128xf32, #tpu.memory_space<vmem>>) target(%dma_start3A_72 : memref<10240x128xf32, #tpu.memory_space<vmem_shared>>) offsets(%arg12 : memref<128xi32, #tpu.memory_space<vmem>>) semaphore(%arg18 : memref<!tpu.dma_semaphore, #tpu.memory_space<semaphore_mem>>) {add = true}
        %add3A_73 = arith.constant 2 : i32
        %add3A_74 = arith.addi %add3A_53, %add3A_73 : i32
        %lt3A_75 = arith.constant 81 : i32
        %lt3A_76 = arith.cmpi slt, %add3A_74, %lt3A_75 : i32
        %convert_element_type3A_77 = arith.extui %lt3A_76 : i1 to i32
        %cond3A_78 = arith.constant 0 : i32
        %cond3A_79 = arith.cmpi ne, %convert_element_type3A_77, %cond3A_78 : i32
        scf.if %cond3A_79 {
          %add3A_80 = arith.constant 2 : i32
          %add3A_81 = arith.addi %add3A_53, %add3A_80 : i32
          %mul3A_82 = arith.constant 4096 : i32
          %mul3A_83 = arith.muli %add3A_81, %mul3A_82 : i32
          %add3A_84 = arith.addi %multiple_of3A, %mul3A_83 : i32
          %multiple_of3A_85 = tpu.assume_multiple %add3A_84, 128 : i32
          "tpu.region"() ({
            %run_scoped3A = tpu.sem_alloc : memref<!tpu.dma_semaphore, #tpu.memory_space<semaphore_mem>>
            %dma_start3A_86 = tpu.memref_slice %arg4[%multiple_of3A_85] : memref<331776xi32, #tpu.memory_space<hbm>> -> memref<128xi32, #tpu.memory_space<hbm>>
            %dma_start3A_87 = tpu.memref_slice %arg4[%multiple_of3A_85] : memref<331776xi32, #tpu.memory_space<hbm>> -> memref<128xi32, #tpu.memory_space<hbm>>
            tpu.enqueue_dma source(%dma_start3A_87 : memref<128xi32, #tpu.memory_space<hbm>>) target(%arg10 : memref<128xi32, #tpu.memory_space<vmem>>) target_semaphore(%run_scoped3A : memref<!tpu.dma_semaphore, #tpu.memory_space<semaphore_mem>>)
            %dma_wait3A_88 = tpu.memref_slice %arg4[%multiple_of3A_85] : memref<331776xi32, #tpu.memory_space<hbm>> -> memref<128xi32, #tpu.memory_space<hbm>>
            %dma_wait3A_89 = tpu.memref_slice %arg4[%multiple_of3A_85] : memref<331776xi32, #tpu.memory_space<hbm>> -> memref<128xi32, #tpu.memory_space<hbm>>
            tpu.wait_dma2 semaphore(%run_scoped3A : memref<!tpu.dma_semaphore, #tpu.memory_space<semaphore_mem>>) src(%dma_wait3A_89 : memref<128xi32, #tpu.memory_space<hbm>>) dst(%arg10 : memref<128xi32, #tpu.memory_space<vmem>>)
            tpu.yield
          }) : () -> ()
        } else {
        }
      } else {
      }
      %scan3A_59 = arith.constant 0 : i32
      scf.yield %scan3A_59 : i32
    }
    %scan3A_35 = arith.constant 41 : i32
    %dma_wait3A_36 = arith.constant 0 : i32
    %dma_wait3A_37 = arith.constant 0 : i32
    %dma_wait3A_38 = tpu.memref_slice %arg19[%dma_wait3A_36, %dma_wait3A_37] : memref<10240x128xf32, #tpu.memory_space<vmem_shared>> -> memref<10240x128xf32, #tpu.memory_space<vmem_shared>>
    tpu.wait_indirect_dma semaphore(%arg17 : memref<!tpu.dma_semaphore, #tpu.memory_space<semaphore_mem>>) src(%arg13 : memref<128x128xf32, #tpu.memory_space<vmem>>) dst(%dma_wait3A_38 : memref<10240x128xf32, #tpu.memory_space<vmem_shared>>)
    %dma_wait3A_39 = arith.constant 0 : i32
    %dma_wait3A_40 = arith.constant 0 : i32
    %dma_wait3A_41 = tpu.memref_slice %arg19[%dma_wait3A_39, %dma_wait3A_40] : memref<10240x128xf32, #tpu.memory_space<vmem_shared>> -> memref<10240x128xf32, #tpu.memory_space<vmem_shared>>
    tpu.wait_indirect_dma semaphore(%arg18 : memref<!tpu.dma_semaphore, #tpu.memory_space<semaphore_mem>>) src(%arg14 : memref<128x128xf32, #tpu.memory_space<vmem>>) dst(%dma_wait3A_41 : memref<10240x128xf32, #tpu.memory_space<vmem_shared>>)
    %barrier3A_42 = arith.constant 0 : index
    tpu.barrier barrier_id(%barrier3A_42)
    "tpu.region"() ({
      %run_scoped3A = tpu.sem_alloc : memref<!tpu.dma_semaphore, #tpu.memory_space<semaphore_mem>>
      %dma_start3A_44 = arith.constant 0 : i32
      %dma_start3A_45 = tpu.memref_slice %arg8[%arg0, %multiple_of3A_5, %dma_start3A_44] : memref<2x10240x128xf32, #tpu.memory_space<hbm>> -> memref<1x640x128xf32, #tpu.memory_space<hbm>>
      %dma_start3A_46 = tpu.memref_squeeze %dma_start3A_45 : memref<1x640x128xf32, #tpu.memory_space<hbm>> -> memref<640x128xf32, #tpu.memory_space<hbm>>
      %dma_start3A_47 = arith.constant 0 : i32
      %dma_start3A_48 = tpu.memref_slice %arg19[%multiple_of3A_5, %dma_start3A_47] : memref<10240x128xf32, #tpu.memory_space<vmem_shared>> -> memref<640x128xf32, #tpu.memory_space<vmem_shared>>
      tpu.enqueue_dma source(%dma_start3A_48 : memref<640x128xf32, #tpu.memory_space<vmem_shared>>) target(%dma_start3A_46 : memref<640x128xf32, #tpu.memory_space<hbm>>) target_semaphore(%run_scoped3A : memref<!tpu.dma_semaphore, #tpu.memory_space<semaphore_mem>>)
      %dma_wait3A_49 = arith.constant 0 : i32
      %dma_wait3A_50 = tpu.memref_slice %arg8[%arg0, %multiple_of3A_5, %dma_wait3A_49] : memref<2x10240x128xf32, #tpu.memory_space<hbm>> -> memref<1x640x128xf32, #tpu.memory_space<hbm>>
      %dma_wait3A_51 = tpu.memref_squeeze %dma_wait3A_50 : memref<1x640x128xf32, #tpu.memory_space<hbm>> -> memref<640x128xf32, #tpu.memory_space<hbm>>
      %dma_wait3A_52 = arith.constant 0 : i32
      %dma_wait3A_53 = tpu.memref_slice %arg19[%multiple_of3A_5, %dma_wait3A_52] : memref<10240x128xf32, #tpu.memory_space<vmem_shared>> -> memref<640x128xf32, #tpu.memory_space<vmem_shared>>
      tpu.wait_dma2 semaphore(%run_scoped3A : memref<!tpu.dma_semaphore, #tpu.memory_space<semaphore_mem>>) src(%dma_wait3A_53 : memref<640x128xf32, #tpu.memory_space<vmem_shared>>) dst(%dma_wait3A_51 : memref<640x128xf32, #tpu.memory_space<hbm>>)
      tpu.yield
    }) : () -> ()
    %barrier3A_43 = arith.constant 0 : index
    tpu.barrier barrier_id(%barrier3A_43)
    return
  }
}

#map = affine_map<(d0, d1) -> (0)>
#map1 = affine_map<(d0, d1) -> (0, 0)>
#map2 = affine_map<(d0, d1) -> (0, 0, 0)>
module attributes {stable_mosaic.version = 14 : i64} {
  func.func @_sc_deg_body(%arg0: i32, %arg1: i32, %arg2: memref<331776xi32, #tpu.memory_space<hbm>>, %arg3: memref<128x128xf32, #tpu.memory_space<hbm>>, %arg4: memref<10240x128xf32, #tpu.memory_space<hbm>>, %arg5: memref<2x10240x128xf32, #tpu.memory_space<hbm>>, %arg6: memref<128xi32, #tpu.memory_space<vmem>>, %arg7: memref<128x128xf32, #tpu.memory_space<vmem>>, %arg8: memref<10240x128xf32, #tpu.memory_space<vmem_shared>>) attributes {dimension_semantics = [#tpu.dimension_semantics<core_parallel>, #tpu.dimension_semantics<subcore_parallel>], iteration_bounds = array<i64: 2, 16>, scalar_prefetch = 0 : i64, scratch_operands = 3 : i64, tpu.core_type = #tpu.core_type<sc_vector_subcore>, window_params = [{transform_indices = #map}, {transform_indices = #map1}, {transform_indices = #map1}, {transform_indices = #map2}]} {
    %mul3A = arith.constant 16 : i32
    %mul3A_0 = arith.muli %arg0, %mul3A : i32
    %add3A = arith.addi %mul3A_0, %arg1 : i32
    %mul3A_1 = arith.constant 128 : i32
    %mul3A_2 = arith.muli %add3A, %mul3A_1 : i32
    %multiple_of3A = tpu.assume_multiple %mul3A_2, 128 : i32
    %mul3A_3 = arith.constant 640 : i32
    %mul3A_4 = arith.muli %arg1, %mul3A_3 : i32
    %multiple_of3A_5 = tpu.assume_multiple %mul3A_4, 8 : i32
    "tpu.region"() ({
      %run_scoped3A = tpu.sem_alloc : memref<!tpu.dma_semaphore, #tpu.memory_space<semaphore_mem>>
      tpu.enqueue_dma source(%arg3 : memref<128x128xf32, #tpu.memory_space<hbm>>) target(%arg7 : memref<128x128xf32, #tpu.memory_space<vmem>>) target_semaphore(%run_scoped3A : memref<!tpu.dma_semaphore, #tpu.memory_space<semaphore_mem>>)
      tpu.wait_dma2 semaphore(%run_scoped3A : memref<!tpu.dma_semaphore, #tpu.memory_space<semaphore_mem>>) src(%arg3 : memref<128x128xf32, #tpu.memory_space<hbm>>) dst(%arg7 : memref<128x128xf32, #tpu.memory_space<vmem>>)
      tpu.yield
    }) : () -> ()
    "tpu.region"() ({
      %run_scoped3A = tpu.sem_alloc : memref<!tpu.dma_semaphore, #tpu.memory_space<semaphore_mem>>
      %dma_start3A = arith.constant 0 : i32
      %dma_start3A_13 = tpu.memref_slice %arg8[%multiple_of3A_5, %dma_start3A] : memref<10240x128xf32, #tpu.memory_space<vmem_shared>> -> memref<640x128xf32, #tpu.memory_space<vmem_shared>>
      %dma_start3A_14 = arith.constant 0 : i32
      %dma_start3A_15 = tpu.memref_slice %arg4[%multiple_of3A_5, %dma_start3A_14] : memref<10240x128xf32, #tpu.memory_space<hbm>> -> memref<640x128xf32, #tpu.memory_space<hbm>>
      tpu.enqueue_dma source(%dma_start3A_15 : memref<640x128xf32, #tpu.memory_space<hbm>>) target(%dma_start3A_13 : memref<640x128xf32, #tpu.memory_space<vmem_shared>>) target_semaphore(%run_scoped3A : memref<!tpu.dma_semaphore, #tpu.memory_space<semaphore_mem>>)
      %dma_wait3A = arith.constant 0 : i32
      %dma_wait3A_16 = tpu.memref_slice %arg8[%multiple_of3A_5, %dma_wait3A] : memref<10240x128xf32, #tpu.memory_space<vmem_shared>> -> memref<640x128xf32, #tpu.memory_space<vmem_shared>>
      %dma_wait3A_17 = arith.constant 0 : i32
      %dma_wait3A_18 = tpu.memref_slice %arg4[%multiple_of3A_5, %dma_wait3A_17] : memref<10240x128xf32, #tpu.memory_space<hbm>> -> memref<640x128xf32, #tpu.memory_space<hbm>>
      tpu.wait_dma2 semaphore(%run_scoped3A : memref<!tpu.dma_semaphore, #tpu.memory_space<semaphore_mem>>) src(%dma_wait3A_18 : memref<640x128xf32, #tpu.memory_space<hbm>>) dst(%dma_wait3A_16 : memref<640x128xf32, #tpu.memory_space<vmem_shared>>)
      tpu.yield
    }) : () -> ()
    %barrier3A = arith.constant 0 : index
    tpu.barrier barrier_id(%barrier3A)
    %scan3A = arith.constant 0 : i32
    %scan3A_6 = arith.constant 0 : i32
    %scan3A_7 = arith.constant 81 : i32
    %scan3A_8 = arith.addi %scan3A_6, %scan3A_7 : i32
    %scan3A_9 = arith.constant 1 : i32
    %scan3A_10 = scf.for %scan3A_13 = %scan3A_6 to %scan3A_8 step %scan3A_9 iter_args(%scan3A_14 = %scan3A) -> (i32)  : i32 {
      %mul3A_15 = arith.constant 4096 : i32
      %mul3A_16 = arith.muli %scan3A_13, %mul3A_15 : i32
      %add3A_17 = arith.addi %multiple_of3A, %mul3A_16 : i32
      %multiple_of3A_18 = tpu.assume_multiple %add3A_17, 128 : i32
      "tpu.region"() ({
        %run_scoped3A = tpu.sem_alloc : memref<!tpu.dma_semaphore, #tpu.memory_space<semaphore_mem>>
        %dma_start3A = tpu.memref_slice %arg2[%multiple_of3A_18] : memref<331776xi32, #tpu.memory_space<hbm>> -> memref<128xi32, #tpu.memory_space<hbm>>
        %dma_start3A_20 = tpu.memref_slice %arg2[%multiple_of3A_18] : memref<331776xi32, #tpu.memory_space<hbm>> -> memref<128xi32, #tpu.memory_space<hbm>>
        tpu.enqueue_dma source(%dma_start3A_20 : memref<128xi32, #tpu.memory_space<hbm>>) target(%arg6 : memref<128xi32, #tpu.memory_space<vmem>>) target_semaphore(%run_scoped3A : memref<!tpu.dma_semaphore, #tpu.memory_space<semaphore_mem>>)
        %dma_wait3A = tpu.memref_slice %arg2[%multiple_of3A_18] : memref<331776xi32, #tpu.memory_space<hbm>> -> memref<128xi32, #tpu.memory_space<hbm>>
        %dma_wait3A_21 = tpu.memref_slice %arg2[%multiple_of3A_18] : memref<331776xi32, #tpu.memory_space<hbm>> -> memref<128xi32, #tpu.memory_space<hbm>>
        tpu.wait_dma2 semaphore(%run_scoped3A : memref<!tpu.dma_semaphore, #tpu.memory_space<semaphore_mem>>) src(%dma_wait3A_21 : memref<128xi32, #tpu.memory_space<hbm>>) dst(%arg6 : memref<128xi32, #tpu.memory_space<vmem>>)
        tpu.yield
      }) : () -> ()
      "tpu.region"() ({
        %run_scoped3A = tpu.sem_alloc : memref<!tpu.dma_semaphore, #tpu.memory_space<semaphore_mem>>
        %dma_start3A = arith.constant 0 : i32
        %dma_start3A_20 = arith.constant 0 : i32
        %dma_start3A_21 = tpu.memref_slice %arg8[%dma_start3A, %dma_start3A_20] : memref<10240x128xf32, #tpu.memory_space<vmem_shared>> -> memref<10240x128xf32, #tpu.memory_space<vmem_shared>>
        tpu.enqueue_indirect_dma source(%arg7 : memref<128x128xf32, #tpu.memory_space<vmem>>) target(%dma_start3A_21 : memref<10240x128xf32, #tpu.memory_space<vmem_shared>>) offsets(%arg6 : memref<128xi32, #tpu.memory_space<vmem>>) semaphore(%run_scoped3A : memref<!tpu.dma_semaphore, #tpu.memory_space<semaphore_mem>>) {add = true}
        %dma_wait3A = arith.constant 0 : i32
        %dma_wait3A_22 = arith.constant 0 : i32
        %dma_wait3A_23 = tpu.memref_slice %arg8[%dma_wait3A, %dma_wait3A_22] : memref<10240x128xf32, #tpu.memory_space<vmem_shared>> -> memref<10240x128xf32, #tpu.memory_space<vmem_shared>>
        tpu.wait_indirect_dma semaphore(%run_scoped3A : memref<!tpu.dma_semaphore, #tpu.memory_space<semaphore_mem>>) src(%arg7 : memref<128x128xf32, #tpu.memory_space<vmem>>) dst(%dma_wait3A_23 : memref<10240x128xf32, #tpu.memory_space<vmem_shared>>)
        tpu.yield
      }) : () -> ()
      %scan3A_19 = arith.constant 0 : i32
      scf.yield %scan3A_19 : i32
    }
    %scan3A_11 = arith.constant 81 : i32
    %barrier3A_12 = arith.constant 0 : index
    tpu.barrier barrier_id(%barrier3A_12)
    "tpu.region"() ({
      %run_scoped3A = tpu.sem_alloc : memref<!tpu.dma_semaphore, #tpu.memory_space<semaphore_mem>>
      %dma_start3A = arith.constant 0 : i32
      %dma_start3A_13 = tpu.memref_slice %arg5[%arg0, %multiple_of3A_5, %dma_start3A] : memref<2x10240x128xf32, #tpu.memory_space<hbm>> -> memref<1x640x128xf32, #tpu.memory_space<hbm>>
      %dma_start3A_14 = tpu.memref_squeeze %dma_start3A_13 : memref<1x640x128xf32, #tpu.memory_space<hbm>> -> memref<640x128xf32, #tpu.memory_space<hbm>>
      %dma_start3A_15 = arith.constant 0 : i32
      %dma_start3A_16 = tpu.memref_slice %arg8[%multiple_of3A_5, %dma_start3A_15] : memref<10240x128xf32, #tpu.memory_space<vmem_shared>> -> memref<640x128xf32, #tpu.memory_space<vmem_shared>>
      tpu.enqueue_dma source(%dma_start3A_16 : memref<640x128xf32, #tpu.memory_space<vmem_shared>>) target(%dma_start3A_14 : memref<640x128xf32, #tpu.memory_space<hbm>>) target_semaphore(%run_scoped3A : memref<!tpu.dma_semaphore, #tpu.memory_space<semaphore_mem>>)
      %dma_wait3A = arith.constant 0 : i32
      %dma_wait3A_17 = tpu.memref_slice %arg5[%arg0, %multiple_of3A_5, %dma_wait3A] : memref<2x10240x128xf32, #tpu.memory_space<hbm>> -> memref<1x640x128xf32, #tpu.memory_space<hbm>>
      %dma_wait3A_18 = tpu.memref_squeeze %dma_wait3A_17 : memref<1x640x128xf32, #tpu.memory_space<hbm>> -> memref<640x128xf32, #tpu.memory_space<hbm>>
      %dma_wait3A_19 = arith.constant 0 : i32
      %dma_wait3A_20 = tpu.memref_slice %arg8[%multiple_of3A_5, %dma_wait3A_19] : memref<10240x128xf32, #tpu.memory_space<vmem_shared>> -> memref<640x128xf32, #tpu.memory_space<vmem_shared>>
      tpu.wait_dma2 semaphore(%run_scoped3A : memref<!tpu.dma_semaphore, #tpu.memory_space<semaphore_mem>>) src(%dma_wait3A_20 : memref<640x128xf32, #tpu.memory_space<vmem_shared>>) dst(%dma_wait3A_18 : memref<640x128xf32, #tpu.memory_space<hbm>>)
      tpu.yield
    }) : () -> ()
    return
  }
}

#map = affine_map<(d0, d1) -> (0, 0)>
#map1 = affine_map<(d0, d1) -> (0)>
#map2 = affine_map<(d0, d1) -> (0, 0, 0)>
module attributes {stable_mosaic.version = 14 : i64} {
  func.func @_sc_scatter_body(%arg0: i32, %arg1: i32, %arg2: memref<10240x128xf32, #tpu.memory_space<hbm>>, %arg3: memref<10240x128xf32, #tpu.memory_space<hbm>>, %arg4: memref<10240x128xf32, #tpu.memory_space<hbm>>, %arg5: memref<10240x128xf32, #tpu.memory_space<hbm>>, %arg6: memref<331776xi32, #tpu.memory_space<hbm>>, %arg7: memref<331776xi32, #tpu.memory_space<hbm>>, %arg8: memref<10240x128xf32, #tpu.memory_space<hbm>>, %arg9: memref<2x10240x128xf32, #tpu.memory_space<hbm>>, %arg10: memref<2x10240x128xf32, #tpu.memory_space<hbm>>, %arg11: memref<2x10240x128xf32, #tpu.memory_space<hbm>>, %arg12: memref<2x10240x128xf32, #tpu.memory_space<hbm>>, %arg13: memref<128xi32, #tpu.memory_space<vmem>>, %arg14: memref<128xi32, #tpu.memory_space<vmem>>, %arg15: memref<128xi32, #tpu.memory_space<vmem>>, %arg16: memref<128xi32, #tpu.memory_space<vmem>>, %arg17: memref<128x128xf32, #tpu.memory_space<vmem>>, %arg18: memref<128x128xf32, #tpu.memory_space<vmem>>, %arg19: memref<!tpu.dma_semaphore, #tpu.memory_space<semaphore_mem>>, %arg20: memref<!tpu.dma_semaphore, #tpu.memory_space<semaphore_mem>>, %arg21: memref<!tpu.dma_semaphore, #tpu.memory_space<semaphore_mem>>, %arg22: memref<!tpu.dma_semaphore, #tpu.memory_space<semaphore_mem>>, %arg23: memref<10240x128xf32, #tpu.memory_space<vmem_shared>>) attributes {dimension_semantics = [#tpu.dimension_semantics<core_parallel>, #tpu.dimension_semantics<subcore_parallel>], iteration_bounds = array<i64: 2, 16>, scalar_prefetch = 0 : i64, scratch_operands = 11 : i64, tpu.core_type = #tpu.core_type<sc_vector_subcore>, window_params = [{transform_indices = #map}, {transform_indices = #map}, {transform_indices = #map}, {transform_indices = #map}, {transform_indices = #map1}, {transform_indices = #map1}, {transform_indices = #map}, {transform_indices = #map2}, {transform_indices = #map2}, {transform_indices = #map2}, {transform_indices = #map2}]} {
    %mul3A = arith.constant 16 : i32
    %mul3A_0 = arith.muli %arg0, %mul3A : i32
    %add3A = arith.addi %mul3A_0, %arg1 : i32
    %mul3A_1 = arith.constant 128 : i32
    %mul3A_2 = arith.muli %add3A, %mul3A_1 : i32
    %multiple_of3A = tpu.assume_multiple %mul3A_2, 128 : i32
    %mul3A_3 = arith.constant 640 : i32
    %mul3A_4 = arith.muli %arg1, %mul3A_3 : i32
    %multiple_of3A_5 = tpu.assume_multiple %mul3A_4, 8 : i32
    "tpu.region"() ({
      %run_scoped3A = tpu.sem_alloc : memref<!tpu.dma_semaphore, #tpu.memory_space<semaphore_mem>>
      %dma_start3A_86 = arith.constant 0 : i32
      %dma_start3A_87 = tpu.memref_slice %arg23[%multiple_of3A_5, %dma_start3A_86] : memref<10240x128xf32, #tpu.memory_space<vmem_shared>> -> memref<640x128xf32, #tpu.memory_space<vmem_shared>>
      %dma_start3A_88 = arith.constant 0 : i32
      %dma_start3A_89 = tpu.memref_slice %arg8[%multiple_of3A_5, %dma_start3A_88] : memref<10240x128xf32, #tpu.memory_space<hbm>> -> memref<640x128xf32, #tpu.memory_space<hbm>>
      tpu.enqueue_dma source(%dma_start3A_89 : memref<640x128xf32, #tpu.memory_space<hbm>>) target(%dma_start3A_87 : memref<640x128xf32, #tpu.memory_space<vmem_shared>>) target_semaphore(%run_scoped3A : memref<!tpu.dma_semaphore, #tpu.memory_space<semaphore_mem>>)
      %dma_wait3A_90 = arith.constant 0 : i32
      %dma_wait3A_91 = tpu.memref_slice %arg23[%multiple_of3A_5, %dma_wait3A_90] : memref<10240x128xf32, #tpu.memory_space<vmem_shared>> -> memref<640x128xf32, #tpu.memory_space<vmem_shared>>
      %dma_wait3A_92 = arith.constant 0 : i32
      %dma_wait3A_93 = tpu.memref_slice %arg8[%multiple_of3A_5, %dma_wait3A_92] : memref<10240x128xf32, #tpu.memory_space<hbm>> -> memref<640x128xf32, #tpu.memory_space<hbm>>
      tpu.wait_dma2 semaphore(%run_scoped3A : memref<!tpu.dma_semaphore, #tpu.memory_space<semaphore_mem>>) src(%dma_wait3A_93 : memref<640x128xf32, #tpu.memory_space<hbm>>) dst(%dma_wait3A_91 : memref<640x128xf32, #tpu.memory_space<vmem_shared>>)
      tpu.yield
    }) : () -> ()
    %barrier3A = arith.constant 0 : index
    tpu.barrier barrier_id(%barrier3A)
    "tpu.region"() ({
      %run_scoped3A = tpu.sem_alloc : memref<!tpu.dma_semaphore, #tpu.memory_space<semaphore_mem>>
      %dma_start3A_86 = tpu.memref_slice %arg6[%multiple_of3A] : memref<331776xi32, #tpu.memory_space<hbm>> -> memref<128xi32, #tpu.memory_space<hbm>>
      %dma_start3A_87 = tpu.memref_slice %arg6[%multiple_of3A] : memref<331776xi32, #tpu.memory_space<hbm>> -> memref<128xi32, #tpu.memory_space<hbm>>
      tpu.enqueue_dma source(%dma_start3A_87 : memref<128xi32, #tpu.memory_space<hbm>>) target(%arg13 : memref<128xi32, #tpu.memory_space<vmem>>) target_semaphore(%run_scoped3A : memref<!tpu.dma_semaphore, #tpu.memory_space<semaphore_mem>>)
      %dma_wait3A_88 = tpu.memref_slice %arg6[%multiple_of3A] : memref<331776xi32, #tpu.memory_space<hbm>> -> memref<128xi32, #tpu.memory_space<hbm>>
      %dma_wait3A_89 = tpu.memref_slice %arg6[%multiple_of3A] : memref<331776xi32, #tpu.memory_space<hbm>> -> memref<128xi32, #tpu.memory_space<hbm>>
      tpu.wait_dma2 semaphore(%run_scoped3A : memref<!tpu.dma_semaphore, #tpu.memory_space<semaphore_mem>>) src(%dma_wait3A_89 : memref<128xi32, #tpu.memory_space<hbm>>) dst(%arg13 : memref<128xi32, #tpu.memory_space<vmem>>)
      tpu.yield
    }) : () -> ()
    "tpu.region"() ({
      %run_scoped3A = tpu.sem_alloc : memref<!tpu.dma_semaphore, #tpu.memory_space<semaphore_mem>>
      %dma_start3A_86 = tpu.memref_slice %arg7[%multiple_of3A] : memref<331776xi32, #tpu.memory_space<hbm>> -> memref<128xi32, #tpu.memory_space<hbm>>
      %dma_start3A_87 = tpu.memref_slice %arg7[%multiple_of3A] : memref<331776xi32, #tpu.memory_space<hbm>> -> memref<128xi32, #tpu.memory_space<hbm>>
      tpu.enqueue_dma source(%dma_start3A_87 : memref<128xi32, #tpu.memory_space<hbm>>) target(%arg15 : memref<128xi32, #tpu.memory_space<vmem>>) target_semaphore(%run_scoped3A : memref<!tpu.dma_semaphore, #tpu.memory_space<semaphore_mem>>)
      %dma_wait3A_88 = tpu.memref_slice %arg7[%multiple_of3A] : memref<331776xi32, #tpu.memory_space<hbm>> -> memref<128xi32, #tpu.memory_space<hbm>>
      %dma_wait3A_89 = tpu.memref_slice %arg7[%multiple_of3A] : memref<331776xi32, #tpu.memory_space<hbm>> -> memref<128xi32, #tpu.memory_space<hbm>>
      tpu.wait_dma2 semaphore(%run_scoped3A : memref<!tpu.dma_semaphore, #tpu.memory_space<semaphore_mem>>) src(%dma_wait3A_89 : memref<128xi32, #tpu.memory_space<hbm>>) dst(%arg15 : memref<128xi32, #tpu.memory_space<vmem>>)
      tpu.yield
    }) : () -> ()
    %dma_start3A = arith.constant 0 : i32
    %dma_start3A_6 = arith.constant 0 : i32
    %dma_start3A_7 = tpu.memref_slice %arg2[%dma_start3A, %dma_start3A_6] : memref<10240x128xf32, #tpu.memory_space<hbm>> -> memref<10240x128xf32, #tpu.memory_space<hbm>>
    tpu.enqueue_indirect_dma source(%dma_start3A_7 : memref<10240x128xf32, #tpu.memory_space<hbm>>) target(%arg17 : memref<128x128xf32, #tpu.memory_space<vmem>>) offsets(%arg13 : memref<128xi32, #tpu.memory_space<vmem>>) semaphore(%arg19 : memref<!tpu.dma_semaphore, #tpu.memory_space<semaphore_mem>>)
    %add3A_8 = arith.constant 4096 : i32
    %add3A_9 = arith.addi %multiple_of3A, %add3A_8 : i32
    "tpu.region"() ({
      %run_scoped3A = tpu.sem_alloc : memref<!tpu.dma_semaphore, #tpu.memory_space<semaphore_mem>>
      %dma_start3A_86 = tpu.memref_slice %arg6[%add3A_9] : memref<331776xi32, #tpu.memory_space<hbm>> -> memref<128xi32, #tpu.memory_space<hbm>>
      %dma_start3A_87 = tpu.memref_slice %arg6[%add3A_9] : memref<331776xi32, #tpu.memory_space<hbm>> -> memref<128xi32, #tpu.memory_space<hbm>>
      tpu.enqueue_dma source(%dma_start3A_87 : memref<128xi32, #tpu.memory_space<hbm>>) target(%arg14 : memref<128xi32, #tpu.memory_space<vmem>>) target_semaphore(%run_scoped3A : memref<!tpu.dma_semaphore, #tpu.memory_space<semaphore_mem>>)
      %dma_wait3A_88 = tpu.memref_slice %arg6[%add3A_9] : memref<331776xi32, #tpu.memory_space<hbm>> -> memref<128xi32, #tpu.memory_space<hbm>>
      %dma_wait3A_89 = tpu.memref_slice %arg6[%add3A_9] : memref<331776xi32, #tpu.memory_space<hbm>> -> memref<128xi32, #tpu.memory_space<hbm>>
      tpu.wait_dma2 semaphore(%run_scoped3A : memref<!tpu.dma_semaphore, #tpu.memory_space<semaphore_mem>>) src(%dma_wait3A_89 : memref<128xi32, #tpu.memory_space<hbm>>) dst(%arg14 : memref<128xi32, #tpu.memory_space<vmem>>)
      tpu.yield
    }) : () -> ()
    %scan3A = arith.constant 0 : i32
    %scan3A_10 = arith.constant 0 : i32
    %scan3A_11 = arith.constant 41 : i32
    %scan3A_12 = arith.addi %scan3A_10, %scan3A_11 : i32
    %scan3A_13 = arith.constant 1 : i32
    %scan3A_14 = scf.for %scan3A_86 = %scan3A_10 to %scan3A_12 step %scan3A_13 iter_args(%scan3A_87 = %scan3A) -> (i32)  : i32 {
      %mul3A_88 = arith.constant 2 : i32
      %mul3A_89 = arith.muli %mul3A_88, %scan3A_86 : i32
      %add3A_90 = arith.constant 0 : i32
      %add3A_91 = arith.addi %mul3A_89, %add3A_90 : i32
      %lt3A = arith.constant 81 : i32
      %lt3A_92 = arith.cmpi slt, %add3A_91, %lt3A : i32
      %convert_element_type3A = arith.extui %lt3A_92 : i1 to i32
      %cond3A = arith.constant 0 : i32
      %cond3A_93 = arith.cmpi ne, %convert_element_type3A, %cond3A : i32
      scf.if %cond3A_93 {
        %dma_wait3A_102 = arith.constant 0 : i32
        %dma_wait3A_103 = arith.constant 0 : i32
        %dma_wait3A_104 = tpu.memref_slice %arg2[%dma_wait3A_102, %dma_wait3A_103] : memref<10240x128xf32, #tpu.memory_space<hbm>> -> memref<10240x128xf32, #tpu.memory_space<hbm>>
        tpu.wait_indirect_dma semaphore(%arg19 : memref<!tpu.dma_semaphore, #tpu.memory_space<semaphore_mem>>) src(%dma_wait3A_104 : memref<10240x128xf32, #tpu.memory_space<hbm>>) dst(%arg17 : memref<128x128xf32, #tpu.memory_space<vmem>>)
        %add3A_105 = arith.constant 1 : i32
        %add3A_106 = arith.addi %add3A_91, %add3A_105 : i32
        %lt3A_107 = arith.constant 81 : i32
        %lt3A_108 = arith.cmpi slt, %add3A_106, %lt3A_107 : i32
        %convert_element_type3A_109 = arith.extui %lt3A_108 : i1 to i32
        %cond3A_110 = arith.constant 0 : i32
        %cond3A_111 = arith.cmpi ne, %convert_element_type3A_109, %cond3A_110 : i32
        scf.if %cond3A_111 {
          %ge3A = arith.constant 1 : i32
          %ge3A_122 = arith.cmpi sge, %add3A_91, %ge3A : i32
          %convert_element_type3A_123 = arith.extui %ge3A_122 : i1 to i32
          %cond3A_124 = arith.constant 0 : i32
          %cond3A_125 = arith.cmpi ne, %convert_element_type3A_123, %cond3A_124 : i32
          scf.if %cond3A_125 {
            %dma_wait3A_135 = arith.constant 0 : i32
            %dma_wait3A_136 = arith.constant 0 : i32
            %dma_wait3A_137 = tpu.memref_slice %arg23[%dma_wait3A_135, %dma_wait3A_136] : memref<10240x128xf32, #tpu.memory_space<vmem_shared>> -> memref<10240x128xf32, #tpu.memory_space<vmem_shared>>
            tpu.wait_indirect_dma semaphore(%arg22 : memref<!tpu.dma_semaphore, #tpu.memory_space<semaphore_mem>>) src(%arg18 : memref<128x128xf32, #tpu.memory_space<vmem>>) dst(%dma_wait3A_137 : memref<10240x128xf32, #tpu.memory_space<vmem_shared>>)
          } else {
          }
          %dma_start3A_126 = arith.constant 0 : i32
          %dma_start3A_127 = arith.constant 0 : i32
          %dma_start3A_128 = tpu.memref_slice %arg2[%dma_start3A_126, %dma_start3A_127] : memref<10240x128xf32, #tpu.memory_space<hbm>> -> memref<10240x128xf32, #tpu.memory_space<hbm>>
          tpu.enqueue_indirect_dma source(%dma_start3A_128 : memref<10240x128xf32, #tpu.memory_space<hbm>>) target(%arg18 : memref<128x128xf32, #tpu.memory_space<vmem>>) offsets(%arg14 : memref<128xi32, #tpu.memory_space<vmem>>) semaphore(%arg20 : memref<!tpu.dma_semaphore, #tpu.memory_space<semaphore_mem>>)
          %add3A_129 = arith.constant 1 : i32
          %add3A_130 = arith.addi %add3A_91, %add3A_129 : i32
          %mul3A_131 = arith.constant 4096 : i32
          %mul3A_132 = arith.muli %add3A_130, %mul3A_131 : i32
          %add3A_133 = arith.addi %multiple_of3A, %mul3A_132 : i32
          %multiple_of3A_134 = tpu.assume_multiple %add3A_133, 128 : i32
          "tpu.region"() ({
            %run_scoped3A = tpu.sem_alloc : memref<!tpu.dma_semaphore, #tpu.memory_space<semaphore_mem>>
            %dma_start3A_135 = tpu.memref_slice %arg7[%multiple_of3A_134] : memref<331776xi32, #tpu.memory_space<hbm>> -> memref<128xi32, #tpu.memory_space<hbm>>
            %dma_start3A_136 = tpu.memref_slice %arg7[%multiple_of3A_134] : memref<331776xi32, #tpu.memory_space<hbm>> -> memref<128xi32, #tpu.memory_space<hbm>>
            tpu.enqueue_dma source(%dma_start3A_136 : memref<128xi32, #tpu.memory_space<hbm>>) target(%arg16 : memref<128xi32, #tpu.memory_space<vmem>>) target_semaphore(%run_scoped3A : memref<!tpu.dma_semaphore, #tpu.memory_space<semaphore_mem>>)
            %dma_wait3A_137 = tpu.memref_slice %arg7[%multiple_of3A_134] : memref<331776xi32, #tpu.memory_space<hbm>> -> memref<128xi32, #tpu.memory_space<hbm>>
            %dma_wait3A_138 = tpu.memref_slice %arg7[%multiple_of3A_134] : memref<331776xi32, #tpu.memory_space<hbm>> -> memref<128xi32, #tpu.memory_space<hbm>>
            tpu.wait_dma2 semaphore(%run_scoped3A : memref<!tpu.dma_semaphore, #tpu.memory_space<semaphore_mem>>) src(%dma_wait3A_138 : memref<128xi32, #tpu.memory_space<hbm>>) dst(%arg16 : memref<128xi32, #tpu.memory_space<vmem>>)
            tpu.yield
          }) : () -> ()
        } else {
        }
        %dma_start3A_112 = arith.constant 0 : i32
        %dma_start3A_113 = arith.constant 0 : i32
        %dma_start3A_114 = tpu.memref_slice %arg23[%dma_start3A_112, %dma_start3A_113] : memref<10240x128xf32, #tpu.memory_space<vmem_shared>> -> memref<10240x128xf32, #tpu.memory_space<vmem_shared>>
        tpu.enqueue_indirect_dma source(%arg17 : memref<128x128xf32, #tpu.memory_space<vmem>>) target(%dma_start3A_114 : memref<10240x128xf32, #tpu.memory_space<vmem_shared>>) offsets(%arg15 : memref<128xi32, #tpu.memory_space<vmem>>) semaphore(%arg21 : memref<!tpu.dma_semaphore, #tpu.memory_space<semaphore_mem>>) {add = true}
        %add3A_115 = arith.constant 2 : i32
        %add3A_116 = arith.addi %add3A_91, %add3A_115 : i32
        %lt3A_117 = arith.constant 81 : i32
        %lt3A_118 = arith.cmpi slt, %add3A_116, %lt3A_117 : i32
        %convert_element_type3A_119 = arith.extui %lt3A_118 : i1 to i32
        %cond3A_120 = arith.constant 0 : i32
        %cond3A_121 = arith.cmpi ne, %convert_element_type3A_119, %cond3A_120 : i32
        scf.if %cond3A_121 {
          %add3A_122 = arith.constant 2 : i32
          %add3A_123 = arith.addi %add3A_91, %add3A_122 : i32
          %mul3A_124 = arith.constant 4096 : i32
          %mul3A_125 = arith.muli %add3A_123, %mul3A_124 : i32
          %add3A_126 = arith.addi %multiple_of3A, %mul3A_125 : i32
          %multiple_of3A_127 = tpu.assume_multiple %add3A_126, 128 : i32
          "tpu.region"() ({
            %run_scoped3A = tpu.sem_alloc : memref<!tpu.dma_semaphore, #tpu.memory_space<semaphore_mem>>
            %dma_start3A_128 = tpu.memref_slice %arg6[%multiple_of3A_127] : memref<331776xi32, #tpu.memory_space<hbm>> -> memref<128xi32, #tpu.memory_space<hbm>>
            %dma_start3A_129 = tpu.memref_slice %arg6[%multiple_of3A_127] : memref<331776xi32, #tpu.memory_space<hbm>> -> memref<128xi32, #tpu.memory_space<hbm>>
            tpu.enqueue_dma source(%dma_start3A_129 : memref<128xi32, #tpu.memory_space<hbm>>) target(%arg13 : memref<128xi32, #tpu.memory_space<vmem>>) target_semaphore(%run_scoped3A : memref<!tpu.dma_semaphore, #tpu.memory_space<semaphore_mem>>)
            %dma_wait3A_130 = tpu.memref_slice %arg6[%multiple_of3A_127] : memref<331776xi32, #tpu.memory_space<hbm>> -> memref<128xi32, #tpu.memory_space<hbm>>
            %dma_wait3A_131 = tpu.memref_slice %arg6[%multiple_of3A_127] : memref<331776xi32, #tpu.memory_space<hbm>> -> memref<128xi32, #tpu.memory_space<hbm>>
            tpu.wait_dma2 semaphore(%run_scoped3A : memref<!tpu.dma_semaphore, #tpu.memory_space<semaphore_mem>>) src(%dma_wait3A_131 : memref<128xi32, #tpu.memory_space<hbm>>) dst(%arg13 : memref<128xi32, #tpu.memory_space<vmem>>)
            tpu.yield
          }) : () -> ()
        } else {
        }
      } else {
      }
      %add3A_94 = arith.constant 1 : i32
      %add3A_95 = arith.addi %mul3A_89, %add3A_94 : i32
      %lt3A_96 = arith.constant 81 : i32
      %lt3A_97 = arith.cmpi slt, %add3A_95, %lt3A_96 : i32
      %convert_element_type3A_98 = arith.extui %lt3A_97 : i1 to i32
      %cond3A_99 = arith.constant 0 : i32
      %cond3A_100 = arith.cmpi ne, %convert_element_type3A_98, %cond3A_99 : i32
      scf.if %cond3A_100 {
        %dma_wait3A_102 = arith.constant 0 : i32
        %dma_wait3A_103 = arith.constant 0 : i32
        %dma_wait3A_104 = tpu.memref_slice %arg2[%dma_wait3A_102, %dma_wait3A_103] : memref<10240x128xf32, #tpu.memory_space<hbm>> -> memref<10240x128xf32, #tpu.memory_space<hbm>>
        tpu.wait_indirect_dma semaphore(%arg20 : memref<!tpu.dma_semaphore, #tpu.memory_space<semaphore_mem>>) src(%dma_wait3A_104 : memref<10240x128xf32, #tpu.memory_space<hbm>>) dst(%arg18 : memref<128x128xf32, #tpu.memory_space<vmem>>)
        %add3A_105 = arith.constant 1 : i32
        %add3A_106 = arith.addi %add3A_95, %add3A_105 : i32
        %lt3A_107 = arith.constant 81 : i32
        %lt3A_108 = arith.cmpi slt, %add3A_106, %lt3A_107 : i32
        %convert_element_type3A_109 = arith.extui %lt3A_108 : i1 to i32
        %cond3A_110 = arith.constant 0 : i32
        %cond3A_111 = arith.cmpi ne, %convert_element_type3A_109, %cond3A_110 : i32
        scf.if %cond3A_111 {
          %ge3A = arith.constant 1 : i32
          %ge3A_122 = arith.cmpi sge, %add3A_95, %ge3A : i32
          %convert_element_type3A_123 = arith.extui %ge3A_122 : i1 to i32
          %cond3A_124 = arith.constant 0 : i32
          %cond3A_125 = arith.cmpi ne, %convert_element_type3A_123, %cond3A_124 : i32
          scf.if %cond3A_125 {
            %dma_wait3A_135 = arith.constant 0 : i32
            %dma_wait3A_136 = arith.constant 0 : i32
            %dma_wait3A_137 = tpu.memref_slice %arg23[%dma_wait3A_135, %dma_wait3A_136] : memref<10240x128xf32, #tpu.memory_space<vmem_shared>> -> memref<10240x128xf32, #tpu.memory_space<vmem_shared>>
            tpu.wait_indirect_dma semaphore(%arg21 : memref<!tpu.dma_semaphore, #tpu.memory_space<semaphore_mem>>) src(%arg17 : memref<128x128xf32, #tpu.memory_space<vmem>>) dst(%dma_wait3A_137 : memref<10240x128xf32, #tpu.memory_space<vmem_shared>>)
          } else {
          }
          %dma_start3A_126 = arith.constant 0 : i32
          %dma_start3A_127 = arith.constant 0 : i32
          %dma_start3A_128 = tpu.memref_slice %arg2[%dma_start3A_126, %dma_start3A_127] : memref<10240x128xf32, #tpu.memory_space<hbm>> -> memref<10240x128xf32, #tpu.memory_space<hbm>>
          tpu.enqueue_indirect_dma source(%dma_start3A_128 : memref<10240x128xf32, #tpu.memory_space<hbm>>) target(%arg17 : memref<128x128xf32, #tpu.memory_space<vmem>>) offsets(%arg13 : memref<128xi32, #tpu.memory_space<vmem>>) semaphore(%arg19 : memref<!tpu.dma_semaphore, #tpu.memory_space<semaphore_mem>>)
          %add3A_129 = arith.constant 1 : i32
          %add3A_130 = arith.addi %add3A_95, %add3A_129 : i32
          %mul3A_131 = arith.constant 4096 : i32
          %mul3A_132 = arith.muli %add3A_130, %mul3A_131 : i32
          %add3A_133 = arith.addi %multiple_of3A, %mul3A_132 : i32
          %multiple_of3A_134 = tpu.assume_multiple %add3A_133, 128 : i32
          "tpu.region"() ({
            %run_scoped3A = tpu.sem_alloc : memref<!tpu.dma_semaphore, #tpu.memory_space<semaphore_mem>>
            %dma_start3A_135 = tpu.memref_slice %arg7[%multiple_of3A_134] : memref<331776xi32, #tpu.memory_space<hbm>> -> memref<128xi32, #tpu.memory_space<hbm>>
            %dma_start3A_136 = tpu.memref_slice %arg7[%multiple_of3A_134] : memref<331776xi32, #tpu.memory_space<hbm>> -> memref<128xi32, #tpu.memory_space<hbm>>
            tpu.enqueue_dma source(%dma_start3A_136 : memref<128xi32, #tpu.memory_space<hbm>>) target(%arg15 : memref<128xi32, #tpu.memory_space<vmem>>) target_semaphore(%run_scoped3A : memref<!tpu.dma_semaphore, #tpu.memory_space<semaphore_mem>>)
            %dma_wait3A_137 = tpu.memref_slice %arg7[%multiple_of3A_134] : memref<331776xi32, #tpu.memory_space<hbm>> -> memref<128xi32, #tpu.memory_space<hbm>>
            %dma_wait3A_138 = tpu.memref_slice %arg7[%multiple_of3A_134] : memref<331776xi32, #tpu.memory_space<hbm>> -> memref<128xi32, #tpu.memory_space<hbm>>
            tpu.wait_dma2 semaphore(%run_scoped3A : memref<!tpu.dma_semaphore, #tpu.memory_space<semaphore_mem>>) src(%dma_wait3A_138 : memref<128xi32, #tpu.memory_space<hbm>>) dst(%arg15 : memref<128xi32, #tpu.memory_space<vmem>>)
            tpu.yield
          }) : () -> ()
        } else {
        }
        %dma_start3A_112 = arith.constant 0 : i32
        %dma_start3A_113 = arith.constant 0 : i32
        %dma_start3A_114 = tpu.memref_slice %arg23[%dma_start3A_112, %dma_start3A_113] : memref<10240x128xf32, #tpu.memory_space<vmem_shared>> -> memref<10240x128xf32, #tpu.memory_space<vmem_shared>>
        tpu.enqueue_indirect_dma source(%arg18 : memref<128x128xf32, #tpu.memory_space<vmem>>) target(%dma_start3A_114 : memref<10240x128xf32, #tpu.memory_space<vmem_shared>>) offsets(%arg16 : memref<128xi32, #tpu.memory_space<vmem>>) semaphore(%arg22 : memref<!tpu.dma_semaphore, #tpu.memory_space<semaphore_mem>>) {add = true}
        %add3A_115 = arith.constant 2 : i32
        %add3A_116 = arith.addi %add3A_95, %add3A_115 : i32
        %lt3A_117 = arith.constant 81 : i32
        %lt3A_118 = arith.cmpi slt, %add3A_116, %lt3A_117 : i32
        %convert_element_type3A_119 = arith.extui %lt3A_118 : i1 to i32
        %cond3A_120 = arith.constant 0 : i32
        %cond3A_121 = arith.cmpi ne, %convert_element_type3A_119, %cond3A_120 : i32
        scf.if %cond3A_121 {
          %add3A_122 = arith.constant 2 : i32
          %add3A_123 = arith.addi %add3A_95, %add3A_122 : i32
          %mul3A_124 = arith.constant 4096 : i32
          %mul3A_125 = arith.muli %add3A_123, %mul3A_124 : i32
          %add3A_126 = arith.addi %multiple_of3A, %mul3A_125 : i32
          %multiple_of3A_127 = tpu.assume_multiple %add3A_126, 128 : i32
          "tpu.region"() ({
            %run_scoped3A = tpu.sem_alloc : memref<!tpu.dma_semaphore, #tpu.memory_space<semaphore_mem>>
            %dma_start3A_128 = tpu.memref_slice %arg6[%multiple_of3A_127] : memref<331776xi32, #tpu.memory_space<hbm>> -> memref<128xi32, #tpu.memory_space<hbm>>
            %dma_start3A_129 = tpu.memref_slice %arg6[%multiple_of3A_127] : memref<331776xi32, #tpu.memory_space<hbm>> -> memref<128xi32, #tpu.memory_space<hbm>>
            tpu.enqueue_dma source(%dma_start3A_129 : memref<128xi32, #tpu.memory_space<hbm>>) target(%arg14 : memref<128xi32, #tpu.memory_space<vmem>>) target_semaphore(%run_scoped3A : memref<!tpu.dma_semaphore, #tpu.memory_space<semaphore_mem>>)
            %dma_wait3A_130 = tpu.memref_slice %arg6[%multiple_of3A_127] : memref<331776xi32, #tpu.memory_space<hbm>> -> memref<128xi32, #tpu.memory_space<hbm>>
            %dma_wait3A_131 = tpu.memref_slice %arg6[%multiple_of3A_127] : memref<331776xi32, #tpu.memory_space<hbm>> -> memref<128xi32, #tpu.memory_space<hbm>>
            tpu.wait_dma2 semaphore(%run_scoped3A : memref<!tpu.dma_semaphore, #tpu.memory_space<semaphore_mem>>) src(%dma_wait3A_131 : memref<128xi32, #tpu.memory_space<hbm>>) dst(%arg14 : memref<128xi32, #tpu.memory_space<vmem>>)
            tpu.yield
          }) : () -> ()
        } else {
        }
      } else {
      }
      %scan3A_101 = arith.constant 0 : i32
      scf.yield %scan3A_101 : i32
    }
    %scan3A_15 = arith.constant 41 : i32
    %dma_wait3A = arith.constant 0 : i32
    %dma_wait3A_16 = arith.constant 0 : i32
    %dma_wait3A_17 = tpu.memref_slice %arg23[%dma_wait3A, %dma_wait3A_16] : memref<10240x128xf32, #tpu.memory_space<vmem_shared>> -> memref<10240x128xf32, #tpu.memory_space<vmem_shared>>
    tpu.wait_indirect_dma semaphore(%arg21 : memref<!tpu.dma_semaphore, #tpu.memory_space<semaphore_mem>>) src(%arg17 : memref<128x128xf32, #tpu.memory_space<vmem>>) dst(%dma_wait3A_17 : memref<10240x128xf32, #tpu.memory_space<vmem_shared>>)
    %dma_wait3A_18 = arith.constant 0 : i32
    %dma_wait3A_19 = arith.constant 0 : i32
    %dma_wait3A_20 = tpu.memref_slice %arg23[%dma_wait3A_18, %dma_wait3A_19] : memref<10240x128xf32, #tpu.memory_space<vmem_shared>> -> memref<10240x128xf32, #tpu.memory_space<vmem_shared>>
    tpu.wait_indirect_dma semaphore(%arg22 : memref<!tpu.dma_semaphore, #tpu.memory_space<semaphore_mem>>) src(%arg18 : memref<128x128xf32, #tpu.memory_space<vmem>>) dst(%dma_wait3A_20 : memref<10240x128xf32, #tpu.memory_space<vmem_shared>>)
    %barrier3A_21 = arith.constant 0 : index
    tpu.barrier barrier_id(%barrier3A_21)
    "tpu.region"() ({
      %run_scoped3A = tpu.sem_alloc : memref<!tpu.dma_semaphore, #tpu.memory_space<semaphore_mem>>
      %dma_start3A_86 = arith.constant 0 : i32
      %dma_start3A_87 = tpu.memref_slice %arg9[%arg0, %multiple_of3A_5, %dma_start3A_86] : memref<2x10240x128xf32, #tpu.memory_space<hbm>> -> memref<1x640x128xf32, #tpu.memory_space<hbm>>
      %dma_start3A_88 = tpu.memref_squeeze %dma_start3A_87 : memref<1x640x128xf32, #tpu.memory_space<hbm>> -> memref<640x128xf32, #tpu.memory_space<hbm>>
      %dma_start3A_89 = arith.constant 0 : i32
      %dma_start3A_90 = tpu.memref_slice %arg23[%multiple_of3A_5, %dma_start3A_89] : memref<10240x128xf32, #tpu.memory_space<vmem_shared>> -> memref<640x128xf32, #tpu.memory_space<vmem_shared>>
      tpu.enqueue_dma source(%dma_start3A_90 : memref<640x128xf32, #tpu.memory_space<vmem_shared>>) target(%dma_start3A_88 : memref<640x128xf32, #tpu.memory_space<hbm>>) target_semaphore(%run_scoped3A : memref<!tpu.dma_semaphore, #tpu.memory_space<semaphore_mem>>)
      %dma_wait3A_91 = arith.constant 0 : i32
      %dma_wait3A_92 = tpu.memref_slice %arg9[%arg0, %multiple_of3A_5, %dma_wait3A_91] : memref<2x10240x128xf32, #tpu.memory_space<hbm>> -> memref<1x640x128xf32, #tpu.memory_space<hbm>>
      %dma_wait3A_93 = tpu.memref_squeeze %dma_wait3A_92 : memref<1x640x128xf32, #tpu.memory_space<hbm>> -> memref<640x128xf32, #tpu.memory_space<hbm>>
      %dma_wait3A_94 = arith.constant 0 : i32
      %dma_wait3A_95 = tpu.memref_slice %arg23[%multiple_of3A_5, %dma_wait3A_94] : memref<10240x128xf32, #tpu.memory_space<vmem_shared>> -> memref<640x128xf32, #tpu.memory_space<vmem_shared>>
      tpu.wait_dma2 semaphore(%run_scoped3A : memref<!tpu.dma_semaphore, #tpu.memory_space<semaphore_mem>>) src(%dma_wait3A_95 : memref<640x128xf32, #tpu.memory_space<vmem_shared>>) dst(%dma_wait3A_93 : memref<640x128xf32, #tpu.memory_space<hbm>>)
      tpu.yield
    }) : () -> ()
    %barrier3A_22 = arith.constant 0 : index
    tpu.barrier barrier_id(%barrier3A_22)
    "tpu.region"() ({
      %run_scoped3A = tpu.sem_alloc : memref<!tpu.dma_semaphore, #tpu.memory_space<semaphore_mem>>
      %dma_start3A_86 = arith.constant 0 : i32
      %dma_start3A_87 = tpu.memref_slice %arg23[%multiple_of3A_5, %dma_start3A_86] : memref<10240x128xf32, #tpu.memory_space<vmem_shared>> -> memref<640x128xf32, #tpu.memory_space<vmem_shared>>
      %dma_start3A_88 = arith.constant 0 : i32
      %dma_start3A_89 = tpu.memref_slice %arg8[%multiple_of3A_5, %dma_start3A_88] : memref<10240x128xf32, #tpu.memory_space<hbm>> -> memref<640x128xf32, #tpu.memory_space<hbm>>
      tpu.enqueue_dma source(%dma_start3A_89 : memref<640x128xf32, #tpu.memory_space<hbm>>) target(%dma_start3A_87 : memref<640x128xf32, #tpu.memory_space<vmem_shared>>) target_semaphore(%run_scoped3A : memref<!tpu.dma_semaphore, #tpu.memory_space<semaphore_mem>>)
      %dma_wait3A_90 = arith.constant 0 : i32
      %dma_wait3A_91 = tpu.memref_slice %arg23[%multiple_of3A_5, %dma_wait3A_90] : memref<10240x128xf32, #tpu.memory_space<vmem_shared>> -> memref<640x128xf32, #tpu.memory_space<vmem_shared>>
      %dma_wait3A_92 = arith.constant 0 : i32
      %dma_wait3A_93 = tpu.memref_slice %arg8[%multiple_of3A_5, %dma_wait3A_92] : memref<10240x128xf32, #tpu.memory_space<hbm>> -> memref<640x128xf32, #tpu.memory_space<hbm>>
      tpu.wait_dma2 semaphore(%run_scoped3A : memref<!tpu.dma_semaphore, #tpu.memory_space<semaphore_mem>>) src(%dma_wait3A_93 : memref<640x128xf32, #tpu.memory_space<hbm>>) dst(%dma_wait3A_91 : memref<640x128xf32, #tpu.memory_space<vmem_shared>>)
      tpu.yield
    }) : () -> ()
    %barrier3A_23 = arith.constant 0 : index
    tpu.barrier barrier_id(%barrier3A_23)
    "tpu.region"() ({
      %run_scoped3A = tpu.sem_alloc : memref<!tpu.dma_semaphore, #tpu.memory_space<semaphore_mem>>
      %dma_start3A_86 = tpu.memref_slice %arg6[%multiple_of3A] : memref<331776xi32, #tpu.memory_space<hbm>> -> memref<128xi32, #tpu.memory_space<hbm>>
      %dma_start3A_87 = tpu.memref_slice %arg6[%multiple_of3A] : memref<331776xi32, #tpu.memory_space<hbm>> -> memref<128xi32, #tpu.memory_space<hbm>>
      tpu.enqueue_dma source(%dma_start3A_87 : memref<128xi32, #tpu.memory_space<hbm>>) target(%arg13 : memref<128xi32, #tpu.memory_space<vmem>>) target_semaphore(%run_scoped3A : memref<!tpu.dma_semaphore, #tpu.memory_space<semaphore_mem>>)
      %dma_wait3A_88 = tpu.memref_slice %arg6[%multiple_of3A] : memref<331776xi32, #tpu.memory_space<hbm>> -> memref<128xi32, #tpu.memory_space<hbm>>
      %dma_wait3A_89 = tpu.memref_slice %arg6[%multiple_of3A] : memref<331776xi32, #tpu.memory_space<hbm>> -> memref<128xi32, #tpu.memory_space<hbm>>
      tpu.wait_dma2 semaphore(%run_scoped3A : memref<!tpu.dma_semaphore, #tpu.memory_space<semaphore_mem>>) src(%dma_wait3A_89 : memref<128xi32, #tpu.memory_space<hbm>>) dst(%arg13 : memref<128xi32, #tpu.memory_space<vmem>>)
      tpu.yield
    }) : () -> ()
    "tpu.region"() ({
      %run_scoped3A = tpu.sem_alloc : memref<!tpu.dma_semaphore, #tpu.memory_space<semaphore_mem>>
      %dma_start3A_86 = tpu.memref_slice %arg7[%multiple_of3A] : memref<331776xi32, #tpu.memory_space<hbm>> -> memref<128xi32, #tpu.memory_space<hbm>>
      %dma_start3A_87 = tpu.memref_slice %arg7[%multiple_of3A] : memref<331776xi32, #tpu.memory_space<hbm>> -> memref<128xi32, #tpu.memory_space<hbm>>
      tpu.enqueue_dma source(%dma_start3A_87 : memref<128xi32, #tpu.memory_space<hbm>>) target(%arg15 : memref<128xi32, #tpu.memory_space<vmem>>) target_semaphore(%run_scoped3A : memref<!tpu.dma_semaphore, #tpu.memory_space<semaphore_mem>>)
      %dma_wait3A_88 = tpu.memref_slice %arg7[%multiple_of3A] : memref<331776xi32, #tpu.memory_space<hbm>> -> memref<128xi32, #tpu.memory_space<hbm>>
      %dma_wait3A_89 = tpu.memref_slice %arg7[%multiple_of3A] : memref<331776xi32, #tpu.memory_space<hbm>> -> memref<128xi32, #tpu.memory_space<hbm>>
      tpu.wait_dma2 semaphore(%run_scoped3A : memref<!tpu.dma_semaphore, #tpu.memory_space<semaphore_mem>>) src(%dma_wait3A_89 : memref<128xi32, #tpu.memory_space<hbm>>) dst(%arg15 : memref<128xi32, #tpu.memory_space<vmem>>)
      tpu.yield
    }) : () -> ()
    %dma_start3A_24 = arith.constant 0 : i32
    %dma_start3A_25 = arith.constant 0 : i32
    %dma_start3A_26 = tpu.memref_slice %arg3[%dma_start3A_24, %dma_start3A_25] : memref<10240x128xf32, #tpu.memory_space<hbm>> -> memref<10240x128xf32, #tpu.memory_space<hbm>>
    tpu.enqueue_indirect_dma source(%dma_start3A_26 : memref<10240x128xf32, #tpu.memory_space<hbm>>) target(%arg17 : memref<128x128xf32, #tpu.memory_space<vmem>>) offsets(%arg13 : memref<128xi32, #tpu.memory_space<vmem>>) semaphore(%arg19 : memref<!tpu.dma_semaphore, #tpu.memory_space<semaphore_mem>>)
    %add3A_27 = arith.constant 4096 : i32
    %add3A_28 = arith.addi %multiple_of3A, %add3A_27 : i32
    "tpu.region"() ({
      %run_scoped3A = tpu.sem_alloc : memref<!tpu.dma_semaphore, #tpu.memory_space<semaphore_mem>>
      %dma_start3A_86 = tpu.memref_slice %arg6[%add3A_28] : memref<331776xi32, #tpu.memory_space<hbm>> -> memref<128xi32, #tpu.memory_space<hbm>>
      %dma_start3A_87 = tpu.memref_slice %arg6[%add3A_28] : memref<331776xi32, #tpu.memory_space<hbm>> -> memref<128xi32, #tpu.memory_space<hbm>>
      tpu.enqueue_dma source(%dma_start3A_87 : memref<128xi32, #tpu.memory_space<hbm>>) target(%arg14 : memref<128xi32, #tpu.memory_space<vmem>>) target_semaphore(%run_scoped3A : memref<!tpu.dma_semaphore, #tpu.memory_space<semaphore_mem>>)
      %dma_wait3A_88 = tpu.memref_slice %arg6[%add3A_28] : memref<331776xi32, #tpu.memory_space<hbm>> -> memref<128xi32, #tpu.memory_space<hbm>>
      %dma_wait3A_89 = tpu.memref_slice %arg6[%add3A_28] : memref<331776xi32, #tpu.memory_space<hbm>> -> memref<128xi32, #tpu.memory_space<hbm>>
      tpu.wait_dma2 semaphore(%run_scoped3A : memref<!tpu.dma_semaphore, #tpu.memory_space<semaphore_mem>>) src(%dma_wait3A_89 : memref<128xi32, #tpu.memory_space<hbm>>) dst(%arg14 : memref<128xi32, #tpu.memory_space<vmem>>)
      tpu.yield
    }) : () -> ()
    %scan3A_29 = arith.constant 0 : i32
    %scan3A_30 = arith.constant 0 : i32
    %scan3A_31 = arith.constant 41 : i32
    %scan3A_32 = arith.addi %scan3A_30, %scan3A_31 : i32
    %scan3A_33 = arith.constant 1 : i32
    %scan3A_34 = scf.for %scan3A_86 = %scan3A_30 to %scan3A_32 step %scan3A_33 iter_args(%scan3A_87 = %scan3A_29) -> (i32)  : i32 {
      %mul3A_88 = arith.constant 2 : i32
      %mul3A_89 = arith.muli %mul3A_88, %scan3A_86 : i32
      %add3A_90 = arith.constant 0 : i32
      %add3A_91 = arith.addi %mul3A_89, %add3A_90 : i32
      %lt3A = arith.constant 81 : i32
      %lt3A_92 = arith.cmpi slt, %add3A_91, %lt3A : i32
      %convert_element_type3A = arith.extui %lt3A_92 : i1 to i32
      %cond3A = arith.constant 0 : i32
      %cond3A_93 = arith.cmpi ne, %convert_element_type3A, %cond3A : i32
      scf.if %cond3A_93 {
        %dma_wait3A_102 = arith.constant 0 : i32
        %dma_wait3A_103 = arith.constant 0 : i32
        %dma_wait3A_104 = tpu.memref_slice %arg3[%dma_wait3A_102, %dma_wait3A_103] : memref<10240x128xf32, #tpu.memory_space<hbm>> -> memref<10240x128xf32, #tpu.memory_space<hbm>>
        tpu.wait_indirect_dma semaphore(%arg19 : memref<!tpu.dma_semaphore, #tpu.memory_space<semaphore_mem>>) src(%dma_wait3A_104 : memref<10240x128xf32, #tpu.memory_space<hbm>>) dst(%arg17 : memref<128x128xf32, #tpu.memory_space<vmem>>)
        %add3A_105 = arith.constant 1 : i32
        %add3A_106 = arith.addi %add3A_91, %add3A_105 : i32
        %lt3A_107 = arith.constant 81 : i32
        %lt3A_108 = arith.cmpi slt, %add3A_106, %lt3A_107 : i32
        %convert_element_type3A_109 = arith.extui %lt3A_108 : i1 to i32
        %cond3A_110 = arith.constant 0 : i32
        %cond3A_111 = arith.cmpi ne, %convert_element_type3A_109, %cond3A_110 : i32
        scf.if %cond3A_111 {
          %ge3A = arith.constant 1 : i32
          %ge3A_122 = arith.cmpi sge, %add3A_91, %ge3A : i32
          %convert_element_type3A_123 = arith.extui %ge3A_122 : i1 to i32
          %cond3A_124 = arith.constant 0 : i32
          %cond3A_125 = arith.cmpi ne, %convert_element_type3A_123, %cond3A_124 : i32
          scf.if %cond3A_125 {
            %dma_wait3A_135 = arith.constant 0 : i32
            %dma_wait3A_136 = arith.constant 0 : i32
            %dma_wait3A_137 = tpu.memref_slice %arg23[%dma_wait3A_135, %dma_wait3A_136] : memref<10240x128xf32, #tpu.memory_space<vmem_shared>> -> memref<10240x128xf32, #tpu.memory_space<vmem_shared>>
            tpu.wait_indirect_dma semaphore(%arg22 : memref<!tpu.dma_semaphore, #tpu.memory_space<semaphore_mem>>) src(%arg18 : memref<128x128xf32, #tpu.memory_space<vmem>>) dst(%dma_wait3A_137 : memref<10240x128xf32, #tpu.memory_space<vmem_shared>>)
          } else {
          }
          %dma_start3A_126 = arith.constant 0 : i32
          %dma_start3A_127 = arith.constant 0 : i32
          %dma_start3A_128 = tpu.memref_slice %arg3[%dma_start3A_126, %dma_start3A_127] : memref<10240x128xf32, #tpu.memory_space<hbm>> -> memref<10240x128xf32, #tpu.memory_space<hbm>>
          tpu.enqueue_indirect_dma source(%dma_start3A_128 : memref<10240x128xf32, #tpu.memory_space<hbm>>) target(%arg18 : memref<128x128xf32, #tpu.memory_space<vmem>>) offsets(%arg14 : memref<128xi32, #tpu.memory_space<vmem>>) semaphore(%arg20 : memref<!tpu.dma_semaphore, #tpu.memory_space<semaphore_mem>>)
          %add3A_129 = arith.constant 1 : i32
          %add3A_130 = arith.addi %add3A_91, %add3A_129 : i32
          %mul3A_131 = arith.constant 4096 : i32
          %mul3A_132 = arith.muli %add3A_130, %mul3A_131 : i32
          %add3A_133 = arith.addi %multiple_of3A, %mul3A_132 : i32
          %multiple_of3A_134 = tpu.assume_multiple %add3A_133, 128 : i32
          "tpu.region"() ({
            %run_scoped3A = tpu.sem_alloc : memref<!tpu.dma_semaphore, #tpu.memory_space<semaphore_mem>>
            %dma_start3A_135 = tpu.memref_slice %arg7[%multiple_of3A_134] : memref<331776xi32, #tpu.memory_space<hbm>> -> memref<128xi32, #tpu.memory_space<hbm>>
            %dma_start3A_136 = tpu.memref_slice %arg7[%multiple_of3A_134] : memref<331776xi32, #tpu.memory_space<hbm>> -> memref<128xi32, #tpu.memory_space<hbm>>
            tpu.enqueue_dma source(%dma_start3A_136 : memref<128xi32, #tpu.memory_space<hbm>>) target(%arg16 : memref<128xi32, #tpu.memory_space<vmem>>) target_semaphore(%run_scoped3A : memref<!tpu.dma_semaphore, #tpu.memory_space<semaphore_mem>>)
            %dma_wait3A_137 = tpu.memref_slice %arg7[%multiple_of3A_134] : memref<331776xi32, #tpu.memory_space<hbm>> -> memref<128xi32, #tpu.memory_space<hbm>>
            %dma_wait3A_138 = tpu.memref_slice %arg7[%multiple_of3A_134] : memref<331776xi32, #tpu.memory_space<hbm>> -> memref<128xi32, #tpu.memory_space<hbm>>
            tpu.wait_dma2 semaphore(%run_scoped3A : memref<!tpu.dma_semaphore, #tpu.memory_space<semaphore_mem>>) src(%dma_wait3A_138 : memref<128xi32, #tpu.memory_space<hbm>>) dst(%arg16 : memref<128xi32, #tpu.memory_space<vmem>>)
            tpu.yield
          }) : () -> ()
        } else {
        }
        %dma_start3A_112 = arith.constant 0 : i32
        %dma_start3A_113 = arith.constant 0 : i32
        %dma_start3A_114 = tpu.memref_slice %arg23[%dma_start3A_112, %dma_start3A_113] : memref<10240x128xf32, #tpu.memory_space<vmem_shared>> -> memref<10240x128xf32, #tpu.memory_space<vmem_shared>>
        tpu.enqueue_indirect_dma source(%arg17 : memref<128x128xf32, #tpu.memory_space<vmem>>) target(%dma_start3A_114 : memref<10240x128xf32, #tpu.memory_space<vmem_shared>>) offsets(%arg15 : memref<128xi32, #tpu.memory_space<vmem>>) semaphore(%arg21 : memref<!tpu.dma_semaphore, #tpu.memory_space<semaphore_mem>>) {add = true}
        %add3A_115 = arith.constant 2 : i32
        %add3A_116 = arith.addi %add3A_91, %add3A_115 : i32
        %lt3A_117 = arith.constant 81 : i32
        %lt3A_118 = arith.cmpi slt, %add3A_116, %lt3A_117 : i32
        %convert_element_type3A_119 = arith.extui %lt3A_118 : i1 to i32
        %cond3A_120 = arith.constant 0 : i32
        %cond3A_121 = arith.cmpi ne, %convert_element_type3A_119, %cond3A_120 : i32
        scf.if %cond3A_121 {
          %add3A_122 = arith.constant 2 : i32
          %add3A_123 = arith.addi %add3A_91, %add3A_122 : i32
          %mul3A_124 = arith.constant 4096 : i32
          %mul3A_125 = arith.muli %add3A_123, %mul3A_124 : i32
          %add3A_126 = arith.addi %multiple_of3A, %mul3A_125 : i32
          %multiple_of3A_127 = tpu.assume_multiple %add3A_126, 128 : i32
          "tpu.region"() ({
            %run_scoped3A = tpu.sem_alloc : memref<!tpu.dma_semaphore, #tpu.memory_space<semaphore_mem>>
            %dma_start3A_128 = tpu.memref_slice %arg6[%multiple_of3A_127] : memref<331776xi32, #tpu.memory_space<hbm>> -> memref<128xi32, #tpu.memory_space<hbm>>
            %dma_start3A_129 = tpu.memref_slice %arg6[%multiple_of3A_127] : memref<331776xi32, #tpu.memory_space<hbm>> -> memref<128xi32, #tpu.memory_space<hbm>>
            tpu.enqueue_dma source(%dma_start3A_129 : memref<128xi32, #tpu.memory_space<hbm>>) target(%arg13 : memref<128xi32, #tpu.memory_space<vmem>>) target_semaphore(%run_scoped3A : memref<!tpu.dma_semaphore, #tpu.memory_space<semaphore_mem>>)
            %dma_wait3A_130 = tpu.memref_slice %arg6[%multiple_of3A_127] : memref<331776xi32, #tpu.memory_space<hbm>> -> memref<128xi32, #tpu.memory_space<hbm>>
            %dma_wait3A_131 = tpu.memref_slice %arg6[%multiple_of3A_127] : memref<331776xi32, #tpu.memory_space<hbm>> -> memref<128xi32, #tpu.memory_space<hbm>>
            tpu.wait_dma2 semaphore(%run_scoped3A : memref<!tpu.dma_semaphore, #tpu.memory_space<semaphore_mem>>) src(%dma_wait3A_131 : memref<128xi32, #tpu.memory_space<hbm>>) dst(%arg13 : memref<128xi32, #tpu.memory_space<vmem>>)
            tpu.yield
          }) : () -> ()
        } else {
        }
      } else {
      }
      %add3A_94 = arith.constant 1 : i32
      %add3A_95 = arith.addi %mul3A_89, %add3A_94 : i32
      %lt3A_96 = arith.constant 81 : i32
      %lt3A_97 = arith.cmpi slt, %add3A_95, %lt3A_96 : i32
      %convert_element_type3A_98 = arith.extui %lt3A_97 : i1 to i32
      %cond3A_99 = arith.constant 0 : i32
      %cond3A_100 = arith.cmpi ne, %convert_element_type3A_98, %cond3A_99 : i32
      scf.if %cond3A_100 {
        %dma_wait3A_102 = arith.constant 0 : i32
        %dma_wait3A_103 = arith.constant 0 : i32
        %dma_wait3A_104 = tpu.memref_slice %arg3[%dma_wait3A_102, %dma_wait3A_103] : memref<10240x128xf32, #tpu.memory_space<hbm>> -> memref<10240x128xf32, #tpu.memory_space<hbm>>
        tpu.wait_indirect_dma semaphore(%arg20 : memref<!tpu.dma_semaphore, #tpu.memory_space<semaphore_mem>>) src(%dma_wait3A_104 : memref<10240x128xf32, #tpu.memory_space<hbm>>) dst(%arg18 : memref<128x128xf32, #tpu.memory_space<vmem>>)
        %add3A_105 = arith.constant 1 : i32
        %add3A_106 = arith.addi %add3A_95, %add3A_105 : i32
        %lt3A_107 = arith.constant 81 : i32
        %lt3A_108 = arith.cmpi slt, %add3A_106, %lt3A_107 : i32
        %convert_element_type3A_109 = arith.extui %lt3A_108 : i1 to i32
        %cond3A_110 = arith.constant 0 : i32
        %cond3A_111 = arith.cmpi ne, %convert_element_type3A_109, %cond3A_110 : i32
        scf.if %cond3A_111 {
          %ge3A = arith.constant 1 : i32
          %ge3A_122 = arith.cmpi sge, %add3A_95, %ge3A : i32
          %convert_element_type3A_123 = arith.extui %ge3A_122 : i1 to i32
          %cond3A_124 = arith.constant 0 : i32
          %cond3A_125 = arith.cmpi ne, %convert_element_type3A_123, %cond3A_124 : i32
          scf.if %cond3A_125 {
            %dma_wait3A_135 = arith.constant 0 : i32
            %dma_wait3A_136 = arith.constant 0 : i32
            %dma_wait3A_137 = tpu.memref_slice %arg23[%dma_wait3A_135, %dma_wait3A_136] : memref<10240x128xf32, #tpu.memory_space<vmem_shared>> -> memref<10240x128xf32, #tpu.memory_space<vmem_shared>>
            tpu.wait_indirect_dma semaphore(%arg21 : memref<!tpu.dma_semaphore, #tpu.memory_space<semaphore_mem>>) src(%arg17 : memref<128x128xf32, #tpu.memory_space<vmem>>) dst(%dma_wait3A_137 : memref<10240x128xf32, #tpu.memory_space<vmem_shared>>)
          } else {
          }
          %dma_start3A_126 = arith.constant 0 : i32
          %dma_start3A_127 = arith.constant 0 : i32
          %dma_start3A_128 = tpu.memref_slice %arg3[%dma_start3A_126, %dma_start3A_127] : memref<10240x128xf32, #tpu.memory_space<hbm>> -> memref<10240x128xf32, #tpu.memory_space<hbm>>
          tpu.enqueue_indirect_dma source(%dma_start3A_128 : memref<10240x128xf32, #tpu.memory_space<hbm>>) target(%arg17 : memref<128x128xf32, #tpu.memory_space<vmem>>) offsets(%arg13 : memref<128xi32, #tpu.memory_space<vmem>>) semaphore(%arg19 : memref<!tpu.dma_semaphore, #tpu.memory_space<semaphore_mem>>)
          %add3A_129 = arith.constant 1 : i32
          %add3A_130 = arith.addi %add3A_95, %add3A_129 : i32
          %mul3A_131 = arith.constant 4096 : i32
          %mul3A_132 = arith.muli %add3A_130, %mul3A_131 : i32
          %add3A_133 = arith.addi %multiple_of3A, %mul3A_132 : i32
          %multiple_of3A_134 = tpu.assume_multiple %add3A_133, 128 : i32
          "tpu.region"() ({
            %run_scoped3A = tpu.sem_alloc : memref<!tpu.dma_semaphore, #tpu.memory_space<semaphore_mem>>
            %dma_start3A_135 = tpu.memref_slice %arg7[%multiple_of3A_134] : memref<331776xi32, #tpu.memory_space<hbm>> -> memref<128xi32, #tpu.memory_space<hbm>>
            %dma_start3A_136 = tpu.memref_slice %arg7[%multiple_of3A_134] : memref<331776xi32, #tpu.memory_space<hbm>> -> memref<128xi32, #tpu.memory_space<hbm>>
            tpu.enqueue_dma source(%dma_start3A_136 : memref<128xi32, #tpu.memory_space<hbm>>) target(%arg15 : memref<128xi32, #tpu.memory_space<vmem>>) target_semaphore(%run_scoped3A : memref<!tpu.dma_semaphore, #tpu.memory_space<semaphore_mem>>)
            %dma_wait3A_137 = tpu.memref_slice %arg7[%multiple_of3A_134] : memref<331776xi32, #tpu.memory_space<hbm>> -> memref<128xi32, #tpu.memory_space<hbm>>
            %dma_wait3A_138 = tpu.memref_slice %arg7[%multiple_of3A_134] : memref<331776xi32, #tpu.memory_space<hbm>> -> memref<128xi32, #tpu.memory_space<hbm>>
            tpu.wait_dma2 semaphore(%run_scoped3A : memref<!tpu.dma_semaphore, #tpu.memory_space<semaphore_mem>>) src(%dma_wait3A_138 : memref<128xi32, #tpu.memory_space<hbm>>) dst(%arg15 : memref<128xi32, #tpu.memory_space<vmem>>)
            tpu.yield
          }) : () -> ()
        } else {
        }
        %dma_start3A_112 = arith.constant 0 : i32
        %dma_start3A_113 = arith.constant 0 : i32
        %dma_start3A_114 = tpu.memref_slice %arg23[%dma_start3A_112, %dma_start3A_113] : memref<10240x128xf32, #tpu.memory_space<vmem_shared>> -> memref<10240x128xf32, #tpu.memory_space<vmem_shared>>
        tpu.enqueue_indirect_dma source(%arg18 : memref<128x128xf32, #tpu.memory_space<vmem>>) target(%dma_start3A_114 : memref<10240x128xf32, #tpu.memory_space<vmem_shared>>) offsets(%arg16 : memref<128xi32, #tpu.memory_space<vmem>>) semaphore(%arg22 : memref<!tpu.dma_semaphore, #tpu.memory_space<semaphore_mem>>) {add = true}
        %add3A_115 = arith.constant 2 : i32
        %add3A_116 = arith.addi %add3A_95, %add3A_115 : i32
        %lt3A_117 = arith.constant 81 : i32
        %lt3A_118 = arith.cmpi slt, %add3A_116, %lt3A_117 : i32
        %convert_element_type3A_119 = arith.extui %lt3A_118 : i1 to i32
        %cond3A_120 = arith.constant 0 : i32
        %cond3A_121 = arith.cmpi ne, %convert_element_type3A_119, %cond3A_120 : i32
        scf.if %cond3A_121 {
          %add3A_122 = arith.constant 2 : i32
          %add3A_123 = arith.addi %add3A_95, %add3A_122 : i32
          %mul3A_124 = arith.constant 4096 : i32
          %mul3A_125 = arith.muli %add3A_123, %mul3A_124 : i32
          %add3A_126 = arith.addi %multiple_of3A, %mul3A_125 : i32
          %multiple_of3A_127 = tpu.assume_multiple %add3A_126, 128 : i32
          "tpu.region"() ({
            %run_scoped3A = tpu.sem_alloc : memref<!tpu.dma_semaphore, #tpu.memory_space<semaphore_mem>>
            %dma_start3A_128 = tpu.memref_slice %arg6[%multiple_of3A_127] : memref<331776xi32, #tpu.memory_space<hbm>> -> memref<128xi32, #tpu.memory_space<hbm>>
            %dma_start3A_129 = tpu.memref_slice %arg6[%multiple_of3A_127] : memref<331776xi32, #tpu.memory_space<hbm>> -> memref<128xi32, #tpu.memory_space<hbm>>
            tpu.enqueue_dma source(%dma_start3A_129 : memref<128xi32, #tpu.memory_space<hbm>>) target(%arg14 : memref<128xi32, #tpu.memory_space<vmem>>) target_semaphore(%run_scoped3A : memref<!tpu.dma_semaphore, #tpu.memory_space<semaphore_mem>>)
            %dma_wait3A_130 = tpu.memref_slice %arg6[%multiple_of3A_127] : memref<331776xi32, #tpu.memory_space<hbm>> -> memref<128xi32, #tpu.memory_space<hbm>>
            %dma_wait3A_131 = tpu.memref_slice %arg6[%multiple_of3A_127] : memref<331776xi32, #tpu.memory_space<hbm>> -> memref<128xi32, #tpu.memory_space<hbm>>
            tpu.wait_dma2 semaphore(%run_scoped3A : memref<!tpu.dma_semaphore, #tpu.memory_space<semaphore_mem>>) src(%dma_wait3A_131 : memref<128xi32, #tpu.memory_space<hbm>>) dst(%arg14 : memref<128xi32, #tpu.memory_space<vmem>>)
            tpu.yield
          }) : () -> ()
        } else {
        }
      } else {
      }
      %scan3A_101 = arith.constant 0 : i32
      scf.yield %scan3A_101 : i32
    }
    %scan3A_35 = arith.constant 41 : i32
    %dma_wait3A_36 = arith.constant 0 : i32
    %dma_wait3A_37 = arith.constant 0 : i32
    %dma_wait3A_38 = tpu.memref_slice %arg23[%dma_wait3A_36, %dma_wait3A_37] : memref<10240x128xf32, #tpu.memory_space<vmem_shared>> -> memref<10240x128xf32, #tpu.memory_space<vmem_shared>>
    tpu.wait_indirect_dma semaphore(%arg21 : memref<!tpu.dma_semaphore, #tpu.memory_space<semaphore_mem>>) src(%arg17 : memref<128x128xf32, #tpu.memory_space<vmem>>) dst(%dma_wait3A_38 : memref<10240x128xf32, #tpu.memory_space<vmem_shared>>)
    %dma_wait3A_39 = arith.constant 0 : i32
    %dma_wait3A_40 = arith.constant 0 : i32
    %dma_wait3A_41 = tpu.memref_slice %arg23[%dma_wait3A_39, %dma_wait3A_40] : memref<10240x128xf32, #tpu.memory_space<vmem_shared>> -> memref<10240x128xf32, #tpu.memory_space<vmem_shared>>
    tpu.wait_indirect_dma semaphore(%arg22 : memref<!tpu.dma_semaphore, #tpu.memory_space<semaphore_mem>>) src(%arg18 : memref<128x128xf32, #tpu.memory_space<vmem>>) dst(%dma_wait3A_41 : memref<10240x128xf32, #tpu.memory_space<vmem_shared>>)
    %barrier3A_42 = arith.constant 0 : index
    tpu.barrier barrier_id(%barrier3A_42)
    "tpu.region"() ({
      %run_scoped3A = tpu.sem_alloc : memref<!tpu.dma_semaphore, #tpu.memory_space<semaphore_mem>>
      %dma_start3A_86 = arith.constant 0 : i32
      %dma_start3A_87 = tpu.memref_slice %arg10[%arg0, %multiple_of3A_5, %dma_start3A_86] : memref<2x10240x128xf32, #tpu.memory_space<hbm>> -> memref<1x640x128xf32, #tpu.memory_space<hbm>>
      %dma_start3A_88 = tpu.memref_squeeze %dma_start3A_87 : memref<1x640x128xf32, #tpu.memory_space<hbm>> -> memref<640x128xf32, #tpu.memory_space<hbm>>
      %dma_start3A_89 = arith.constant 0 : i32
      %dma_start3A_90 = tpu.memref_slice %arg23[%multiple_of3A_5, %dma_start3A_89] : memref<10240x128xf32, #tpu.memory_space<vmem_shared>> -> memref<640x128xf32, #tpu.memory_space<vmem_shared>>
      tpu.enqueue_dma source(%dma_start3A_90 : memref<640x128xf32, #tpu.memory_space<vmem_shared>>) target(%dma_start3A_88 : memref<640x128xf32, #tpu.memory_space<hbm>>) target_semaphore(%run_scoped3A : memref<!tpu.dma_semaphore, #tpu.memory_space<semaphore_mem>>)
      %dma_wait3A_91 = arith.constant 0 : i32
      %dma_wait3A_92 = tpu.memref_slice %arg10[%arg0, %multiple_of3A_5, %dma_wait3A_91] : memref<2x10240x128xf32, #tpu.memory_space<hbm>> -> memref<1x640x128xf32, #tpu.memory_space<hbm>>
      %dma_wait3A_93 = tpu.memref_squeeze %dma_wait3A_92 : memref<1x640x128xf32, #tpu.memory_space<hbm>> -> memref<640x128xf32, #tpu.memory_space<hbm>>
      %dma_wait3A_94 = arith.constant 0 : i32
      %dma_wait3A_95 = tpu.memref_slice %arg23[%multiple_of3A_5, %dma_wait3A_94] : memref<10240x128xf32, #tpu.memory_space<vmem_shared>> -> memref<640x128xf32, #tpu.memory_space<vmem_shared>>
      tpu.wait_dma2 semaphore(%run_scoped3A : memref<!tpu.dma_semaphore, #tpu.memory_space<semaphore_mem>>) src(%dma_wait3A_95 : memref<640x128xf32, #tpu.memory_space<vmem_shared>>) dst(%dma_wait3A_93 : memref<640x128xf32, #tpu.memory_space<hbm>>)
      tpu.yield
    }) : () -> ()
    %barrier3A_43 = arith.constant 0 : index
    tpu.barrier barrier_id(%barrier3A_43)
    "tpu.region"() ({
      %run_scoped3A = tpu.sem_alloc : memref<!tpu.dma_semaphore, #tpu.memory_space<semaphore_mem>>
      %dma_start3A_86 = arith.constant 0 : i32
      %dma_start3A_87 = tpu.memref_slice %arg23[%multiple_of3A_5, %dma_start3A_86] : memref<10240x128xf32, #tpu.memory_space<vmem_shared>> -> memref<640x128xf32, #tpu.memory_space<vmem_shared>>
      %dma_start3A_88 = arith.constant 0 : i32
      %dma_start3A_89 = tpu.memref_slice %arg8[%multiple_of3A_5, %dma_start3A_88] : memref<10240x128xf32, #tpu.memory_space<hbm>> -> memref<640x128xf32, #tpu.memory_space<hbm>>
      tpu.enqueue_dma source(%dma_start3A_89 : memref<640x128xf32, #tpu.memory_space<hbm>>) target(%dma_start3A_87 : memref<640x128xf32, #tpu.memory_space<vmem_shared>>) target_semaphore(%run_scoped3A : memref<!tpu.dma_semaphore, #tpu.memory_space<semaphore_mem>>)
      %dma_wait3A_90 = arith.constant 0 : i32
      %dma_wait3A_91 = tpu.memref_slice %arg23[%multiple_of3A_5, %dma_wait3A_90] : memref<10240x128xf32, #tpu.memory_space<vmem_shared>> -> memref<640x128xf32, #tpu.memory_space<vmem_shared>>
      %dma_wait3A_92 = arith.constant 0 : i32
      %dma_wait3A_93 = tpu.memref_slice %arg8[%multiple_of3A_5, %dma_wait3A_92] : memref<10240x128xf32, #tpu.memory_space<hbm>> -> memref<640x128xf32, #tpu.memory_space<hbm>>
      tpu.wait_dma2 semaphore(%run_scoped3A : memref<!tpu.dma_semaphore, #tpu.memory_space<semaphore_mem>>) src(%dma_wait3A_93 : memref<640x128xf32, #tpu.memory_space<hbm>>) dst(%dma_wait3A_91 : memref<640x128xf32, #tpu.memory_space<vmem_shared>>)
      tpu.yield
    }) : () -> ()
    %barrier3A_44 = arith.constant 0 : index
    tpu.barrier barrier_id(%barrier3A_44)
    "tpu.region"() ({
      %run_scoped3A = tpu.sem_alloc : memref<!tpu.dma_semaphore, #tpu.memory_space<semaphore_mem>>
      %dma_start3A_86 = tpu.memref_slice %arg6[%multiple_of3A] : memref<331776xi32, #tpu.memory_space<hbm>> -> memref<128xi32, #tpu.memory_space<hbm>>
      %dma_start3A_87 = tpu.memref_slice %arg6[%multiple_of3A] : memref<331776xi32, #tpu.memory_space<hbm>> -> memref<128xi32, #tpu.memory_space<hbm>>
      tpu.enqueue_dma source(%dma_start3A_87 : memref<128xi32, #tpu.memory_space<hbm>>) target(%arg13 : memref<128xi32, #tpu.memory_space<vmem>>) target_semaphore(%run_scoped3A : memref<!tpu.dma_semaphore, #tpu.memory_space<semaphore_mem>>)
      %dma_wait3A_88 = tpu.memref_slice %arg6[%multiple_of3A] : memref<331776xi32, #tpu.memory_space<hbm>> -> memref<128xi32, #tpu.memory_space<hbm>>
      %dma_wait3A_89 = tpu.memref_slice %arg6[%multiple_of3A] : memref<331776xi32, #tpu.memory_space<hbm>> -> memref<128xi32, #tpu.memory_space<hbm>>
      tpu.wait_dma2 semaphore(%run_scoped3A : memref<!tpu.dma_semaphore, #tpu.memory_space<semaphore_mem>>) src(%dma_wait3A_89 : memref<128xi32, #tpu.memory_space<hbm>>) dst(%arg13 : memref<128xi32, #tpu.memory_space<vmem>>)
      tpu.yield
    }) : () -> ()
    "tpu.region"() ({
      %run_scoped3A = tpu.sem_alloc : memref<!tpu.dma_semaphore, #tpu.memory_space<semaphore_mem>>
      %dma_start3A_86 = tpu.memref_slice %arg7[%multiple_of3A] : memref<331776xi32, #tpu.memory_space<hbm>> -> memref<128xi32, #tpu.memory_space<hbm>>
      %dma_start3A_87 = tpu.memref_slice %arg7[%multiple_of3A] : memref<331776xi32, #tpu.memory_space<hbm>> -> memref<128xi32, #tpu.memory_space<hbm>>
      tpu.enqueue_dma source(%dma_start3A_87 : memref<128xi32, #tpu.memory_space<hbm>>) target(%arg15 : memref<128xi32, #tpu.memory_space<vmem>>) target_semaphore(%run_scoped3A : memref<!tpu.dma_semaphore, #tpu.memory_space<semaphore_mem>>)
      %dma_wait3A_88 = tpu.memref_slice %arg7[%multiple_of3A] : memref<331776xi32, #tpu.memory_space<hbm>> -> memref<128xi32, #tpu.memory_space<hbm>>
      %dma_wait3A_89 = tpu.memref_slice %arg7[%multiple_of3A] : memref<331776xi32, #tpu.memory_space<hbm>> -> memref<128xi32, #tpu.memory_space<hbm>>
      tpu.wait_dma2 semaphore(%run_scoped3A : memref<!tpu.dma_semaphore, #tpu.memory_space<semaphore_mem>>) src(%dma_wait3A_89 : memref<128xi32, #tpu.memory_space<hbm>>) dst(%arg15 : memref<128xi32, #tpu.memory_space<vmem>>)
      tpu.yield
    }) : () -> ()
    %dma_start3A_45 = arith.constant 0 : i32
    %dma_start3A_46 = arith.constant 0 : i32
    %dma_start3A_47 = tpu.memref_slice %arg4[%dma_start3A_45, %dma_start3A_46] : memref<10240x128xf32, #tpu.memory_space<hbm>> -> memref<10240x128xf32, #tpu.memory_space<hbm>>
    tpu.enqueue_indirect_dma source(%dma_start3A_47 : memref<10240x128xf32, #tpu.memory_space<hbm>>) target(%arg17 : memref<128x128xf32, #tpu.memory_space<vmem>>) offsets(%arg13 : memref<128xi32, #tpu.memory_space<vmem>>) semaphore(%arg19 : memref<!tpu.dma_semaphore, #tpu.memory_space<semaphore_mem>>)
    %add3A_48 = arith.constant 4096 : i32
    %add3A_49 = arith.addi %multiple_of3A, %add3A_48 : i32
    "tpu.region"() ({
      %run_scoped3A = tpu.sem_alloc : memref<!tpu.dma_semaphore, #tpu.memory_space<semaphore_mem>>
      %dma_start3A_86 = tpu.memref_slice %arg6[%add3A_49] : memref<331776xi32, #tpu.memory_space<hbm>> -> memref<128xi32, #tpu.memory_space<hbm>>
      %dma_start3A_87 = tpu.memref_slice %arg6[%add3A_49] : memref<331776xi32, #tpu.memory_space<hbm>> -> memref<128xi32, #tpu.memory_space<hbm>>
      tpu.enqueue_dma source(%dma_start3A_87 : memref<128xi32, #tpu.memory_space<hbm>>) target(%arg14 : memref<128xi32, #tpu.memory_space<vmem>>) target_semaphore(%run_scoped3A : memref<!tpu.dma_semaphore, #tpu.memory_space<semaphore_mem>>)
      %dma_wait3A_88 = tpu.memref_slice %arg6[%add3A_49] : memref<331776xi32, #tpu.memory_space<hbm>> -> memref<128xi32, #tpu.memory_space<hbm>>
      %dma_wait3A_89 = tpu.memref_slice %arg6[%add3A_49] : memref<331776xi32, #tpu.memory_space<hbm>> -> memref<128xi32, #tpu.memory_space<hbm>>
      tpu.wait_dma2 semaphore(%run_scoped3A : memref<!tpu.dma_semaphore, #tpu.memory_space<semaphore_mem>>) src(%dma_wait3A_89 : memref<128xi32, #tpu.memory_space<hbm>>) dst(%arg14 : memref<128xi32, #tpu.memory_space<vmem>>)
      tpu.yield
    }) : () -> ()
    %scan3A_50 = arith.constant 0 : i32
    %scan3A_51 = arith.constant 0 : i32
    %scan3A_52 = arith.constant 41 : i32
    %scan3A_53 = arith.addi %scan3A_51, %scan3A_52 : i32
    %scan3A_54 = arith.constant 1 : i32
    %scan3A_55 = scf.for %scan3A_86 = %scan3A_51 to %scan3A_53 step %scan3A_54 iter_args(%scan3A_87 = %scan3A_50) -> (i32)  : i32 {
      %mul3A_88 = arith.constant 2 : i32
      %mul3A_89 = arith.muli %mul3A_88, %scan3A_86 : i32
      %add3A_90 = arith.constant 0 : i32
      %add3A_91 = arith.addi %mul3A_89, %add3A_90 : i32
      %lt3A = arith.constant 81 : i32
      %lt3A_92 = arith.cmpi slt, %add3A_91, %lt3A : i32
      %convert_element_type3A = arith.extui %lt3A_92 : i1 to i32
      %cond3A = arith.constant 0 : i32
      %cond3A_93 = arith.cmpi ne, %convert_element_type3A, %cond3A : i32
      scf.if %cond3A_93 {
        %dma_wait3A_102 = arith.constant 0 : i32
        %dma_wait3A_103 = arith.constant 0 : i32
        %dma_wait3A_104 = tpu.memref_slice %arg4[%dma_wait3A_102, %dma_wait3A_103] : memref<10240x128xf32, #tpu.memory_space<hbm>> -> memref<10240x128xf32, #tpu.memory_space<hbm>>
        tpu.wait_indirect_dma semaphore(%arg19 : memref<!tpu.dma_semaphore, #tpu.memory_space<semaphore_mem>>) src(%dma_wait3A_104 : memref<10240x128xf32, #tpu.memory_space<hbm>>) dst(%arg17 : memref<128x128xf32, #tpu.memory_space<vmem>>)
        %add3A_105 = arith.constant 1 : i32
        %add3A_106 = arith.addi %add3A_91, %add3A_105 : i32
        %lt3A_107 = arith.constant 81 : i32
        %lt3A_108 = arith.cmpi slt, %add3A_106, %lt3A_107 : i32
        %convert_element_type3A_109 = arith.extui %lt3A_108 : i1 to i32
        %cond3A_110 = arith.constant 0 : i32
        %cond3A_111 = arith.cmpi ne, %convert_element_type3A_109, %cond3A_110 : i32
        scf.if %cond3A_111 {
          %ge3A = arith.constant 1 : i32
          %ge3A_122 = arith.cmpi sge, %add3A_91, %ge3A : i32
          %convert_element_type3A_123 = arith.extui %ge3A_122 : i1 to i32
          %cond3A_124 = arith.constant 0 : i32
          %cond3A_125 = arith.cmpi ne, %convert_element_type3A_123, %cond3A_124 : i32
          scf.if %cond3A_125 {
            %dma_wait3A_135 = arith.constant 0 : i32
            %dma_wait3A_136 = arith.constant 0 : i32
            %dma_wait3A_137 = tpu.memref_slice %arg23[%dma_wait3A_135, %dma_wait3A_136] : memref<10240x128xf32, #tpu.memory_space<vmem_shared>> -> memref<10240x128xf32, #tpu.memory_space<vmem_shared>>
            tpu.wait_indirect_dma semaphore(%arg22 : memref<!tpu.dma_semaphore, #tpu.memory_space<semaphore_mem>>) src(%arg18 : memref<128x128xf32, #tpu.memory_space<vmem>>) dst(%dma_wait3A_137 : memref<10240x128xf32, #tpu.memory_space<vmem_shared>>)
          } else {
          }
          %dma_start3A_126 = arith.constant 0 : i32
          %dma_start3A_127 = arith.constant 0 : i32
          %dma_start3A_128 = tpu.memref_slice %arg4[%dma_start3A_126, %dma_start3A_127] : memref<10240x128xf32, #tpu.memory_space<hbm>> -> memref<10240x128xf32, #tpu.memory_space<hbm>>
          tpu.enqueue_indirect_dma source(%dma_start3A_128 : memref<10240x128xf32, #tpu.memory_space<hbm>>) target(%arg18 : memref<128x128xf32, #tpu.memory_space<vmem>>) offsets(%arg14 : memref<128xi32, #tpu.memory_space<vmem>>) semaphore(%arg20 : memref<!tpu.dma_semaphore, #tpu.memory_space<semaphore_mem>>)
          %add3A_129 = arith.constant 1 : i32
          %add3A_130 = arith.addi %add3A_91, %add3A_129 : i32
          %mul3A_131 = arith.constant 4096 : i32
          %mul3A_132 = arith.muli %add3A_130, %mul3A_131 : i32
          %add3A_133 = arith.addi %multiple_of3A, %mul3A_132 : i32
          %multiple_of3A_134 = tpu.assume_multiple %add3A_133, 128 : i32
          "tpu.region"() ({
            %run_scoped3A = tpu.sem_alloc : memref<!tpu.dma_semaphore, #tpu.memory_space<semaphore_mem>>
            %dma_start3A_135 = tpu.memref_slice %arg7[%multiple_of3A_134] : memref<331776xi32, #tpu.memory_space<hbm>> -> memref<128xi32, #tpu.memory_space<hbm>>
            %dma_start3A_136 = tpu.memref_slice %arg7[%multiple_of3A_134] : memref<331776xi32, #tpu.memory_space<hbm>> -> memref<128xi32, #tpu.memory_space<hbm>>
            tpu.enqueue_dma source(%dma_start3A_136 : memref<128xi32, #tpu.memory_space<hbm>>) target(%arg16 : memref<128xi32, #tpu.memory_space<vmem>>) target_semaphore(%run_scoped3A : memref<!tpu.dma_semaphore, #tpu.memory_space<semaphore_mem>>)
            %dma_wait3A_137 = tpu.memref_slice %arg7[%multiple_of3A_134] : memref<331776xi32, #tpu.memory_space<hbm>> -> memref<128xi32, #tpu.memory_space<hbm>>
            %dma_wait3A_138 = tpu.memref_slice %arg7[%multiple_of3A_134] : memref<331776xi32, #tpu.memory_space<hbm>> -> memref<128xi32, #tpu.memory_space<hbm>>
            tpu.wait_dma2 semaphore(%run_scoped3A : memref<!tpu.dma_semaphore, #tpu.memory_space<semaphore_mem>>) src(%dma_wait3A_138 : memref<128xi32, #tpu.memory_space<hbm>>) dst(%arg16 : memref<128xi32, #tpu.memory_space<vmem>>)
            tpu.yield
          }) : () -> ()
        } else {
        }
        %dma_start3A_112 = arith.constant 0 : i32
        %dma_start3A_113 = arith.constant 0 : i32
        %dma_start3A_114 = tpu.memref_slice %arg23[%dma_start3A_112, %dma_start3A_113] : memref<10240x128xf32, #tpu.memory_space<vmem_shared>> -> memref<10240x128xf32, #tpu.memory_space<vmem_shared>>
        tpu.enqueue_indirect_dma source(%arg17 : memref<128x128xf32, #tpu.memory_space<vmem>>) target(%dma_start3A_114 : memref<10240x128xf32, #tpu.memory_space<vmem_shared>>) offsets(%arg15 : memref<128xi32, #tpu.memory_space<vmem>>) semaphore(%arg21 : memref<!tpu.dma_semaphore, #tpu.memory_space<semaphore_mem>>) {add = true}
        %add3A_115 = arith.constant 2 : i32
        %add3A_116 = arith.addi %add3A_91, %add3A_115 : i32
        %lt3A_117 = arith.constant 81 : i32
        %lt3A_118 = arith.cmpi slt, %add3A_116, %lt3A_117 : i32
        %convert_element_type3A_119 = arith.extui %lt3A_118 : i1 to i32
        %cond3A_120 = arith.constant 0 : i32
        %cond3A_121 = arith.cmpi ne, %convert_element_type3A_119, %cond3A_120 : i32
        scf.if %cond3A_121 {
          %add3A_122 = arith.constant 2 : i32
          %add3A_123 = arith.addi %add3A_91, %add3A_122 : i32
          %mul3A_124 = arith.constant 4096 : i32
          %mul3A_125 = arith.muli %add3A_123, %mul3A_124 : i32
          %add3A_126 = arith.addi %multiple_of3A, %mul3A_125 : i32
          %multiple_of3A_127 = tpu.assume_multiple %add3A_126, 128 : i32
          "tpu.region"() ({
            %run_scoped3A = tpu.sem_alloc : memref<!tpu.dma_semaphore, #tpu.memory_space<semaphore_mem>>
            %dma_start3A_128 = tpu.memref_slice %arg6[%multiple_of3A_127] : memref<331776xi32, #tpu.memory_space<hbm>> -> memref<128xi32, #tpu.memory_space<hbm>>
            %dma_start3A_129 = tpu.memref_slice %arg6[%multiple_of3A_127] : memref<331776xi32, #tpu.memory_space<hbm>> -> memref<128xi32, #tpu.memory_space<hbm>>
            tpu.enqueue_dma source(%dma_start3A_129 : memref<128xi32, #tpu.memory_space<hbm>>) target(%arg13 : memref<128xi32, #tpu.memory_space<vmem>>) target_semaphore(%run_scoped3A : memref<!tpu.dma_semaphore, #tpu.memory_space<semaphore_mem>>)
            %dma_wait3A_130 = tpu.memref_slice %arg6[%multiple_of3A_127] : memref<331776xi32, #tpu.memory_space<hbm>> -> memref<128xi32, #tpu.memory_space<hbm>>
            %dma_wait3A_131 = tpu.memref_slice %arg6[%multiple_of3A_127] : memref<331776xi32, #tpu.memory_space<hbm>> -> memref<128xi32, #tpu.memory_space<hbm>>
            tpu.wait_dma2 semaphore(%run_scoped3A : memref<!tpu.dma_semaphore, #tpu.memory_space<semaphore_mem>>) src(%dma_wait3A_131 : memref<128xi32, #tpu.memory_space<hbm>>) dst(%arg13 : memref<128xi32, #tpu.memory_space<vmem>>)
            tpu.yield
          }) : () -> ()
        } else {
        }
      } else {
      }
      %add3A_94 = arith.constant 1 : i32
      %add3A_95 = arith.addi %mul3A_89, %add3A_94 : i32
      %lt3A_96 = arith.constant 81 : i32
      %lt3A_97 = arith.cmpi slt, %add3A_95, %lt3A_96 : i32
      %convert_element_type3A_98 = arith.extui %lt3A_97 : i1 to i32
      %cond3A_99 = arith.constant 0 : i32
      %cond3A_100 = arith.cmpi ne, %convert_element_type3A_98, %cond3A_99 : i32
      scf.if %cond3A_100 {
        %dma_wait3A_102 = arith.constant 0 : i32
        %dma_wait3A_103 = arith.constant 0 : i32
        %dma_wait3A_104 = tpu.memref_slice %arg4[%dma_wait3A_102, %dma_wait3A_103] : memref<10240x128xf32, #tpu.memory_space<hbm>> -> memref<10240x128xf32, #tpu.memory_space<hbm>>
        tpu.wait_indirect_dma semaphore(%arg20 : memref<!tpu.dma_semaphore, #tpu.memory_space<semaphore_mem>>) src(%dma_wait3A_104 : memref<10240x128xf32, #tpu.memory_space<hbm>>) dst(%arg18 : memref<128x128xf32, #tpu.memory_space<vmem>>)
        %add3A_105 = arith.constant 1 : i32
        %add3A_106 = arith.addi %add3A_95, %add3A_105 : i32
        %lt3A_107 = arith.constant 81 : i32
        %lt3A_108 = arith.cmpi slt, %add3A_106, %lt3A_107 : i32
        %convert_element_type3A_109 = arith.extui %lt3A_108 : i1 to i32
        %cond3A_110 = arith.constant 0 : i32
        %cond3A_111 = arith.cmpi ne, %convert_element_type3A_109, %cond3A_110 : i32
        scf.if %cond3A_111 {
          %ge3A = arith.constant 1 : i32
          %ge3A_122 = arith.cmpi sge, %add3A_95, %ge3A : i32
          %convert_element_type3A_123 = arith.extui %ge3A_122 : i1 to i32
          %cond3A_124 = arith.constant 0 : i32
          %cond3A_125 = arith.cmpi ne, %convert_element_type3A_123, %cond3A_124 : i32
          scf.if %cond3A_125 {
            %dma_wait3A_135 = arith.constant 0 : i32
            %dma_wait3A_136 = arith.constant 0 : i32
            %dma_wait3A_137 = tpu.memref_slice %arg23[%dma_wait3A_135, %dma_wait3A_136] : memref<10240x128xf32, #tpu.memory_space<vmem_shared>> -> memref<10240x128xf32, #tpu.memory_space<vmem_shared>>
            tpu.wait_indirect_dma semaphore(%arg21 : memref<!tpu.dma_semaphore, #tpu.memory_space<semaphore_mem>>) src(%arg17 : memref<128x128xf32, #tpu.memory_space<vmem>>) dst(%dma_wait3A_137 : memref<10240x128xf32, #tpu.memory_space<vmem_shared>>)
          } else {
          }
          %dma_start3A_126 = arith.constant 0 : i32
          %dma_start3A_127 = arith.constant 0 : i32
          %dma_start3A_128 = tpu.memref_slice %arg4[%dma_start3A_126, %dma_start3A_127] : memref<10240x128xf32, #tpu.memory_space<hbm>> -> memref<10240x128xf32, #tpu.memory_space<hbm>>
          tpu.enqueue_indirect_dma source(%dma_start3A_128 : memref<10240x128xf32, #tpu.memory_space<hbm>>) target(%arg17 : memref<128x128xf32, #tpu.memory_space<vmem>>) offsets(%arg13 : memref<128xi32, #tpu.memory_space<vmem>>) semaphore(%arg19 : memref<!tpu.dma_semaphore, #tpu.memory_space<semaphore_mem>>)
          %add3A_129 = arith.constant 1 : i32
          %add3A_130 = arith.addi %add3A_95, %add3A_129 : i32
          %mul3A_131 = arith.constant 4096 : i32
          %mul3A_132 = arith.muli %add3A_130, %mul3A_131 : i32
          %add3A_133 = arith.addi %multiple_of3A, %mul3A_132 : i32
          %multiple_of3A_134 = tpu.assume_multiple %add3A_133, 128 : i32
          "tpu.region"() ({
            %run_scoped3A = tpu.sem_alloc : memref<!tpu.dma_semaphore, #tpu.memory_space<semaphore_mem>>
            %dma_start3A_135 = tpu.memref_slice %arg7[%multiple_of3A_134] : memref<331776xi32, #tpu.memory_space<hbm>> -> memref<128xi32, #tpu.memory_space<hbm>>
            %dma_start3A_136 = tpu.memref_slice %arg7[%multiple_of3A_134] : memref<331776xi32, #tpu.memory_space<hbm>> -> memref<128xi32, #tpu.memory_space<hbm>>
            tpu.enqueue_dma source(%dma_start3A_136 : memref<128xi32, #tpu.memory_space<hbm>>) target(%arg15 : memref<128xi32, #tpu.memory_space<vmem>>) target_semaphore(%run_scoped3A : memref<!tpu.dma_semaphore, #tpu.memory_space<semaphore_mem>>)
            %dma_wait3A_137 = tpu.memref_slice %arg7[%multiple_of3A_134] : memref<331776xi32, #tpu.memory_space<hbm>> -> memref<128xi32, #tpu.memory_space<hbm>>
            %dma_wait3A_138 = tpu.memref_slice %arg7[%multiple_of3A_134] : memref<331776xi32, #tpu.memory_space<hbm>> -> memref<128xi32, #tpu.memory_space<hbm>>
            tpu.wait_dma2 semaphore(%run_scoped3A : memref<!tpu.dma_semaphore, #tpu.memory_space<semaphore_mem>>) src(%dma_wait3A_138 : memref<128xi32, #tpu.memory_space<hbm>>) dst(%arg15 : memref<128xi32, #tpu.memory_space<vmem>>)
            tpu.yield
          }) : () -> ()
        } else {
        }
        %dma_start3A_112 = arith.constant 0 : i32
        %dma_start3A_113 = arith.constant 0 : i32
        %dma_start3A_114 = tpu.memref_slice %arg23[%dma_start3A_112, %dma_start3A_113] : memref<10240x128xf32, #tpu.memory_space<vmem_shared>> -> memref<10240x128xf32, #tpu.memory_space<vmem_shared>>
        tpu.enqueue_indirect_dma source(%arg18 : memref<128x128xf32, #tpu.memory_space<vmem>>) target(%dma_start3A_114 : memref<10240x128xf32, #tpu.memory_space<vmem_shared>>) offsets(%arg16 : memref<128xi32, #tpu.memory_space<vmem>>) semaphore(%arg22 : memref<!tpu.dma_semaphore, #tpu.memory_space<semaphore_mem>>) {add = true}
        %add3A_115 = arith.constant 2 : i32
        %add3A_116 = arith.addi %add3A_95, %add3A_115 : i32
        %lt3A_117 = arith.constant 81 : i32
        %lt3A_118 = arith.cmpi slt, %add3A_116, %lt3A_117 : i32
        %convert_element_type3A_119 = arith.extui %lt3A_118 : i1 to i32
        %cond3A_120 = arith.constant 0 : i32
        %cond3A_121 = arith.cmpi ne, %convert_element_type3A_119, %cond3A_120 : i32
        scf.if %cond3A_121 {
          %add3A_122 = arith.constant 2 : i32
          %add3A_123 = arith.addi %add3A_95, %add3A_122 : i32
          %mul3A_124 = arith.constant 4096 : i32
          %mul3A_125 = arith.muli %add3A_123, %mul3A_124 : i32
          %add3A_126 = arith.addi %multiple_of3A, %mul3A_125 : i32
          %multiple_of3A_127 = tpu.assume_multiple %add3A_126, 128 : i32
          "tpu.region"() ({
            %run_scoped3A = tpu.sem_alloc : memref<!tpu.dma_semaphore, #tpu.memory_space<semaphore_mem>>
            %dma_start3A_128 = tpu.memref_slice %arg6[%multiple_of3A_127] : memref<331776xi32, #tpu.memory_space<hbm>> -> memref<128xi32, #tpu.memory_space<hbm>>
            %dma_start3A_129 = tpu.memref_slice %arg6[%multiple_of3A_127] : memref<331776xi32, #tpu.memory_space<hbm>> -> memref<128xi32, #tpu.memory_space<hbm>>
            tpu.enqueue_dma source(%dma_start3A_129 : memref<128xi32, #tpu.memory_space<hbm>>) target(%arg14 : memref<128xi32, #tpu.memory_space<vmem>>) target_semaphore(%run_scoped3A : memref<!tpu.dma_semaphore, #tpu.memory_space<semaphore_mem>>)
            %dma_wait3A_130 = tpu.memref_slice %arg6[%multiple_of3A_127] : memref<331776xi32, #tpu.memory_space<hbm>> -> memref<128xi32, #tpu.memory_space<hbm>>
            %dma_wait3A_131 = tpu.memref_slice %arg6[%multiple_of3A_127] : memref<331776xi32, #tpu.memory_space<hbm>> -> memref<128xi32, #tpu.memory_space<hbm>>
            tpu.wait_dma2 semaphore(%run_scoped3A : memref<!tpu.dma_semaphore, #tpu.memory_space<semaphore_mem>>) src(%dma_wait3A_131 : memref<128xi32, #tpu.memory_space<hbm>>) dst(%arg14 : memref<128xi32, #tpu.memory_space<vmem>>)
            tpu.yield
          }) : () -> ()
        } else {
        }
      } else {
      }
      %scan3A_101 = arith.constant 0 : i32
      scf.yield %scan3A_101 : i32
    }
    %scan3A_56 = arith.constant 41 : i32
    %dma_wait3A_57 = arith.constant 0 : i32
    %dma_wait3A_58 = arith.constant 0 : i32
    %dma_wait3A_59 = tpu.memref_slice %arg23[%dma_wait3A_57, %dma_wait3A_58] : memref<10240x128xf32, #tpu.memory_space<vmem_shared>> -> memref<10240x128xf32, #tpu.memory_space<vmem_shared>>
    tpu.wait_indirect_dma semaphore(%arg21 : memref<!tpu.dma_semaphore, #tpu.memory_space<semaphore_mem>>) src(%arg17 : memref<128x128xf32, #tpu.memory_space<vmem>>) dst(%dma_wait3A_59 : memref<10240x128xf32, #tpu.memory_space<vmem_shared>>)
    %dma_wait3A_60 = arith.constant 0 : i32
    %dma_wait3A_61 = arith.constant 0 : i32
    %dma_wait3A_62 = tpu.memref_slice %arg23[%dma_wait3A_60, %dma_wait3A_61] : memref<10240x128xf32, #tpu.memory_space<vmem_shared>> -> memref<10240x128xf32, #tpu.memory_space<vmem_shared>>
    tpu.wait_indirect_dma semaphore(%arg22 : memref<!tpu.dma_semaphore, #tpu.memory_space<semaphore_mem>>) src(%arg18 : memref<128x128xf32, #tpu.memory_space<vmem>>) dst(%dma_wait3A_62 : memref<10240x128xf32, #tpu.memory_space<vmem_shared>>)
    %barrier3A_63 = arith.constant 0 : index
    tpu.barrier barrier_id(%barrier3A_63)
    "tpu.region"() ({
      %run_scoped3A = tpu.sem_alloc : memref<!tpu.dma_semaphore, #tpu.memory_space<semaphore_mem>>
      %dma_start3A_86 = arith.constant 0 : i32
      %dma_start3A_87 = tpu.memref_slice %arg11[%arg0, %multiple_of3A_5, %dma_start3A_86] : memref<2x10240x128xf32, #tpu.memory_space<hbm>> -> memref<1x640x128xf32, #tpu.memory_space<hbm>>
      %dma_start3A_88 = tpu.memref_squeeze %dma_start3A_87 : memref<1x640x128xf32, #tpu.memory_space<hbm>> -> memref<640x128xf32, #tpu.memory_space<hbm>>
      %dma_start3A_89 = arith.constant 0 : i32
      %dma_start3A_90 = tpu.memref_slice %arg23[%multiple_of3A_5, %dma_start3A_89] : memref<10240x128xf32, #tpu.memory_space<vmem_shared>> -> memref<640x128xf32, #tpu.memory_space<vmem_shared>>
      tpu.enqueue_dma source(%dma_start3A_90 : memref<640x128xf32, #tpu.memory_space<vmem_shared>>) target(%dma_start3A_88 : memref<640x128xf32, #tpu.memory_space<hbm>>) target_semaphore(%run_scoped3A : memref<!tpu.dma_semaphore, #tpu.memory_space<semaphore_mem>>)
      %dma_wait3A_91 = arith.constant 0 : i32
      %dma_wait3A_92 = tpu.memref_slice %arg11[%arg0, %multiple_of3A_5, %dma_wait3A_91] : memref<2x10240x128xf32, #tpu.memory_space<hbm>> -> memref<1x640x128xf32, #tpu.memory_space<hbm>>
      %dma_wait3A_93 = tpu.memref_squeeze %dma_wait3A_92 : memref<1x640x128xf32, #tpu.memory_space<hbm>> -> memref<640x128xf32, #tpu.memory_space<hbm>>
      %dma_wait3A_94 = arith.constant 0 : i32
      %dma_wait3A_95 = tpu.memref_slice %arg23[%multiple_of3A_5, %dma_wait3A_94] : memref<10240x128xf32, #tpu.memory_space<vmem_shared>> -> memref<640x128xf32, #tpu.memory_space<vmem_shared>>
      tpu.wait_dma2 semaphore(%run_scoped3A : memref<!tpu.dma_semaphore, #tpu.memory_space<semaphore_mem>>) src(%dma_wait3A_95 : memref<640x128xf32, #tpu.memory_space<vmem_shared>>) dst(%dma_wait3A_93 : memref<640x128xf32, #tpu.memory_space<hbm>>)
      tpu.yield
    }) : () -> ()
    %barrier3A_64 = arith.constant 0 : index
    tpu.barrier barrier_id(%barrier3A_64)
    "tpu.region"() ({
      %run_scoped3A = tpu.sem_alloc : memref<!tpu.dma_semaphore, #tpu.memory_space<semaphore_mem>>
      %dma_start3A_86 = arith.constant 0 : i32
      %dma_start3A_87 = tpu.memref_slice %arg23[%multiple_of3A_5, %dma_start3A_86] : memref<10240x128xf32, #tpu.memory_space<vmem_shared>> -> memref<640x128xf32, #tpu.memory_space<vmem_shared>>
      %dma_start3A_88 = arith.constant 0 : i32
      %dma_start3A_89 = tpu.memref_slice %arg8[%multiple_of3A_5, %dma_start3A_88] : memref<10240x128xf32, #tpu.memory_space<hbm>> -> memref<640x128xf32, #tpu.memory_space<hbm>>
      tpu.enqueue_dma source(%dma_start3A_89 : memref<640x128xf32, #tpu.memory_space<hbm>>) target(%dma_start3A_87 : memref<640x128xf32, #tpu.memory_space<vmem_shared>>) target_semaphore(%run_scoped3A : memref<!tpu.dma_semaphore, #tpu.memory_space<semaphore_mem>>)
      %dma_wait3A_90 = arith.constant 0 : i32
      %dma_wait3A_91 = tpu.memref_slice %arg23[%multiple_of3A_5, %dma_wait3A_90] : memref<10240x128xf32, #tpu.memory_space<vmem_shared>> -> memref<640x128xf32, #tpu.memory_space<vmem_shared>>
      %dma_wait3A_92 = arith.constant 0 : i32
      %dma_wait3A_93 = tpu.memref_slice %arg8[%multiple_of3A_5, %dma_wait3A_92] : memref<10240x128xf32, #tpu.memory_space<hbm>> -> memref<640x128xf32, #tpu.memory_space<hbm>>
      tpu.wait_dma2 semaphore(%run_scoped3A : memref<!tpu.dma_semaphore, #tpu.memory_space<semaphore_mem>>) src(%dma_wait3A_93 : memref<640x128xf32, #tpu.memory_space<hbm>>) dst(%dma_wait3A_91 : memref<640x128xf32, #tpu.memory_space<vmem_shared>>)
      tpu.yield
    }) : () -> ()
    %barrier3A_65 = arith.constant 0 : index
    tpu.barrier barrier_id(%barrier3A_65)
    "tpu.region"() ({
      %run_scoped3A = tpu.sem_alloc : memref<!tpu.dma_semaphore, #tpu.memory_space<semaphore_mem>>
      %dma_start3A_86 = tpu.memref_slice %arg6[%multiple_of3A] : memref<331776xi32, #tpu.memory_space<hbm>> -> memref<128xi32, #tpu.memory_space<hbm>>
      %dma_start3A_87 = tpu.memref_slice %arg6[%multiple_of3A] : memref<331776xi32, #tpu.memory_space<hbm>> -> memref<128xi32, #tpu.memory_space<hbm>>
      tpu.enqueue_dma source(%dma_start3A_87 : memref<128xi32, #tpu.memory_space<hbm>>) target(%arg13 : memref<128xi32, #tpu.memory_space<vmem>>) target_semaphore(%run_scoped3A : memref<!tpu.dma_semaphore, #tpu.memory_space<semaphore_mem>>)
      %dma_wait3A_88 = tpu.memref_slice %arg6[%multiple_of3A] : memref<331776xi32, #tpu.memory_space<hbm>> -> memref<128xi32, #tpu.memory_space<hbm>>
      %dma_wait3A_89 = tpu.memref_slice %arg6[%multiple_of3A] : memref<331776xi32, #tpu.memory_space<hbm>> -> memref<128xi32, #tpu.memory_space<hbm>>
      tpu.wait_dma2 semaphore(%run_scoped3A : memref<!tpu.dma_semaphore, #tpu.memory_space<semaphore_mem>>) src(%dma_wait3A_89 : memref<128xi32, #tpu.memory_space<hbm>>) dst(%arg13 : memref<128xi32, #tpu.memory_space<vmem>>)
      tpu.yield
    }) : () -> ()
    "tpu.region"() ({
      %run_scoped3A = tpu.sem_alloc : memref<!tpu.dma_semaphore, #tpu.memory_space<semaphore_mem>>
      %dma_start3A_86 = tpu.memref_slice %arg7[%multiple_of3A] : memref<331776xi32, #tpu.memory_space<hbm>> -> memref<128xi32, #tpu.memory_space<hbm>>
      %dma_start3A_87 = tpu.memref_slice %arg7[%multiple_of3A] : memref<331776xi32, #tpu.memory_space<hbm>> -> memref<128xi32, #tpu.memory_space<hbm>>
      tpu.enqueue_dma source(%dma_start3A_87 : memref<128xi32, #tpu.memory_space<hbm>>) target(%arg15 : memref<128xi32, #tpu.memory_space<vmem>>) target_semaphore(%run_scoped3A : memref<!tpu.dma_semaphore, #tpu.memory_space<semaphore_mem>>)
      %dma_wait3A_88 = tpu.memref_slice %arg7[%multiple_of3A] : memref<331776xi32, #tpu.memory_space<hbm>> -> memref<128xi32, #tpu.memory_space<hbm>>
      %dma_wait3A_89 = tpu.memref_slice %arg7[%multiple_of3A] : memref<331776xi32, #tpu.memory_space<hbm>> -> memref<128xi32, #tpu.memory_space<hbm>>
      tpu.wait_dma2 semaphore(%run_scoped3A : memref<!tpu.dma_semaphore, #tpu.memory_space<semaphore_mem>>) src(%dma_wait3A_89 : memref<128xi32, #tpu.memory_space<hbm>>) dst(%arg15 : memref<128xi32, #tpu.memory_space<vmem>>)
      tpu.yield
    }) : () -> ()
    %dma_start3A_66 = arith.constant 0 : i32
    %dma_start3A_67 = arith.constant 0 : i32
    %dma_start3A_68 = tpu.memref_slice %arg5[%dma_start3A_66, %dma_start3A_67] : memref<10240x128xf32, #tpu.memory_space<hbm>> -> memref<10240x128xf32, #tpu.memory_space<hbm>>
    tpu.enqueue_indirect_dma source(%dma_start3A_68 : memref<10240x128xf32, #tpu.memory_space<hbm>>) target(%arg17 : memref<128x128xf32, #tpu.memory_space<vmem>>) offsets(%arg13 : memref<128xi32, #tpu.memory_space<vmem>>) semaphore(%arg19 : memref<!tpu.dma_semaphore, #tpu.memory_space<semaphore_mem>>)
    %add3A_69 = arith.constant 4096 : i32
    %add3A_70 = arith.addi %multiple_of3A, %add3A_69 : i32
    "tpu.region"() ({
      %run_scoped3A = tpu.sem_alloc : memref<!tpu.dma_semaphore, #tpu.memory_space<semaphore_mem>>
      %dma_start3A_86 = tpu.memref_slice %arg6[%add3A_70] : memref<331776xi32, #tpu.memory_space<hbm>> -> memref<128xi32, #tpu.memory_space<hbm>>
      %dma_start3A_87 = tpu.memref_slice %arg6[%add3A_70] : memref<331776xi32, #tpu.memory_space<hbm>> -> memref<128xi32, #tpu.memory_space<hbm>>
      tpu.enqueue_dma source(%dma_start3A_87 : memref<128xi32, #tpu.memory_space<hbm>>) target(%arg14 : memref<128xi32, #tpu.memory_space<vmem>>) target_semaphore(%run_scoped3A : memref<!tpu.dma_semaphore, #tpu.memory_space<semaphore_mem>>)
      %dma_wait3A_88 = tpu.memref_slice %arg6[%add3A_70] : memref<331776xi32, #tpu.memory_space<hbm>> -> memref<128xi32, #tpu.memory_space<hbm>>
      %dma_wait3A_89 = tpu.memref_slice %arg6[%add3A_70] : memref<331776xi32, #tpu.memory_space<hbm>> -> memref<128xi32, #tpu.memory_space<hbm>>
      tpu.wait_dma2 semaphore(%run_scoped3A : memref<!tpu.dma_semaphore, #tpu.memory_space<semaphore_mem>>) src(%dma_wait3A_89 : memref<128xi32, #tpu.memory_space<hbm>>) dst(%arg14 : memref<128xi32, #tpu.memory_space<vmem>>)
      tpu.yield
    }) : () -> ()
    %scan3A_71 = arith.constant 0 : i32
    %scan3A_72 = arith.constant 0 : i32
    %scan3A_73 = arith.constant 41 : i32
    %scan3A_74 = arith.addi %scan3A_72, %scan3A_73 : i32
    %scan3A_75 = arith.constant 1 : i32
    %scan3A_76 = scf.for %scan3A_86 = %scan3A_72 to %scan3A_74 step %scan3A_75 iter_args(%scan3A_87 = %scan3A_71) -> (i32)  : i32 {
      %mul3A_88 = arith.constant 2 : i32
      %mul3A_89 = arith.muli %mul3A_88, %scan3A_86 : i32
      %add3A_90 = arith.constant 0 : i32
      %add3A_91 = arith.addi %mul3A_89, %add3A_90 : i32
      %lt3A = arith.constant 81 : i32
      %lt3A_92 = arith.cmpi slt, %add3A_91, %lt3A : i32
      %convert_element_type3A = arith.extui %lt3A_92 : i1 to i32
      %cond3A = arith.constant 0 : i32
      %cond3A_93 = arith.cmpi ne, %convert_element_type3A, %cond3A : i32
      scf.if %cond3A_93 {
        %dma_wait3A_102 = arith.constant 0 : i32
        %dma_wait3A_103 = arith.constant 0 : i32
        %dma_wait3A_104 = tpu.memref_slice %arg5[%dma_wait3A_102, %dma_wait3A_103] : memref<10240x128xf32, #tpu.memory_space<hbm>> -> memref<10240x128xf32, #tpu.memory_space<hbm>>
        tpu.wait_indirect_dma semaphore(%arg19 : memref<!tpu.dma_semaphore, #tpu.memory_space<semaphore_mem>>) src(%dma_wait3A_104 : memref<10240x128xf32, #tpu.memory_space<hbm>>) dst(%arg17 : memref<128x128xf32, #tpu.memory_space<vmem>>)
        %add3A_105 = arith.constant 1 : i32
        %add3A_106 = arith.addi %add3A_91, %add3A_105 : i32
        %lt3A_107 = arith.constant 81 : i32
        %lt3A_108 = arith.cmpi slt, %add3A_106, %lt3A_107 : i32
        %convert_element_type3A_109 = arith.extui %lt3A_108 : i1 to i32
        %cond3A_110 = arith.constant 0 : i32
        %cond3A_111 = arith.cmpi ne, %convert_element_type3A_109, %cond3A_110 : i32
        scf.if %cond3A_111 {
          %ge3A = arith.constant 1 : i32
          %ge3A_122 = arith.cmpi sge, %add3A_91, %ge3A : i32
          %convert_element_type3A_123 = arith.extui %ge3A_122 : i1 to i32
          %cond3A_124 = arith.constant 0 : i32
          %cond3A_125 = arith.cmpi ne, %convert_element_type3A_123, %cond3A_124 : i32
          scf.if %cond3A_125 {
            %dma_wait3A_135 = arith.constant 0 : i32
            %dma_wait3A_136 = arith.constant 0 : i32
            %dma_wait3A_137 = tpu.memref_slice %arg23[%dma_wait3A_135, %dma_wait3A_136] : memref<10240x128xf32, #tpu.memory_space<vmem_shared>> -> memref<10240x128xf32, #tpu.memory_space<vmem_shared>>
            tpu.wait_indirect_dma semaphore(%arg22 : memref<!tpu.dma_semaphore, #tpu.memory_space<semaphore_mem>>) src(%arg18 : memref<128x128xf32, #tpu.memory_space<vmem>>) dst(%dma_wait3A_137 : memref<10240x128xf32, #tpu.memory_space<vmem_shared>>)
          } else {
          }
          %dma_start3A_126 = arith.constant 0 : i32
          %dma_start3A_127 = arith.constant 0 : i32
          %dma_start3A_128 = tpu.memref_slice %arg5[%dma_start3A_126, %dma_start3A_127] : memref<10240x128xf32, #tpu.memory_space<hbm>> -> memref<10240x128xf32, #tpu.memory_space<hbm>>
          tpu.enqueue_indirect_dma source(%dma_start3A_128 : memref<10240x128xf32, #tpu.memory_space<hbm>>) target(%arg18 : memref<128x128xf32, #tpu.memory_space<vmem>>) offsets(%arg14 : memref<128xi32, #tpu.memory_space<vmem>>) semaphore(%arg20 : memref<!tpu.dma_semaphore, #tpu.memory_space<semaphore_mem>>)
          %add3A_129 = arith.constant 1 : i32
          %add3A_130 = arith.addi %add3A_91, %add3A_129 : i32
          %mul3A_131 = arith.constant 4096 : i32
          %mul3A_132 = arith.muli %add3A_130, %mul3A_131 : i32
          %add3A_133 = arith.addi %multiple_of3A, %mul3A_132 : i32
          %multiple_of3A_134 = tpu.assume_multiple %add3A_133, 128 : i32
          "tpu.region"() ({
            %run_scoped3A = tpu.sem_alloc : memref<!tpu.dma_semaphore, #tpu.memory_space<semaphore_mem>>
            %dma_start3A_135 = tpu.memref_slice %arg7[%multiple_of3A_134] : memref<331776xi32, #tpu.memory_space<hbm>> -> memref<128xi32, #tpu.memory_space<hbm>>
            %dma_start3A_136 = tpu.memref_slice %arg7[%multiple_of3A_134] : memref<331776xi32, #tpu.memory_space<hbm>> -> memref<128xi32, #tpu.memory_space<hbm>>
            tpu.enqueue_dma source(%dma_start3A_136 : memref<128xi32, #tpu.memory_space<hbm>>) target(%arg16 : memref<128xi32, #tpu.memory_space<vmem>>) target_semaphore(%run_scoped3A : memref<!tpu.dma_semaphore, #tpu.memory_space<semaphore_mem>>)
            %dma_wait3A_137 = tpu.memref_slice %arg7[%multiple_of3A_134] : memref<331776xi32, #tpu.memory_space<hbm>> -> memref<128xi32, #tpu.memory_space<hbm>>
            %dma_wait3A_138 = tpu.memref_slice %arg7[%multiple_of3A_134] : memref<331776xi32, #tpu.memory_space<hbm>> -> memref<128xi32, #tpu.memory_space<hbm>>
            tpu.wait_dma2 semaphore(%run_scoped3A : memref<!tpu.dma_semaphore, #tpu.memory_space<semaphore_mem>>) src(%dma_wait3A_138 : memref<128xi32, #tpu.memory_space<hbm>>) dst(%arg16 : memref<128xi32, #tpu.memory_space<vmem>>)
            tpu.yield
          }) : () -> ()
        } else {
        }
        %dma_start3A_112 = arith.constant 0 : i32
        %dma_start3A_113 = arith.constant 0 : i32
        %dma_start3A_114 = tpu.memref_slice %arg23[%dma_start3A_112, %dma_start3A_113] : memref<10240x128xf32, #tpu.memory_space<vmem_shared>> -> memref<10240x128xf32, #tpu.memory_space<vmem_shared>>
        tpu.enqueue_indirect_dma source(%arg17 : memref<128x128xf32, #tpu.memory_space<vmem>>) target(%dma_start3A_114 : memref<10240x128xf32, #tpu.memory_space<vmem_shared>>) offsets(%arg15 : memref<128xi32, #tpu.memory_space<vmem>>) semaphore(%arg21 : memref<!tpu.dma_semaphore, #tpu.memory_space<semaphore_mem>>) {add = true}
        %add3A_115 = arith.constant 2 : i32
        %add3A_116 = arith.addi %add3A_91, %add3A_115 : i32
        %lt3A_117 = arith.constant 81 : i32
        %lt3A_118 = arith.cmpi slt, %add3A_116, %lt3A_117 : i32
        %convert_element_type3A_119 = arith.extui %lt3A_118 : i1 to i32
        %cond3A_120 = arith.constant 0 : i32
        %cond3A_121 = arith.cmpi ne, %convert_element_type3A_119, %cond3A_120 : i32
        scf.if %cond3A_121 {
          %add3A_122 = arith.constant 2 : i32
          %add3A_123 = arith.addi %add3A_91, %add3A_122 : i32
          %mul3A_124 = arith.constant 4096 : i32
          %mul3A_125 = arith.muli %add3A_123, %mul3A_124 : i32
          %add3A_126 = arith.addi %multiple_of3A, %mul3A_125 : i32
          %multiple_of3A_127 = tpu.assume_multiple %add3A_126, 128 : i32
          "tpu.region"() ({
            %run_scoped3A = tpu.sem_alloc : memref<!tpu.dma_semaphore, #tpu.memory_space<semaphore_mem>>
            %dma_start3A_128 = tpu.memref_slice %arg6[%multiple_of3A_127] : memref<331776xi32, #tpu.memory_space<hbm>> -> memref<128xi32, #tpu.memory_space<hbm>>
            %dma_start3A_129 = tpu.memref_slice %arg6[%multiple_of3A_127] : memref<331776xi32, #tpu.memory_space<hbm>> -> memref<128xi32, #tpu.memory_space<hbm>>
            tpu.enqueue_dma source(%dma_start3A_129 : memref<128xi32, #tpu.memory_space<hbm>>) target(%arg13 : memref<128xi32, #tpu.memory_space<vmem>>) target_semaphore(%run_scoped3A : memref<!tpu.dma_semaphore, #tpu.memory_space<semaphore_mem>>)
            %dma_wait3A_130 = tpu.memref_slice %arg6[%multiple_of3A_127] : memref<331776xi32, #tpu.memory_space<hbm>> -> memref<128xi32, #tpu.memory_space<hbm>>
            %dma_wait3A_131 = tpu.memref_slice %arg6[%multiple_of3A_127] : memref<331776xi32, #tpu.memory_space<hbm>> -> memref<128xi32, #tpu.memory_space<hbm>>
            tpu.wait_dma2 semaphore(%run_scoped3A : memref<!tpu.dma_semaphore, #tpu.memory_space<semaphore_mem>>) src(%dma_wait3A_131 : memref<128xi32, #tpu.memory_space<hbm>>) dst(%arg13 : memref<128xi32, #tpu.memory_space<vmem>>)
            tpu.yield
          }) : () -> ()
        } else {
        }
      } else {
      }
      %add3A_94 = arith.constant 1 : i32
      %add3A_95 = arith.addi %mul3A_89, %add3A_94 : i32
      %lt3A_96 = arith.constant 81 : i32
      %lt3A_97 = arith.cmpi slt, %add3A_95, %lt3A_96 : i32
      %convert_element_type3A_98 = arith.extui %lt3A_97 : i1 to i32
      %cond3A_99 = arith.constant 0 : i32
      %cond3A_100 = arith.cmpi ne, %convert_element_type3A_98, %cond3A_99 : i32
      scf.if %cond3A_100 {
        %dma_wait3A_102 = arith.constant 0 : i32
        %dma_wait3A_103 = arith.constant 0 : i32
        %dma_wait3A_104 = tpu.memref_slice %arg5[%dma_wait3A_102, %dma_wait3A_103] : memref<10240x128xf32, #tpu.memory_space<hbm>> -> memref<10240x128xf32, #tpu.memory_space<hbm>>
        tpu.wait_indirect_dma semaphore(%arg20 : memref<!tpu.dma_semaphore, #tpu.memory_space<semaphore_mem>>) src(%dma_wait3A_104 : memref<10240x128xf32, #tpu.memory_space<hbm>>) dst(%arg18 : memref<128x128xf32, #tpu.memory_space<vmem>>)
        %add3A_105 = arith.constant 1 : i32
        %add3A_106 = arith.addi %add3A_95, %add3A_105 : i32
        %lt3A_107 = arith.constant 81 : i32
        %lt3A_108 = arith.cmpi slt, %add3A_106, %lt3A_107 : i32
        %convert_element_type3A_109 = arith.extui %lt3A_108 : i1 to i32
        %cond3A_110 = arith.constant 0 : i32
        %cond3A_111 = arith.cmpi ne, %convert_element_type3A_109, %cond3A_110 : i32
        scf.if %cond3A_111 {
          %ge3A = arith.constant 1 : i32
          %ge3A_122 = arith.cmpi sge, %add3A_95, %ge3A : i32
          %convert_element_type3A_123 = arith.extui %ge3A_122 : i1 to i32
          %cond3A_124 = arith.constant 0 : i32
          %cond3A_125 = arith.cmpi ne, %convert_element_type3A_123, %cond3A_124 : i32
          scf.if %cond3A_125 {
            %dma_wait3A_135 = arith.constant 0 : i32
            %dma_wait3A_136 = arith.constant 0 : i32
            %dma_wait3A_137 = tpu.memref_slice %arg23[%dma_wait3A_135, %dma_wait3A_136] : memref<10240x128xf32, #tpu.memory_space<vmem_shared>> -> memref<10240x128xf32, #tpu.memory_space<vmem_shared>>
            tpu.wait_indirect_dma semaphore(%arg21 : memref<!tpu.dma_semaphore, #tpu.memory_space<semaphore_mem>>) src(%arg17 : memref<128x128xf32, #tpu.memory_space<vmem>>) dst(%dma_wait3A_137 : memref<10240x128xf32, #tpu.memory_space<vmem_shared>>)
          } else {
          }
          %dma_start3A_126 = arith.constant 0 : i32
          %dma_start3A_127 = arith.constant 0 : i32
          %dma_start3A_128 = tpu.memref_slice %arg5[%dma_start3A_126, %dma_start3A_127] : memref<10240x128xf32, #tpu.memory_space<hbm>> -> memref<10240x128xf32, #tpu.memory_space<hbm>>
          tpu.enqueue_indirect_dma source(%dma_start3A_128 : memref<10240x128xf32, #tpu.memory_space<hbm>>) target(%arg17 : memref<128x128xf32, #tpu.memory_space<vmem>>) offsets(%arg13 : memref<128xi32, #tpu.memory_space<vmem>>) semaphore(%arg19 : memref<!tpu.dma_semaphore, #tpu.memory_space<semaphore_mem>>)
          %add3A_129 = arith.constant 1 : i32
          %add3A_130 = arith.addi %add3A_95, %add3A_129 : i32
          %mul3A_131 = arith.constant 4096 : i32
          %mul3A_132 = arith.muli %add3A_130, %mul3A_131 : i32
          %add3A_133 = arith.addi %multiple_of3A, %mul3A_132 : i32
          %multiple_of3A_134 = tpu.assume_multiple %add3A_133, 128 : i32
          "tpu.region"() ({
            %run_scoped3A = tpu.sem_alloc : memref<!tpu.dma_semaphore, #tpu.memory_space<semaphore_mem>>
            %dma_start3A_135 = tpu.memref_slice %arg7[%multiple_of3A_134] : memref<331776xi32, #tpu.memory_space<hbm>> -> memref<128xi32, #tpu.memory_space<hbm>>
            %dma_start3A_136 = tpu.memref_slice %arg7[%multiple_of3A_134] : memref<331776xi32, #tpu.memory_space<hbm>> -> memref<128xi32, #tpu.memory_space<hbm>>
            tpu.enqueue_dma source(%dma_start3A_136 : memref<128xi32, #tpu.memory_space<hbm>>) target(%arg15 : memref<128xi32, #tpu.memory_space<vmem>>) target_semaphore(%run_scoped3A : memref<!tpu.dma_semaphore, #tpu.memory_space<semaphore_mem>>)
            %dma_wait3A_137 = tpu.memref_slice %arg7[%multiple_of3A_134] : memref<331776xi32, #tpu.memory_space<hbm>> -> memref<128xi32, #tpu.memory_space<hbm>>
            %dma_wait3A_138 = tpu.memref_slice %arg7[%multiple_of3A_134] : memref<331776xi32, #tpu.memory_space<hbm>> -> memref<128xi32, #tpu.memory_space<hbm>>
            tpu.wait_dma2 semaphore(%run_scoped3A : memref<!tpu.dma_semaphore, #tpu.memory_space<semaphore_mem>>) src(%dma_wait3A_138 : memref<128xi32, #tpu.memory_space<hbm>>) dst(%arg15 : memref<128xi32, #tpu.memory_space<vmem>>)
            tpu.yield
          }) : () -> ()
        } else {
        }
        %dma_start3A_112 = arith.constant 0 : i32
        %dma_start3A_113 = arith.constant 0 : i32
        %dma_start3A_114 = tpu.memref_slice %arg23[%dma_start3A_112, %dma_start3A_113] : memref<10240x128xf32, #tpu.memory_space<vmem_shared>> -> memref<10240x128xf32, #tpu.memory_space<vmem_shared>>
        tpu.enqueue_indirect_dma source(%arg18 : memref<128x128xf32, #tpu.memory_space<vmem>>) target(%dma_start3A_114 : memref<10240x128xf32, #tpu.memory_space<vmem_shared>>) offsets(%arg16 : memref<128xi32, #tpu.memory_space<vmem>>) semaphore(%arg22 : memref<!tpu.dma_semaphore, #tpu.memory_space<semaphore_mem>>) {add = true}
        %add3A_115 = arith.constant 2 : i32
        %add3A_116 = arith.addi %add3A_95, %add3A_115 : i32
        %lt3A_117 = arith.constant 81 : i32
        %lt3A_118 = arith.cmpi slt, %add3A_116, %lt3A_117 : i32
        %convert_element_type3A_119 = arith.extui %lt3A_118 : i1 to i32
        %cond3A_120 = arith.constant 0 : i32
        %cond3A_121 = arith.cmpi ne, %convert_element_type3A_119, %cond3A_120 : i32
        scf.if %cond3A_121 {
          %add3A_122 = arith.constant 2 : i32
          %add3A_123 = arith.addi %add3A_95, %add3A_122 : i32
          %mul3A_124 = arith.constant 4096 : i32
          %mul3A_125 = arith.muli %add3A_123, %mul3A_124 : i32
          %add3A_126 = arith.addi %multiple_of3A, %mul3A_125 : i32
          %multiple_of3A_127 = tpu.assume_multiple %add3A_126, 128 : i32
          "tpu.region"() ({
            %run_scoped3A = tpu.sem_alloc : memref<!tpu.dma_semaphore, #tpu.memory_space<semaphore_mem>>
            %dma_start3A_128 = tpu.memref_slice %arg6[%multiple_of3A_127] : memref<331776xi32, #tpu.memory_space<hbm>> -> memref<128xi32, #tpu.memory_space<hbm>>
            %dma_start3A_129 = tpu.memref_slice %arg6[%multiple_of3A_127] : memref<331776xi32, #tpu.memory_space<hbm>> -> memref<128xi32, #tpu.memory_space<hbm>>
            tpu.enqueue_dma source(%dma_start3A_129 : memref<128xi32, #tpu.memory_space<hbm>>) target(%arg14 : memref<128xi32, #tpu.memory_space<vmem>>) target_semaphore(%run_scoped3A : memref<!tpu.dma_semaphore, #tpu.memory_space<semaphore_mem>>)
            %dma_wait3A_130 = tpu.memref_slice %arg6[%multiple_of3A_127] : memref<331776xi32, #tpu.memory_space<hbm>> -> memref<128xi32, #tpu.memory_space<hbm>>
            %dma_wait3A_131 = tpu.memref_slice %arg6[%multiple_of3A_127] : memref<331776xi32, #tpu.memory_space<hbm>> -> memref<128xi32, #tpu.memory_space<hbm>>
            tpu.wait_dma2 semaphore(%run_scoped3A : memref<!tpu.dma_semaphore, #tpu.memory_space<semaphore_mem>>) src(%dma_wait3A_131 : memref<128xi32, #tpu.memory_space<hbm>>) dst(%arg14 : memref<128xi32, #tpu.memory_space<vmem>>)
            tpu.yield
          }) : () -> ()
        } else {
        }
      } else {
      }
      %scan3A_101 = arith.constant 0 : i32
      scf.yield %scan3A_101 : i32
    }
    %scan3A_77 = arith.constant 41 : i32
    %dma_wait3A_78 = arith.constant 0 : i32
    %dma_wait3A_79 = arith.constant 0 : i32
    %dma_wait3A_80 = tpu.memref_slice %arg23[%dma_wait3A_78, %dma_wait3A_79] : memref<10240x128xf32, #tpu.memory_space<vmem_shared>> -> memref<10240x128xf32, #tpu.memory_space<vmem_shared>>
    tpu.wait_indirect_dma semaphore(%arg21 : memref<!tpu.dma_semaphore, #tpu.memory_space<semaphore_mem>>) src(%arg17 : memref<128x128xf32, #tpu.memory_space<vmem>>) dst(%dma_wait3A_80 : memref<10240x128xf32, #tpu.memory_space<vmem_shared>>)
    %dma_wait3A_81 = arith.constant 0 : i32
    %dma_wait3A_82 = arith.constant 0 : i32
    %dma_wait3A_83 = tpu.memref_slice %arg23[%dma_wait3A_81, %dma_wait3A_82] : memref<10240x128xf32, #tpu.memory_space<vmem_shared>> -> memref<10240x128xf32, #tpu.memory_space<vmem_shared>>
    tpu.wait_indirect_dma semaphore(%arg22 : memref<!tpu.dma_semaphore, #tpu.memory_space<semaphore_mem>>) src(%arg18 : memref<128x128xf32, #tpu.memory_space<vmem>>) dst(%dma_wait3A_83 : memref<10240x128xf32, #tpu.memory_space<vmem_shared>>)
    %barrier3A_84 = arith.constant 0 : index
    tpu.barrier barrier_id(%barrier3A_84)
    "tpu.region"() ({
      %run_scoped3A = tpu.sem_alloc : memref<!tpu.dma_semaphore, #tpu.memory_space<semaphore_mem>>
      %dma_start3A_86 = arith.constant 0 : i32
      %dma_start3A_87 = tpu.memref_slice %arg12[%arg0, %multiple_of3A_5, %dma_start3A_86] : memref<2x10240x128xf32, #tpu.memory_space<hbm>> -> memref<1x640x128xf32, #tpu.memory_space<hbm>>
      %dma_start3A_88 = tpu.memref_squeeze %dma_start3A_87 : memref<1x640x128xf32, #tpu.memory_space<hbm>> -> memref<640x128xf32, #tpu.memory_space<hbm>>
      %dma_start3A_89 = arith.constant 0 : i32
      %dma_start3A_90 = tpu.memref_slice %arg23[%multiple_of3A_5, %dma_start3A_89] : memref<10240x128xf32, #tpu.memory_space<vmem_shared>> -> memref<640x128xf32, #tpu.memory_space<vmem_shared>>
      tpu.enqueue_dma source(%dma_start3A_90 : memref<640x128xf32, #tpu.memory_space<vmem_shared>>) target(%dma_start3A_88 : memref<640x128xf32, #tpu.memory_space<hbm>>) target_semaphore(%run_scoped3A : memref<!tpu.dma_semaphore, #tpu.memory_space<semaphore_mem>>)
      %dma_wait3A_91 = arith.constant 0 : i32
      %dma_wait3A_92 = tpu.memref_slice %arg12[%arg0, %multiple_of3A_5, %dma_wait3A_91] : memref<2x10240x128xf32, #tpu.memory_space<hbm>> -> memref<1x640x128xf32, #tpu.memory_space<hbm>>
      %dma_wait3A_93 = tpu.memref_squeeze %dma_wait3A_92 : memref<1x640x128xf32, #tpu.memory_space<hbm>> -> memref<640x128xf32, #tpu.memory_space<hbm>>
      %dma_wait3A_94 = arith.constant 0 : i32
      %dma_wait3A_95 = tpu.memref_slice %arg23[%multiple_of3A_5, %dma_wait3A_94] : memref<10240x128xf32, #tpu.memory_space<vmem_shared>> -> memref<640x128xf32, #tpu.memory_space<vmem_shared>>
      tpu.wait_dma2 semaphore(%run_scoped3A : memref<!tpu.dma_semaphore, #tpu.memory_space<semaphore_mem>>) src(%dma_wait3A_95 : memref<640x128xf32, #tpu.memory_space<vmem_shared>>) dst(%dma_wait3A_93 : memref<640x128xf32, #tpu.memory_space<hbm>>)
      tpu.yield
    }) : () -> ()
    %barrier3A_85 = arith.constant 0 : index
    tpu.barrier barrier_id(%barrier3A_85)
    return
  }
}

#map = affine_map<(d0, d1) -> (0, 0)>
#map1 = affine_map<(d0, d1) -> (0)>
#map2 = affine_map<(d0, d1) -> (0, 0, 0)>
module attributes {stable_mosaic.version = 14 : i64} {
  func.func @_sc_scatter_body(%arg0: i32, %arg1: i32, %arg2: memref<10240x128xf32, #tpu.memory_space<hbm>>, %arg3: memref<331776xi32, #tpu.memory_space<hbm>>, %arg4: memref<331776xi32, #tpu.memory_space<hbm>>, %arg5: memref<10240x128xf32, #tpu.memory_space<hbm>>, %arg6: memref<2x10240x128xf32, #tpu.memory_space<hbm>>, %arg7: memref<128xi32, #tpu.memory_space<vmem>>, %arg8: memref<128xi32, #tpu.memory_space<vmem>>, %arg9: memref<128xi32, #tpu.memory_space<vmem>>, %arg10: memref<128xi32, #tpu.memory_space<vmem>>, %arg11: memref<128x128xf32, #tpu.memory_space<vmem>>, %arg12: memref<128x128xf32, #tpu.memory_space<vmem>>, %arg13: memref<!tpu.dma_semaphore, #tpu.memory_space<semaphore_mem>>, %arg14: memref<!tpu.dma_semaphore, #tpu.memory_space<semaphore_mem>>, %arg15: memref<!tpu.dma_semaphore, #tpu.memory_space<semaphore_mem>>, %arg16: memref<!tpu.dma_semaphore, #tpu.memory_space<semaphore_mem>>, %arg17: memref<10240x128xf32, #tpu.memory_space<vmem_shared>>) attributes {dimension_semantics = [#tpu.dimension_semantics<core_parallel>, #tpu.dimension_semantics<subcore_parallel>], iteration_bounds = array<i64: 2, 16>, scalar_prefetch = 0 : i64, scratch_operands = 11 : i64, tpu.core_type = #tpu.core_type<sc_vector_subcore>, window_params = [{transform_indices = #map}, {transform_indices = #map1}, {transform_indices = #map1}, {transform_indices = #map}, {transform_indices = #map2}]} {
    %mul3A = arith.constant 16 : i32
    %mul3A_0 = arith.muli %arg0, %mul3A : i32
    %add3A = arith.addi %mul3A_0, %arg1 : i32
    %mul3A_1 = arith.constant 128 : i32
    %mul3A_2 = arith.muli %add3A, %mul3A_1 : i32
    %multiple_of3A = tpu.assume_multiple %mul3A_2, 128 : i32
    %mul3A_3 = arith.constant 640 : i32
    %mul3A_4 = arith.muli %arg1, %mul3A_3 : i32
    %multiple_of3A_5 = tpu.assume_multiple %mul3A_4, 8 : i32
    "tpu.region"() ({
      %run_scoped3A = tpu.sem_alloc : memref<!tpu.dma_semaphore, #tpu.memory_space<semaphore_mem>>
      %dma_start3A_23 = arith.constant 0 : i32
      %dma_start3A_24 = tpu.memref_slice %arg17[%multiple_of3A_5, %dma_start3A_23] : memref<10240x128xf32, #tpu.memory_space<vmem_shared>> -> memref<640x128xf32, #tpu.memory_space<vmem_shared>>
      %dma_start3A_25 = arith.constant 0 : i32
      %dma_start3A_26 = tpu.memref_slice %arg5[%multiple_of3A_5, %dma_start3A_25] : memref<10240x128xf32, #tpu.memory_space<hbm>> -> memref<640x128xf32, #tpu.memory_space<hbm>>
      tpu.enqueue_dma source(%dma_start3A_26 : memref<640x128xf32, #tpu.memory_space<hbm>>) target(%dma_start3A_24 : memref<640x128xf32, #tpu.memory_space<vmem_shared>>) target_semaphore(%run_scoped3A : memref<!tpu.dma_semaphore, #tpu.memory_space<semaphore_mem>>)
      %dma_wait3A_27 = arith.constant 0 : i32
      %dma_wait3A_28 = tpu.memref_slice %arg17[%multiple_of3A_5, %dma_wait3A_27] : memref<10240x128xf32, #tpu.memory_space<vmem_shared>> -> memref<640x128xf32, #tpu.memory_space<vmem_shared>>
      %dma_wait3A_29 = arith.constant 0 : i32
      %dma_wait3A_30 = tpu.memref_slice %arg5[%multiple_of3A_5, %dma_wait3A_29] : memref<10240x128xf32, #tpu.memory_space<hbm>> -> memref<640x128xf32, #tpu.memory_space<hbm>>
      tpu.wait_dma2 semaphore(%run_scoped3A : memref<!tpu.dma_semaphore, #tpu.memory_space<semaphore_mem>>) src(%dma_wait3A_30 : memref<640x128xf32, #tpu.memory_space<hbm>>) dst(%dma_wait3A_28 : memref<640x128xf32, #tpu.memory_space<vmem_shared>>)
      tpu.yield
    }) : () -> ()
    %barrier3A = arith.constant 0 : index
    tpu.barrier barrier_id(%barrier3A)
    "tpu.region"() ({
      %run_scoped3A = tpu.sem_alloc : memref<!tpu.dma_semaphore, #tpu.memory_space<semaphore_mem>>
      %dma_start3A_23 = tpu.memref_slice %arg3[%multiple_of3A] : memref<331776xi32, #tpu.memory_space<hbm>> -> memref<128xi32, #tpu.memory_space<hbm>>
      %dma_start3A_24 = tpu.memref_slice %arg3[%multiple_of3A] : memref<331776xi32, #tpu.memory_space<hbm>> -> memref<128xi32, #tpu.memory_space<hbm>>
      tpu.enqueue_dma source(%dma_start3A_24 : memref<128xi32, #tpu.memory_space<hbm>>) target(%arg7 : memref<128xi32, #tpu.memory_space<vmem>>) target_semaphore(%run_scoped3A : memref<!tpu.dma_semaphore, #tpu.memory_space<semaphore_mem>>)
      %dma_wait3A_25 = tpu.memref_slice %arg3[%multiple_of3A] : memref<331776xi32, #tpu.memory_space<hbm>> -> memref<128xi32, #tpu.memory_space<hbm>>
      %dma_wait3A_26 = tpu.memref_slice %arg3[%multiple_of3A] : memref<331776xi32, #tpu.memory_space<hbm>> -> memref<128xi32, #tpu.memory_space<hbm>>
      tpu.wait_dma2 semaphore(%run_scoped3A : memref<!tpu.dma_semaphore, #tpu.memory_space<semaphore_mem>>) src(%dma_wait3A_26 : memref<128xi32, #tpu.memory_space<hbm>>) dst(%arg7 : memref<128xi32, #tpu.memory_space<vmem>>)
      tpu.yield
    }) : () -> ()
    "tpu.region"() ({
      %run_scoped3A = tpu.sem_alloc : memref<!tpu.dma_semaphore, #tpu.memory_space<semaphore_mem>>
      %dma_start3A_23 = tpu.memref_slice %arg4[%multiple_of3A] : memref<331776xi32, #tpu.memory_space<hbm>> -> memref<128xi32, #tpu.memory_space<hbm>>
      %dma_start3A_24 = tpu.memref_slice %arg4[%multiple_of3A] : memref<331776xi32, #tpu.memory_space<hbm>> -> memref<128xi32, #tpu.memory_space<hbm>>
      tpu.enqueue_dma source(%dma_start3A_24 : memref<128xi32, #tpu.memory_space<hbm>>) target(%arg9 : memref<128xi32, #tpu.memory_space<vmem>>) target_semaphore(%run_scoped3A : memref<!tpu.dma_semaphore, #tpu.memory_space<semaphore_mem>>)
      %dma_wait3A_25 = tpu.memref_slice %arg4[%multiple_of3A] : memref<331776xi32, #tpu.memory_space<hbm>> -> memref<128xi32, #tpu.memory_space<hbm>>
      %dma_wait3A_26 = tpu.memref_slice %arg4[%multiple_of3A] : memref<331776xi32, #tpu.memory_space<hbm>> -> memref<128xi32, #tpu.memory_space<hbm>>
      tpu.wait_dma2 semaphore(%run_scoped3A : memref<!tpu.dma_semaphore, #tpu.memory_space<semaphore_mem>>) src(%dma_wait3A_26 : memref<128xi32, #tpu.memory_space<hbm>>) dst(%arg9 : memref<128xi32, #tpu.memory_space<vmem>>)
      tpu.yield
    }) : () -> ()
    %dma_start3A = arith.constant 0 : i32
    %dma_start3A_6 = arith.constant 0 : i32
    %dma_start3A_7 = tpu.memref_slice %arg2[%dma_start3A, %dma_start3A_6] : memref<10240x128xf32, #tpu.memory_space<hbm>> -> memref<10240x128xf32, #tpu.memory_space<hbm>>
    tpu.enqueue_indirect_dma source(%dma_start3A_7 : memref<10240x128xf32, #tpu.memory_space<hbm>>) target(%arg11 : memref<128x128xf32, #tpu.memory_space<vmem>>) offsets(%arg7 : memref<128xi32, #tpu.memory_space<vmem>>) semaphore(%arg13 : memref<!tpu.dma_semaphore, #tpu.memory_space<semaphore_mem>>)
    %add3A_8 = arith.constant 4096 : i32
    %add3A_9 = arith.addi %multiple_of3A, %add3A_8 : i32
    "tpu.region"() ({
      %run_scoped3A = tpu.sem_alloc : memref<!tpu.dma_semaphore, #tpu.memory_space<semaphore_mem>>
      %dma_start3A_23 = tpu.memref_slice %arg3[%add3A_9] : memref<331776xi32, #tpu.memory_space<hbm>> -> memref<128xi32, #tpu.memory_space<hbm>>
      %dma_start3A_24 = tpu.memref_slice %arg3[%add3A_9] : memref<331776xi32, #tpu.memory_space<hbm>> -> memref<128xi32, #tpu.memory_space<hbm>>
      tpu.enqueue_dma source(%dma_start3A_24 : memref<128xi32, #tpu.memory_space<hbm>>) target(%arg8 : memref<128xi32, #tpu.memory_space<vmem>>) target_semaphore(%run_scoped3A : memref<!tpu.dma_semaphore, #tpu.memory_space<semaphore_mem>>)
      %dma_wait3A_25 = tpu.memref_slice %arg3[%add3A_9] : memref<331776xi32, #tpu.memory_space<hbm>> -> memref<128xi32, #tpu.memory_space<hbm>>
      %dma_wait3A_26 = tpu.memref_slice %arg3[%add3A_9] : memref<331776xi32, #tpu.memory_space<hbm>> -> memref<128xi32, #tpu.memory_space<hbm>>
      tpu.wait_dma2 semaphore(%run_scoped3A : memref<!tpu.dma_semaphore, #tpu.memory_space<semaphore_mem>>) src(%dma_wait3A_26 : memref<128xi32, #tpu.memory_space<hbm>>) dst(%arg8 : memref<128xi32, #tpu.memory_space<vmem>>)
      tpu.yield
    }) : () -> ()
    %scan3A = arith.constant 0 : i32
    %scan3A_10 = arith.constant 0 : i32
    %scan3A_11 = arith.constant 41 : i32
    %scan3A_12 = arith.addi %scan3A_10, %scan3A_11 : i32
    %scan3A_13 = arith.constant 1 : i32
    %scan3A_14 = scf.for %scan3A_23 = %scan3A_10 to %scan3A_12 step %scan3A_13 iter_args(%scan3A_24 = %scan3A) -> (i32)  : i32 {
      %mul3A_25 = arith.constant 2 : i32
      %mul3A_26 = arith.muli %mul3A_25, %scan3A_23 : i32
      %add3A_27 = arith.constant 0 : i32
      %add3A_28 = arith.addi %mul3A_26, %add3A_27 : i32
      %lt3A = arith.constant 81 : i32
      %lt3A_29 = arith.cmpi slt, %add3A_28, %lt3A : i32
      %convert_element_type3A = arith.extui %lt3A_29 : i1 to i32
      %cond3A = arith.constant 0 : i32
      %cond3A_30 = arith.cmpi ne, %convert_element_type3A, %cond3A : i32
      scf.if %cond3A_30 {
        %dma_wait3A_39 = arith.constant 0 : i32
        %dma_wait3A_40 = arith.constant 0 : i32
        %dma_wait3A_41 = tpu.memref_slice %arg2[%dma_wait3A_39, %dma_wait3A_40] : memref<10240x128xf32, #tpu.memory_space<hbm>> -> memref<10240x128xf32, #tpu.memory_space<hbm>>
        tpu.wait_indirect_dma semaphore(%arg13 : memref<!tpu.dma_semaphore, #tpu.memory_space<semaphore_mem>>) src(%dma_wait3A_41 : memref<10240x128xf32, #tpu.memory_space<hbm>>) dst(%arg11 : memref<128x128xf32, #tpu.memory_space<vmem>>)
        %add3A_42 = arith.constant 1 : i32
        %add3A_43 = arith.addi %add3A_28, %add3A_42 : i32
        %lt3A_44 = arith.constant 81 : i32
        %lt3A_45 = arith.cmpi slt, %add3A_43, %lt3A_44 : i32
        %convert_element_type3A_46 = arith.extui %lt3A_45 : i1 to i32
        %cond3A_47 = arith.constant 0 : i32
        %cond3A_48 = arith.cmpi ne, %convert_element_type3A_46, %cond3A_47 : i32
        scf.if %cond3A_48 {
          %ge3A = arith.constant 1 : i32
          %ge3A_59 = arith.cmpi sge, %add3A_28, %ge3A : i32
          %convert_element_type3A_60 = arith.extui %ge3A_59 : i1 to i32
          %cond3A_61 = arith.constant 0 : i32
          %cond3A_62 = arith.cmpi ne, %convert_element_type3A_60, %cond3A_61 : i32
          scf.if %cond3A_62 {
            %dma_wait3A_72 = arith.constant 0 : i32
            %dma_wait3A_73 = arith.constant 0 : i32
            %dma_wait3A_74 = tpu.memref_slice %arg17[%dma_wait3A_72, %dma_wait3A_73] : memref<10240x128xf32, #tpu.memory_space<vmem_shared>> -> memref<10240x128xf32, #tpu.memory_space<vmem_shared>>
            tpu.wait_indirect_dma semaphore(%arg16 : memref<!tpu.dma_semaphore, #tpu.memory_space<semaphore_mem>>) src(%arg12 : memref<128x128xf32, #tpu.memory_space<vmem>>) dst(%dma_wait3A_74 : memref<10240x128xf32, #tpu.memory_space<vmem_shared>>)
          } else {
          }
          %dma_start3A_63 = arith.constant 0 : i32
          %dma_start3A_64 = arith.constant 0 : i32
          %dma_start3A_65 = tpu.memref_slice %arg2[%dma_start3A_63, %dma_start3A_64] : memref<10240x128xf32, #tpu.memory_space<hbm>> -> memref<10240x128xf32, #tpu.memory_space<hbm>>
          tpu.enqueue_indirect_dma source(%dma_start3A_65 : memref<10240x128xf32, #tpu.memory_space<hbm>>) target(%arg12 : memref<128x128xf32, #tpu.memory_space<vmem>>) offsets(%arg8 : memref<128xi32, #tpu.memory_space<vmem>>) semaphore(%arg14 : memref<!tpu.dma_semaphore, #tpu.memory_space<semaphore_mem>>)
          %add3A_66 = arith.constant 1 : i32
          %add3A_67 = arith.addi %add3A_28, %add3A_66 : i32
          %mul3A_68 = arith.constant 4096 : i32
          %mul3A_69 = arith.muli %add3A_67, %mul3A_68 : i32
          %add3A_70 = arith.addi %multiple_of3A, %mul3A_69 : i32
          %multiple_of3A_71 = tpu.assume_multiple %add3A_70, 128 : i32
          "tpu.region"() ({
            %run_scoped3A = tpu.sem_alloc : memref<!tpu.dma_semaphore, #tpu.memory_space<semaphore_mem>>
            %dma_start3A_72 = tpu.memref_slice %arg4[%multiple_of3A_71] : memref<331776xi32, #tpu.memory_space<hbm>> -> memref<128xi32, #tpu.memory_space<hbm>>
            %dma_start3A_73 = tpu.memref_slice %arg4[%multiple_of3A_71] : memref<331776xi32, #tpu.memory_space<hbm>> -> memref<128xi32, #tpu.memory_space<hbm>>
            tpu.enqueue_dma source(%dma_start3A_73 : memref<128xi32, #tpu.memory_space<hbm>>) target(%arg10 : memref<128xi32, #tpu.memory_space<vmem>>) target_semaphore(%run_scoped3A : memref<!tpu.dma_semaphore, #tpu.memory_space<semaphore_mem>>)
            %dma_wait3A_74 = tpu.memref_slice %arg4[%multiple_of3A_71] : memref<331776xi32, #tpu.memory_space<hbm>> -> memref<128xi32, #tpu.memory_space<hbm>>
            %dma_wait3A_75 = tpu.memref_slice %arg4[%multiple_of3A_71] : memref<331776xi32, #tpu.memory_space<hbm>> -> memref<128xi32, #tpu.memory_space<hbm>>
            tpu.wait_dma2 semaphore(%run_scoped3A : memref<!tpu.dma_semaphore, #tpu.memory_space<semaphore_mem>>) src(%dma_wait3A_75 : memref<128xi32, #tpu.memory_space<hbm>>) dst(%arg10 : memref<128xi32, #tpu.memory_space<vmem>>)
            tpu.yield
          }) : () -> ()
        } else {
        }
        %dma_start3A_49 = arith.constant 0 : i32
        %dma_start3A_50 = arith.constant 0 : i32
        %dma_start3A_51 = tpu.memref_slice %arg17[%dma_start3A_49, %dma_start3A_50] : memref<10240x128xf32, #tpu.memory_space<vmem_shared>> -> memref<10240x128xf32, #tpu.memory_space<vmem_shared>>
        tpu.enqueue_indirect_dma source(%arg11 : memref<128x128xf32, #tpu.memory_space<vmem>>) target(%dma_start3A_51 : memref<10240x128xf32, #tpu.memory_space<vmem_shared>>) offsets(%arg9 : memref<128xi32, #tpu.memory_space<vmem>>) semaphore(%arg15 : memref<!tpu.dma_semaphore, #tpu.memory_space<semaphore_mem>>) {add = true}
        %add3A_52 = arith.constant 2 : i32
        %add3A_53 = arith.addi %add3A_28, %add3A_52 : i32
        %lt3A_54 = arith.constant 81 : i32
        %lt3A_55 = arith.cmpi slt, %add3A_53, %lt3A_54 : i32
        %convert_element_type3A_56 = arith.extui %lt3A_55 : i1 to i32
        %cond3A_57 = arith.constant 0 : i32
        %cond3A_58 = arith.cmpi ne, %convert_element_type3A_56, %cond3A_57 : i32
        scf.if %cond3A_58 {
          %add3A_59 = arith.constant 2 : i32
          %add3A_60 = arith.addi %add3A_28, %add3A_59 : i32
          %mul3A_61 = arith.constant 4096 : i32
          %mul3A_62 = arith.muli %add3A_60, %mul3A_61 : i32
          %add3A_63 = arith.addi %multiple_of3A, %mul3A_62 : i32
          %multiple_of3A_64 = tpu.assume_multiple %add3A_63, 128 : i32
          "tpu.region"() ({
            %run_scoped3A = tpu.sem_alloc : memref<!tpu.dma_semaphore, #tpu.memory_space<semaphore_mem>>
            %dma_start3A_65 = tpu.memref_slice %arg3[%multiple_of3A_64] : memref<331776xi32, #tpu.memory_space<hbm>> -> memref<128xi32, #tpu.memory_space<hbm>>
            %dma_start3A_66 = tpu.memref_slice %arg3[%multiple_of3A_64] : memref<331776xi32, #tpu.memory_space<hbm>> -> memref<128xi32, #tpu.memory_space<hbm>>
            tpu.enqueue_dma source(%dma_start3A_66 : memref<128xi32, #tpu.memory_space<hbm>>) target(%arg7 : memref<128xi32, #tpu.memory_space<vmem>>) target_semaphore(%run_scoped3A : memref<!tpu.dma_semaphore, #tpu.memory_space<semaphore_mem>>)
            %dma_wait3A_67 = tpu.memref_slice %arg3[%multiple_of3A_64] : memref<331776xi32, #tpu.memory_space<hbm>> -> memref<128xi32, #tpu.memory_space<hbm>>
            %dma_wait3A_68 = tpu.memref_slice %arg3[%multiple_of3A_64] : memref<331776xi32, #tpu.memory_space<hbm>> -> memref<128xi32, #tpu.memory_space<hbm>>
            tpu.wait_dma2 semaphore(%run_scoped3A : memref<!tpu.dma_semaphore, #tpu.memory_space<semaphore_mem>>) src(%dma_wait3A_68 : memref<128xi32, #tpu.memory_space<hbm>>) dst(%arg7 : memref<128xi32, #tpu.memory_space<vmem>>)
            tpu.yield
          }) : () -> ()
        } else {
        }
      } else {
      }
      %add3A_31 = arith.constant 1 : i32
      %add3A_32 = arith.addi %mul3A_26, %add3A_31 : i32
      %lt3A_33 = arith.constant 81 : i32
      %lt3A_34 = arith.cmpi slt, %add3A_32, %lt3A_33 : i32
      %convert_element_type3A_35 = arith.extui %lt3A_34 : i1 to i32
      %cond3A_36 = arith.constant 0 : i32
      %cond3A_37 = arith.cmpi ne, %convert_element_type3A_35, %cond3A_36 : i32
      scf.if %cond3A_37 {
        %dma_wait3A_39 = arith.constant 0 : i32
        %dma_wait3A_40 = arith.constant 0 : i32
        %dma_wait3A_41 = tpu.memref_slice %arg2[%dma_wait3A_39, %dma_wait3A_40] : memref<10240x128xf32, #tpu.memory_space<hbm>> -> memref<10240x128xf32, #tpu.memory_space<hbm>>
        tpu.wait_indirect_dma semaphore(%arg14 : memref<!tpu.dma_semaphore, #tpu.memory_space<semaphore_mem>>) src(%dma_wait3A_41 : memref<10240x128xf32, #tpu.memory_space<hbm>>) dst(%arg12 : memref<128x128xf32, #tpu.memory_space<vmem>>)
        %add3A_42 = arith.constant 1 : i32
        %add3A_43 = arith.addi %add3A_32, %add3A_42 : i32
        %lt3A_44 = arith.constant 81 : i32
        %lt3A_45 = arith.cmpi slt, %add3A_43, %lt3A_44 : i32
        %convert_element_type3A_46 = arith.extui %lt3A_45 : i1 to i32
        %cond3A_47 = arith.constant 0 : i32
        %cond3A_48 = arith.cmpi ne, %convert_element_type3A_46, %cond3A_47 : i32
        scf.if %cond3A_48 {
          %ge3A = arith.constant 1 : i32
          %ge3A_59 = arith.cmpi sge, %add3A_32, %ge3A : i32
          %convert_element_type3A_60 = arith.extui %ge3A_59 : i1 to i32
          %cond3A_61 = arith.constant 0 : i32
          %cond3A_62 = arith.cmpi ne, %convert_element_type3A_60, %cond3A_61 : i32
          scf.if %cond3A_62 {
            %dma_wait3A_72 = arith.constant 0 : i32
            %dma_wait3A_73 = arith.constant 0 : i32
            %dma_wait3A_74 = tpu.memref_slice %arg17[%dma_wait3A_72, %dma_wait3A_73] : memref<10240x128xf32, #tpu.memory_space<vmem_shared>> -> memref<10240x128xf32, #tpu.memory_space<vmem_shared>>
            tpu.wait_indirect_dma semaphore(%arg15 : memref<!tpu.dma_semaphore, #tpu.memory_space<semaphore_mem>>) src(%arg11 : memref<128x128xf32, #tpu.memory_space<vmem>>) dst(%dma_wait3A_74 : memref<10240x128xf32, #tpu.memory_space<vmem_shared>>)
          } else {
          }
          %dma_start3A_63 = arith.constant 0 : i32
          %dma_start3A_64 = arith.constant 0 : i32
          %dma_start3A_65 = tpu.memref_slice %arg2[%dma_start3A_63, %dma_start3A_64] : memref<10240x128xf32, #tpu.memory_space<hbm>> -> memref<10240x128xf32, #tpu.memory_space<hbm>>
          tpu.enqueue_indirect_dma source(%dma_start3A_65 : memref<10240x128xf32, #tpu.memory_space<hbm>>) target(%arg11 : memref<128x128xf32, #tpu.memory_space<vmem>>) offsets(%arg7 : memref<128xi32, #tpu.memory_space<vmem>>) semaphore(%arg13 : memref<!tpu.dma_semaphore, #tpu.memory_space<semaphore_mem>>)
          %add3A_66 = arith.constant 1 : i32
          %add3A_67 = arith.addi %add3A_32, %add3A_66 : i32
          %mul3A_68 = arith.constant 4096 : i32
          %mul3A_69 = arith.muli %add3A_67, %mul3A_68 : i32
          %add3A_70 = arith.addi %multiple_of3A, %mul3A_69 : i32
          %multiple_of3A_71 = tpu.assume_multiple %add3A_70, 128 : i32
          "tpu.region"() ({
            %run_scoped3A = tpu.sem_alloc : memref<!tpu.dma_semaphore, #tpu.memory_space<semaphore_mem>>
            %dma_start3A_72 = tpu.memref_slice %arg4[%multiple_of3A_71] : memref<331776xi32, #tpu.memory_space<hbm>> -> memref<128xi32, #tpu.memory_space<hbm>>
            %dma_start3A_73 = tpu.memref_slice %arg4[%multiple_of3A_71] : memref<331776xi32, #tpu.memory_space<hbm>> -> memref<128xi32, #tpu.memory_space<hbm>>
            tpu.enqueue_dma source(%dma_start3A_73 : memref<128xi32, #tpu.memory_space<hbm>>) target(%arg9 : memref<128xi32, #tpu.memory_space<vmem>>) target_semaphore(%run_scoped3A : memref<!tpu.dma_semaphore, #tpu.memory_space<semaphore_mem>>)
            %dma_wait3A_74 = tpu.memref_slice %arg4[%multiple_of3A_71] : memref<331776xi32, #tpu.memory_space<hbm>> -> memref<128xi32, #tpu.memory_space<hbm>>
            %dma_wait3A_75 = tpu.memref_slice %arg4[%multiple_of3A_71] : memref<331776xi32, #tpu.memory_space<hbm>> -> memref<128xi32, #tpu.memory_space<hbm>>
            tpu.wait_dma2 semaphore(%run_scoped3A : memref<!tpu.dma_semaphore, #tpu.memory_space<semaphore_mem>>) src(%dma_wait3A_75 : memref<128xi32, #tpu.memory_space<hbm>>) dst(%arg9 : memref<128xi32, #tpu.memory_space<vmem>>)
            tpu.yield
          }) : () -> ()
        } else {
        }
        %dma_start3A_49 = arith.constant 0 : i32
        %dma_start3A_50 = arith.constant 0 : i32
        %dma_start3A_51 = tpu.memref_slice %arg17[%dma_start3A_49, %dma_start3A_50] : memref<10240x128xf32, #tpu.memory_space<vmem_shared>> -> memref<10240x128xf32, #tpu.memory_space<vmem_shared>>
        tpu.enqueue_indirect_dma source(%arg12 : memref<128x128xf32, #tpu.memory_space<vmem>>) target(%dma_start3A_51 : memref<10240x128xf32, #tpu.memory_space<vmem_shared>>) offsets(%arg10 : memref<128xi32, #tpu.memory_space<vmem>>) semaphore(%arg16 : memref<!tpu.dma_semaphore, #tpu.memory_space<semaphore_mem>>) {add = true}
        %add3A_52 = arith.constant 2 : i32
        %add3A_53 = arith.addi %add3A_32, %add3A_52 : i32
        %lt3A_54 = arith.constant 81 : i32
        %lt3A_55 = arith.cmpi slt, %add3A_53, %lt3A_54 : i32
        %convert_element_type3A_56 = arith.extui %lt3A_55 : i1 to i32
        %cond3A_57 = arith.constant 0 : i32
        %cond3A_58 = arith.cmpi ne, %convert_element_type3A_56, %cond3A_57 : i32
        scf.if %cond3A_58 {
          %add3A_59 = arith.constant 2 : i32
          %add3A_60 = arith.addi %add3A_32, %add3A_59 : i32
          %mul3A_61 = arith.constant 4096 : i32
          %mul3A_62 = arith.muli %add3A_60, %mul3A_61 : i32
          %add3A_63 = arith.addi %multiple_of3A, %mul3A_62 : i32
          %multiple_of3A_64 = tpu.assume_multiple %add3A_63, 128 : i32
          "tpu.region"() ({
            %run_scoped3A = tpu.sem_alloc : memref<!tpu.dma_semaphore, #tpu.memory_space<semaphore_mem>>
            %dma_start3A_65 = tpu.memref_slice %arg3[%multiple_of3A_64] : memref<331776xi32, #tpu.memory_space<hbm>> -> memref<128xi32, #tpu.memory_space<hbm>>
            %dma_start3A_66 = tpu.memref_slice %arg3[%multiple_of3A_64] : memref<331776xi32, #tpu.memory_space<hbm>> -> memref<128xi32, #tpu.memory_space<hbm>>
            tpu.enqueue_dma source(%dma_start3A_66 : memref<128xi32, #tpu.memory_space<hbm>>) target(%arg8 : memref<128xi32, #tpu.memory_space<vmem>>) target_semaphore(%run_scoped3A : memref<!tpu.dma_semaphore, #tpu.memory_space<semaphore_mem>>)
            %dma_wait3A_67 = tpu.memref_slice %arg3[%multiple_of3A_64] : memref<331776xi32, #tpu.memory_space<hbm>> -> memref<128xi32, #tpu.memory_space<hbm>>
            %dma_wait3A_68 = tpu.memref_slice %arg3[%multiple_of3A_64] : memref<331776xi32, #tpu.memory_space<hbm>> -> memref<128xi32, #tpu.memory_space<hbm>>
            tpu.wait_dma2 semaphore(%run_scoped3A : memref<!tpu.dma_semaphore, #tpu.memory_space<semaphore_mem>>) src(%dma_wait3A_68 : memref<128xi32, #tpu.memory_space<hbm>>) dst(%arg8 : memref<128xi32, #tpu.memory_space<vmem>>)
            tpu.yield
          }) : () -> ()
        } else {
        }
      } else {
      }
      %scan3A_38 = arith.constant 0 : i32
      scf.yield %scan3A_38 : i32
    }
    %scan3A_15 = arith.constant 41 : i32
    %dma_wait3A = arith.constant 0 : i32
    %dma_wait3A_16 = arith.constant 0 : i32
    %dma_wait3A_17 = tpu.memref_slice %arg17[%dma_wait3A, %dma_wait3A_16] : memref<10240x128xf32, #tpu.memory_space<vmem_shared>> -> memref<10240x128xf32, #tpu.memory_space<vmem_shared>>
    tpu.wait_indirect_dma semaphore(%arg15 : memref<!tpu.dma_semaphore, #tpu.memory_space<semaphore_mem>>) src(%arg11 : memref<128x128xf32, #tpu.memory_space<vmem>>) dst(%dma_wait3A_17 : memref<10240x128xf32, #tpu.memory_space<vmem_shared>>)
    %dma_wait3A_18 = arith.constant 0 : i32
    %dma_wait3A_19 = arith.constant 0 : i32
    %dma_wait3A_20 = tpu.memref_slice %arg17[%dma_wait3A_18, %dma_wait3A_19] : memref<10240x128xf32, #tpu.memory_space<vmem_shared>> -> memref<10240x128xf32, #tpu.memory_space<vmem_shared>>
    tpu.wait_indirect_dma semaphore(%arg16 : memref<!tpu.dma_semaphore, #tpu.memory_space<semaphore_mem>>) src(%arg12 : memref<128x128xf32, #tpu.memory_space<vmem>>) dst(%dma_wait3A_20 : memref<10240x128xf32, #tpu.memory_space<vmem_shared>>)
    %barrier3A_21 = arith.constant 0 : index
    tpu.barrier barrier_id(%barrier3A_21)
    "tpu.region"() ({
      %run_scoped3A = tpu.sem_alloc : memref<!tpu.dma_semaphore, #tpu.memory_space<semaphore_mem>>
      %dma_start3A_23 = arith.constant 0 : i32
      %dma_start3A_24 = tpu.memref_slice %arg6[%arg0, %multiple_of3A_5, %dma_start3A_23] : memref<2x10240x128xf32, #tpu.memory_space<hbm>> -> memref<1x640x128xf32, #tpu.memory_space<hbm>>
      %dma_start3A_25 = tpu.memref_squeeze %dma_start3A_24 : memref<1x640x128xf32, #tpu.memory_space<hbm>> -> memref<640x128xf32, #tpu.memory_space<hbm>>
      %dma_start3A_26 = arith.constant 0 : i32
      %dma_start3A_27 = tpu.memref_slice %arg17[%multiple_of3A_5, %dma_start3A_26] : memref<10240x128xf32, #tpu.memory_space<vmem_shared>> -> memref<640x128xf32, #tpu.memory_space<vmem_shared>>
      tpu.enqueue_dma source(%dma_start3A_27 : memref<640x128xf32, #tpu.memory_space<vmem_shared>>) target(%dma_start3A_25 : memref<640x128xf32, #tpu.memory_space<hbm>>) target_semaphore(%run_scoped3A : memref<!tpu.dma_semaphore, #tpu.memory_space<semaphore_mem>>)
      %dma_wait3A_28 = arith.constant 0 : i32
      %dma_wait3A_29 = tpu.memref_slice %arg6[%arg0, %multiple_of3A_5, %dma_wait3A_28] : memref<2x10240x128xf32, #tpu.memory_space<hbm>> -> memref<1x640x128xf32, #tpu.memory_space<hbm>>
      %dma_wait3A_30 = tpu.memref_squeeze %dma_wait3A_29 : memref<1x640x128xf32, #tpu.memory_space<hbm>> -> memref<640x128xf32, #tpu.memory_space<hbm>>
      %dma_wait3A_31 = arith.constant 0 : i32
      %dma_wait3A_32 = tpu.memref_slice %arg17[%multiple_of3A_5, %dma_wait3A_31] : memref<10240x128xf32, #tpu.memory_space<vmem_shared>> -> memref<640x128xf32, #tpu.memory_space<vmem_shared>>
      tpu.wait_dma2 semaphore(%run_scoped3A : memref<!tpu.dma_semaphore, #tpu.memory_space<semaphore_mem>>) src(%dma_wait3A_32 : memref<640x128xf32, #tpu.memory_space<vmem_shared>>) dst(%dma_wait3A_30 : memref<640x128xf32, #tpu.memory_space<hbm>>)
      tpu.yield
    }) : () -> ()
    %barrier3A_22 = arith.constant 0 : index
    tpu.barrier barrier_id(%barrier3A_22)
    return
  }
}

module attributes {stable_mosaic.version = 14 : i64} {
  func.func @_dinv_body(%arg0: i32, %arg1: memref<2x2048x128xf32, #tpu.memory_space<vmem>>, %arg2: memref<2048x128xf32, #tpu.memory_space<vmem>>) attributes {dimension_semantics = [#tpu.dimension_semantics<arbitrary>], iteration_bounds = array<i64: 5>, scalar_prefetch = 0 : i64, scratch_operands = 0 : i64, tpu.core_type = #tpu.core_type<tc>, window_params = [{transform_indices = @transform_0, window_bounds = array<i64: 2, 2048, 128>}, {transform_indices = @transform_1, window_bounds = array<i64: 2048, 128>}]} {
    %get3A = arith.constant 0 : index
    %get3A_0 = arith.constant 0 : index
    %get3A_1 = arith.constant 0 : index
    %get3A_2 = vector.load %arg1[%get3A, %get3A_0, %get3A_1] : memref<2x2048x128xf32, #tpu.memory_space<vmem>>, vector<1x2048x128xf32>
    %get3A_3 = vector.shape_cast %get3A_2 : vector<1x2048x128xf32> to vector<2048x128xf32>
    %get3A_4 = arith.constant 1 : index
    %get3A_5 = arith.constant 0 : index
    %get3A_6 = arith.constant 0 : index
    %get3A_7 = vector.load %arg1[%get3A_4, %get3A_5, %get3A_6] : memref<2x2048x128xf32, #tpu.memory_space<vmem>>, vector<1x2048x128xf32>
    %get3A_8 = vector.shape_cast %get3A_7 : vector<1x2048x128xf32> to vector<2048x128xf32>
    %add3A = arith.addf %get3A_3, %get3A_8 : vector<2048x128xf32>
    %gt3A = arith.constant 0.000000e+00 : f32
    %gt3A_9 = vector.broadcast %gt3A : f32 to vector<2048x128xf32>
    %gt3A_10 = arith.cmpf ogt, %add3A, %gt3A_9 : vector<2048x128xf32>
    %rsqrt3A = math.rsqrt %add3A : vector<2048x128xf32>
    %jit3A = arith.constant 0.000000e+00 : f32
    %broadcast_in_dim3A = vector.broadcast %jit3A : f32 to vector<2048x128xf32>
    %select_n3A = arith.select %gt3A_10, %rsqrt3A, %broadcast_in_dim3A : vector<2048x128xi1>, vector<2048x128xf32>
    %swap3A = arith.constant 0 : index
    %swap3A_11 = arith.constant 0 : index
    %swap3A_12 = vector.load %arg2[%swap3A, %swap3A_11] : memref<2048x128xf32, #tpu.memory_space<vmem>>, vector<2048x128xf32>
    tpu.vector_store %arg2[%swap3A, %swap3A_11], %select_n3A {strides = array<i32>} : memref<2048x128xf32, #tpu.memory_space<vmem>>, vector<2048x128xf32>,
    return
  }
  func.func @transform_0(%arg0: i32) -> (i32, i32, i32) {
    %c0_i32 = arith.constant 0 : i32
    %c0_i32_0 = arith.constant 0 : i32
    %c0_i32_1 = arith.constant 0 : i32
    return %c0_i32, %arg0, %c0_i32_0 : i32, i32, i32
  }
  func.func @transform_1(%arg0: i32) -> (i32, i32) {
    %c0_i32 = arith.constant 0 : i32
    %c0_i32_0 = arith.constant 0 : i32
    return %arg0, %c0_i32 : i32, i32
  }
}

module attributes {stable_mosaic.version = 14 : i64} {
  func.func @_mm_body(%arg0: i32, %arg1: memref<2048x128xf32, #tpu.memory_space<vmem>>, %arg2: memref<128x128xf32, #tpu.memory_space<vmem>>, %arg3: memref<2048x128xf32, #tpu.memory_space<vmem>>, %arg4: memref<1x2048x128xf32, #tpu.memory_space<vmem>>) attributes {dimension_semantics = [#tpu.dimension_semantics<arbitrary>], iteration_bounds = array<i64: 5>, scalar_prefetch = 0 : i64, scratch_operands = 0 : i64, tpu.core_type = #tpu.core_type<tc>, window_params = [{transform_indices = @transform_0, window_bounds = array<i64: 2048, 128>}, {pipeline_mode = #tpu.pipeline_mode<synchronous>, transform_indices = @transform_1, window_bounds = array<i64: 128, 128>}, {transform_indices = @transform_2, window_bounds = array<i64: 2048, 128>}, {transform_indices = @transform_3, window_bounds = array<i64: 1, 2048, 128>}]} {
    %get3A = arith.constant 0 : index
    %get3A_0 = arith.constant 0 : index
    %get3A_1 = vector.load %arg1[%get3A, %get3A_0] : memref<2048x128xf32, #tpu.memory_space<vmem>>, vector<2048x128xf32>
    %get3A_2 = arith.constant 0 : index
    %get3A_3 = arith.constant 0 : index
    %get3A_4 = vector.load %arg2[%get3A_2, %get3A_3] : memref<128x128xf32, #tpu.memory_space<vmem>>, vector<128x128xf32>
    %dot_general3A = arith.constant dense<0.000000e+00> : vector<2048x128xf32>
    %dot_general3A_5 = tpu.matmul %get3A_1, %get3A_4, %dot_general3A {dimension_numbers = #tpu.dot_dimension_numbers<[1], [0], [0], [1], [0, 0, 1, 1], [], []>, precision = #tpu.contract_precision<fp32>, transpose_lhs_hint = false} : vector<2048x128xf32>, vector<128x128xf32>, vector<2048x128xf32> -> vector<2048x128xf32>
    %get3A_6 = arith.constant 0 : index
    %get3A_7 = arith.constant 0 : index
    %get3A_8 = vector.load %arg3[%get3A_6, %get3A_7] : memref<2048x128xf32, #tpu.memory_space<vmem>>, vector<2048x128xf32>
    %mul3A = arith.mulf %dot_general3A_5, %get3A_8 : vector<2048x128xf32>
    %swap3A = arith.constant 0 : index
    %swap3A_9 = arith.constant 0 : index
    %swap3A_10 = arith.constant 0 : index
    %swap3A_11 = vector.load %arg4[%swap3A, %swap3A_9, %swap3A_10] : memref<1x2048x128xf32, #tpu.memory_space<vmem>>, vector<1x2048x128xf32>
    %swap3A_12 = vector.shape_cast %swap3A_11 : vector<1x2048x128xf32> to vector<2048x128xf32>
    %swap3A_13 = vector.shape_cast %mul3A : vector<2048x128xf32> to vector<1x2048x128xf32>
    tpu.vector_store %arg4[%swap3A, %swap3A_9, %swap3A_10], %swap3A_13 {strides = array<i32>} : memref<1x2048x128xf32, #tpu.memory_space<vmem>>, vector<1x2048x128xf32>,
    return
  }
  func.func @transform_0(%arg0: i32) -> (i32, i32) {
    %c0_i32 = arith.constant 0 : i32
    %c0_i32_0 = arith.constant 0 : i32
    return %arg0, %c0_i32 : i32, i32
  }
  func.func @transform_1(%arg0: i32) -> (i32, i32) {
    %c0_i32 = arith.constant 0 : i32
    %c0_i32_0 = arith.constant 0 : i32
    %c0_i32_1 = arith.constant 0 : i32
    return %c0_i32, %c0_i32_0 : i32, i32
  }
  func.func @transform_2(%arg0: i32) -> (i32, i32) {
    %c0_i32 = arith.constant 0 : i32
    %c0_i32_0 = arith.constant 0 : i32
    return %arg0, %c0_i32 : i32, i32
  }
  func.func @transform_3(%arg0: i32) -> (i32, i32, i32) {
    %c0_i32 = arith.constant 0 : i32
    %c0_i32_0 = arith.constant 0 : i32
    %c0_i32_1 = arith.constant 0 : i32
    return %c0_i32, %arg0, %c0_i32_0 : i32, i32, i32
  }
}

module attributes {stable_mosaic.version = 14 : i64} {
  func.func @_epi_body(%arg0: i32, %arg1: memref<2x2048x128xf32, #tpu.memory_space<vmem>>, %arg2: memref<1x128xf32, #tpu.memory_space<vmem>>, %arg3: memref<2048x128xf32, #tpu.memory_space<vmem>>, %arg4: memref<2048x128xf32, #tpu.memory_space<vmem>>) attributes {dimension_semantics = [#tpu.dimension_semantics<arbitrary>], iteration_bounds = array<i64: 5>, scalar_prefetch = 0 : i64, scratch_operands = 0 : i64, tpu.core_type = #tpu.core_type<tc>, window_params = [{transform_indices = @transform_0, window_bounds = array<i64: 2, 2048, 128>}, {pipeline_mode = #tpu.pipeline_mode<synchronous>, transform_indices = @transform_1, window_bounds = array<i64: 1, 128>}, {transform_indices = @transform_2, window_bounds = array<i64: 2048, 128>}, {transform_indices = @transform_3, window_bounds = array<i64: 2048, 128>}]} {
    %get3A = arith.constant 0 : index
    %get3A_0 = arith.constant 0 : index
    %get3A_1 = vector.load %arg3[%get3A, %get3A_0] : memref<2048x128xf32, #tpu.memory_space<vmem>>, vector<2048x128xf32>
    %get3A_2 = arith.constant 0 : index
    %get3A_3 = arith.constant 0 : index
    %get3A_4 = arith.constant 0 : index
    %get3A_5 = vector.load %arg1[%get3A_2, %get3A_3, %get3A_4] : memref<2x2048x128xf32, #tpu.memory_space<vmem>>, vector<1x2048x128xf32>
    %get3A_6 = vector.shape_cast %get3A_5 : vector<1x2048x128xf32> to vector<2048x128xf32>
    %get3A_7 = arith.constant 1 : index
    %get3A_8 = arith.constant 0 : index
    %get3A_9 = arith.constant 0 : index
    %get3A_10 = vector.load %arg1[%get3A_7, %get3A_8, %get3A_9] : memref<2x2048x128xf32, #tpu.memory_space<vmem>>, vector<1x2048x128xf32>
    %get3A_11 = vector.shape_cast %get3A_10 : vector<1x2048x128xf32> to vector<2048x128xf32>
    %add3A = arith.addf %get3A_6, %get3A_11 : vector<2048x128xf32>
    %mul3A = arith.mulf %get3A_1, %add3A : vector<2048x128xf32>
    %get3A_12 = arith.constant 0 : index
    %get3A_13 = arith.constant 0 : index
    %get3A_14 = vector.load %arg2[%get3A_12, %get3A_13] : memref<1x128xf32, #tpu.memory_space<vmem>>, vector<1x128xf32>
    %get3A_15 = vector.shape_cast %get3A_14 : vector<1x128xf32> to vector<128xf32>
    %broadcast_in_dim3A = vector.shape_cast %get3A_15 : vector<128xf32> to vector<1x128xf32>
    %add3A_16 = vector.broadcast %broadcast_in_dim3A : vector<1x128xf32> to vector<2048x128xf32>
    %add3A_17 = arith.addf %mul3A, %add3A_16 : vector<2048x128xf32>
    %max3A = arith.constant 0.000000e+00 : f32
    %max3A_18 = vector.broadcast %max3A : f32 to vector<2048x128xf32>
    %max3A_19 = arith.maximumf %add3A_17, %max3A_18 : vector<2048x128xf32>
    %swap3A = arith.constant 0 : index
    %swap3A_20 = arith.constant 0 : index
    %swap3A_21 = vector.load %arg4[%swap3A, %swap3A_20] : memref<2048x128xf32, #tpu.memory_space<vmem>>, vector<2048x128xf32>
    tpu.vector_store %arg4[%swap3A, %swap3A_20], %max3A_19 {strides = array<i32>} : memref<2048x128xf32, #tpu.memory_space<vmem>>, vector<2048x128xf32>,
    return
  }
  func.func @transform_0(%arg0: i32) -> (i32, i32, i32) {
    %c0_i32 = arith.constant 0 : i32
    %c0_i32_0 = arith.constant 0 : i32
    %c0_i32_1 = arith.constant 0 : i32
    return %c0_i32, %arg0, %c0_i32_0 : i32, i32, i32
  }
  func.func @transform_1(%arg0: i32) -> (i32, i32) {
    %c0_i32 = arith.constant 0 : i32
    %c0_i32_0 = arith.constant 0 : i32
    %c0_i32_1 = arith.constant 0 : i32
    return %c0_i32, %c0_i32_0 : i32, i32
  }
  func.func @transform_2(%arg0: i32) -> (i32, i32) {
    %c0_i32 = arith.constant 0 : i32
    %c0_i32_0 = arith.constant 0 : i32
    return %arg0, %c0_i32 : i32, i32
  }
  func.func @transform_3(%arg0: i32) -> (i32, i32) {
    %c0_i32 = arith.constant 0 : i32
    %c0_i32_0 = arith.constant 0 : i32
    return %arg0, %c0_i32 : i32, i32
  }
}

module attributes {stable_mosaic.version = 14 : i64} {
  func.func @_mm_body(%arg0: i32, %arg1: memref<2048x128xf32, #tpu.memory_space<vmem>>, %arg2: memref<128x256xf32, #tpu.memory_space<vmem>>, %arg3: memref<2048x128xf32, #tpu.memory_space<vmem>>, %arg4: memref<2x2048x128xf32, #tpu.memory_space<vmem>>) attributes {dimension_semantics = [#tpu.dimension_semantics<arbitrary>], iteration_bounds = array<i64: 5>, scalar_prefetch = 0 : i64, scratch_operands = 0 : i64, tpu.core_type = #tpu.core_type<tc>, window_params = [{transform_indices = @transform_0, window_bounds = array<i64: 2048, 128>}, {pipeline_mode = #tpu.pipeline_mode<synchronous>, transform_indices = @transform_1, window_bounds = array<i64: 128, 256>}, {transform_indices = @transform_2, window_bounds = array<i64: 2048, 128>}, {transform_indices = @transform_3, window_bounds = array<i64: 2, 2048, 128>}]} {
    %get3A = arith.constant 0 : index
    %get3A_0 = arith.constant 0 : index
    %get3A_1 = vector.load %arg1[%get3A, %get3A_0] : memref<2048x128xf32, #tpu.memory_space<vmem>>, vector<2048x128xf32>
    %get3A_2 = arith.constant 0 : index
    %get3A_3 = arith.constant 0 : index
    %get3A_4 = vector.load %arg2[%get3A_2, %get3A_3] : memref<128x256xf32, #tpu.memory_space<vmem>>, vector<128x256xf32>
    %dot_general3A = arith.constant dense<0.000000e+00> : vector<2048x256xf32>
    %dot_general3A_5 = tpu.matmul %get3A_1, %get3A_4, %dot_general3A {dimension_numbers = #tpu.dot_dimension_numbers<[1], [0], [0], [1], [0, 0, 1, 1], [], []>, precision = #tpu.contract_precision<fp32>, transpose_lhs_hint = false} : vector<2048x128xf32>, vector<128x256xf32>, vector<2048x256xf32> -> vector<2048x256xf32>
    %get3A_6 = arith.constant 0 : index
    %get3A_7 = arith.constant 0 : index
    %get3A_8 = vector.load %arg3[%get3A_6, %get3A_7] : memref<2048x128xf32, #tpu.memory_space<vmem>>, vector<2048x128xf32>
    %slice3A = vector.extract_strided_slice %dot_general3A_5 {offsets = [0, 0], sizes = [2048, 128], strides = [1, 1]} : vector<2048x256xf32> to vector<2048x128xf32>
    %mul3A = arith.mulf %slice3A, %get3A_8 : vector<2048x128xf32>
    %swap3A = arith.constant 0 : index
    %swap3A_9 = arith.constant 0 : index
    %swap3A_10 = arith.constant 0 : index
    %swap3A_11 = vector.load %arg4[%swap3A, %swap3A_9, %swap3A_10] : memref<2x2048x128xf32, #tpu.memory_space<vmem>>, vector<1x2048x128xf32>
    %swap3A_12 = vector.shape_cast %swap3A_11 : vector<1x2048x128xf32> to vector<2048x128xf32>
    %swap3A_13 = vector.shape_cast %mul3A : vector<2048x128xf32> to vector<1x2048x128xf32>
    tpu.vector_store %arg4[%swap3A, %swap3A_9, %swap3A_10], %swap3A_13 {strides = array<i32>} : memref<2x2048x128xf32, #tpu.memory_space<vmem>>, vector<1x2048x128xf32>,
    %slice3A_14 = vector.extract_strided_slice %dot_general3A_5 {offsets = [0, 128], sizes = [2048, 128], strides = [1, 1]} : vector<2048x256xf32> to vector<2048x128xf32>
    %mul3A_15 = arith.mulf %slice3A_14, %get3A_8 : vector<2048x128xf32>
    %swap3A_16 = arith.constant 1 : index
    %swap3A_17 = arith.constant 0 : index
    %swap3A_18 = arith.constant 0 : index
    %swap3A_19 = vector.load %arg4[%swap3A_16, %swap3A_17, %swap3A_18] : memref<2x2048x128xf32, #tpu.memory_space<vmem>>, vector<1x2048x128xf32>
    %swap3A_20 = vector.shape_cast %swap3A_19 : vector<1x2048x128xf32> to vector<2048x128xf32>
    %swap3A_21 = vector.shape_cast %mul3A_15 : vector<2048x128xf32> to vector<1x2048x128xf32>
    tpu.vector_store %arg4[%swap3A_16, %swap3A_17, %swap3A_18], %swap3A_21 {strides = array<i32>} : memref<2x2048x128xf32, #tpu.memory_space<vmem>>, vector<1x2048x128xf32>,
    return
  }
  func.func @transform_0(%arg0: i32) -> (i32, i32) {
    %c0_i32 = arith.constant 0 : i32
    %c0_i32_0 = arith.constant 0 : i32
    return %arg0, %c0_i32 : i32, i32
  }
  func.func @transform_1(%arg0: i32) -> (i32, i32) {
    %c0_i32 = arith.constant 0 : i32
    %c0_i32_0 = arith.constant 0 : i32
    %c0_i32_1 = arith.constant 0 : i32
    return %c0_i32, %c0_i32_0 : i32, i32
  }
  func.func @transform_2(%arg0: i32) -> (i32, i32) {
    %c0_i32 = arith.constant 0 : i32
    %c0_i32_0 = arith.constant 0 : i32
    return %arg0, %c0_i32 : i32, i32
  }
  func.func @transform_3(%arg0: i32) -> (i32, i32, i32) {
    %c0_i32 = arith.constant 0 : i32
    %c0_i32_0 = arith.constant 0 : i32
    %c0_i32_1 = arith.constant 0 : i32
    return %c0_i32, %arg0, %c0_i32_0 : i32, i32, i32
  }
}

module attributes {stable_mosaic.version = 14 : i64} {
  func.func @_epi_body(%arg0: i32, %arg1: memref<2x2048x128xf32, #tpu.memory_space<vmem>>, %arg2: memref<2x2048x128xf32, #tpu.memory_space<vmem>>, %arg3: memref<1x256xf32, #tpu.memory_space<vmem>>, %arg4: memref<2048x128xf32, #tpu.memory_space<vmem>>, %arg5: memref<2048x256xf32, #tpu.memory_space<vmem>>) attributes {dimension_semantics = [#tpu.dimension_semantics<arbitrary>], iteration_bounds = array<i64: 5>, scalar_prefetch = 0 : i64, scratch_operands = 0 : i64, tpu.core_type = #tpu.core_type<tc>, window_params = [{transform_indices = @transform_0, window_bounds = array<i64: 2, 2048, 128>}, {transform_indices = @transform_1, window_bounds = array<i64: 2, 2048, 128>}, {pipeline_mode = #tpu.pipeline_mode<synchronous>, transform_indices = @transform_2, window_bounds = array<i64: 1, 256>}, {transform_indices = @transform_3, window_bounds = array<i64: 2048, 128>}, {transform_indices = @transform_4, window_bounds = array<i64: 2048, 256>}]} {
    %get3A = arith.constant 0 : index
    %get3A_0 = arith.constant 0 : index
    %get3A_1 = vector.load %arg4[%get3A, %get3A_0] : memref<2048x128xf32, #tpu.memory_space<vmem>>, vector<2048x128xf32>
    %get3A_2 = arith.constant 0 : index
    %get3A_3 = arith.constant 0 : index
    %get3A_4 = arith.constant 0 : index
    %get3A_5 = vector.load %arg1[%get3A_2, %get3A_3, %get3A_4] : memref<2x2048x128xf32, #tpu.memory_space<vmem>>, vector<1x2048x128xf32>
    %get3A_6 = vector.shape_cast %get3A_5 : vector<1x2048x128xf32> to vector<2048x128xf32>
    %get3A_7 = arith.constant 1 : index
    %get3A_8 = arith.constant 0 : index
    %get3A_9 = arith.constant 0 : index
    %get3A_10 = vector.load %arg1[%get3A_7, %get3A_8, %get3A_9] : memref<2x2048x128xf32, #tpu.memory_space<vmem>>, vector<1x2048x128xf32>
    %get3A_11 = vector.shape_cast %get3A_10 : vector<1x2048x128xf32> to vector<2048x128xf32>
    %add3A = arith.addf %get3A_6, %get3A_11 : vector<2048x128xf32>
    %mul3A = arith.mulf %get3A_1, %add3A : vector<2048x128xf32>
    %get3A_12 = arith.constant 0 : index
    %get3A_13 = arith.constant 0 : index
    %get3A_14 = vector.load %arg3[%get3A_12, %get3A_13] : memref<1x256xf32, #tpu.memory_space<vmem>>, vector<1x128xf32>
    %get3A_15 = vector.shape_cast %get3A_14 : vector<1x128xf32> to vector<128xf32>
    %broadcast_in_dim3A = vector.shape_cast %get3A_15 : vector<128xf32> to vector<1x128xf32>
    %add3A_16 = vector.broadcast %broadcast_in_dim3A : vector<1x128xf32> to vector<2048x128xf32>
    %add3A_17 = arith.addf %mul3A, %add3A_16 : vector<2048x128xf32>
    %max3A = arith.constant 0.000000e+00 : f32
    %max3A_18 = vector.broadcast %max3A : f32 to vector<2048x128xf32>
    %max3A_19 = arith.maximumf %add3A_17, %max3A_18 : vector<2048x128xf32>
    %swap3A = arith.constant 0 : index
    %swap3A_20 = arith.constant 0 : index
    %swap3A_21 = vector.load %arg5[%swap3A, %swap3A_20] : memref<2048x256xf32, #tpu.memory_space<vmem>>, vector<2048x128xf32>
    tpu.vector_store %arg5[%swap3A, %swap3A_20], %max3A_19 {strides = array<i32>} : memref<2048x256xf32, #tpu.memory_space<vmem>>, vector<2048x128xf32>,
    %get3A_22 = arith.constant 0 : index
    %get3A_23 = arith.constant 0 : index
    %get3A_24 = arith.constant 0 : index
    %get3A_25 = vector.load %arg2[%get3A_22, %get3A_23, %get3A_24] : memref<2x2048x128xf32, #tpu.memory_space<vmem>>, vector<1x2048x128xf32>
    %get3A_26 = vector.shape_cast %get3A_25 : vector<1x2048x128xf32> to vector<2048x128xf32>
    %get3A_27 = arith.constant 1 : index
    %get3A_28 = arith.constant 0 : index
    %get3A_29 = arith.constant 0 : index
    %get3A_30 = vector.load %arg2[%get3A_27, %get3A_28, %get3A_29] : memref<2x2048x128xf32, #tpu.memory_space<vmem>>, vector<1x2048x128xf32>
    %get3A_31 = vector.shape_cast %get3A_30 : vector<1x2048x128xf32> to vector<2048x128xf32>
    %add3A_32 = arith.addf %get3A_26, %get3A_31 : vector<2048x128xf32>
    %mul3A_33 = arith.mulf %get3A_1, %add3A_32 : vector<2048x128xf32>
    %get3A_34 = arith.constant 0 : index
    %get3A_35 = arith.constant 128 : index
    %get3A_36 = vector.load %arg3[%get3A_34, %get3A_35] : memref<1x256xf32, #tpu.memory_space<vmem>>, vector<1x128xf32>
    %get3A_37 = vector.shape_cast %get3A_36 : vector<1x128xf32> to vector<128xf32>
    %broadcast_in_dim3A_38 = vector.shape_cast %get3A_37 : vector<128xf32> to vector<1x128xf32>
    %add3A_39 = vector.broadcast %broadcast_in_dim3A_38 : vector<1x128xf32> to vector<2048x128xf32>
    %add3A_40 = arith.addf %mul3A_33, %add3A_39 : vector<2048x128xf32>
    %max3A_41 = arith.constant 0.000000e+00 : f32
    %max3A_42 = vector.broadcast %max3A_41 : f32 to vector<2048x128xf32>
    %max3A_43 = arith.maximumf %add3A_40, %max3A_42 : vector<2048x128xf32>
    %swap3A_44 = arith.constant 0 : index
    %swap3A_45 = arith.constant 128 : index
    %swap3A_46 = vector.load %arg5[%swap3A_44, %swap3A_45] : memref<2048x256xf32, #tpu.memory_space<vmem>>, vector<2048x128xf32>
    tpu.vector_store %arg5[%swap3A_44, %swap3A_45], %max3A_43 {strides = array<i32>} : memref<2048x256xf32, #tpu.memory_space<vmem>>, vector<2048x128xf32>,
    return
  }
  func.func @transform_0(%arg0: i32) -> (i32, i32, i32) {
    %c0_i32 = arith.constant 0 : i32
    %c0_i32_0 = arith.constant 0 : i32
    %c0_i32_1 = arith.constant 0 : i32
    return %c0_i32, %arg0, %c0_i32_0 : i32, i32, i32
  }
  func.func @transform_1(%arg0: i32) -> (i32, i32, i32) {
    %c0_i32 = arith.constant 0 : i32
    %c0_i32_0 = arith.constant 0 : i32
    %c0_i32_1 = arith.constant 0 : i32
    return %c0_i32, %arg0, %c0_i32_0 : i32, i32, i32
  }
  func.func @transform_2(%arg0: i32) -> (i32, i32) {
    %c0_i32 = arith.constant 0 : i32
    %c0_i32_0 = arith.constant 0 : i32
    %c0_i32_1 = arith.constant 0 : i32
    return %c0_i32, %c0_i32_0 : i32, i32
  }
  func.func @transform_3(%arg0: i32) -> (i32, i32) {
    %c0_i32 = arith.constant 0 : i32
    %c0_i32_0 = arith.constant 0 : i32
    return %arg0, %c0_i32 : i32, i32
  }
  func.func @transform_4(%arg0: i32) -> (i32, i32) {
    %c0_i32 = arith.constant 0 : i32
    %c0_i32_0 = arith.constant 0 : i32
    return %arg0, %c0_i32 : i32, i32
  }
}

module attributes {stable_mosaic.version = 14 : i64} {
  func.func @_mm_body(%arg0: i32, %arg1: memref<2048x256xf32, #tpu.memory_space<vmem>>, %arg2: memref<256x512xf32, #tpu.memory_space<vmem>>, %arg3: memref<2048x128xf32, #tpu.memory_space<vmem>>, %arg4: memref<4x2048x128xf32, #tpu.memory_space<vmem>>) attributes {dimension_semantics = [#tpu.dimension_semantics<arbitrary>], iteration_bounds = array<i64: 5>, scalar_prefetch = 0 : i64, scratch_operands = 0 : i64, tpu.core_type = #tpu.core_type<tc>, window_params = [{transform_indices = @transform_0, window_bounds = array<i64: 2048, 256>}, {pipeline_mode = #tpu.pipeline_mode<synchronous>, transform_indices = @transform_1, window_bounds = array<i64: 256, 512>}, {transform_indices = @transform_2, window_bounds = array<i64: 2048, 128>}, {transform_indices = @transform_3, window_bounds = array<i64: 4, 2048, 128>}]} {
    %get3A = arith.constant 0 : index
    %get3A_0 = arith.constant 0 : index
    %get3A_1 = vector.load %arg1[%get3A, %get3A_0] : memref<2048x256xf32, #tpu.memory_space<vmem>>, vector<2048x256xf32>
    %get3A_2 = arith.constant 0 : index
    %get3A_3 = arith.constant 0 : index
    %get3A_4 = vector.load %arg2[%get3A_2, %get3A_3] : memref<256x512xf32, #tpu.memory_space<vmem>>, vector<256x512xf32>
    %dot_general3A = arith.constant dense<0.000000e+00> : vector<2048x512xf32>
    %dot_general3A_5 = tpu.matmul %get3A_1, %get3A_4, %dot_general3A {dimension_numbers = #tpu.dot_dimension_numbers<[1], [0], [0], [1], [0, 0, 1, 1], [], []>, precision = #tpu.contract_precision<fp32>, transpose_lhs_hint = false} : vector<2048x256xf32>, vector<256x512xf32>, vector<2048x512xf32> -> vector<2048x512xf32>
    %get3A_6 = arith.constant 0 : index
    %get3A_7 = arith.constant 0 : index
    %get3A_8 = vector.load %arg3[%get3A_6, %get3A_7] : memref<2048x128xf32, #tpu.memory_space<vmem>>, vector<2048x128xf32>
    %slice3A = vector.extract_strided_slice %dot_general3A_5 {offsets = [0, 0], sizes = [2048, 128], strides = [1, 1]} : vector<2048x512xf32> to vector<2048x128xf32>
    %mul3A = arith.mulf %slice3A, %get3A_8 : vector<2048x128xf32>
    %swap3A = arith.constant 0 : index
    %swap3A_9 = arith.constant 0 : index
    %swap3A_10 = arith.constant 0 : index
    %swap3A_11 = vector.load %arg4[%swap3A, %swap3A_9, %swap3A_10] : memref<4x2048x128xf32, #tpu.memory_space<vmem>>, vector<1x2048x128xf32>
    %swap3A_12 = vector.shape_cast %swap3A_11 : vector<1x2048x128xf32> to vector<2048x128xf32>
    %swap3A_13 = vector.shape_cast %mul3A : vector<2048x128xf32> to vector<1x2048x128xf32>
    tpu.vector_store %arg4[%swap3A, %swap3A_9, %swap3A_10], %swap3A_13 {strides = array<i32>} : memref<4x2048x128xf32, #tpu.memory_space<vmem>>, vector<1x2048x128xf32>,
    %slice3A_14 = vector.extract_strided_slice %dot_general3A_5 {offsets = [0, 128], sizes = [2048, 128], strides = [1, 1]} : vector<2048x512xf32> to vector<2048x128xf32>
    %mul3A_15 = arith.mulf %slice3A_14, %get3A_8 : vector<2048x128xf32>
    %swap3A_16 = arith.constant 1 : index
    %swap3A_17 = arith.constant 0 : index
    %swap3A_18 = arith.constant 0 : index
    %swap3A_19 = vector.load %arg4[%swap3A_16, %swap3A_17, %swap3A_18] : memref<4x2048x128xf32, #tpu.memory_space<vmem>>, vector<1x2048x128xf32>
    %swap3A_20 = vector.shape_cast %swap3A_19 : vector<1x2048x128xf32> to vector<2048x128xf32>
    %swap3A_21 = vector.shape_cast %mul3A_15 : vector<2048x128xf32> to vector<1x2048x128xf32>
    tpu.vector_store %arg4[%swap3A_16, %swap3A_17, %swap3A_18], %swap3A_21 {strides = array<i32>} : memref<4x2048x128xf32, #tpu.memory_space<vmem>>, vector<1x2048x128xf32>,
    %slice3A_22 = vector.extract_strided_slice %dot_general3A_5 {offsets = [0, 256], sizes = [2048, 128], strides = [1, 1]} : vector<2048x512xf32> to vector<2048x128xf32>
    %mul3A_23 = arith.mulf %slice3A_22, %get3A_8 : vector<2048x128xf32>
    %swap3A_24 = arith.constant 2 : index
    %swap3A_25 = arith.constant 0 : index
    %swap3A_26 = arith.constant 0 : index
    %swap3A_27 = vector.load %arg4[%swap3A_24, %swap3A_25, %swap3A_26] : memref<4x2048x128xf32, #tpu.memory_space<vmem>>, vector<1x2048x128xf32>
    %swap3A_28 = vector.shape_cast %swap3A_27 : vector<1x2048x128xf32> to vector<2048x128xf32>
    %swap3A_29 = vector.shape_cast %mul3A_23 : vector<2048x128xf32> to vector<1x2048x128xf32>
    tpu.vector_store %arg4[%swap3A_24, %swap3A_25, %swap3A_26], %swap3A_29 {strides = array<i32>} : memref<4x2048x128xf32, #tpu.memory_space<vmem>>, vector<1x2048x128xf32>,
    %slice3A_30 = vector.extract_strided_slice %dot_general3A_5 {offsets = [0, 384], sizes = [2048, 128], strides = [1, 1]} : vector<2048x512xf32> to vector<2048x128xf32>
    %mul3A_31 = arith.mulf %slice3A_30, %get3A_8 : vector<2048x128xf32>
    %swap3A_32 = arith.constant 3 : index
    %swap3A_33 = arith.constant 0 : index
    %swap3A_34 = arith.constant 0 : index
    %swap3A_35 = vector.load %arg4[%swap3A_32, %swap3A_33, %swap3A_34] : memref<4x2048x128xf32, #tpu.memory_space<vmem>>, vector<1x2048x128xf32>
    %swap3A_36 = vector.shape_cast %swap3A_35 : vector<1x2048x128xf32> to vector<2048x128xf32>
    %swap3A_37 = vector.shape_cast %mul3A_31 : vector<2048x128xf32> to vector<1x2048x128xf32>
    tpu.vector_store %arg4[%swap3A_32, %swap3A_33, %swap3A_34], %swap3A_37 {strides = array<i32>} : memref<4x2048x128xf32, #tpu.memory_space<vmem>>, vector<1x2048x128xf32>,
    return
  }
  func.func @transform_0(%arg0: i32) -> (i32, i32) {
    %c0_i32 = arith.constant 0 : i32
    %c0_i32_0 = arith.constant 0 : i32
    return %arg0, %c0_i32 : i32, i32
  }
  func.func @transform_1(%arg0: i32) -> (i32, i32) {
    %c0_i32 = arith.constant 0 : i32
    %c0_i32_0 = arith.constant 0 : i32
    %c0_i32_1 = arith.constant 0 : i32
    return %c0_i32, %c0_i32_0 : i32, i32
  }
  func.func @transform_2(%arg0: i32) -> (i32, i32) {
    %c0_i32 = arith.constant 0 : i32
    %c0_i32_0 = arith.constant 0 : i32
    return %arg0, %c0_i32 : i32, i32
  }
  func.func @transform_3(%arg0: i32) -> (i32, i32, i32) {
    %c0_i32 = arith.constant 0 : i32
    %c0_i32_0 = arith.constant 0 : i32
    %c0_i32_1 = arith.constant 0 : i32
    return %c0_i32, %arg0, %c0_i32_0 : i32, i32, i32
  }
}

module attributes {stable_mosaic.version = 14 : i64} {
  func.func @_epi_body(%arg0: i32, %arg1: memref<2x2048x128xf32, #tpu.memory_space<vmem>>, %arg2: memref<2x2048x128xf32, #tpu.memory_space<vmem>>, %arg3: memref<2x2048x128xf32, #tpu.memory_space<vmem>>, %arg4: memref<2x2048x128xf32, #tpu.memory_space<vmem>>, %arg5: memref<1x512xf32, #tpu.memory_space<vmem>>, %arg6: memref<2048x128xf32, #tpu.memory_space<vmem>>, %arg7: memref<2048x512xf32, #tpu.memory_space<vmem>>) attributes {dimension_semantics = [#tpu.dimension_semantics<arbitrary>], iteration_bounds = array<i64: 5>, scalar_prefetch = 0 : i64, scratch_operands = 0 : i64, tpu.core_type = #tpu.core_type<tc>, window_params = [{transform_indices = @transform_0, window_bounds = array<i64: 2, 2048, 128>}, {transform_indices = @transform_1, window_bounds = array<i64: 2, 2048, 128>}, {transform_indices = @transform_2, window_bounds = array<i64: 2, 2048, 128>}, {transform_indices = @transform_3, window_bounds = array<i64: 2, 2048, 128>}, {pipeline_mode = #tpu.pipeline_mode<synchronous>, transform_indices = @transform_4, window_bounds = array<i64: 1, 512>}, {transform_indices = @transform_5, window_bounds = array<i64: 2048, 128>}, {transform_indices = @transform_6, window_bounds = array<i64: 2048, 512>}]} {
    %get3A = arith.constant 0 : index
    %get3A_0 = arith.constant 0 : index
    %get3A_1 = vector.load %arg6[%get3A, %get3A_0] : memref<2048x128xf32, #tpu.memory_space<vmem>>, vector<2048x128xf32>
    %get3A_2 = arith.constant 0 : index
    %get3A_3 = arith.constant 0 : index
    %get3A_4 = arith.constant 0 : index
    %get3A_5 = vector.load %arg1[%get3A_2, %get3A_3, %get3A_4] : memref<2x2048x128xf32, #tpu.memory_space<vmem>>, vector<1x2048x128xf32>
    %get3A_6 = vector.shape_cast %get3A_5 : vector<1x2048x128xf32> to vector<2048x128xf32>
    %get3A_7 = arith.constant 1 : index
    %get3A_8 = arith.constant 0 : index
    %get3A_9 = arith.constant 0 : index
    %get3A_10 = vector.load %arg1[%get3A_7, %get3A_8, %get3A_9] : memref<2x2048x128xf32, #tpu.memory_space<vmem>>, vector<1x2048x128xf32>
    %get3A_11 = vector.shape_cast %get3A_10 : vector<1x2048x128xf32> to vector<2048x128xf32>
    %add3A = arith.addf %get3A_6, %get3A_11 : vector<2048x128xf32>
    %mul3A = arith.mulf %get3A_1, %add3A : vector<2048x128xf32>
    %get3A_12 = arith.constant 0 : index
    %get3A_13 = arith.constant 0 : index
    %get3A_14 = vector.load %arg5[%get3A_12, %get3A_13] : memref<1x512xf32, #tpu.memory_space<vmem>>, vector<1x128xf32>
    %get3A_15 = vector.shape_cast %get3A_14 : vector<1x128xf32> to vector<128xf32>
    %broadcast_in_dim3A = vector.shape_cast %get3A_15 : vector<128xf32> to vector<1x128xf32>
    %add3A_16 = vector.broadcast %broadcast_in_dim3A : vector<1x128xf32> to vector<2048x128xf32>
    %add3A_17 = arith.addf %mul3A, %add3A_16 : vector<2048x128xf32>
    %max3A = arith.constant 0.000000e+00 : f32
    %max3A_18 = vector.broadcast %max3A : f32 to vector<2048x128xf32>
    %max3A_19 = arith.maximumf %add3A_17, %max3A_18 : vector<2048x128xf32>
    %swap3A = arith.constant 0 : index
    %swap3A_20 = arith.constant 0 : index
    %swap3A_21 = vector.load %arg7[%swap3A, %swap3A_20] : memref<2048x512xf32, #tpu.memory_space<vmem>>, vector<2048x128xf32>
    tpu.vector_store %arg7[%swap3A, %swap3A_20], %max3A_19 {strides = array<i32>} : memref<2048x512xf32, #tpu.memory_space<vmem>>, vector<2048x128xf32>,
    %get3A_22 = arith.constant 0 : index
    %get3A_23 = arith.constant 0 : index
    %get3A_24 = arith.constant 0 : index
    %get3A_25 = vector.load %arg2[%get3A_22, %get3A_23, %get3A_24] : memref<2x2048x128xf32, #tpu.memory_space<vmem>>, vector<1x2048x128xf32>
    %get3A_26 = vector.shape_cast %get3A_25 : vector<1x2048x128xf32> to vector<2048x128xf32>
    %get3A_27 = arith.constant 1 : index
    %get3A_28 = arith.constant 0 : index
    %get3A_29 = arith.constant 0 : index
    %get3A_30 = vector.load %arg2[%get3A_27, %get3A_28, %get3A_29] : memref<2x2048x128xf32, #tpu.memory_space<vmem>>, vector<1x2048x128xf32>
    %get3A_31 = vector.shape_cast %get3A_30 : vector<1x2048x128xf32> to vector<2048x128xf32>
    %add3A_32 = arith.addf %get3A_26, %get3A_31 : vector<2048x128xf32>
    %mul3A_33 = arith.mulf %get3A_1, %add3A_32 : vector<2048x128xf32>
    %get3A_34 = arith.constant 0 : index
    %get3A_35 = arith.constant 128 : index
    %get3A_36 = vector.load %arg5[%get3A_34, %get3A_35] : memref<1x512xf32, #tpu.memory_space<vmem>>, vector<1x128xf32>
    %get3A_37 = vector.shape_cast %get3A_36 : vector<1x128xf32> to vector<128xf32>
    %broadcast_in_dim3A_38 = vector.shape_cast %get3A_37 : vector<128xf32> to vector<1x128xf32>
    %add3A_39 = vector.broadcast %broadcast_in_dim3A_38 : vector<1x128xf32> to vector<2048x128xf32>
    %add3A_40 = arith.addf %mul3A_33, %add3A_39 : vector<2048x128xf32>
    %max3A_41 = arith.constant 0.000000e+00 : f32
    %max3A_42 = vector.broadcast %max3A_41 : f32 to vector<2048x128xf32>
    %max3A_43 = arith.maximumf %add3A_40, %max3A_42 : vector<2048x128xf32>
    %swap3A_44 = arith.constant 0 : index
    %swap3A_45 = arith.constant 128 : index
    %swap3A_46 = vector.load %arg7[%swap3A_44, %swap3A_45] : memref<2048x512xf32, #tpu.memory_space<vmem>>, vector<2048x128xf32>
    tpu.vector_store %arg7[%swap3A_44, %swap3A_45], %max3A_43 {strides = array<i32>} : memref<2048x512xf32, #tpu.memory_space<vmem>>, vector<2048x128xf32>,
    %get3A_47 = arith.constant 0 : index
    %get3A_48 = arith.constant 0 : index
    %get3A_49 = arith.constant 0 : index
    %get3A_50 = vector.load %arg3[%get3A_47, %get3A_48, %get3A_49] : memref<2x2048x128xf32, #tpu.memory_space<vmem>>, vector<1x2048x128xf32>
    %get3A_51 = vector.shape_cast %get3A_50 : vector<1x2048x128xf32> to vector<2048x128xf32>
    %get3A_52 = arith.constant 1 : index
    %get3A_53 = arith.constant 0 : index
    %get3A_54 = arith.constant 0 : index
    %get3A_55 = vector.load %arg3[%get3A_52, %get3A_53, %get3A_54] : memref<2x2048x128xf32, #tpu.memory_space<vmem>>, vector<1x2048x128xf32>
    %get3A_56 = vector.shape_cast %get3A_55 : vector<1x2048x128xf32> to vector<2048x128xf32>
    %add3A_57 = arith.addf %get3A_51, %get3A_56 : vector<2048x128xf32>
    %mul3A_58 = arith.mulf %get3A_1, %add3A_57 : vector<2048x128xf32>
    %get3A_59 = arith.constant 0 : index
    %get3A_60 = arith.constant 256 : index
    %get3A_61 = vector.load %arg5[%get3A_59, %get3A_60] : memref<1x512xf32, #tpu.memory_space<vmem>>, vector<1x128xf32>
    %get3A_62 = vector.shape_cast %get3A_61 : vector<1x128xf32> to vector<128xf32>
    %broadcast_in_dim3A_63 = vector.shape_cast %get3A_62 : vector<128xf32> to vector<1x128xf32>
    %add3A_64 = vector.broadcast %broadcast_in_dim3A_63 : vector<1x128xf32> to vector<2048x128xf32>
    %add3A_65 = arith.addf %mul3A_58, %add3A_64 : vector<2048x128xf32>
    %max3A_66 = arith.constant 0.000000e+00 : f32
    %max3A_67 = vector.broadcast %max3A_66 : f32 to vector<2048x128xf32>
    %max3A_68 = arith.maximumf %add3A_65, %max3A_67 : vector<2048x128xf32>
    %swap3A_69 = arith.constant 0 : index
    %swap3A_70 = arith.constant 256 : index
    %swap3A_71 = vector.load %arg7[%swap3A_69, %swap3A_70] : memref<2048x512xf32, #tpu.memory_space<vmem>>, vector<2048x128xf32>
    tpu.vector_store %arg7[%swap3A_69, %swap3A_70], %max3A_68 {strides = array<i32>} : memref<2048x512xf32, #tpu.memory_space<vmem>>, vector<2048x128xf32>,
    %get3A_72 = arith.constant 0 : index
    %get3A_73 = arith.constant 0 : index
    %get3A_74 = arith.constant 0 : index
    %get3A_75 = vector.load %arg4[%get3A_72, %get3A_73, %get3A_74] : memref<2x2048x128xf32, #tpu.memory_space<vmem>>, vector<1x2048x128xf32>
    %get3A_76 = vector.shape_cast %get3A_75 : vector<1x2048x128xf32> to vector<2048x128xf32>
    %get3A_77 = arith.constant 1 : index
    %get3A_78 = arith.constant 0 : index
    %get3A_79 = arith.constant 0 : index
    %get3A_80 = vector.load %arg4[%get3A_77, %get3A_78, %get3A_79] : memref<2x2048x128xf32, #tpu.memory_space<vmem>>, vector<1x2048x128xf32>
    %get3A_81 = vector.shape_cast %get3A_80 : vector<1x2048x128xf32> to vector<2048x128xf32>
    %add3A_82 = arith.addf %get3A_76, %get3A_81 : vector<2048x128xf32>
    %mul3A_83 = arith.mulf %get3A_1, %add3A_82 : vector<2048x128xf32>
    %get3A_84 = arith.constant 0 : index
    %get3A_85 = arith.constant 384 : index
    %get3A_86 = vector.load %arg5[%get3A_84, %get3A_85] : memref<1x512xf32, #tpu.memory_space<vmem>>, vector<1x128xf32>
    %get3A_87 = vector.shape_cast %get3A_86 : vector<1x128xf32> to vector<128xf32>
    %broadcast_in_dim3A_88 = vector.shape_cast %get3A_87 : vector<128xf32> to vector<1x128xf32>
    %add3A_89 = vector.broadcast %broadcast_in_dim3A_88 : vector<1x128xf32> to vector<2048x128xf32>
    %add3A_90 = arith.addf %mul3A_83, %add3A_89 : vector<2048x128xf32>
    %max3A_91 = arith.constant 0.000000e+00 : f32
    %max3A_92 = vector.broadcast %max3A_91 : f32 to vector<2048x128xf32>
    %max3A_93 = arith.maximumf %add3A_90, %max3A_92 : vector<2048x128xf32>
    %swap3A_94 = arith.constant 0 : index
    %swap3A_95 = arith.constant 384 : index
    %swap3A_96 = vector.load %arg7[%swap3A_94, %swap3A_95] : memref<2048x512xf32, #tpu.memory_space<vmem>>, vector<2048x128xf32>
    tpu.vector_store %arg7[%swap3A_94, %swap3A_95], %max3A_93 {strides = array<i32>} : memref<2048x512xf32, #tpu.memory_space<vmem>>, vector<2048x128xf32>,
    return
  }
  func.func @transform_0(%arg0: i32) -> (i32, i32, i32) {
    %c0_i32 = arith.constant 0 : i32
    %c0_i32_0 = arith.constant 0 : i32
    %c0_i32_1 = arith.constant 0 : i32
    return %c0_i32, %arg0, %c0_i32_0 : i32, i32, i32
  }
  func.func @transform_1(%arg0: i32) -> (i32, i32, i32) {
    %c0_i32 = arith.constant 0 : i32
    %c0_i32_0 = arith.constant 0 : i32
    %c0_i32_1 = arith.constant 0 : i32
    return %c0_i32, %arg0, %c0_i32_0 : i32, i32, i32
  }
  func.func @transform_2(%arg0: i32) -> (i32, i32, i32) {
    %c0_i32 = arith.constant 0 : i32
    %c0_i32_0 = arith.constant 0 : i32
    %c0_i32_1 = arith.constant 0 : i32
    return %c0_i32, %arg0, %c0_i32_0 : i32, i32, i32
  }
  func.func @transform_3(%arg0: i32) -> (i32, i32, i32) {
    %c0_i32 = arith.constant 0 : i32
    %c0_i32_0 = arith.constant 0 : i32
    %c0_i32_1 = arith.constant 0 : i32
    return %c0_i32, %arg0, %c0_i32_0 : i32, i32, i32
  }
  func.func @transform_4(%arg0: i32) -> (i32, i32) {
    %c0_i32 = arith.constant 0 : i32
    %c0_i32_0 = arith.constant 0 : i32
    %c0_i32_1 = arith.constant 0 : i32
    return %c0_i32, %c0_i32_0 : i32, i32
  }
  func.func @transform_5(%arg0: i32) -> (i32, i32) {
    %c0_i32 = arith.constant 0 : i32
    %c0_i32_0 = arith.constant 0 : i32
    return %arg0, %c0_i32 : i32, i32
  }
  func.func @transform_6(%arg0: i32) -> (i32, i32) {
    %c0_i32 = arith.constant 0 : i32
    %c0_i32_0 = arith.constant 0 : i32
    return %arg0, %c0_i32 : i32, i32
  }
}

module attributes {stable_mosaic.version = 14 : i64} {
  func.func @_pool_body(%arg0: i32, %arg1: memref<2048x512xf32, #tpu.memory_space<vmem>>, %arg2: memref<2048x1xi32, #tpu.memory_space<vmem>>, %arg3: memref<256x512xf32, #tpu.memory_space<vmem>>) attributes {dimension_semantics = [#tpu.dimension_semantics<arbitrary>], iteration_bounds = array<i64: 5>, scalar_prefetch = 0 : i64, scratch_operands = 0 : i64, tpu.core_type = #tpu.core_type<tc>, window_params = [{transform_indices = @transform_0, window_bounds = array<i64: 2048, 512>}, {transform_indices = @transform_1, window_bounds = array<i64: 2048, 1>}, {pipeline_mode = #tpu.pipeline_mode<synchronous>, transform_indices = @transform_2, window_bounds = array<i64: 256, 512>}]} {
    %eq3A = arith.constant 0 : i32
    %eq3A_0 = arith.cmpi eq, %arg0, %eq3A : i32
    %convert_element_type3A = arith.extui %eq3A_0 : i1 to i32
    %cond3A = arith.constant 0 : i32
    %cond3A_1 = arith.cmpi ne, %convert_element_type3A, %cond3A : i32
    scf.if %cond3A_1 {
      %broadcast_in_dim3A_32 = arith.constant 0.000000e+00 : f32
      %broadcast_in_dim3A_33 = vector.broadcast %broadcast_in_dim3A_32 : f32 to vector<256x512xf32>
      %swap3A_34 = arith.constant 0 : index
      %swap3A_35 = arith.constant 0 : index
      %swap3A_36 = vector.load %arg3[%swap3A_34, %swap3A_35] : memref<256x512xf32, #tpu.memory_space<vmem>>, vector<256x512xf32>
      tpu.vector_store %arg3[%swap3A_34, %swap3A_35], %broadcast_in_dim3A_33 {strides = array<i32>} : memref<256x512xf32, #tpu.memory_space<vmem>>, vector<256x512xf32>,
    } else {
    }
    %get3A = arith.constant 0 : index
    %get3A_2 = arith.constant 0 : index
    %get3A_3 = vector.load %arg1[%get3A, %get3A_2] : memref<2048x512xf32, #tpu.memory_space<vmem>>, vector<2048x512xf32>
    %get3A_4 = arith.constant 0 : index
    %get3A_5 = arith.constant 0 : index
    %get3A_6 = vector.load %arg2[%get3A_4, %get3A_5] : memref<2048x1xi32, #tpu.memory_space<vmem>>, vector<2048x1xi32>
    %reduce_min3A = vector.shape_cast %get3A_6 : vector<2048x1xi32> to vector<1x2048x1xi32>
    %reduce_min3A_7 = arith.constant dense<2147483647> : vector<1xi32>
    %reduce_min3A_8 = vector.multi_reduction <minsi>, %reduce_min3A, %reduce_min3A_7 [1, 2] : vector<1x2048x1xi32> to vector<1xi32>
    %reduce_min3A_9 = vector.shape_cast %reduce_min3A_8 : vector<1xi32> to vector<1x1x1xi32>
    %reduce_min3A_10 = vector.extract %reduce_min3A_9[0, 0, 0] : i32 from vector<1x1x1xi32>
    %reduce_max3A = vector.shape_cast %get3A_6 : vector<2048x1xi32> to vector<1x2048x1xi32>
    %reduce_max3A_11 = arith.constant dense<-2147483648> : vector<1xi32>
    %reduce_max3A_12 = vector.multi_reduction <maxsi>, %reduce_max3A, %reduce_max3A_11 [1, 2] : vector<1x2048x1xi32> to vector<1xi32>
    %reduce_max3A_13 = vector.shape_cast %reduce_max3A_12 : vector<1xi32> to vector<1x1x1xi32>
    %reduce_max3A_14 = vector.extract %reduce_max3A_13[0, 0, 0] : i32 from vector<1x1x1xi32>
    %min3A = arith.constant 255 : i32
    %min3A_15 = arith.minsi %reduce_max3A_14, %min3A : i32
    %iota3A = tpu.iota {dimensions = array<i32: 0>} : vector<256x1xi32>
    %add3A = arith.constant 1 : i32
    %add3A_16 = arith.addi %min3A_15, %add3A : i32
    %broadcast_in_dim3A = arith.constant 0.000000e+00 : f32
    %broadcast_in_dim3A_17 = vector.broadcast %broadcast_in_dim3A : f32 to vector<256x512xf32>
    %while3A = arith.subi %add3A_16, %reduce_min3A_10 : i32
    %while3A_18 = arith.addi %reduce_min3A_10, %while3A : i32
    %while3A_19 = arith.constant 1 : i32
    %while3A_20 = arith.divsi %while3A, %while3A_19 : i32
    %while3A_21 = arith.muli %while3A_20, %while3A_19 : i32
    %while3A_22 = arith.addi %reduce_min3A_10, %while3A_21 : i32
    %while3A_23 = arith.constant 1 : i32
    %while3A_24 = scf.for %while3A_32 = %reduce_min3A_10 to %while3A_22 step %while3A_23 iter_args(%while3A_33 = %broadcast_in_dim3A_17) -> (vector<256x512xf32>)  : i32 {
      %eq3A_34 = vector.broadcast %while3A_32 : i32 to vector<2048x1xi32>
      %eq3A_35 = arith.cmpi eq, %get3A_6, %eq3A_34 : vector<2048x1xi32>
      %jit3A = arith.constant 0.000000e+00 : f32
      %broadcast_in_dim3A_36 = vector.shape_cast %eq3A_35 : vector<2048x1xi1> to vector<2048x1xi1>
      %broadcast_in_dim3A_37 = vector.broadcast %broadcast_in_dim3A_36 : vector<2048x1xi1> to vector<2048x512xi1>
      %broadcast_in_dim3A_38 = vector.broadcast %jit3A : f32 to vector<2048x512xf32>
      %select_n3A = arith.select %broadcast_in_dim3A_37, %get3A_3, %broadcast_in_dim3A_38 : vector<2048x512xi1>, vector<2048x512xf32>
      %reduce_max3A_39 = arith.constant dense<0xFF800000> : vector<512xf32>
      %reduce_max3A_40 = vector.multi_reduction <maximumf>, %select_n3A, %reduce_max3A_39 [0] : vector<2048x512xf32> to vector<512xf32>
      %broadcast_in_dim3A_41 = vector.shape_cast %reduce_max3A_40 : vector<512xf32> to vector<1x512xf32>
      %eq3A_42 = vector.broadcast %while3A_32 : i32 to vector<256x1xi32>
      %eq3A_43 = arith.cmpi eq, %iota3A, %eq3A_42 : vector<256x1xi32>
      %max3A_44 = vector.broadcast %broadcast_in_dim3A_41 : vector<1x512xf32> to vector<256x512xf32>
      %max3A_45 = arith.maximumf %while3A_33, %max3A_44 : vector<256x512xf32>
      %broadcast_in_dim3A_46 = vector.shape_cast %eq3A_43 : vector<256x1xi1> to vector<256x1xi1>
      %broadcast_in_dim3A_47 = vector.broadcast %broadcast_in_dim3A_46 : vector<256x1xi1> to vector<256x512xi1>
      %select_n3A_48 = arith.select %broadcast_in_dim3A_47, %max3A_45, %while3A_33 : vector<256x512xi1>, vector<256x512xf32>
      scf.yield %select_n3A_48 : vector<256x512xf32>
    }
    %while3A_25 = arith.constant 1 : i32
    %while3A_26 = scf.for %while3A_32 = %while3A_22 to %while3A_18 step %while3A_25 iter_args(%while3A_33 = %while3A_24) -> (vector<256x512xf32>)  : i32 {
      %eq3A_34 = vector.broadcast %while3A_32 : i32 to vector<2048x1xi32>
      %eq3A_35 = arith.cmpi eq, %get3A_6, %eq3A_34 : vector<2048x1xi32>
      %jit3A = arith.constant 0.000000e+00 : f32
      %broadcast_in_dim3A_36 = vector.shape_cast %eq3A_35 : vector<2048x1xi1> to vector<2048x1xi1>
      %broadcast_in_dim3A_37 = vector.broadcast %broadcast_in_dim3A_36 : vector<2048x1xi1> to vector<2048x512xi1>
      %broadcast_in_dim3A_38 = vector.broadcast %jit3A : f32 to vector<2048x512xf32>
      %select_n3A = arith.select %broadcast_in_dim3A_37, %get3A_3, %broadcast_in_dim3A_38 : vector<2048x512xi1>, vector<2048x512xf32>
      %reduce_max3A_39 = arith.constant dense<0xFF800000> : vector<512xf32>
      %reduce_max3A_40 = vector.multi_reduction <maximumf>, %select_n3A, %reduce_max3A_39 [0] : vector<2048x512xf32> to vector<512xf32>
      %broadcast_in_dim3A_41 = vector.shape_cast %reduce_max3A_40 : vector<512xf32> to vector<1x512xf32>
      %eq3A_42 = vector.broadcast %while3A_32 : i32 to vector<256x1xi32>
      %eq3A_43 = arith.cmpi eq, %iota3A, %eq3A_42 : vector<256x1xi32>
      %max3A_44 = vector.broadcast %broadcast_in_dim3A_41 : vector<1x512xf32> to vector<256x512xf32>
      %max3A_45 = arith.maximumf %while3A_33, %max3A_44 : vector<256x512xf32>
      %broadcast_in_dim3A_46 = vector.shape_cast %eq3A_43 : vector<256x1xi1> to vector<256x1xi1>
      %broadcast_in_dim3A_47 = vector.broadcast %broadcast_in_dim3A_46 : vector<256x1xi1> to vector<256x512xi1>
      %select_n3A_48 = arith.select %broadcast_in_dim3A_47, %max3A_45, %while3A_33 : vector<256x512xi1>, vector<256x512xf32>
      scf.yield %select_n3A_48 : vector<256x512xf32>
    }
    %get3A_27 = arith.constant 0 : index
    %get3A_28 = arith.constant 0 : index
    %get3A_29 = vector.load %arg3[%get3A_27, %get3A_28] : memref<256x512xf32, #tpu.memory_space<vmem>>, vector<256x512xf32>
    %max3A = arith.maximumf %get3A_29, %while3A_26 : vector<256x512xf32>
    %swap3A = arith.constant 0 : index
    %swap3A_30 = arith.constant 0 : index
    %swap3A_31 = vector.load %arg3[%swap3A, %swap3A_30] : memref<256x512xf32, #tpu.memory_space<vmem>>, vector<256x512xf32>
    tpu.vector_store %arg3[%swap3A, %swap3A_30], %max3A {strides = array<i32>} : memref<256x512xf32, #tpu.memory_space<vmem>>, vector<256x512xf32>,
    return
  }
  func.func @transform_0(%arg0: i32) -> (i32, i32) {
    %c0_i32 = arith.constant 0 : i32
    %c0_i32_0 = arith.constant 0 : i32
    return %arg0, %c0_i32 : i32, i32
  }
  func.func @transform_1(%arg0: i32) -> (i32, i32) {
    %c0_i32 = arith.constant 0 : i32
    %c0_i32_0 = arith.constant 0 : i32
    return %arg0, %c0_i32 : i32, i32
  }
  func.func @transform_2(%arg0: i32) -> (i32, i32) {
    %c0_i32 = arith.constant 0 : i32
    %c0_i32_0 = arith.constant 0 : i32
    %c0_i32_1 = arith.constant 0 : i32
    return %c0_i32, %c0_i32_0 : i32, i32
  }
}

module attributes {stable_mosaic.version = 14 : i64} {
  func.func @_mlp_body(%arg0: memref<256x512xf32, #tpu.memory_space<vmem>>, %arg1: memref<512x1024xf32, #tpu.memory_space<vmem>>, %arg2: memref<1x1024xf32, #tpu.memory_space<vmem>>, %arg3: memref<1024x128xf32, #tpu.memory_space<vmem>>, %arg4: memref<1x128xf32, #tpu.memory_space<vmem>>, %arg5: memref<256x128xf32, #tpu.memory_space<vmem>>) attributes {dimension_semantics = [], scalar_prefetch = 0 : i64, scratch_operands = 0 : i64, tpu.core_type = #tpu.core_type<tc>} {
    %get3A = arith.constant 0 : index
    %get3A_0 = arith.constant 0 : index
    %get3A_1 = vector.load %arg0[%get3A, %get3A_0] : memref<256x512xf32, #tpu.memory_space<vmem>>, vector<256x512xf32>
    %get3A_2 = arith.constant 0 : index
    %get3A_3 = arith.constant 0 : index
    %get3A_4 = vector.load %arg1[%get3A_2, %get3A_3] : memref<512x1024xf32, #tpu.memory_space<vmem>>, vector<512x1024xf32>
    %dot_general3A = arith.constant dense<0.000000e+00> : vector<256x1024xf32>
    %dot_general3A_5 = tpu.matmul %get3A_1, %get3A_4, %dot_general3A {dimension_numbers = #tpu.dot_dimension_numbers<[1], [0], [0], [1], [0, 0, 1, 1], [], []>, precision = #tpu.contract_precision<fp32>, transpose_lhs_hint = false} : vector<256x512xf32>, vector<512x1024xf32>, vector<256x1024xf32> -> vector<256x1024xf32>
    %get3A_6 = arith.constant 0 : index
    %get3A_7 = arith.constant 0 : index
    %get3A_8 = vector.load %arg2[%get3A_6, %get3A_7] : memref<1x1024xf32, #tpu.memory_space<vmem>>, vector<1x1024xf32>
    %add3A = vector.broadcast %get3A_8 : vector<1x1024xf32> to vector<256x1024xf32>
    %add3A_9 = arith.addf %dot_general3A_5, %add3A : vector<256x1024xf32>
    %max3A = arith.constant 0.000000e+00 : f32
    %max3A_10 = vector.broadcast %max3A : f32 to vector<256x1024xf32>
    %max3A_11 = arith.maximumf %add3A_9, %max3A_10 : vector<256x1024xf32>
    %get3A_12 = arith.constant 0 : index
    %get3A_13 = arith.constant 0 : index
    %get3A_14 = vector.load %arg3[%get3A_12, %get3A_13] : memref<1024x128xf32, #tpu.memory_space<vmem>>, vector<1024x128xf32>
    %dot_general3A_15 = arith.constant dense<0.000000e+00> : vector<256x128xf32>
    %dot_general3A_16 = tpu.matmul %max3A_11, %get3A_14, %dot_general3A_15 {dimension_numbers = #tpu.dot_dimension_numbers<[1], [0], [0], [1], [0, 0, 1, 1], [], []>, precision = #tpu.contract_precision<fp32>, transpose_lhs_hint = false} : vector<256x1024xf32>, vector<1024x128xf32>, vector<256x128xf32> -> vector<256x128xf32>
    %get3A_17 = arith.constant 0 : index
    %get3A_18 = arith.constant 0 : index
    %get3A_19 = vector.load %arg4[%get3A_17, %get3A_18] : memref<1x128xf32, #tpu.memory_space<vmem>>, vector<1x128xf32>
    %add3A_20 = vector.broadcast %get3A_19 : vector<1x128xf32> to vector<256x128xf32>
    %add3A_21 = arith.addf %dot_general3A_16, %add3A_20 : vector<256x128xf32>
    %max3A_22 = arith.constant 0.000000e+00 : f32
    %max3A_23 = vector.broadcast %max3A_22 : f32 to vector<256x128xf32>
    %max3A_24 = arith.maximumf %add3A_21, %max3A_23 : vector<256x128xf32>
    %swap3A = arith.constant 0 : index
    %swap3A_25 = arith.constant 0 : index
    %swap3A_26 = vector.load %arg5[%swap3A, %swap3A_25] : memref<256x128xf32, #tpu.memory_space<vmem>>, vector<256x128xf32>
    tpu.vector_store %arg5[%swap3A, %swap3A_25], %max3A_24 {strides = array<i32>} : memref<256x128xf32, #tpu.memory_space<vmem>>, vector<256x128xf32>,
    return
  }
}

</mosaic_0001>

<sc_bundles>
// kernel: kernel.15.cloned.1.call-start
scs
__scs_entry_jumppad:
0x0: {  	(pc) =	sbr.rel $0x88, $3  }
0x1: {  	(tag) =	ssettag $0x0;
	lr =	simm.s32 $0x1  }
0x2: {  	[smem:$0x3F94] =	sst lr;
	_ =	strace $0xD0000000  }
0x3: {  	_ = 	snop  }
0x4: {  	_ = 	snop  }
0x5: {  	_ = 	snop  }
0x6: {  	_ = 	snop  }
0x7: {  	_ = 	snop  }
__scs_overlays_trampoline_lowered:
0x8: {  	[smem:$0x3FA3] =	sst s0  }
0x9: {  	[smem:$0x3FA4] =	sst s1  }
0xa: {  	[smem:$0x3FA5] =	sst s2  }
0xb: {  	[smem:$0x3FA6] =	sst s3  }
0xc: {  	[smem:$0x3FA7] =	sst s4  }
0xd: {  	[smem:$0x3FA8] =	sst s5  }
0xe: {  	[smem:$0x3FA9] =	sst s6  }
0xf: {  	[smem:$0x3FAA] =	sst s7  }
0x10: {  	[smem:$0x3FAB] =	sst s8  }
0x11: {  	[smem:$0x3FAC] =	sst s9;
	s0 =	simm.s32 @!p0 $0x0  }
0x12: {  	s1 =	sld [smem:$0x3F92];
	s0 =	simm.s32 @p0 $0x1  }
0x13: {  	[smem:$0x3FAD] =	sst s0;
	s0 =	simm.s32 @!p1 $0x0  }
0x14: {  	s2 =	sld [smem:$0x3F91];
	s0 =	simm.s32 @p1 $0x1  }
0x15: {  	[smem:$0x3FAE] =	sst s0;
	s0 =	simm.s32 @!p2 $0x0  }
0x16: {  	s3 =	sld [smem:$0x3FDB];
	s0 =	simm.s32 @p2 $0x1  }
0x17: {  	s4 =	simm.s32 $0x1BF5;
	[smem:$0x3FB0] =	sst s0  }
0x18: {  	s0 =	sld [smem:$0x3F93];
	_ =	swait.ge [sflag:s4], $0x0  }
0x19: {  	s7 =	sld [smem:$0x3F94]  }
0x1a: {  	s8 =	sadd.s32 $0xFFFFE003, lr  }
0x1b: {  	s9 =	sadd.s32 $0xFFFFFEF7, lr;
	s5 =	simm.s32 $0xFFFFFFFF;
	p2 =	slt.u32 s8, $0xFFFFF086  }
0x1c: {  	p1 =	slt.u32 s9, $0xF7A;
	s5 =	simm.s32 @!p2 $0x0  }
0x1d: {  	s5 =	simm.s32 @p1 $0x1;
	p0 =	seq.s32 s7, s2  }
0x1e: {  	s7 =	smul.u32 @!p0 $0xF7A, s2;
	p2 =	seq.s32 @!p0 s5, $0x0  }
0x1f: {  	s9 =	smul.u32 $0xF7A, s1;
	s8 =	simm.s32 @!p0 $0x1BF5;
	p2 =	por !p2, p0  }
0x20: {  	[sflag:s8] =	ssyncset.s32 @!p0 $0xFFFFF086;
	s6 =	sadd.s32 @!p0 s3, s7;
	s7 =	simm.s32 @!p0 $0x108  }
0x21: {  	s3 =	sadd.s32 s3, s9;
	s6 =	sadd.s32 @!p0 $0x88, s6;
	s7 =	simm.s32 @p2 $0x1082  }
0x22: {  	[simem:s7], [sflag:s8] =	dma.local @!p0 [hbm:s6], $0xF7A  }
0x23: {  	s9 =	sor.u32 $0xD0000000, s2;
	s6 =	simm.s32 $0x108;
	_ =	swait.ge @!p0 [sflag:s8], $0x0  }
0x24: {  	s3 =	sadd.s32 $0x88, s3;
	s6 =	simm.s32 @!p1 $0x1082;
	[sflag:s4] =	ssyncset.s32 $0xFFFFF086  }
0x25: {  	[simem:s6], [sflag:s4] =	dma.local [hbm:s3], $0xF7A  }
0x26: {  	[smem:$0x3F94] =	sst s1;
	(tag) =	ssettag s2;
	_ =	strace s9  }
0x27: {  	s1 =	sld [smem:$0x3FA4]  }
0x28: {  	s2 =	sld [smem:$0x3FA5]  }
0x29: {  	s4 =	sld [smem:$0x3FA7]  }
0x2a: {  	p0 =	seq.s32 s5, $0x0;
	s5 =	sld [smem:$0x3FA8]  }
0x2b: {  	s6 =	sld [smem:$0x3FA9]  }
0x2c: {  	s7 =	sld [smem:$0x3FAA]  }
0x2d: {  	s3 =	simm.s32 $0x108;
	s8 =	sld [smem:$0x3FAB]  }
0x2e: {  	s3 =	simm.s32 @!p0 $0x1082;
	s9 =	sld [smem:$0x3FAC]  }
0x2f: {  	lr =	sadd.s32 s0, s3;
	s0 =	sld [smem:$0x3FA3]  }
0x30: {  	s3 =	sld [smem:$0x3FA6]  }
0x31: {  	[smem:$0x3FAF] =	sst s10  }
0x32: {  	s10 =	sld [smem:$0x3FAD];
	_ =	sdelay $0x3  }
0x33: {  	p0 =	seq.s32 s10, $0x1;
	s10 =	sld [smem:$0x3FAF];
	_ =	sdelay $0x3  }
0x34: {  	[smem:$0x3FAF] =	sst s10  }
0x35: {  	s10 =	sld [smem:$0x3FAE];
	_ =	sdelay $0x3  }
0x36: {  	p1 =	seq.s32 s10, $0x1;
	s10 =	sld [smem:$0x3FAF];
	_ =	sdelay $0x3  }
0x37: {  	[smem:$0x3FAF] =	sst s10  }
0x38: {  	s10 =	sld [smem:$0x3FB0]  }
0x39: {  	_ = 	snop;
	(pc) =	sbr.ind lr, $3  }
0x3a: {  	_ = 	snop  }
0x3b: {  	_ = 	snop  }
0x3c: {  	p2 =	seq.s32 s10, $0x1;
	s10 =	sld [smem:$0x3FAF]  }
0x3d: {  	_ =	shalt  }
0x3e: {  	_ =	shalt  }
0x3f: {  	_ =	shalt  }
0x40: {  	_ =	shalt  }
0x41: {  	_ =	shalt  }
0x42: {  	_ =	shalt  }
0x43: {  	_ =	shalt  }
0x44: {  	_ =	shalt  }
0x45: {  	_ =	shalt  }
0x46: {  	_ =	shalt  }
0x47: {  	_ =	shalt  }
0x48: {  	_ =	shalt  }
0x49: {  	_ =	shalt  }
0x4a: {  	_ =	shalt  }
0x4b: {  	_ =	shalt  }
0x4c: {  	_ =	shalt  }
0x4d: {  	_ =	shalt  }
0x4e: {  	_ =	shalt  }
0x4f: {  	_ =	shalt  }
0x50: {  	_ =	shalt  }
0x51: {  	_ =	shalt  }
0x52: {  	_ =	shalt  }
0x53: {  	_ =	shalt  }
0x54: {  	_ =	shalt  }
0x55: {  	_ =	shalt  }
0x56: {  	_ =	shalt  }
0x57: {  	_ =	shalt  }
0x58: {  	_ =	shalt  }
0x59: {  	_ =	shalt  }
0x5a: {  	_ =	shalt  }
0x5b: {  	_ =	shalt  }
0x5c: {  	_ =	shalt  }
0x5d: {  	_ =	shalt  }
0x5e: {  	_ =	shalt  }
0x5f: {  	_ =	shalt  }
0x60: {  	_ =	shalt  }
0x61: {  	_ =	shalt  }
0x62: {  	_ =	shalt  }
0x63: {  	_ =	shalt  }
0x64: {  	_ =	shalt  }
0x65: {  	_ =	shalt  }
0x66: {  	_ =	shalt  }
0x67: {  	_ =	shalt  }
0x68: {  	_ =	shalt  }
0x69: {  	_ =	shalt  }
0x6a: {  	_ =	shalt  }
0x6b: {  	_ =	shalt  }
0x6c: {  	_ =	shalt  }
0x6d: {  	_ =	shalt  }
0x6e: {  	_ =	shalt  }
0x6f: {  	_ =	shalt  }
0x70: {  	_ =	shalt  }
0x71: {  	_ =	shalt  }
0x72: {  	_ =	shalt  }
0x73: {  	_ =	shalt  }
0x74: {  	_ =	shalt  }
0x75: {  	_ =	shalt  }
0x76: {  	_ =	shalt  }
0x77: {  	_ =	shalt  }
0x78: {  	_ =	shalt  }
0x79: {  	_ =	shalt  }
0x7a: {  	_ =	shalt  }
0x7b: {  	_ =	shalt  }
0x7c: {  	_ =	shalt  }
0x7d: {  	_ =	shalt  }
0x7e: {  	_ =	shalt  }
0x7f: {  	_ =	shalt  }
0x80: {  	_ =	shalt  }
0x81: {  	_ =	shalt  }
0x82: {  	_ =	shalt  }
0x83: {  	_ =	shalt  }
0x84: {  	_ =	shalt  }
0x85: {  	_ =	shalt  }
0x86: {  	_ =	shalt  }
0x87: {  	_ =	shalt  }
.Lfunc_end0:
.L_simem_size_0:
called_computation_lowered:
.L_overlay_start_0:
0x88: {  	s2 =	sld [smem:$0x3FD9]  }
0x89: {  	s3 =	sld [smem:$0x3FFE];
	_ =	sdelay $0x1  }
0x8a: {  	s1 =	srdreg.scid  }
0x8b: {  	s0 =	sand.u32 $0x1, s1  }
0x8c: {  	s17 =	sshll.u32 s0, $0xA;
	s2 =	sadd.s32 s3, s2  }
0x8d: {  	s2 =	sadd.s32 s2, s17  }
0x8e: {  	[smem:$0x3FBB] =	sst s2  }
0x8f: {  	_ = 	snop  }
0x90: {  	s2 =	sld [smem:$0x3FD0];
	(tm) =	ssettm $0x1  }
0x91: {  	s18 =	sld [smem:$0x3FFB];
	_ =	sdelay $0x3  }
0x92: {  	_ =	strace s18  }
0x93: {  	s3 =	sld [smem:$0x3FFC];
	_ =	sdelay $0x3  }
0x94: {  	_ =	strace s3  }
0x95: {  	s3 =	sld [smem:$0x3FFD];
	_ =	sdelay $0x3  }
0x96: {  	_ =	strace s3  }
0x97: {  	_ =	strace $0x8FFFFFFF  }
0x98: {  	s19 =	sld [smem:$0x3FDB];
	_ =	sdelay $0x1  }
0x99: {  	s4 =	simm.s32 $_scs_section_size  }
0x9a: {  	s5 =	simm.s32 $_size__tile_overlayer_lowered;
	s6 =	simm.s32 $_tile_overlayer_lowered  }
0x9b: {  	s22 =	simm.s32 $0x1BFF;
	s21 =	sshll.u32 s6, $0x1;
	s3 =	sadd.s32 s4, s19  }
0x9c: {  	s7 =	simm.s32 $0x0;
	s20 =	sshll.u32 s5, $0x1;
	s5 =	sadd.s32 s21, s3  }
0x9d: {  	[timem:s7], [sflag:s22] =	dma.local [hbm:s5], s20  }
0x9e: {  	_ =	swait.ge [sflag:s22], s20  }
0x9f: {  	s4 =	ssub.s32 $0x0, s20;
	[sflag:s22] =	ssyncset.done $0x0  }
0xa0: {  	[sflag:s22] =	ssyncadd.s32 s4;
	_ =	sdelay $0x1  }
0xa1: {  	s23 =	simm.s32 $0x1B8B  }
0xa2: {  	_ =	swait.ge [sflag:s23], $0x1  }
0xa3: {  	[sflag:s23] =	ssyncset.done $0x0  }
0xa4: {  	s25 =	simm.s32 $0x1B8E;
	s24 =	sld [smem:$0x3FFE];
	[sflag:s23] =	ssyncadd.s32 $0xFFFFFFFF  }
0xa5: {  	s26 =	simm.s32 $execute0_lowered;
	[smem:$0x3FD2] =	sst s25  }
0xa6: {  	s5 =	sshll.u32 s26, $0x1;
	_ =	strace $0x80000046;
	[dreg:$0x1] =	wrdreg $0xFFFFFFFF  }
0xa7: {  	s28 =	simm.s32 $_size_execute0_lowered;
	s3 =	sadd.s32 s3, s5;
	[dreg:$0x0] =	wrdreg $0x0  }
0xa8: {  	s5 =	sshll.u32 s28, $0x1;
	[dreg:$0x2] =	wrdreg s3  }
0xa9: {  	[dreg:$0x3] =	wrdreg s5  }
0xaa: {  	[dreg:$0x4] =	wrdreg $0xC0  }
0xab: {  	_ =	task [dreg:s7], $0x5FFFF  }
0xac: {  	[dreg:$0x1] =	wrdreg $0xFFFFFFFF  }
0xad: {  	[dreg:$0x0] =	wrdreg $0x60  }
0xae: {  	[dreg:$0x2] =	wrdreg s24  }
0xaf: {  	[dreg:$0x3] =	wrdreg s2  }
0xb0: {  	[dreg:$0x4] =	wrdreg $0x40800  }
0xb1: {  	[dreg:$0x5] =	wrdreg $0x9  }
0xb2: {  	_ =	task.clear_ibuf [dreg:s7], $0x6FFFF;
	_ =	strace $0x90000046  }
0xb3: {  	s29 =	simm.s32 $0x9;
	_ =	strace $0x80000048  }
0xb4: {  	_ =	swait.ge [sflag:s29], $0x1  }
0xb5: {  	[sflag:s29] =	ssyncadd.s32 $0xFFFFFFFF  }
0xb6: {  	_ =	strace $0x90000048  }
0xb7: {  	_ =	sfence  }
0xb8: {  	s30 =	sld [smem:$0x0];
	_ =	sdelay $0x2  }
0xb9: {  	s31 =	sshll.u32 s1, $0xD;
	s1 =	sshrl.u32 s1, $0x2  }
0xba: {  	s3 =	sand.u32 $0x4000, s31;
	s1 =	sadd.s32 s1, s30  }
0xbb: {  	s0 =	sor.u32 s3, s0;
	s1 =	sshll.u32 s1, $0x11  }
0xbc: {  	s0 =	sor.u32 s1, s0  }
0xbd: {  	s0 =	sadd.s32 $0x8F2B, s0  }
0xbe: {  	[sflag:s0] =	ssyncadd.remote.s32 $0x1  }
0xbf: {  	_ =	sfence.sel $0xFFFF  }
0xc0: {  	[dreg:$0x0] =	wrdreg $0xFFFFFFFF;
	(pc) =	sbr.abs _section_cstart, $3  }
0xc1: {  	[dreg:$0x1] =	wrdreg $0xFFFFFFFF  }
0xc2: {  	_ =	task.clear_ibuf [dreg:s7], $0x2FFFF;
	_ =	strace $0x9FFFFFFF  }
0xc3: {  	(tm) =	ssettm $0x7FFFFFFF  }
tec
execute0_lowered:
.L_overlay_start_1:
0x0: {  	(tag) =	ssettag $0x1  }
0x1: {  	s5 =	rddreg [dreg:$0x0]  }
0x2: {  	s2 =	rddreg [dreg:$0x1]  }
0x3: {  	s3 =	rddreg [dreg:$0x2]  }
0x4: {  	s0 =	rddreg [dreg:$0x3]  }
0x5: {  	s6 =	srdreg.scid;
	s1 =	stileid.u32;
	s4 =	simm.s32 $0x0  }
0x6: {  	s13 =	simm.s32 $0x0;
	s6 =	sand.u32 $0x1, s6;
	s7 =	smul.u32 $0x14000, s1  }
0x7: {  	[smem:$0x7FF] =	sst s4;
	s25 =	smul.u32 $0x50000, s1;
	s28 =	sshll.u32 s1, $0x4  }
0x8: {  	s31 =	sshll.u32 s1, $0x6;
	s8 =	smul.u32 $0x140000, s6;
	s9 =	sshll.u32 s6, $0x8  }
0x9: {  	_ =	strace $0x80000047;
	s6 =	ssub.s32 $0x2, s6;
	s9 =	sadd.s32 s9, s5  }
0xa: {  	s10 =	sshrl.u32 s7, $0x3;
	s26 =	sshrl.u32 s6, $0x1;
	s29 =	sshrl.u32 s25, $0x2  }
0xb: {  	s7 =	sadd.s32 s7, s8;
	s10 =	sadd.s32 s10, s5;
	s11 =	ssub.s32 s6, s26  }
0xc: {  	s12 =	sadd.s32 s29, s3;
	s30 =	sadd.s32 s28, s9;
	s9 =	simm.s32 $0x80  }
0xd: {  	s7 =	sshrl.u32 s7, $0x3;
	s8 =	sadd.s32 $0x3E00, s30;
	s12 =	sshrl.u32 s12, $0x3  }
0xe: {  	s7 =	sadd.s32 s7, s5;
	s5 =	sadd.s32 $0xE000, s10;
	s10 =	simm.s32 $0x1  }
0xf: {  	s6 =	sadd.s32 $0x36000, s7;
	s7 =	smax.u32 s11, $0x1;
	s11 =	sor.u32 $0x1C01, s31  }
.LBB2_1:
0x10: {  	[tilespmem:s9], [sflag:$0x1] =	stream.linear.gather [hbm4b:s2+s4], $0x4000, $0x38;
	[tilespmem:$0x18080] =	vst v63  }
0x11: {  	_ =	swait.ge [sflag:s10], $0x4000  }
0x12: {  	[sflag:s10] =	ssyncset.done $0x0  }
0x13: {  	[sflag:s10] =	ssyncadd.s32 $0xFFFFC000  }
0x14: {  	[spmem:s12], [sflag:s11] =	dma.local [hbm:s5], $0x2800  }
0x15: {  	_ =	swait.ge [sflag:s10], $0x2800  }
0x16: {  	[sflag:s10] =	ssyncset.done $0x0  }
0x17: {  	[sflag:s10] =	ssyncadd.s32 $0xFFFFD800  }
0x18: {  	s14 =	sadd.s32 $0x0, s8;
	[bflag:$0x0] =	sbarrier.arrive $0xFFFF  }
0x19: {  	[tilespmem:s4], [sflag:$0x1] =	stream.linear.gather [hbm4b:s14+s4], $0x80, $0x38;
	[tilespmem:$0x18080] =	vst v63  }
0x1a: {  	_ =	swait.ge [sflag:s10], $0x80  }
0x1b: {  	[sflag:s10] =	ssyncset.done $0x0  }
0x1c: {  	[sflag:s10] =	ssyncadd.s32 $0xFFFFFF80  }
0x1d: {  	[spmem:s3] =	stream.indirect.scatter.add.f32 [tilespmem:s9], [sflag:$0x1], $0x80, s4, s9, $0xb8;
	[tilespmem:$0x18080] =	vst v63  }
0x1e: {  	_ =	swait.ge [sflag:s10], $0x4000  }
0x1f: {  	s15 =	simm.s32 $0x400;
	s14 =	simm.s32 $0x200;
	[sflag:s10] =	ssyncset.done $0x0  }
.LBB2_2:
0x20: {  	s16 =	sadd.s32 s14, s8  }
0x21: {  	[sflag:s10] =	ssyncadd.s32 $0xFFFFC000;
	s14 =	smov.u32 s15;
	s17 =	sadd.s32 $0x200, s15  }
0x22: {  	[tilespmem:s4], [sflag:$0x1] =	stream.linear.gather [hbm4b:s16+s4], $0x80, $0x38;
	[tilespmem:$0x18080] =	vst v63  }
0x23: {  	p0 =	sne.s32 s15, $0xA000;
	_ =	swait.ge [sflag:s10], $0x80  }
.Ltmp0:
0x24: {  	[sflag:s10] =	ssyncset.done $0x0;
	(pc) =	sbr.rel @p0 .LBB2_2-.Ltmp0, $4  }
0x25: {  	[sflag:s10] =	ssyncadd.s32 $0xFFFFFF80  }
0x26: {  	[spmem:s3] =	stream.indirect.scatter.add.f32 [tilespmem:s9], [sflag:$0x1], $0x80, s4, s9, $0xb8;
	[tilespmem:$0x18080] =	vst v63  }
0x27: {  	_ =	swait.ge [sflag:s10], $0x4000  }
0x28: {  	s15 =	smov.u32 s17;
	[sflag:s10] =	ssyncset.done $0x0  }
0x29: {  	s14 =	sadd.s32 s14, s8;
	[sflag:s10] =	ssyncadd.s32 $0xFFFFC000  }
0x2a: {  	[tilespmem:s4], [sflag:$0x1] =	stream.linear.gather [hbm4b:s14+s4], $0x80, $0x38;
	[tilespmem:$0x18080] =	vst v63  }
0x2b: {  	_ =	swait.ge [sflag:s10], $0x80  }
0x2c: {  	[sflag:s10] =	ssyncset.done $0x0  }
0x2d: {  	[sflag:s10] =	ssyncadd.s32 $0xFFFFFF80  }
0x2e: {  	[spmem:s3] =	stream.indirect.scatter.add.f32 [tilespmem:s9], [sflag:$0x1], $0x80, s4, s9, $0xb8;
	[tilespmem:$0x18080] =	vst v63  }
0x2f: {  	_ =	swait.ge [sflag:s10], $0x4000  }
0x30: {  	s13 =	sadd.s32 $0x1, s13;
	[sflag:s10] =	ssyncset.done $0x0  }
0x31: {  	p0 =	sne.s32 s13, s7;
	[sflag:s10] =	ssyncadd.s32 $0xFFFFC000  }
.Ltmp1:
0x32: {  	[bflag:$0x0] =	sbarrier.arrive $0xFFFF;
	(pc) =	sbr.rel @p0 .LBB2_1-.Ltmp1, $4  }
0x33: {  	[hbm:s6], [sflag:s11] =	dma.local [spmem:s12], $0x2800  }
0x34: {  	_ =	swait.ge [sflag:s10], $0x2800  }
0x35: {  	[sflag:s10] =	ssyncset.done $0x0  }
0x36: {  	[sflag:s10] =	ssyncadd.s32 $0xFFFFD800  }
0x37: {  	_ =	sfence.sel $0x180000  }
0x38: {  	[bflag:$0x0] =	sbarrier.arrive $0xFFFF  }
0x39: {  	p0 =	sne.s32 s1, $0x0;
	_ =	strace $0x90000047  }
0x3a: {  	s0 =	sadd.s32 @!p0 $0x100000, s0;
	[bflag:$0x2] =	sbarrier.arrive $0xFFFF  }
0x3b: {  	[sflag:s0] =	ssyncadd.tile.s32 @!p0 $0x1;
	_ =	shalt  }
.Lfunc_end2:
_tile_overlayer_lowered:
.L_overlay_start_2:
0x3c: {  	(tag) =	ssettag $0x2  }
0x3d: {  	s0 =	rddreg [dreg:$0x0];
	s2 =	stileid.u32  }
0x3e: {  	s1 =	rddreg [dreg:$0x1];
	p0 =	sne.s32 s2, $0x0  }
0x3f: {  	s3 =	rddreg [dreg:$0x2];
	[bflag:$0x3] =	sbarrier.arrive $0xFFFF;
	s2 =	simm.s32 @!p0 $0x1C01  }
0x40: {  	[timem:s3], [sflag:s2] =	dma.local @!p0 [hbm:s0], s1  }
0x41: {  	s0 =	simm.s32 @!p0 $0x1  }
0x42: {  	_ =	swait.ge @!p0 [sflag:s0], s1  }
0x43: {  	s1 =	ssub.s32 @!p0 $0x0, s1;
	[sflag:s0] =	ssyncset.done @!p0 $0x0  }
0x44: {  	[sflag:s0] =	ssyncadd.s32 @!p0 s1  }
0x45: {  	[bflag:$0x3] =	sbarrier.arrive $0xFFFF  }
0x46: {  	_ =	shalt  }

// kernel: kernel.18.cloned.1.call-start
scs
__scs_entry_jumppad:
0x0: {  	(pc) =	sbr.rel $0x88, $3  }
0x1: {  	(tag) =	ssettag $0x0;
	lr =	simm.s32 $0x1  }
0x2: {  	[smem:$0x3F94] =	sst lr;
	_ =	strace $0xD0000000  }
0x3: {  	_ = 	snop  }
0x4: {  	_ = 	snop  }
0x5: {  	_ = 	snop  }
0x6: {  	_ = 	snop  }
0x7: {  	_ = 	snop  }
__scs_overlays_trampoline_lowered:
0x8: {  	[smem:$0x3FA3] =	sst s0  }
0x9: {  	[smem:$0x3FA4] =	sst s1  }
0xa: {  	[smem:$0x3FA5] =	sst s2  }
0xb: {  	[smem:$0x3FA6] =	sst s3  }
0xc: {  	[smem:$0x3FA7] =	sst s4  }
0xd: {  	[smem:$0x3FA8] =	sst s5  }
0xe: {  	[smem:$0x3FA9] =	sst s6  }
0xf: {  	[smem:$0x3FAA] =	sst s7  }
0x10: {  	[smem:$0x3FAB] =	sst s8  }
0x11: {  	[smem:$0x3FAC] =	sst s9;
	s0 =	simm.s32 @!p0 $0x0  }
0x12: {  	s1 =	sld [smem:$0x3F92];
	s0 =	simm.s32 @p0 $0x1  }
0x13: {  	[smem:$0x3FAD] =	sst s0;
	s0 =	simm.s32 @!p1 $0x0  }
0x14: {  	s2 =	sld [smem:$0x3F91];
	s0 =	simm.s32 @p1 $0x1  }
0x15: {  	[smem:$0x3FAE] =	sst s0;
	s0 =	simm.s32 @!p2 $0x0  }
0x16: {  	s3 =	sld [smem:$0x3FDB];
	s0 =	simm.s32 @p2 $0x1  }
0x17: {  	s4 =	simm.s32 $0x1BF5;
	[smem:$0x3FB0] =	sst s0  }
0x18: {  	s0 =	sld [smem:$0x3F93];
	_ =	swait.ge [sflag:s4], $0x0  }
0x19: {  	s7 =	sld [smem:$0x3F94]  }
0x1a: {  	s8 =	sadd.s32 $0xFFFFE003, lr  }
0x1b: {  	s9 =	sadd.s32 $0xFFFFFEF7, lr;
	s5 =	simm.s32 $0xFFFFFFFF;
	p2 =	slt.u32 s8, $0xFFFFF086  }
0x1c: {  	p1 =	slt.u32 s9, $0xF7A;
	s5 =	simm.s32 @!p2 $0x0  }
0x1d: {  	s5 =	simm.s32 @p1 $0x1;
	p0 =	seq.s32 s7, s2  }
0x1e: {  	s7 =	smul.u32 @!p0 $0xF7A, s2;
	p2 =	seq.s32 @!p0 s5, $0x0  }
0x1f: {  	s9 =	smul.u32 $0xF7A, s1;
	s8 =	simm.s32 @!p0 $0x1BF5;
	p2 =	por !p2, p0  }
0x20: {  	[sflag:s8] =	ssyncset.s32 @!p0 $0xFFFFF086;
	s6 =	sadd.s32 @!p0 s3, s7;
	s7 =	simm.s32 @!p0 $0x108  }
0x21: {  	s3 =	sadd.s32 s3, s9;
	s6 =	sadd.s32 @!p0 $0x88, s6;
	s7 =	simm.s32 @p2 $0x1082  }
0x22: {  	[simem:s7], [sflag:s8] =	dma.local @!p0 [hbm:s6], $0xF7A  }
0x23: {  	s9 =	sor.u32 $0xD0000000, s2;
	s6 =	simm.s32 $0x108;
	_ =	swait.ge @!p0 [sflag:s8], $0x0  }
0x24: {  	s3 =	sadd.s32 $0x88, s3;
	s6 =	simm.s32 @!p1 $0x1082;
	[sflag:s4] =	ssyncset.s32 $0xFFFFF086  }
0x25: {  	[simem:s6], [sflag:s4] =	dma.local [hbm:s3], $0xF7A  }
0x26: {  	[smem:$0x3F94] =	sst s1;
	(tag) =	ssettag s2;
	_ =	strace s9  }
0x27: {  	s1 =	sld [smem:$0x3FA4]  }
0x28: {  	s2 =	sld [smem:$0x3FA5]  }
0x29: {  	s4 =	sld [smem:$0x3FA7]  }
0x2a: {  	p0 =	seq.s32 s5, $0x0;
	s5 =	sld [smem:$0x3FA8]  }
0x2b: {  	s6 =	sld [smem:$0x3FA9]  }
0x2c: {  	s7 =	sld [smem:$0x3FAA]  }
0x2d: {  	s3 =	simm.s32 $0x108;
	s8 =	sld [smem:$0x3FAB]  }
0x2e: {  	s3 =	simm.s32 @!p0 $0x1082;
	s9 =	sld [smem:$0x3FAC]  }
0x2f: {  	lr =	sadd.s32 s0, s3;
	s0 =	sld [smem:$0x3FA3]  }
0x30: {  	s3 =	sld [smem:$0x3FA6]  }
0x31: {  	[smem:$0x3FAF] =	sst s10  }
0x32: {  	s10 =	sld [smem:$0x3FAD];
	_ =	sdelay $0x3  }
0x33: {  	p0 =	seq.s32 s10, $0x1;
	s10 =	sld [smem:$0x3FAF];
	_ =	sdelay $0x3  }
0x34: {  	[smem:$0x3FAF] =	sst s10  }
0x35: {  	s10 =	sld [smem:$0x3FAE];
	_ =	sdelay $0x3  }
0x36: {  	p1 =	seq.s32 s10, $0x1;
	s10 =	sld [smem:$0x3FAF];
	_ =	sdelay $0x3  }
0x37: {  	[smem:$0x3FAF] =	sst s10  }
0x38: {  	s10 =	sld [smem:$0x3FB0]  }
0x39: {  	_ = 	snop;
	(pc) =	sbr.ind lr, $3  }
0x3a: {  	_ = 	snop  }
0x3b: {  	_ = 	snop  }
0x3c: {  	p2 =	seq.s32 s10, $0x1;
	s10 =	sld [smem:$0x3FAF]  }
0x3d: {  	_ =	shalt  }
0x3e: {  	_ =	shalt  }
0x3f: {  	_ =	shalt  }
0x40: {  	_ =	shalt  }
0x41: {  	_ =	shalt  }
0x42: {  	_ =	shalt  }
0x43: {  	_ =	shalt  }
0x44: {  	_ =	shalt  }
0x45: {  	_ =	shalt  }
0x46: {  	_ =	shalt  }
0x47: {  	_ =	shalt  }
0x48: {  	_ =	shalt  }
0x49: {  	_ =	shalt  }
0x4a: {  	_ =	shalt  }
0x4b: {  	_ =	shalt  }
0x4c: {  	_ =	shalt  }
0x4d: {  	_ =	shalt  }
0x4e: {  	_ =	shalt  }
0x4f: {  	_ =	shalt  }
0x50: {  	_ =	shalt  }
0x51: {  	_ =	shalt  }
0x52: {  	_ =	shalt  }
0x53: {  	_ =	shalt  }
0x54: {  	_ =	shalt  }
0x55: {  	_ =	shalt  }
0x56: {  	_ =	shalt  }
0x57: {  	_ =	shalt  }
0x58: {  	_ =	shalt  }
0x59: {  	_ =	shalt  }
0x5a: {  	_ =	shalt  }
0x5b: {  	_ =	shalt  }
0x5c: {  	_ =	shalt  }
0x5d: {  	_ =	shalt  }
0x5e: {  	_ =	shalt  }
0x5f: {  	_ =	shalt  }
0x60: {  	_ =	shalt  }
0x61: {  	_ =	shalt  }
0x62: {  	_ =	shalt  }
0x63: {  	_ =	shalt  }
0x64: {  	_ =	shalt  }
0x65: {  	_ =	shalt  }
0x66: {  	_ =	shalt  }
0x67: {  	_ =	shalt  }
0x68: {  	_ =	shalt  }
0x69: {  	_ =	shalt  }
0x6a: {  	_ =	shalt  }
0x6b: {  	_ =	shalt  }
0x6c: {  	_ =	shalt  }
0x6d: {  	_ =	shalt  }
0x6e: {  	_ =	shalt  }
0x6f: {  	_ =	shalt  }
0x70: {  	_ =	shalt  }
0x71: {  	_ =	shalt  }
0x72: {  	_ =	shalt  }
0x73: {  	_ =	shalt  }
0x74: {  	_ =	shalt  }
0x75: {  	_ =	shalt  }
0x76: {  	_ =	shalt  }
0x77: {  	_ =	shalt  }
0x78: {  	_ =	shalt  }
0x79: {  	_ =	shalt  }
0x7a: {  	_ =	shalt  }
0x7b: {  	_ =	shalt  }
0x7c: {  	_ =	shalt  }
0x7d: {  	_ =	shalt  }
0x7e: {  	_ =	shalt  }
0x7f: {  	_ =	shalt  }
0x80: {  	_ =	shalt  }
0x81: {  	_ =	shalt  }
0x82: {  	_ =	shalt  }
0x83: {  	_ =	shalt  }
0x84: {  	_ =	shalt  }
0x85: {  	_ =	shalt  }
0x86: {  	_ =	shalt  }
0x87: {  	_ =	shalt  }
.Lfunc_end0:
.L_simem_size_0:
called_computation.1_lowered:
.L_overlay_start_0:
0x88: {  	s2 =	sld [smem:$0x3FD9]  }
0x89: {  	s3 =	sld [smem:$0x3FFE];
	_ =	sdelay $0x1  }
0x8a: {  	s1 =	srdreg.scid  }
0x8b: {  	s0 =	sand.u32 $0x1, s1  }
0x8c: {  	s16 =	sshll.u32 s0, $0xA;
	s2 =	sadd.s32 s3, s2  }
0x8d: {  	s2 =	sadd.s32 s2, s16  }
0x8e: {  	[smem:$0x3FBB] =	sst s2  }
0x8f: {  	_ = 	snop  }
0x90: {  	(tm) =	ssettm $0x1  }
0x91: {  	s17 =	sld [smem:$0x3FFB];
	_ =	sdelay $0x3  }
0x92: {  	_ =	strace s17  }
0x93: {  	s2 =	sld [smem:$0x3FFC];
	_ =	sdelay $0x3  }
0x94: {  	_ =	strace s2  }
0x95: {  	s2 =	sld [smem:$0x3FFD];
	_ =	sdelay $0x3  }
0x96: {  	_ =	strace s2  }
0x97: {  	_ =	strace $0x8FFFFFFF  }
0x98: {  	s18 =	sld [smem:$0x3FDB];
	_ =	sdelay $0x1  }
0x99: {  	s19 =	simm.s32 $_scs_section_size  }
0x9a: {  	s4 =	simm.s32 $_size__tile_overlayer_lowered;
	s5 =	simm.s32 $_tile_overlayer_lowered  }
0x9b: {  	s22 =	simm.s32 $0x1BFF;
	s21 =	sshll.u32 s5, $0x1;
	s2 =	sadd.s32 s19, s18  }
0x9c: {  	s6 =	simm.s32 $0x0;
	s20 =	sshll.u32 s4, $0x1;
	s4 =	sadd.s32 s21, s2  }
0x9d: {  	[timem:s6], [sflag:s22] =	dma.local [hbm:s4], s20  }
0x9e: {  	_ =	swait.ge [sflag:s22], s20  }
0x9f: {  	s3 =	ssub.s32 $0x0, s20;
	[sflag:s22] =	ssyncset.done $0x0  }
0xa0: {  	[sflag:s22] =	ssyncadd.s32 s3;
	_ =	sdelay $0x1  }
0xa1: {  	s23 =	simm.s32 $0x1B8B  }
0xa2: {  	_ =	swait.ge [sflag:s23], $0x1  }
0xa3: {  	[sflag:s23] =	ssyncset.done $0x0  }
0xa4: {  	s25 =	simm.s32 $0x1B8E;
	s24 =	sld [smem:$0x3FFE];
	[sflag:s23] =	ssyncadd.s32 $0xFFFFFFFF  }
0xa5: {  	s26 =	simm.s32 $execute0_lowered;
	[smem:$0x3FD2] =	sst s25  }
0xa6: {  	s4 =	sshll.u32 s26, $0x1;
	_ =	strace $0x80000049;
	[dreg:$0x1] =	wrdreg $0xFFFFFFFF  }
0xa7: {  	s28 =	simm.s32 $_size_execute0_lowered;
	s2 =	sadd.s32 s2, s4;
	[dreg:$0x0] =	wrdreg $0x0  }
0xa8: {  	s4 =	sshll.u32 s28, $0x1;
	[dreg:$0x2] =	wrdreg s2  }
0xa9: {  	[dreg:$0x3] =	wrdreg s4  }
0xaa: {  	[dreg:$0x4] =	wrdreg $0xC0  }
0xab: {  	_ =	task [dreg:s6], $0x5FFFF  }
0xac: {  	[dreg:$0x1] =	wrdreg $0xFFFFFFFF  }
0xad: {  	[dreg:$0x0] =	wrdreg $0x60  }
0xae: {  	[dreg:$0x2] =	wrdreg s24  }
0xaf: {  	[dreg:$0x3] =	wrdreg $0x82000  }
0xb0: {  	[dreg:$0x4] =	wrdreg $0x9  }
0xb1: {  	_ =	task.clear_ibuf [dreg:s6], $0x5FFFF;
	_ =	strace $0x90000049  }
0xb2: {  	s29 =	simm.s32 $0x9;
	_ =	strace $0x8000004B  }
0xb3: {  	_ =	swait.ge [sflag:s29], $0x1  }
0xb4: {  	[sflag:s29] =	ssyncadd.s32 $0xFFFFFFFF  }
0xb5: {  	_ =	strace $0x9000004B  }
0xb6: {  	_ =	sfence  }
0xb7: {  	s30 =	sld [smem:$0x0];
	_ =	sdelay $0x2  }
0xb8: {  	s31 =	sshll.u32 s1, $0xD;
	s1 =	sshrl.u32 s1, $0x2  }
0xb9: {  	s3 =	sand.u32 $0x4000, s31;
	s1 =	sadd.s32 s1, s30  }
0xba: {  	s0 =	sor.u32 s3, s0;
	s1 =	sshll.u32 s1, $0x11  }
0xbb: {  	s0 =	sor.u32 s1, s0  }
0xbc: {  	s0 =	sadd.s32 $0x8F2B, s0  }
0xbd: {  	[sflag:s0] =	ssyncadd.remote.s32 $0x1  }
0xbe: {  	_ =	sfence.sel $0xFFFF  }
0xbf: {  	[dreg:$0x0] =	wrdreg $0xFFFFFFFF;
	(pc) =	sbr.abs _section_cstart, $3  }
0xc0: {  	[dreg:$0x1] =	wrdreg $0xFFFFFFFF  }
0xc1: {  	_ =	task.clear_ibuf [dreg:s6], $0x2FFFF;
	_ =	strace $0x9FFFFFFF  }
0xc2: {  	(tm) =	ssettm $0x7FFFFFFF  }
0xc3: {  	_ =	shalt  }
tec
execute0_lowered:
.L_overlay_start_1:
0x0: {  	(tag) =	ssettag $0x1  }
0x1: {  	s0 =	rddreg [dreg:$0x0]  }
0x2: {  	s2 =	rddreg [dreg:$0x1];
	s12 =	stileid.u32  }
0x3: {  	s1 =	srdreg.scid;
	s3 =	simm.s32 $0x0;
	s28 =	simm.s32 $0x6  }
0x4: {  	s30 =	simm.s32 $0x1;
	s31 =	simm.s32 $0x3;
	s5 =	smul.u32 $0x14000, s12  }
0x5: {  	s1 =	sand.u32 $0x1, s1;
	[smem:$0x7FF] =	sst s3;
	s4 =	sadd.s32 $0x36000, s0  }
0x6: {  	s9 =	sadd.s32 $0x86000, s0;
	s10 =	sadd.s32 $0x3E00, s0;
	s14 =	smul.u32 $0x50000, s12  }
0x7: {  	s8 =	sshll.u32 s12, $0x7;
	s16 =	sshll.u32 s12, $0x6;
	s6 =	smul.u32 $0x140000, s1  }
0x8: {  	_ =	strace $0x8000004A;
	s7 =	ssub.s32 $0x2, s1;
	s1 =	sshll.u32 s1, $0xB  }
0x9: {  	s11 =	sshrl.u32 s7, $0x1;
	s1 =	sor.u32 s8, s1;
	s8 =	sor.u32 $0x1C05, s16  }
0xa: {  	s6 =	sadd.s32 s5, s6;
	s5 =	sshrl.u32 s5, $0x3;
	s7 =	ssub.s32 s7, s11  }
0xb: {  	s15 =	sshrl.u32 s1, $0x3;
	s20 =	sor.u32 $0x2000, s1;
	s21 =	sor.u32 $0x3000, s1  }
0xc: {  	s25 =	sor.u32 $0x5000, s1;
	s1 =	sor.u32 $0x4000, s1;
	s6 =	sshrl.u32 s6, $0x3  }
0xd: {  	s5 =	sadd.s32 s5, s0;
	s17 =	sadd.s32 s9, s15;
	s18 =	sadd.s32 s10, s15  }
0xe: {  	s22 =	smax.u32 s7, $0x1;
	s24 =	sshrl.u32 s20, $0x3;
	[dreg:$0x5] =	wrdreg s17  }
0xf: {  	s26 =	sshrl.u32 s21, $0x3;
	s29 =	sshrl.u32 s1, $0x3;
	[dreg:$0x9] =	wrdreg s22  }
0x10: {  	s21 =	simm.s32 $0x5;
	s5 =	sadd.s32 $0xE000, s5;
	[dreg:$0x6] =	wrdreg s18  }
0x11: {  	s0 =	sadd.s32 s6, s0;
	s19 =	sadd.s32 $0x200, s17;
	[dreg:$0x4] =	wrdreg s5  }
0x12: {  	s6 =	sshrl.u32 s14, $0x2;
	s23 =	sadd.s32 $0x200, s18;
	[dreg:$0x7] =	wrdreg s19  }
0x13: {  	s1 =	simm.s32 $0x0;
	s6 =	sadd.s32 s6, s2;
	[dreg:$0xa] =	wrdreg s23  }
0x14: {  	s18 =	sadd.s32 s29, s10;
	s0 =	sadd.s32 $0x90200, s0;
	[dreg:$0x3] =	wrdreg s6  }
0x15: {  	s20 =	sadd.s32 s26, s10;
	s5 =	sadd.s32 s9, s24;
	[dreg:$0x8] =	wrdreg s0  }
0x16: {  	s19 =	sadd.s32 s29, s9;
	[dreg:$0xb] =	wrdreg s5;
	s0 =	sadd.s32 s10, s24  }
0x17: {  	s6 =	sadd.s32 s9, s26;
	[dreg:$0xc] =	wrdreg s0;
	s0 =	sshrl.u32 s25, $0x3  }
0x18: {  	s23 =	simm.s32 $0x80;
	[dreg:$0xd] =	wrdreg s6;
	s7 =	sadd.s32 s0, s9  }
.LBB2_1:
0x19: {  	s0 =	rddreg [dreg:$0x3]  }
0x1a: {  	s14 =	rddreg [dreg:$0x4];
	s5 =	sshrl.u32 s0, $0x3  }
0x1b: {  	[spmem:s5], [sflag:s8] =	dma.local [hbm:s14], $0x2800  }
0x1c: {  	_ =	swait.ge [sflag:s21], $0x2800  }
0x1d: {  	[sflag:s21] =	ssyncset.done $0x0  }
0x1e: {  	[sflag:s21] =	ssyncadd.s32 $0xFFFFD800  }
0x1f: {  	[bflag:$0x0] =	sbarrier.arrive $0xFFFF  }
0x20: {  	s15 =	rddreg [dreg:$0x5]  }
0x21: {  	[tilespmem:s3], [sflag:$0x5] =	stream.linear.gather [hbm4b:s15+s3], $0x80, $0x38;
	[tilespmem:$0x1C200] =	vst v63  }
0x22: {  	_ =	swait.ge [sflag:s21], $0x80  }
0x23: {  	[sflag:s21] =	ssyncset.done $0x0  }
0x24: {  	s6 =	simm.s32 $0x100;
	s16 =	rddreg [dreg:$0x6];
	[sflag:s21] =	ssyncadd.s32 $0xFFFFFF80  }
0x25: {  	[tilespmem:s6], [sflag:$0x5] =	stream.linear.gather [hbm4b:s16+s3], $0x80, $0x38;
	[tilespmem:$0x1C200] =	vst v63  }
0x26: {  	_ =	swait.ge [sflag:s21], $0x80  }
0x27: {  	[sflag:s21] =	ssyncset.done $0x0  }
0x28: {  	s9 =	simm.s32 $0x200;
	[sflag:s21] =	ssyncadd.s32 $0xFFFFFF80  }
0x29: {  	[tilespmem:s9], [sflag:$0x1] =	stream.indirect.gather [hbm4b:s4+s23], $0x80, s3, s23, $0xb8;
	[tilespmem:$0x1C200] =	vst v63  }
0x2a: {  	s17 =	rddreg [dreg:$0x7]  }
0x2b: {  	[tilespmem:s23], [sflag:$0x5] =	stream.linear.gather [hbm4b:s17+s3], $0x80, $0x38;
	[tilespmem:$0x1C200] =	vst v63  }
0x2c: {  	_ =	swait.ge [sflag:s21], $0x80  }
0x2d: {  	[sflag:s21] =	ssyncset.done $0x0  }
0x2e: {  	[sflag:s21] =	ssyncadd.s32 $0xFFFFFF80  }
0x2f: {  	_ =	swait.ge [sflag:s30], $0x4000  }
0x30: {  	[sflag:s30] =	ssyncset.done $0x0  }
0x31: {  	s10 =	simm.s32 $0x4200;
	[sflag:s30] =	ssyncadd.s32 $0xFFFFC000  }
0x32: {  	[tilespmem:s10], [sflag:$0x2] =	stream.indirect.gather [hbm4b:s4+s23], $0x80, s23, s23, $0xb8;
	[tilespmem:$0x1C200] =	vst v63  }
0x33: {  	s11 =	simm.s32 $0x180;
	s22 =	rddreg [dreg:$0xa]  }
0x34: {  	[tilespmem:s11], [sflag:$0x6] =	stream.linear.gather [hbm4b:s22+s3], $0x80, $0x38;
	[tilespmem:$0x1C200] =	vst v63  }
0x35: {  	_ =	swait.ge [sflag:s28], $0x80  }
0x36: {  	[sflag:s28] =	ssyncset.done $0x0  }
0x37: {  	[sflag:s28] =	ssyncadd.s32 $0xFFFFFF80  }
0x38: {  	[spmem:s2] =	stream.indirect.scatter.add.f32 [tilespmem:s9], [sflag:$0x3], $0x80, s6, s23, $0xb8;
	[tilespmem:$0x1C200] =	vst v63  }
0x39: {  	s24 =	rddreg [dreg:$0xb]  }
0x3a: {  	[tilespmem:s3], [sflag:$0x6] =	stream.linear.gather [hbm4b:s24+s3], $0x80, $0x38;
	[tilespmem:$0x1C200] =	vst v63  }
0x3b: {  	_ =	swait.ge [sflag:s28], $0x80  }
0x3c: {  	[sflag:s28] =	ssyncset.done $0x0  }
0x3d: {  	s25 =	simm.s32 $0x2;
	[sflag:s28] =	ssyncadd.s32 $0xFFFFFF80  }
0x3e: {  	_ =	swait.ge [sflag:s25], $0x4000  }
0x3f: {  	[sflag:s25] =	ssyncset.done $0x0  }
0x40: {  	[sflag:s25] =	ssyncadd.s32 $0xFFFFC000  }
0x41: {  	_ =	swait.ge [sflag:s31], $0x4000  }
0x42: {  	[sflag:s31] =	ssyncset.done $0x0  }
0x43: {  	[sflag:s31] =	ssyncadd.s32 $0xFFFFC000  }
0x44: {  	[tilespmem:s9], [sflag:$0x1] =	stream.indirect.gather [hbm4b:s4+s23], $0x80, s3, s23, $0xb8;
	[tilespmem:$0x1C200] =	vst v63  }
0x45: {  	s26 =	rddreg [dreg:$0xc]  }
0x46: {  	[tilespmem:s6], [sflag:$0x6] =	stream.linear.gather [hbm4b:s26+s3], $0x80, $0x38;
	[tilespmem:$0x1C200] =	vst v63  }
0x47: {  	_ =	swait.ge [sflag:s28], $0x80  }
0x48: {  	[sflag:s28] =	ssyncset.done $0x0  }
0x49: {  	[sflag:s28] =	ssyncadd.s32 $0xFFFFFF80  }
0x4a: {  	[spmem:s2] =	stream.indirect.scatter.add.f32 [tilespmem:s10], [sflag:$0x4], $0x80, s11, s23, $0xb8;
	[tilespmem:$0x1C200] =	vst v63  }
0x4b: {  	s29 =	rddreg [dreg:$0xd]  }
0x4c: {  	[tilespmem:s23], [sflag:$0x5] =	stream.linear.gather [hbm4b:s29+s3], $0x80, $0x38;
	[tilespmem:$0x1C200] =	vst v63  }
0x4d: {  	_ =	swait.ge [sflag:s21], $0x80  }
0x4e: {  	[sflag:s21] =	ssyncset.done $0x0  }
0x4f: {  	[sflag:s21] =	ssyncadd.s32 $0xFFFFFF80  }
0x50: {  	p0 =	por $0x0, $0x0;
	_ =	swait.ge [sflag:s30], $0x4000  }
0x51: {  	s9 =	simm.s32 @p0 $0x100;
	s6 =	simm.s32 @p0 $0x80;
	[sflag:s30] =	ssyncset.done $0x0  }
0x52: {  	s10 =	simm.s32 @p0 $0x200;
	s11 =	simm.s32 @!p0 $0x4;
	[sflag:s30] =	ssyncadd.s32 $0xFFFFC000  }
0x53: {  	[spmem:s2] =	stream.indirect.scatter.add.f32 @p0 [tilespmem:s10], [sflag:$0x3], $0x80, s9, s6, $0xb8;
	[tilespmem:$0x1C200] =	vst v63  }
0x54: {  	_ =	swait.ge @!p0 [sflag:s11], $0x4000  }
0x55: {  	[sflag:s11] =	ssyncset.done @!p0 $0x0  }
0x56: {  	s6 =	simm.s32 @!p0 $0x80;
	s9 =	simm.s32 @!p0 $0x4200;
	[sflag:s11] =	ssyncadd.s32 @!p0 $0xFFFFC000  }
0x57: {  	[tilespmem:s9], [sflag:$0x2] =	stream.indirect.gather @!p0 [hbm4b:s4+s6], $0x80, s6, s6, $0xb8;
	[tilespmem:$0x1C200] =	vst v63  }
0x58: {  	s12 =	simm.s32 @!p0 $0x6;
	s10 =	simm.s32 @!p0 $0x0;
	s11 =	simm.s32 @!p0 $0x180  }
0x59: {  	[tilespmem:s11], [sflag:$0x6] =	stream.linear.gather @!p0 [hbm4b:s20+s10], $0x80, $0x38;
	[tilespmem:$0x1C200] =	vst v63  }
0x5a: {  	_ =	swait.ge @!p0 [sflag:s12], $0x80  }
0x5b: {  	[sflag:s12] =	ssyncset.done @!p0 $0x0  }
0x5c: {  	s13 =	simm.s32 @!p0 $0x100;
	s14 =	simm.s32 @!p0 $0x200;
	[sflag:s12] =	ssyncadd.s32 @!p0 $0xFFFFFF80  }
0x5d: {  	[spmem:s2] =	stream.indirect.scatter.add.f32 @!p0 [tilespmem:s14], [sflag:$0x3], $0x80, s13, s6, $0xb8;
	[tilespmem:$0x1C200] =	vst v63  }
0x5e: {  	_ = 	snop  }
0x5f: {  	[tilespmem:s10], [sflag:$0x6] =	stream.linear.gather @!p0 [hbm4b:s19+s10], $0x80, $0x38;
	[tilespmem:$0x1C200] =	vst v63  }
0x60: {  	_ =	swait.ge @!p0 [sflag:s12], $0x80  }
0x61: {  	[sflag:s12] =	ssyncset.done @!p0 $0x0  }
0x62: {  	s15 =	simm.s32 @!p0 $0x2;
	[sflag:s12] =	ssyncadd.s32 @!p0 $0xFFFFFF80  }
0x63: {  	_ =	swait.ge @!p0 [sflag:s15], $0x4000  }
0x64: {  	[sflag:s15] =	ssyncset.done @!p0 $0x0  }
0x65: {  	[sflag:s15] =	ssyncadd.s32 @!p0 $0xFFFFC000;
	s15 =	simm.s32 @!p0 $0x3  }
0x66: {  	_ =	swait.ge @!p0 [sflag:s15], $0x4000  }
0x67: {  	[sflag:s15] =	ssyncset.done @!p0 $0x0  }
0x68: {  	[sflag:s15] =	ssyncadd.s32 @!p0 $0xFFFFC000  }
0x69: {  	[tilespmem:s14], [sflag:$0x1] =	stream.indirect.gather @!p0 [hbm4b:s4+s6], $0x80, s10, s6, $0xb8;
	[tilespmem:$0x1C200] =	vst v63  }
0x6a: {  	_ = 	snop  }
0x6b: {  	[tilespmem:s13], [sflag:$0x6] =	stream.linear.gather @!p0 [hbm4b:s18+s10], $0x80, $0x38;
	[tilespmem:$0x1C200] =	vst v63  }
0x6c: {  	p1 =	por @!p0 $0x1, $0x1;
	_ =	swait.ge @!p0 [sflag:s12], $0x80  }
0x6d: {  	p2 =	por !p1, p0;
	s17 =	smov.u32 s7;
	[sflag:s12] =	ssyncset.done @!p0 $0x0  }
0x6e: {  	s10 =	simm.s32 $0x5;
	s13 =	sadd.s32 $0x400, s19;
	[sflag:s12] =	ssyncadd.s32 @!p0 $0xFFFFFF80  }
0x6f: {  	[spmem:s2] =	stream.indirect.scatter.add.f32 @!p0 [tilespmem:s9], [sflag:$0x4], $0x80, s11, s6, $0xb8;
	[tilespmem:$0x1C200] =	vst v63  }
0x70: {  	s12 =	sadd.s32 $0x400, s18;
	s6 =	simm.s32 @!p2 $0x0;
	s9 =	simm.s32 @!p2 $0x80  }
0x71: {  	[tilespmem:s9], [sflag:$0x5] =	stream.linear.gather @!p2 [hbm4b:s7+s6], $0x80, $0x38;
	[tilespmem:$0x1C200] =	vst v63  }
0x72: {  	s11 =	sadd.s32 $0x400, s20;
	s6 =	simm.s32 $0x2;
	s9 =	simm.s32 @!p2 $0x5  }
.LBB2_2:
0x73: {  	_ =	swait.ge @!p2 [sflag:s9], $0x80  }
0x74: {  	s17 =	sadd.s32 $0x400, s17;
	s14 =	smov.u32 s6;
	s6 =	sadd.s32 $0x1, s6  }
0x75: {  	p0 =	sne.s32 s6, $0x29;
	[sflag:s9] =	ssyncset.done @!p2 $0x0  }
0x76: {  	[sflag:s9] =	ssyncadd.s32 @!p2 $0xFFFFFF80  }
0x77: {  	p1 =	sgt.u32 s10, $0x50;
	_ =	swait.ge [sflag:s30], $0x4000  }
0x78: {  	s15 =	simm.s32 @p1 $0x100;
	s9 =	simm.s32 @p1 $0x80;
	[sflag:s30] =	ssyncset.done $0x0  }
0x79: {  	s16 =	simm.s32 @p1 $0x200;
	s25 =	simm.s32 @!p1 $0x4;
	[sflag:s30] =	ssyncadd.s32 $0xFFFFC000  }
0x7a: {  	[spmem:s2] =	stream.indirect.scatter.add.f32 @p1 [tilespmem:s16], [sflag:$0x3], $0x80, s15, s9, $0xb8;
	[tilespmem:$0x1C200] =	vst v63  }
0x7b: {  	_ =	swait.ge @!p1 [sflag:s25], $0x4000  }
0x7c: {  	s9 =	simm.s32 @!p1 $0x80;
	s15 =	simm.s32 @!p1 $0x4200;
	[sflag:s25] =	ssyncset.done @!p1 $0x0  }
0x7d: {  	s16 =	simm.s32 @!p1 $0x0;
	[sflag:s25] =	ssyncadd.s32 @!p1 $0xFFFFC000;
	s25 =	simm.s32 @!p1 $0x180  }
0x7e: {  	[tilespmem:s15], [sflag:$0x2] =	stream.indirect.gather @!p1 [hbm4b:s4+s9], $0x80, s9, s9, $0xb8;
	[tilespmem:$0x1C200] =	vst v63  }
0x7f: {  	s26 =	simm.s32 @!p1 $0x6  }
0x80: {  	[tilespmem:s25], [sflag:$0x6] =	stream.linear.gather @!p1 [hbm4b:s11+s16], $0x80, $0x38;
	[tilespmem:$0x1C200] =	vst v63  }
0x81: {  	_ =	swait.ge @!p1 [sflag:s26], $0x80  }
0x82: {  	s22 =	simm.s32 @!p1 $0x100;
	s24 =	simm.s32 @!p1 $0x200;
	[sflag:s26] =	ssyncset.done @!p1 $0x0  }
0x83: {  	[sflag:s26] =	ssyncadd.s32 @!p1 $0xFFFFFF80  }
0x84: {  	[spmem:s2] =	stream.indirect.scatter.add.f32 @!p1 [tilespmem:s24], [sflag:$0x3], $0x80, s22, s9, $0xb8;
	[tilespmem:$0x1C200] =	vst v63  }
0x85: {  	_ = 	snop  }
0x86: {  	[tilespmem:s16], [sflag:$0x6] =	stream.linear.gather @!p1 [hbm4b:s13+s16], $0x80, $0x38;
	[tilespmem:$0x1C200] =	vst v63  }
0x87: {  	_ =	swait.ge @!p1 [sflag:s26], $0x80  }
0x88: {  	s29 =	simm.s32 @!p1 $0x2;
	[sflag:s26] =	ssyncset.done @!p1 $0x0  }
0x89: {  	[sflag:s26] =	ssyncadd.s32 @!p1 $0xFFFFFF80  }
0x8a: {  	_ =	swait.ge @!p1 [sflag:s29], $0x4000  }
0x8b: {  	s0 =	simm.s32 @!p1 $0x3;
	[sflag:s29] =	ssyncset.done @!p1 $0x0  }
0x8c: {  	[sflag:s29] =	ssyncadd.s32 @!p1 $0xFFFFC000  }
0x8d: {  	_ =	swait.ge @!p1 [sflag:s0], $0x4000  }
0x8e: {  	[sflag:s0] =	ssyncset.done @!p1 $0x0  }
0x8f: {  	[sflag:s0] =	ssyncadd.s32 @!p1 $0xFFFFC000  }
0x90: {  	[tilespmem:s24], [sflag:$0x1] =	stream.indirect.gather @!p1 [hbm4b:s4+s9], $0x80, s16, s9, $0xb8;
	[tilespmem:$0x1C200] =	vst v63  }
0x91: {  	_ = 	snop  }
0x92: {  	[tilespmem:s22], [sflag:$0x6] =	stream.linear.gather @!p1 [hbm4b:s12+s16], $0x80, $0x38;
	[tilespmem:$0x1C200] =	vst v63  }
0x93: {  	_ =	swait.ge @!p1 [sflag:s26], $0x80  }
0x94: {  	s10 =	sadd.s32 $0x2, s10;
	p2 =	slt.u32 @!p1 s14, $0x27;
	[sflag:s26] =	ssyncset.done @!p1 $0x0  }
.Ltmp0:
0x95: {  	p2 =	por !p2, p1;
	[sflag:s26] =	ssyncadd.s32 @!p1 $0xFFFFFF80;
	(pc) =	sbr.rel @p0 .LBB2_2-.Ltmp0, $4  }
0x96: {  	s14 =	simm.s32 @!p2 $0x80;
	s11 =	sadd.s32 $0x400, s11;
	s0 =	simm.s32 @!p2 $0x0  }
0x97: {  	[spmem:s2] =	stream.indirect.scatter.add.f32 @!p1 [tilespmem:s15], [sflag:$0x4], $0x80, s25, s9, $0xb8;
	[tilespmem:$0x1C200] =	vst v63  }
0x98: {  	s13 =	sadd.s32 $0x400, s13;
	s12 =	sadd.s32 $0x400, s12;
	s9 =	simm.s32 @!p2 $0x5  }
0x99: {  	[tilespmem:s14], [sflag:$0x5] =	stream.linear.gather @!p2 [hbm4b:s17+s0], $0x80, $0x38;
	[tilespmem:$0x1C200] =	vst v63  }
0x9a: {  	_ =	swait.ge @!p2 [sflag:s9], $0x80  }
0x9b: {  	[sflag:s9] =	ssyncset.done @!p2 $0x0  }
0x9c: {  	[sflag:s9] =	ssyncadd.s32 @!p2 $0xFFFFFF80  }
0x9d: {  	_ =	swait.ge [sflag:s31], $0x4000  }
0x9e: {  	[sflag:s31] =	ssyncset.done $0x0  }
0x9f: {  	s0 =	simm.s32 $0x4;
	[sflag:s31] =	ssyncadd.s32 $0xFFFFC000  }
0xa0: {  	_ =	swait.ge [sflag:s0], $0x4000  }
0xa1: {  	[sflag:s0] =	ssyncset.done $0x0  }
0xa2: {  	[sflag:s0] =	ssyncadd.s32 $0xFFFFC000  }
0xa3: {  	[bflag:$0x0] =	sbarrier.arrive $0xFFFF  }
0xa4: {  	s26 =	rddreg [dreg:$0x8]  }
0xa5: {  	[hbm:s26], [sflag:s8] =	dma.local [spmem:s5], $0x2800  }
0xa6: {  	_ =	swait.ge [sflag:s21], $0x2800  }
0xa7: {  	s1 =	sadd.s32 $0x1, s1;
	s29 =	rddreg [dreg:$0x9]  }
0xa8: {  	p0 =	sne.s32 s1, s29  }
.Ltmp1:
0xa9: {  	_ = 	snop;
	(pc) =	sbr.rel @p0 .LBB2_1-.Ltmp1, $3  }
0xaa: {  	[sflag:s21] =	ssyncset.done $0x0  }
0xab: {  	[sflag:s21] =	ssyncadd.s32 $0xFFFFD800  }
0xac: {  	[bflag:$0x0] =	sbarrier.arrive $0xFFFF;
	_ =	sdelay $0x1  }
0xad: {  	_ =	sfence.sel $0x180000  }
0xae: {  	[bflag:$0x0] =	sbarrier.arrive $0xFFFF  }
0xaf: {  	_ =	strace $0x9000004A  }
0xb0: {  	s0 =	stileid.u32;
	[bflag:$0x2] =	sbarrier.arrive $0xFFFF  }
0xb1: {  	p0 =	sne.s32 s0, $0x0;
	s0 =	rddreg [dreg:$0x2]  }
0xb2: {  	s0 =	sadd.s32 @!p0 $0x100000, s0  }
0xb3: {  	[sflag:s0] =	ssyncadd.tile.s32 @!p0 $0x1;
	_ =	shalt  }
.Lfunc_end2:
_tile_overlayer_lowered:
.L_overlay_start_2:
0xb4: {  	(tag) =	ssettag $0x2  }
0xb5: {  	s0 =	rddreg [dreg:$0x0];
	s2 =	stileid.u32  }
0xb6: {  	s1 =	rddreg [dreg:$0x1];
	p0 =	sne.s32 s2, $0x0  }
0xb7: {  	s3 =	rddreg [dreg:$0x2];
	[bflag:$0x3] =	sbarrier.arrive $0xFFFF;
	s2 =	simm.s32 @!p0 $0x1C05  }
0xb8: {  	[timem:s3], [sflag:s2] =	dma.local @!p0 [hbm:s0], s1  }
0xb9: {  	s0 =	simm.s32 @!p0 $0x5  }
0xba: {  	_ =	swait.ge @!p0 [sflag:s0], s1  }
0xbb: {  	s1 =	ssub.s32 @!p0 $0x0, s1;
	[sflag:s0] =	ssyncset.done @!p0 $0x0  }
0xbc: {  	[sflag:s0] =	ssyncadd.s32 @!p0 s1  }
0xbd: {  	[bflag:$0x3] =	sbarrier.arrive $0xFFFF  }
0xbe: {  	_ =	shalt  }

// kernel: kernel.21.cloned.1.call-start
scs
__scs_entry_jumppad:
0x0: {  	(pc) =	sbr.rel $0x88, $3  }
0x1: {  	(tag) =	ssettag $0x0;
	lr =	simm.s32 $0x1  }
0x2: {  	[smem:$0x3F94] =	sst lr;
	_ =	strace $0xD0000000  }
0x3: {  	_ = 	snop  }
0x4: {  	_ = 	snop  }
0x5: {  	_ = 	snop  }
0x6: {  	_ = 	snop  }
0x7: {  	_ = 	snop  }
__scs_overlays_trampoline_lowered:
0x8: {  	[smem:$0x3FA3] =	sst s0  }
0x9: {  	[smem:$0x3FA4] =	sst s1  }
0xa: {  	[smem:$0x3FA5] =	sst s2  }
0xb: {  	[smem:$0x3FA6] =	sst s3  }
0xc: {  	[smem:$0x3FA7] =	sst s4  }
0xd: {  	[smem:$0x3FA8] =	sst s5  }
0xe: {  	[smem:$0x3FA9] =	sst s6  }
0xf: {  	[smem:$0x3FAA] =	sst s7  }
0x10: {  	[smem:$0x3FAB] =	sst s8  }
0x11: {  	[smem:$0x3FAC] =	sst s9;
	s0 =	simm.s32 @!p0 $0x0  }
0x12: {  	s1 =	sld [smem:$0x3F92];
	s0 =	simm.s32 @p0 $0x1  }
0x13: {  	[smem:$0x3FAD] =	sst s0;
	s0 =	simm.s32 @!p1 $0x0  }
0x14: {  	s2 =	sld [smem:$0x3F91];
	s0 =	simm.s32 @p1 $0x1  }
0x15: {  	[smem:$0x3FAE] =	sst s0;
	s0 =	simm.s32 @!p2 $0x0  }
0x16: {  	s3 =	sld [smem:$0x3FDB];
	s0 =	simm.s32 @p2 $0x1  }
0x17: {  	s4 =	simm.s32 $0x1BF5;
	[smem:$0x3FB0] =	sst s0  }
0x18: {  	s0 =	sld [smem:$0x3F93];
	_ =	swait.ge [sflag:s4], $0x0  }
0x19: {  	s7 =	sld [smem:$0x3F94]  }
0x1a: {  	s8 =	sadd.s32 $0xFFFFE003, lr  }
0x1b: {  	s9 =	sadd.s32 $0xFFFFFEF7, lr;
	s5 =	simm.s32 $0xFFFFFFFF;
	p2 =	slt.u32 s8, $0xFFFFF086  }
0x1c: {  	p1 =	slt.u32 s9, $0xF7A;
	s5 =	simm.s32 @!p2 $0x0  }
0x1d: {  	s5 =	simm.s32 @p1 $0x1;
	p0 =	seq.s32 s7, s2  }
0x1e: {  	s7 =	smul.u32 @!p0 $0xF7A, s2;
	p2 =	seq.s32 @!p0 s5, $0x0  }
0x1f: {  	s9 =	smul.u32 $0xF7A, s1;
	s8 =	simm.s32 @!p0 $0x1BF5;
	p2 =	por !p2, p0  }
0x20: {  	[sflag:s8] =	ssyncset.s32 @!p0 $0xFFFFF086;
	s6 =	sadd.s32 @!p0 s3, s7;
	s7 =	simm.s32 @!p0 $0x108  }
0x21: {  	s3 =	sadd.s32 s3, s9;
	s6 =	sadd.s32 @!p0 $0x88, s6;
	s7 =	simm.s32 @p2 $0x1082  }
0x22: {  	[simem:s7], [sflag:s8] =	dma.local @!p0 [hbm:s6], $0xF7A  }
0x23: {  	s9 =	sor.u32 $0xD0000000, s2;
	s6 =	simm.s32 $0x108;
	_ =	swait.ge @!p0 [sflag:s8], $0x0  }
0x24: {  	s3 =	sadd.s32 $0x88, s3;
	s6 =	simm.s32 @!p1 $0x1082;
	[sflag:s4] =	ssyncset.s32 $0xFFFFF086  }
0x25: {  	[simem:s6], [sflag:s4] =	dma.local [hbm:s3], $0xF7A  }
0x26: {  	[smem:$0x3F94] =	sst s1;
	(tag) =	ssettag s2;
	_ =	strace s9  }
0x27: {  	s1 =	sld [smem:$0x3FA4]  }
0x28: {  	s2 =	sld [smem:$0x3FA5]  }
0x29: {  	s4 =	sld [smem:$0x3FA7]  }
0x2a: {  	p0 =	seq.s32 s5, $0x0;
	s5 =	sld [smem:$0x3FA8]  }
0x2b: {  	s6 =	sld [smem:$0x3FA9]  }
0x2c: {  	s7 =	sld [smem:$0x3FAA]  }
0x2d: {  	s3 =	simm.s32 $0x108;
	s8 =	sld [smem:$0x3FAB]  }
0x2e: {  	s3 =	simm.s32 @!p0 $0x1082;
	s9 =	sld [smem:$0x3FAC]  }
0x2f: {  	lr =	sadd.s32 s0, s3;
	s0 =	sld [smem:$0x3FA3]  }
0x30: {  	s3 =	sld [smem:$0x3FA6]  }
0x31: {  	[smem:$0x3FAF] =	sst s10  }
0x32: {  	s10 =	sld [smem:$0x3FAD];
	_ =	sdelay $0x3  }
0x33: {  	p0 =	seq.s32 s10, $0x1;
	s10 =	sld [smem:$0x3FAF];
	_ =	sdelay $0x3  }
0x34: {  	[smem:$0x3FAF] =	sst s10  }
0x35: {  	s10 =	sld [smem:$0x3FAE];
	_ =	sdelay $0x3  }
0x36: {  	p1 =	seq.s32 s10, $0x1;
	s10 =	sld [smem:$0x3FAF];
	_ =	sdelay $0x3  }
0x37: {  	[smem:$0x3FAF] =	sst s10  }
0x38: {  	s10 =	sld [smem:$0x3FB0]  }
0x39: {  	_ = 	snop;
	(pc) =	sbr.ind lr, $3  }
0x3a: {  	_ = 	snop  }
0x3b: {  	_ = 	snop  }
0x3c: {  	p2 =	seq.s32 s10, $0x1;
	s10 =	sld [smem:$0x3FAF]  }
0x3d: {  	_ =	shalt  }
0x3e: {  	_ =	shalt  }
0x3f: {  	_ =	shalt  }
0x40: {  	_ =	shalt  }
0x41: {  	_ =	shalt  }
0x42: {  	_ =	shalt  }
0x43: {  	_ =	shalt  }
0x44: {  	_ =	shalt  }
0x45: {  	_ =	shalt  }
0x46: {  	_ =	shalt  }
0x47: {  	_ =	shalt  }
0x48: {  	_ =	shalt  }
0x49: {  	_ =	shalt  }
0x4a: {  	_ =	shalt  }
0x4b: {  	_ =	shalt  }
0x4c: {  	_ =	shalt  }
0x4d: {  	_ =	shalt  }
0x4e: {  	_ =	shalt  }
0x4f: {  	_ =	shalt  }
0x50: {  	_ =	shalt  }
0x51: {  	_ =	shalt  }
0x52: {  	_ =	shalt  }
0x53: {  	_ =	shalt  }
0x54: {  	_ =	shalt  }
0x55: {  	_ =	shalt  }
0x56: {  	_ =	shalt  }
0x57: {  	_ =	shalt  }
0x58: {  	_ =	shalt  }
0x59: {  	_ =	shalt  }
0x5a: {  	_ =	shalt  }
0x5b: {  	_ =	shalt  }
0x5c: {  	_ =	shalt  }
0x5d: {  	_ =	shalt  }
0x5e: {  	_ =	shalt  }
0x5f: {  	_ =	shalt  }
0x60: {  	_ =	shalt  }
0x61: {  	_ =	shalt  }
0x62: {  	_ =	shalt  }
0x63: {  	_ =	shalt  }
0x64: {  	_ =	shalt  }
0x65: {  	_ =	shalt  }
0x66: {  	_ =	shalt  }
0x67: {  	_ =	shalt  }
0x68: {  	_ =	shalt  }
0x69: {  	_ =	shalt  }
0x6a: {  	_ =	shalt  }
0x6b: {  	_ =	shalt  }
0x6c: {  	_ =	shalt  }
0x6d: {  	_ =	shalt  }
0x6e: {  	_ =	shalt  }
0x6f: {  	_ =	shalt  }
0x70: {  	_ =	shalt  }
0x71: {  	_ =	shalt  }
0x72: {  	_ =	shalt  }
0x73: {  	_ =	shalt  }
0x74: {  	_ =	shalt  }
0x75: {  	_ =	shalt  }
0x76: {  	_ =	shalt  }
0x77: {  	_ =	shalt  }
0x78: {  	_ =	shalt  }
0x79: {  	_ =	shalt  }
0x7a: {  	_ =	shalt  }
0x7b: {  	_ =	shalt  }
0x7c: {  	_ =	shalt  }
0x7d: {  	_ =	shalt  }
0x7e: {  	_ =	shalt  }
0x7f: {  	_ =	shalt  }
0x80: {  	_ =	shalt  }
0x81: {  	_ =	shalt  }
0x82: {  	_ =	shalt  }
0x83: {  	_ =	shalt  }
0x84: {  	_ =	shalt  }
0x85: {  	_ =	shalt  }
0x86: {  	_ =	shalt  }
0x87: {  	_ =	shalt  }
.Lfunc_end0:
.L_simem_size_0:
called_computation.2_lowered:
.L_overlay_start_0:
0x88: {  	s2 =	sld [smem:$0x3FD9]  }
0x89: {  	s3 =	sld [smem:$0x3FFE];
	_ =	sdelay $0x1  }
0x8a: {  	s1 =	srdreg.scid  }
0x8b: {  	s0 =	sand.u32 $0x1, s1  }
0x8c: {  	s16 =	sshll.u32 s0, $0xA;
	s2 =	sadd.s32 s3, s2  }
0x8d: {  	s2 =	sadd.s32 s2, s16  }
0x8e: {  	[smem:$0x3FBB] =	sst s2  }
0x8f: {  	_ = 	snop  }
0x90: {  	(tm) =	ssettm $0x1  }
0x91: {  	s17 =	sld [smem:$0x3FFB];
	_ =	sdelay $0x3  }
0x92: {  	_ =	strace s17  }
0x93: {  	s2 =	sld [smem:$0x3FFC];
	_ =	sdelay $0x3  }
0x94: {  	_ =	strace s2  }
0x95: {  	s2 =	sld [smem:$0x3FFD];
	_ =	sdelay $0x3  }
0x96: {  	_ =	strace s2  }
0x97: {  	_ =	strace $0x8FFFFFFF  }
0x98: {  	s18 =	sld [smem:$0x3FDB];
	_ =	sdelay $0x1  }
0x99: {  	s19 =	simm.s32 $_scs_section_size  }
0x9a: {  	s4 =	simm.s32 $_size__tile_overlayer_lowered;
	s5 =	simm.s32 $_tile_overlayer_lowered  }
0x9b: {  	s22 =	simm.s32 $0x1BFF;
	s21 =	sshll.u32 s5, $0x1;
	s2 =	sadd.s32 s19, s18  }
0x9c: {  	s6 =	simm.s32 $0x0;
	s20 =	sshll.u32 s4, $0x1;
	s4 =	sadd.s32 s21, s2  }
0x9d: {  	[timem:s6], [sflag:s22] =	dma.local [hbm:s4], s20  }
0x9e: {  	_ =	swait.ge [sflag:s22], s20  }
0x9f: {  	s3 =	ssub.s32 $0x0, s20;
	[sflag:s22] =	ssyncset.done $0x0  }
0xa0: {  	[sflag:s22] =	ssyncadd.s32 s3;
	_ =	sdelay $0x1  }
0xa1: {  	s23 =	simm.s32 $0x1B8B  }
0xa2: {  	_ =	swait.ge [sflag:s23], $0x1  }
0xa3: {  	[sflag:s23] =	ssyncset.done $0x0  }
0xa4: {  	s25 =	simm.s32 $0x1B8E;
	s24 =	sld [smem:$0x3FFE];
	[sflag:s23] =	ssyncadd.s32 $0xFFFFFFFF  }
0xa5: {  	s26 =	simm.s32 $execute0_lowered;
	[smem:$0x3FD2] =	sst s25  }
0xa6: {  	s4 =	sshll.u32 s26, $0x1;
	_ =	strace $0x8000004C;
	[dreg:$0x1] =	wrdreg $0xFFFFFFFF  }
0xa7: {  	s28 =	simm.s32 $_size_execute0_lowered;
	s2 =	sadd.s32 s2, s4;
	[dreg:$0x0] =	wrdreg $0x0  }
0xa8: {  	s4 =	sshll.u32 s28, $0x1;
	[dreg:$0x2] =	wrdreg s2  }
0xa9: {  	[dreg:$0x3] =	wrdreg s4  }
0xaa: {  	[dreg:$0x4] =	wrdreg $0xC0  }
0xab: {  	_ =	task [dreg:s6], $0x5FFFF  }
0xac: {  	[dreg:$0x1] =	wrdreg $0xFFFFFFFF  }
0xad: {  	[dreg:$0x0] =	wrdreg $0x60  }
0xae: {  	[dreg:$0x2] =	wrdreg s24  }
0xaf: {  	[dreg:$0x3] =	wrdreg $0x82000  }
0xb0: {  	[dreg:$0x4] =	wrdreg $0x9  }
0xb1: {  	_ =	task.clear_ibuf [dreg:s6], $0x5FFFF;
	_ =	strace $0x9000004C  }
0xb2: {  	s29 =	simm.s32 $0x9;
	_ =	strace $0x8000004E  }
0xb3: {  	_ =	swait.ge [sflag:s29], $0x1  }
0xb4: {  	[sflag:s29] =	ssyncadd.s32 $0xFFFFFFFF  }
0xb5: {  	_ =	strace $0x9000004E  }
0xb6: {  	_ =	sfence  }
0xb7: {  	s30 =	sld [smem:$0x0];
	_ =	sdelay $0x2  }
0xb8: {  	s31 =	sshll.u32 s1, $0xD;
	s1 =	sshrl.u32 s1, $0x2  }
0xb9: {  	s3 =	sand.u32 $0x4000, s31;
	s1 =	sadd.s32 s1, s30  }
0xba: {  	s0 =	sor.u32 s3, s0;
	s1 =	sshll.u32 s1, $0x11  }
0xbb: {  	s0 =	sor.u32 s1, s0  }
0xbc: {  	s0 =	sadd.s32 $0x8F2B, s0  }
0xbd: {  	[sflag:s0] =	ssyncadd.remote.s32 $0x1  }
0xbe: {  	_ =	sfence.sel $0xFFFF  }
0xbf: {  	[dreg:$0x0] =	wrdreg $0xFFFFFFFF;
	(pc) =	sbr.abs _section_cstart, $3  }
0xc0: {  	[dreg:$0x1] =	wrdreg $0xFFFFFFFF  }
0xc1: {  	_ =	task.clear_ibuf [dreg:s6], $0x2FFFF;
	_ =	strace $0x9FFFFFFF  }
0xc2: {  	(tm) =	ssettm $0x7FFFFFFF  }
0xc3: {  	_ =	shalt  }
tec
execute0_lowered:
.L_overlay_start_1:
0x0: {  	(tag) =	ssettag $0x1  }
0x1: {  	s0 =	rddreg [dreg:$0x0]  }
0x2: {  	s2 =	rddreg [dreg:$0x1];
	s13 =	stileid.u32  }
0x3: {  	s1 =	srdreg.scid;
	s3 =	simm.s32 $0x0;
	s30 =	simm.s32 $0x6  }
0x4: {  	s6 =	smul.u32 $0x14000, s13;
	s1 =	sand.u32 $0x1, s1;
	[smem:$0x7FF] =	sst s3  }
0x5: {  	s4 =	sadd.s32 $0x5E000, s0;
	s5 =	sadd.s32 $0x36000, s0;
	s9 =	sadd.s32 $0x86000, s0  }
0x6: {  	s10 =	smul.u32 $0x50000, s13;
	s12 =	sshll.u32 s13, $0x7;
	s15 =	sshll.u32 s13, $0x6  }
0x7: {  	s7 =	smul.u32 $0x140000, s1;
	_ =	strace $0x8000004D;
	s14 =	ssub.s32 $0x2, s1  }
0x8: {  	s1 =	sshll.u32 s1, $0xB;
	s8 =	sshrl.u32 s6, $0x3;
	s11 =	sshrl.u32 s14, $0x1  }
0x9: {  	s1 =	sor.u32 s12, s1;
	s10 =	sshrl.u32 s10, $0x2;
	s12 =	simm.s32 $0x0  }
0xa: {  	s6 =	sadd.s32 s6, s7;
	s7 =	sadd.s32 $0x3E00, s0;
	s8 =	sadd.s32 s8, s0  }
0xb: {  	s10 =	sadd.s32 s10, s2;
	s16 =	sshrl.u32 s1, $0x3;
	s19 =	sor.u32 $0x2000, s1  }
0xc: {  	s20 =	sor.u32 $0x3000, s1;
	s26 =	sor.u32 $0x5000, s1;
	s1 =	sor.u32 $0x4000, s1  }
0xd: {  	s6 =	sshrl.u32 s6, $0x3;
	[dreg:$0x3] =	wrdreg s10;
	s8 =	sadd.s32 $0xE000, s8  }
0xe: {  	s17 =	sadd.s32 s9, s16;
	s18 =	sadd.s32 s7, s16;
	[dreg:$0x4] =	wrdreg s8  }
0xf: {  	s24 =	sshrl.u32 s19, $0x3;
	s28 =	sshrl.u32 s20, $0x3;
	[dreg:$0x5] =	wrdreg s17  }
0x10: {  	s31 =	sshrl.u32 s1, $0x3;
	s10 =	sadd.s32 $0x200, s17;
	[dreg:$0x6] =	wrdreg s18  }
0x11: {  	s0 =	sadd.s32 s6, s0;
	s23 =	sadd.s32 $0x200, s18;
	[dreg:$0x7] =	wrdreg s10  }
0x12: {  	s6 =	ssub.s32 s14, s11;
	s25 =	sadd.s32 s9, s24;
	[dreg:$0xb] =	wrdreg s23  }
0x13: {  	s8 =	sor.u32 $0x1C05, s15;
	s29 =	sadd.s32 s9, s28;
	[dreg:$0xc] =	wrdreg s25  }
0x14: {  	s20 =	sadd.s32 s31, s7;
	s21 =	sadd.s32 $0x90200, s0;
	[dreg:$0xe] =	wrdreg s29  }
0x15: {  	s14 =	simm.s32 $0x3;
	s0 =	sadd.s32 $0xE0200, s0;
	[dreg:$0x8] =	wrdreg s21  }
0x16: {  	s22 =	smax.u32 s6, $0x1;
	s23 =	simm.s32 $0x5;
	[dreg:$0x9] =	wrdreg s0  }
0x17: {  	s25 =	simm.s32 $0x80;
	[dreg:$0xa] =	wrdreg s22;
	s0 =	sadd.s32 s7, s24  }
0x18: {  	s21 =	sadd.s32 s31, s9;
	[dreg:$0xd] =	wrdreg s0;
	s0 =	sshrl.u32 s26, $0x3  }
0x19: {  	s22 =	sadd.s32 s28, s7;
	s10 =	sadd.s32 s0, s9;
	s0 =	simm.s32 $0x1  }
.LBB2_1:
0x1a: {  	s1 =	rddreg [dreg:$0x3]  }
0x1b: {  	s16 =	rddreg [dreg:$0x4];
	s13 =	sshrl.u32 s1, $0x3  }
0x1c: {  	[spmem:s13], [sflag:s8] =	dma.local [hbm:s16], $0x2800  }
0x1d: {  	_ =	swait.ge [sflag:s23], $0x2800  }
0x1e: {  	[sflag:s23] =	ssyncset.done $0x0  }
0x1f: {  	[sflag:s23] =	ssyncadd.s32 $0xFFFFD800  }
0x20: {  	[bflag:$0x0] =	sbarrier.arrive $0xFFFF  }
0x21: {  	s17 =	rddreg [dreg:$0x5]  }
0x22: {  	[tilespmem:s3], [sflag:$0x5] =	stream.linear.gather [hbm4b:s17+s3], $0x80, $0x38;
	[tilespmem:$0x1C200] =	vst v63  }
0x23: {  	_ =	swait.ge [sflag:s23], $0x80  }
0x24: {  	[sflag:s23] =	ssyncset.done $0x0  }
0x25: {  	s6 =	simm.s32 $0x100;
	s18 =	rddreg [dreg:$0x6];
	[sflag:s23] =	ssyncadd.s32 $0xFFFFFF80  }
0x26: {  	[tilespmem:s6], [sflag:$0x5] =	stream.linear.gather [hbm4b:s18+s3], $0x80, $0x38;
	[tilespmem:$0x1C200] =	vst v63  }
0x27: {  	_ =	swait.ge [sflag:s23], $0x80  }
0x28: {  	[sflag:s23] =	ssyncset.done $0x0  }
0x29: {  	s7 =	simm.s32 $0x200;
	[sflag:s23] =	ssyncadd.s32 $0xFFFFFF80  }
0x2a: {  	[tilespmem:s7], [sflag:$0x1] =	stream.indirect.gather [hbm4b:s4+s25], $0x80, s3, s25, $0xb8;
	[tilespmem:$0x1C200] =	vst v63  }
0x2b: {  	s19 =	rddreg [dreg:$0x7]  }
0x2c: {  	[tilespmem:s25], [sflag:$0x5] =	stream.linear.gather [hbm4b:s19+s3], $0x80, $0x38;
	[tilespmem:$0x1C200] =	vst v63  }
0x2d: {  	_ =	swait.ge [sflag:s23], $0x80  }
0x2e: {  	[sflag:s23] =	ssyncset.done $0x0  }
0x2f: {  	[sflag:s23] =	ssyncadd.s32 $0xFFFFFF80  }
0x30: {  	_ =	swait.ge [sflag:s0], $0x4000  }
0x31: {  	[sflag:s0] =	ssyncset.done $0x0  }
0x32: {  	s9 =	simm.s32 $0x4200;
	[sflag:s0] =	ssyncadd.s32 $0xFFFFC000  }
0x33: {  	[tilespmem:s9], [sflag:$0x2] =	stream.indirect.gather [hbm4b:s4+s25], $0x80, s25, s25, $0xb8;
	[tilespmem:$0x1C200] =	vst v63  }
0x34: {  	s11 =	simm.s32 $0x180;
	s24 =	rddreg [dreg:$0xb]  }
0x35: {  	[tilespmem:s11], [sflag:$0x6] =	stream.linear.gather [hbm4b:s24+s3], $0x80, $0x38;
	[tilespmem:$0x1C200] =	vst v63  }
0x36: {  	_ =	swait.ge [sflag:s30], $0x80  }
0x37: {  	[sflag:s30] =	ssyncset.done $0x0  }
0x38: {  	[sflag:s30] =	ssyncadd.s32 $0xFFFFFF80  }
0x39: {  	[spmem:s2] =	stream.indirect.scatter.add.f32 [tilespmem:s7], [sflag:$0x3], $0x80, s6, s25, $0xb8;
	[tilespmem:$0x1C200] =	vst v63  }
0x3a: {  	s26 =	rddreg [dreg:$0xc]  }
0x3b: {  	[tilespmem:s3], [sflag:$0x6] =	stream.linear.gather [hbm4b:s26+s3], $0x80, $0x38;
	[tilespmem:$0x1C200] =	vst v63  }
0x3c: {  	_ =	swait.ge [sflag:s30], $0x80  }
0x3d: {  	[sflag:s30] =	ssyncset.done $0x0  }
0x3e: {  	s28 =	simm.s32 $0x2;
	[sflag:s30] =	ssyncadd.s32 $0xFFFFFF80  }
0x3f: {  	_ =	swait.ge [sflag:s28], $0x4000  }
0x40: {  	[sflag:s28] =	ssyncset.done $0x0  }
0x41: {  	[sflag:s28] =	ssyncadd.s32 $0xFFFFC000  }
0x42: {  	_ =	swait.ge [sflag:s14], $0x4000  }
0x43: {  	[sflag:s14] =	ssyncset.done $0x0  }
0x44: {  	[sflag:s14] =	ssyncadd.s32 $0xFFFFC000  }
0x45: {  	[tilespmem:s7], [sflag:$0x1] =	stream.indirect.gather [hbm4b:s4+s25], $0x80, s3, s25, $0xb8;
	[tilespmem:$0x1C200] =	vst v63  }
0x46: {  	s29 =	rddreg [dreg:$0xd]  }
0x47: {  	[tilespmem:s6], [sflag:$0x6] =	stream.linear.gather [hbm4b:s29+s3], $0x80, $0x38;
	[tilespmem:$0x1C200] =	vst v63  }
0x48: {  	_ =	swait.ge [sflag:s30], $0x80  }
0x49: {  	[sflag:s30] =	ssyncset.done $0x0  }
0x4a: {  	[sflag:s30] =	ssyncadd.s32 $0xFFFFFF80  }
0x4b: {  	[spmem:s2] =	stream.indirect.scatter.add.f32 [tilespmem:s9], [sflag:$0x4], $0x80, s11, s25, $0xb8;
	[tilespmem:$0x1C200] =	vst v63  }
0x4c: {  	s31 =	rddreg [dreg:$0xe]  }
0x4d: {  	[tilespmem:s25], [sflag:$0x5] =	stream.linear.gather [hbm4b:s31+s3], $0x80, $0x38;
	[tilespmem:$0x1C200] =	vst v63  }
0x4e: {  	_ =	swait.ge [sflag:s23], $0x80  }
0x4f: {  	[sflag:s23] =	ssyncset.done $0x0  }
0x50: {  	[sflag:s23] =	ssyncadd.s32 $0xFFFFFF80  }
0x51: {  	p0 =	por $0x0, $0x0;
	_ =	swait.ge [sflag:s0], $0x4000  }
0x52: {  	s14 =	simm.s32 @!p0 $0x4;
	s7 =	simm.s32 @p0 $0x80;
	[sflag:s0] =	ssyncset.done $0x0  }
0x53: {  	s9 =	simm.s32 @p0 $0x100;
	s11 =	simm.s32 @p0 $0x200;
	[sflag:s0] =	ssyncadd.s32 $0xFFFFC000  }
0x54: {  	[spmem:s2] =	stream.indirect.scatter.add.f32 @p0 [tilespmem:s11], [sflag:$0x3], $0x80, s9, s7, $0xb8;
	[tilespmem:$0x1C200] =	vst v63  }
0x55: {  	_ =	swait.ge @!p0 [sflag:s14], $0x4000  }
0x56: {  	[sflag:s14] =	ssyncset.done @!p0 $0x0  }
0x57: {  	s7 =	simm.s32 @!p0 $0x80;
	s9 =	simm.s32 @!p0 $0x4200;
	[sflag:s14] =	ssyncadd.s32 @!p0 $0xFFFFC000  }
0x58: {  	[tilespmem:s9], [sflag:$0x2] =	stream.indirect.gather @!p0 [hbm4b:s4+s7], $0x80, s7, s7, $0xb8;
	[tilespmem:$0x1C200] =	vst v63  }
0x59: {  	s15 =	simm.s32 @!p0 $0x6;
	s11 =	simm.s32 @!p0 $0x0;
	s14 =	simm.s32 @!p0 $0x180  }
0x5a: {  	[tilespmem:s14], [sflag:$0x6] =	stream.linear.gather @!p0 [hbm4b:s22+s11], $0x80, $0x38;
	[tilespmem:$0x1C200] =	vst v63  }
0x5b: {  	_ =	swait.ge @!p0 [sflag:s15], $0x80  }
0x5c: {  	[sflag:s15] =	ssyncset.done @!p0 $0x0  }
0x5d: {  	s16 =	simm.s32 @!p0 $0x100;
	s17 =	simm.s32 @!p0 $0x200;
	[sflag:s15] =	ssyncadd.s32 @!p0 $0xFFFFFF80  }
0x5e: {  	[spmem:s2] =	stream.indirect.scatter.add.f32 @!p0 [tilespmem:s17], [sflag:$0x3], $0x80, s16, s7, $0xb8;
	[tilespmem:$0x1C200] =	vst v63  }
0x5f: {  	_ = 	snop  }
0x60: {  	[tilespmem:s11], [sflag:$0x6] =	stream.linear.gather @!p0 [hbm4b:s21+s11], $0x80, $0x38;
	[tilespmem:$0x1C200] =	vst v63  }
0x61: {  	_ =	swait.ge @!p0 [sflag:s15], $0x80  }
0x62: {  	[sflag:s15] =	ssyncset.done @!p0 $0x0  }
0x63: {  	s18 =	simm.s32 @!p0 $0x2;
	[sflag:s15] =	ssyncadd.s32 @!p0 $0xFFFFFF80  }
0x64: {  	_ =	swait.ge @!p0 [sflag:s18], $0x4000  }
0x65: {  	[sflag:s18] =	ssyncset.done @!p0 $0x0  }
0x66: {  	[sflag:s18] =	ssyncadd.s32 @!p0 $0xFFFFC000;
	s18 =	simm.s32 @!p0 $0x3  }
0x67: {  	_ =	swait.ge @!p0 [sflag:s18], $0x4000  }
0x68: {  	[sflag:s18] =	ssyncset.done @!p0 $0x0  }
0x69: {  	[sflag:s18] =	ssyncadd.s32 @!p0 $0xFFFFC000  }
0x6a: {  	[tilespmem:s17], [sflag:$0x1] =	stream.indirect.gather @!p0 [hbm4b:s4+s7], $0x80, s11, s7, $0xb8;
	[tilespmem:$0x1C200] =	vst v63  }
0x6b: {  	_ = 	snop  }
0x6c: {  	[tilespmem:s16], [sflag:$0x6] =	stream.linear.gather @!p0 [hbm4b:s20+s11], $0x80, $0x38;
	[tilespmem:$0x1C200] =	vst v63  }
0x6d: {  	p1 =	por @!p0 $0x1, $0x1;
	_ =	swait.ge @!p0 [sflag:s15], $0x80  }
0x6e: {  	p2 =	por !p1, p0;
	s19 =	smov.u32 s10;
	[sflag:s15] =	ssyncset.done @!p0 $0x0  }
0x6f: {  	s17 =	simm.s32 @!p2 $0x5;
	s11 =	sadd.s32 $0x400, s22;
	[sflag:s15] =	ssyncadd.s32 @!p0 $0xFFFFFF80  }
0x70: {  	[spmem:s2] =	stream.indirect.scatter.add.f32 @!p0 [tilespmem:s9], [sflag:$0x4], $0x80, s14, s7, $0xb8;
	[tilespmem:$0x1C200] =	vst v63  }
0x71: {  	s15 =	sadd.s32 $0x400, s21;
	s7 =	simm.s32 @!p2 $0x0;
	s9 =	simm.s32 @!p2 $0x80  }
0x72: {  	[tilespmem:s9], [sflag:$0x5] =	stream.linear.gather @!p2 [hbm4b:s10+s7], $0x80, $0x38;
	[tilespmem:$0x1C200] =	vst v63  }
0x73: {  	s14 =	simm.s32 $0x2;
	s7 =	simm.s32 $0x5;
	s9 =	sadd.s32 $0x400, s20  }
.LBB2_2:
0x74: {  	_ =	swait.ge @!p2 [sflag:s17], $0x80  }
0x75: {  	s19 =	sadd.s32 $0x400, s19;
	s16 =	smov.u32 s14;
	s14 =	sadd.s32 $0x1, s14  }
0x76: {  	p0 =	sne.s32 s14, $0x29;
	[sflag:s17] =	ssyncset.done @!p2 $0x0  }
0x77: {  	[sflag:s17] =	ssyncadd.s32 @!p2 $0xFFFFFF80  }
0x78: {  	p1 =	sgt.u32 s7, $0x50;
	_ =	swait.ge [sflag:s0], $0x4000  }
0x79: {  	s18 =	simm.s32 @p1 $0x100;
	s17 =	simm.s32 @p1 $0x80;
	[sflag:s0] =	ssyncset.done $0x0  }
0x7a: {  	s28 =	simm.s32 @p1 $0x200;
	s29 =	simm.s32 @!p1 $0x4;
	[sflag:s0] =	ssyncadd.s32 $0xFFFFC000  }
0x7b: {  	[spmem:s2] =	stream.indirect.scatter.add.f32 @p1 [tilespmem:s28], [sflag:$0x3], $0x80, s18, s17, $0xb8;
	[tilespmem:$0x1C200] =	vst v63  }
0x7c: {  	_ =	swait.ge @!p1 [sflag:s29], $0x4000  }
0x7d: {  	s17 =	simm.s32 @!p1 $0x80;
	s18 =	simm.s32 @!p1 $0x4200;
	[sflag:s29] =	ssyncset.done @!p1 $0x0  }
0x7e: {  	s28 =	simm.s32 @!p1 $0x0;
	[sflag:s29] =	ssyncadd.s32 @!p1 $0xFFFFC000;
	s29 =	simm.s32 @!p1 $0x180  }
0x7f: {  	[tilespmem:s18], [sflag:$0x2] =	stream.indirect.gather @!p1 [hbm4b:s4+s17], $0x80, s17, s17, $0xb8;
	[tilespmem:$0x1C200] =	vst v63  }
0x80: {  	s24 =	simm.s32 @!p1 $0x6  }
0x81: {  	[tilespmem:s29], [sflag:$0x6] =	stream.linear.gather @!p1 [hbm4b:s11+s28], $0x80, $0x38;
	[tilespmem:$0x1C200] =	vst v63  }
0x82: {  	_ =	swait.ge @!p1 [sflag:s24], $0x80  }
0x83: {  	s26 =	simm.s32 @!p1 $0x100;
	s31 =	simm.s32 @!p1 $0x200;
	[sflag:s24] =	ssyncset.done @!p1 $0x0  }
0x84: {  	[sflag:s24] =	ssyncadd.s32 @!p1 $0xFFFFFF80  }
0x85: {  	[spmem:s2] =	stream.indirect.scatter.add.f32 @!p1 [tilespmem:s31], [sflag:$0x3], $0x80, s26, s17, $0xb8;
	[tilespmem:$0x1C200] =	vst v63  }
0x86: {  	_ = 	snop  }
0x87: {  	[tilespmem:s28], [sflag:$0x6] =	stream.linear.gather @!p1 [hbm4b:s15+s28], $0x80, $0x38;
	[tilespmem:$0x1C200] =	vst v63  }
0x88: {  	_ =	swait.ge @!p1 [sflag:s24], $0x80  }
0x89: {  	s1 =	simm.s32 @!p1 $0x2;
	[sflag:s24] =	ssyncset.done @!p1 $0x0  }
0x8a: {  	[sflag:s24] =	ssyncadd.s32 @!p1 $0xFFFFFF80  }
0x8b: {  	_ =	swait.ge @!p1 [sflag:s1], $0x4000  }
0x8c: {  	s6 =	simm.s32 @!p1 $0x3;
	[sflag:s1] =	ssyncset.done @!p1 $0x0  }
0x8d: {  	[sflag:s1] =	ssyncadd.s32 @!p1 $0xFFFFC000  }
0x8e: {  	_ =	swait.ge @!p1 [sflag:s6], $0x4000  }
0x8f: {  	[sflag:s6] =	ssyncset.done @!p1 $0x0  }
0x90: {  	[sflag:s6] =	ssyncadd.s32 @!p1 $0xFFFFC000  }
0x91: {  	[tilespmem:s31], [sflag:$0x1] =	stream.indirect.gather @!p1 [hbm4b:s4+s17], $0x80, s28, s17, $0xb8;
	[tilespmem:$0x1C200] =	vst v63  }
0x92: {  	_ = 	snop  }
0x93: {  	[tilespmem:s26], [sflag:$0x6] =	stream.linear.gather @!p1 [hbm4b:s9+s28], $0x80, $0x38;
	[tilespmem:$0x1C200] =	vst v63  }
0x94: {  	_ =	swait.ge @!p1 [sflag:s24], $0x80  }
0x95: {  	s7 =	sadd.s32 $0x2, s7;
	p2 =	slt.u32 @!p1 s16, $0x27;
	[sflag:s24] =	ssyncset.done @!p1 $0x0  }
.Ltmp0:
0x96: {  	p2 =	por !p2, p1;
	[sflag:s24] =	ssyncadd.s32 @!p1 $0xFFFFFF80;
	(pc) =	sbr.rel @p0 .LBB2_2-.Ltmp0, $4  }
0x97: {  	s11 =	sadd.s32 $0x400, s11;
	s1 =	simm.s32 @!p2 $0x0;
	s6 =	simm.s32 @!p2 $0x80  }
0x98: {  	[spmem:s2] =	stream.indirect.scatter.add.f32 @!p1 [tilespmem:s18], [sflag:$0x4], $0x80, s29, s17, $0xb8;
	[tilespmem:$0x1C200] =	vst v63  }
0x99: {  	s15 =	sadd.s32 $0x400, s15;
	s9 =	sadd.s32 $0x400, s9;
	s17 =	simm.s32 @!p2 $0x5  }
0x9a: {  	[tilespmem:s6], [sflag:$0x5] =	stream.linear.gather @!p2 [hbm4b:s19+s1], $0x80, $0x38;
	[tilespmem:$0x1C200] =	vst v63  }
0x9b: {  	_ =	swait.ge @!p2 [sflag:s17], $0x80  }
0x9c: {  	[sflag:s17] =	ssyncset.done @!p2 $0x0  }
0x9d: {  	s1 =	simm.s32 $0x3;
	[sflag:s17] =	ssyncadd.s32 @!p2 $0xFFFFFF80  }
0x9e: {  	_ =	swait.ge [sflag:s1], $0x4000  }
0x9f: {  	[sflag:s1] =	ssyncset.done $0x0  }
0xa0: {  	s6 =	simm.s32 $0x4;
	[sflag:s1] =	ssyncadd.s32 $0xFFFFC000  }
0xa1: {  	_ =	swait.ge [sflag:s6], $0x4000  }
0xa2: {  	[sflag:s6] =	ssyncset.done $0x0  }
0xa3: {  	[sflag:s6] =	ssyncadd.s32 $0xFFFFC000  }
0xa4: {  	[bflag:$0x0] =	sbarrier.arrive $0xFFFF  }
0xa5: {  	s14 =	rddreg [dreg:$0x8]  }
0xa6: {  	[hbm:s14], [sflag:s8] =	dma.local [spmem:s13], $0x2800  }
0xa7: {  	_ =	swait.ge [sflag:s23], $0x2800  }
0xa8: {  	[sflag:s23] =	ssyncset.done $0x0  }
0xa9: {  	[sflag:s23] =	ssyncadd.s32 $0xFFFFD800  }
0xaa: {  	[bflag:$0x0] =	sbarrier.arrive $0xFFFF  }
0xab: {  	s15 =	rddreg [dreg:$0x4]  }
0xac: {  	[spmem:s13], [sflag:s8] =	dma.local [hbm:s15], $0x2800  }
0xad: {  	_ =	swait.ge [sflag:s23], $0x2800  }
0xae: {  	[sflag:s23] =	ssyncset.done $0x0  }
0xaf: {  	[sflag:s23] =	ssyncadd.s32 $0xFFFFD800  }
0xb0: {  	[bflag:$0x0] =	sbarrier.arrive $0xFFFF  }
0xb1: {  	s16 =	rddreg [dreg:$0x5]  }
0xb2: {  	[tilespmem:s3], [sflag:$0x5] =	stream.linear.gather [hbm4b:s16+s3], $0x80, $0x38;
	[tilespmem:$0x1C200] =	vst v63  }
0xb3: {  	_ =	swait.ge [sflag:s23], $0x80  }
0xb4: {  	[sflag:s23] =	ssyncset.done $0x0  }
0xb5: {  	s7 =	simm.s32 $0x100;
	s17 =	rddreg [dreg:$0x6];
	[sflag:s23] =	ssyncadd.s32 $0xFFFFFF80  }
0xb6: {  	[tilespmem:s7], [sflag:$0x5] =	stream.linear.gather [hbm4b:s17+s3], $0x80, $0x38;
	[tilespmem:$0x1C200] =	vst v63  }
0xb7: {  	_ =	swait.ge [sflag:s23], $0x80  }
0xb8: {  	[sflag:s23] =	ssyncset.done $0x0  }
0xb9: {  	s9 =	simm.s32 $0x200;
	[sflag:s23] =	ssyncadd.s32 $0xFFFFFF80  }
0xba: {  	[tilespmem:s9], [sflag:$0x1] =	stream.indirect.gather [hbm4b:s5+s25], $0x80, s3, s25, $0xb8;
	[tilespmem:$0x1C200] =	vst v63  }
0xbb: {  	s18 =	rddreg [dreg:$0x7]  }
0xbc: {  	[tilespmem:s25], [sflag:$0x5] =	stream.linear.gather [hbm4b:s18+s3], $0x80, $0x38;
	[tilespmem:$0x1C200] =	vst v63  }
0xbd: {  	_ =	swait.ge [sflag:s23], $0x80  }
0xbe: {  	[sflag:s23] =	ssyncset.done $0x0  }
0xbf: {  	s19 =	simm.s32 $0x1;
	[sflag:s23] =	ssyncadd.s32 $0xFFFFFF80  }
0xc0: {  	_ =	swait.ge [sflag:s19], $0x4000  }
0xc1: {  	[sflag:s19] =	ssyncset.done $0x0  }
0xc2: {  	s11 =	simm.s32 $0x4200;
	[sflag:s19] =	ssyncadd.s32 $0xFFFFC000  }
0xc3: {  	[tilespmem:s11], [sflag:$0x2] =	stream.indirect.gather [hbm4b:s5+s25], $0x80, s25, s25, $0xb8;
	[tilespmem:$0x1C200] =	vst v63  }
0xc4: {  	s14 =	simm.s32 $0x180;
	s24 =	rddreg [dreg:$0xb]  }
0xc5: {  	[tilespmem:s14], [sflag:$0x6] =	stream.linear.gather [hbm4b:s24+s3], $0x80, $0x38;
	[tilespmem:$0x1C200] =	vst v63  }
0xc6: {  	_ =	swait.ge [sflag:s30], $0x80  }
0xc7: {  	[sflag:s30] =	ssyncset.done $0x0  }
0xc8: {  	[sflag:s30] =	ssyncadd.s32 $0xFFFFFF80  }
0xc9: {  	[spmem:s2] =	stream.indirect.scatter.add.f32 [tilespmem:s9], [sflag:$0x3], $0x80, s7, s25, $0xb8;
	[tilespmem:$0x1C200] =	vst v63  }
0xca: {  	s26 =	rddreg [dreg:$0xc]  }
0xcb: {  	[tilespmem:s3], [sflag:$0x6] =	stream.linear.gather [hbm4b:s26+s3], $0x80, $0x38;
	[tilespmem:$0x1C200] =	vst v63  }
0xcc: {  	_ =	swait.ge [sflag:s30], $0x80  }
0xcd: {  	[sflag:s30] =	ssyncset.done $0x0  }
0xce: {  	s28 =	simm.s32 $0x2;
	[sflag:s30] =	ssyncadd.s32 $0xFFFFFF80  }
0xcf: {  	_ =	swait.ge [sflag:s28], $0x4000  }
0xd0: {  	[sflag:s28] =	ssyncset.done $0x0  }
0xd1: {  	[sflag:s28] =	ssyncadd.s32 $0xFFFFC000  }
0xd2: {  	_ =	swait.ge [sflag:s1], $0x4000  }
0xd3: {  	[sflag:s1] =	ssyncset.done $0x0  }
0xd4: {  	[sflag:s1] =	ssyncadd.s32 $0xFFFFC000  }
0xd5: {  	[tilespmem:s9], [sflag:$0x1] =	stream.indirect.gather [hbm4b:s5+s25], $0x80, s3, s25, $0xb8;
	[tilespmem:$0x1C200] =	vst v63  }
0xd6: {  	s29 =	rddreg [dreg:$0xd]  }
0xd7: {  	[tilespmem:s7], [sflag:$0x6] =	stream.linear.gather [hbm4b:s29+s3], $0x80, $0x38;
	[tilespmem:$0x1C200] =	vst v63  }
0xd8: {  	_ =	swait.ge [sflag:s30], $0x80  }
0xd9: {  	[sflag:s30] =	ssyncset.done $0x0  }
0xda: {  	[sflag:s30] =	ssyncadd.s32 $0xFFFFFF80  }
0xdb: {  	[spmem:s2] =	stream.indirect.scatter.add.f32 [tilespmem:s11], [sflag:$0x4], $0x80, s14, s25, $0xb8;
	[tilespmem:$0x1C200] =	vst v63  }
0xdc: {  	s31 =	rddreg [dreg:$0xe]  }
0xdd: {  	[tilespmem:s25], [sflag:$0x5] =	stream.linear.gather [hbm4b:s31+s3], $0x80, $0x38;
	[tilespmem:$0x1C200] =	vst v63  }
0xde: {  	_ =	swait.ge [sflag:s23], $0x80  }
0xdf: {  	[sflag:s23] =	ssyncset.done $0x0  }
0xe0: {  	[sflag:s23] =	ssyncadd.s32 $0xFFFFFF80  }
0xe1: {  	p0 =	por $0x0, $0x0;
	_ =	swait.ge [sflag:s0], $0x4000  }
0xe2: {  	s6 =	simm.s32 @p0 $0x100;
	s1 =	simm.s32 @p0 $0x80;
	[sflag:s0] =	ssyncset.done $0x0  }
0xe3: {  	s9 =	simm.s32 @!p0 $0x4;
	s7 =	simm.s32 @p0 $0x200;
	[sflag:s0] =	ssyncadd.s32 $0xFFFFC000  }
0xe4: {  	[spmem:s2] =	stream.indirect.scatter.add.f32 @p0 [tilespmem:s7], [sflag:$0x3], $0x80, s6, s1, $0xb8;
	[tilespmem:$0x1C200] =	vst v63  }
0xe5: {  	_ =	swait.ge @!p0 [sflag:s9], $0x4000  }
0xe6: {  	[sflag:s9] =	ssyncset.done @!p0 $0x0  }
0xe7: {  	s1 =	simm.s32 @!p0 $0x80;
	s6 =	simm.s32 @!p0 $0x4200;
	[sflag:s9] =	ssyncadd.s32 @!p0 $0xFFFFC000  }
0xe8: {  	[tilespmem:s6], [sflag:$0x2] =	stream.indirect.gather @!p0 [hbm4b:s5+s1], $0x80, s1, s1, $0xb8;
	[tilespmem:$0x1C200] =	vst v63  }
0xe9: {  	s11 =	simm.s32 @!p0 $0x6;
	s7 =	simm.s32 @!p0 $0x0;
	s9 =	simm.s32 @!p0 $0x180  }
0xea: {  	[tilespmem:s9], [sflag:$0x6] =	stream.linear.gather @!p0 [hbm4b:s22+s7], $0x80, $0x38;
	[tilespmem:$0x1C200] =	vst v63  }
0xeb: {  	_ =	swait.ge @!p0 [sflag:s11], $0x80  }
0xec: {  	[sflag:s11] =	ssyncset.done @!p0 $0x0  }
0xed: {  	s15 =	simm.s32 @!p0 $0x200;
	s14 =	simm.s32 @!p0 $0x100;
	[sflag:s11] =	ssyncadd.s32 @!p0 $0xFFFFFF80  }
0xee: {  	[spmem:s2] =	stream.indirect.scatter.add.f32 @!p0 [tilespmem:s15], [sflag:$0x3], $0x80, s14, s1, $0xb8;
	[tilespmem:$0x1C200] =	vst v63  }
0xef: {  	_ = 	snop  }
0xf0: {  	[tilespmem:s7], [sflag:$0x6] =	stream.linear.gather @!p0 [hbm4b:s21+s7], $0x80, $0x38;
	[tilespmem:$0x1C200] =	vst v63  }
0xf1: {  	_ =	swait.ge @!p0 [sflag:s11], $0x80  }
0xf2: {  	[sflag:s11] =	ssyncset.done @!p0 $0x0  }
0xf3: {  	s16 =	simm.s32 @!p0 $0x2;
	[sflag:s11] =	ssyncadd.s32 @!p0 $0xFFFFFF80  }
0xf4: {  	_ =	swait.ge @!p0 [sflag:s16], $0x4000  }
0xf5: {  	[sflag:s16] =	ssyncset.done @!p0 $0x0  }
0xf6: {  	[sflag:s16] =	ssyncadd.s32 @!p0 $0xFFFFC000;
	s16 =	simm.s32 @!p0 $0x3  }
0xf7: {  	_ =	swait.ge @!p0 [sflag:s16], $0x4000  }
0xf8: {  	[sflag:s16] =	ssyncset.done @!p0 $0x0  }
0xf9: {  	p1 =	por @!p0 $0x1, $0x1;
	[sflag:s16] =	ssyncadd.s32 @!p0 $0xFFFFC000  }
0xfa: {  	[tilespmem:s15], [sflag:$0x1] =	stream.indirect.gather @!p0 [hbm4b:s5+s1], $0x80, s7, s1, $0xb8;
	[tilespmem:$0x1C200] =	vst v63  }
0xfb: {  	p2 =	por !p1, p0  }
0xfc: {  	[tilespmem:s14], [sflag:$0x6] =	stream.linear.gather @!p0 [hbm4b:s20+s7], $0x80, $0x38;
	[tilespmem:$0x1C200] =	vst v63  }
0xfd: {  	s17 =	simm.s32 @!p2 $0x5;
	s19 =	smov.u32 s10;
	_ =	swait.ge @!p0 [sflag:s11], $0x80  }
0xfe: {  	s15 =	sadd.s32 $0x400, s21;
	s14 =	simm.s32 $0x2;
	[sflag:s11] =	ssyncset.done @!p0 $0x0  }
0xff: {  	s7 =	simm.s32 $0x5;
	[sflag:s11] =	ssyncadd.s32 @!p0 $0xFFFFFF80;
	s11 =	sadd.s32 $0x400, s22  }
0x100: {  	[spmem:s2] =	stream.indirect.scatter.add.f32 @!p0 [tilespmem:s6], [sflag:$0x4], $0x80, s9, s1, $0xb8;
	[tilespmem:$0x1C200] =	vst v63  }
0x101: {  	s1 =	simm.s32 @!p2 $0x0;
	s6 =	simm.s32 @!p2 $0x80;
	s9 =	sadd.s32 $0x400, s20  }
0x102: {  	[tilespmem:s6], [sflag:$0x5] =	stream.linear.gather @!p2 [hbm4b:s10+s1], $0x80, $0x38;
	[tilespmem:$0x1C200] =	vst v63  }
.LBB2_4:
0x103: {  	_ =	swait.ge @!p2 [sflag:s17], $0x80  }
0x104: {  	s19 =	sadd.s32 $0x400, s19;
	s16 =	smov.u32 s14;
	s14 =	sadd.s32 $0x1, s14  }
0x105: {  	p0 =	sne.s32 s14, $0x29;
	[sflag:s17] =	ssyncset.done @!p2 $0x0  }
0x106: {  	[sflag:s17] =	ssyncadd.s32 @!p2 $0xFFFFFF80  }
0x107: {  	p1 =	sgt.u32 s7, $0x50;
	_ =	swait.ge [sflag:s0], $0x4000  }
0x108: {  	s1 =	simm.s32 @p1 $0x80;
	s6 =	simm.s32 @p1 $0x100;
	[sflag:s0] =	ssyncset.done $0x0  }
0x109: {  	s24 =	simm.s32 @!p1 $0x4;
	s17 =	simm.s32 @p1 $0x200;
	[sflag:s0] =	ssyncadd.s32 $0xFFFFC000  }
0x10a: {  	[spmem:s2] =	stream.indirect.scatter.add.f32 @p1 [tilespmem:s17], [sflag:$0x3], $0x80, s6, s1, $0xb8;
	[tilespmem:$0x1C200] =	vst v63  }
0x10b: {  	_ =	swait.ge @!p1 [sflag:s24], $0x4000  }
0x10c: {  	s18 =	simm.s32 @!p1 $0x4200;
	s17 =	simm.s32 @!p1 $0x80;
	[sflag:s24] =	ssyncset.done @!p1 $0x0  }
0x10d: {  	s1 =	simm.s32 @!p1 $0x0;
	s6 =	simm.s32 @!p1 $0x180;
	[sflag:s24] =	ssyncadd.s32 @!p1 $0xFFFFC000  }
0x10e: {  	[tilespmem:s18], [sflag:$0x2] =	stream.indirect.gather @!p1 [hbm4b:s5+s17], $0x80, s17, s17, $0xb8;
	[tilespmem:$0x1C200] =	vst v63  }
0x10f: {  	s24 =	simm.s32 @!p1 $0x6  }
0x110: {  	[tilespmem:s6], [sflag:$0x6] =	stream.linear.gather @!p1 [hbm4b:s11+s1], $0x80, $0x38;
	[tilespmem:$0x1C200] =	vst v63  }
0x111: {  	_ =	swait.ge @!p1 [sflag:s24], $0x80  }
0x112: {  	s26 =	simm.s32 @!p1 $0x100;
	s28 =	simm.s32 @!p1 $0x200;
	[sflag:s24] =	ssyncset.done @!p1 $0x0  }
0x113: {  	[sflag:s24] =	ssyncadd.s32 @!p1 $0xFFFFFF80  }
0x114: {  	[spmem:s2] =	stream.indirect.scatter.add.f32 @!p1 [tilespmem:s28], [sflag:$0x3], $0x80, s26, s17, $0xb8;
	[tilespmem:$0x1C200] =	vst v63  }
0x115: {  	_ = 	snop  }
0x116: {  	[tilespmem:s1], [sflag:$0x6] =	stream.linear.gather @!p1 [hbm4b:s15+s1], $0x80, $0x38;
	[tilespmem:$0x1C200] =	vst v63  }
0x117: {  	_ =	swait.ge @!p1 [sflag:s24], $0x80  }
0x118: {  	s29 =	simm.s32 @!p1 $0x2;
	[sflag:s24] =	ssyncset.done @!p1 $0x0  }
0x119: {  	[sflag:s24] =	ssyncadd.s32 @!p1 $0xFFFFFF80  }
0x11a: {  	_ =	swait.ge @!p1 [sflag:s29], $0x4000  }
0x11b: {  	s31 =	simm.s32 @!p1 $0x3;
	[sflag:s29] =	ssyncset.done @!p1 $0x0  }
0x11c: {  	[sflag:s29] =	ssyncadd.s32 @!p1 $0xFFFFC000  }
0x11d: {  	_ =	swait.ge @!p1 [sflag:s31], $0x4000  }
0x11e: {  	[sflag:s31] =	ssyncset.done @!p1 $0x0  }
0x11f: {  	[sflag:s31] =	ssyncadd.s32 @!p1 $0xFFFFC000  }
0x120: {  	[tilespmem:s28], [sflag:$0x1] =	stream.indirect.gather @!p1 [hbm4b:s5+s17], $0x80, s1, s17, $0xb8;
	[tilespmem:$0x1C200] =	vst v63  }
0x121: {  	_ = 	snop  }
0x122: {  	[tilespmem:s26], [sflag:$0x6] =	stream.linear.gather @!p1 [hbm4b:s9+s1], $0x80, $0x38;
	[tilespmem:$0x1C200] =	vst v63  }
0x123: {  	_ =	swait.ge @!p1 [sflag:s24], $0x80  }
0x124: {  	s7 =	sadd.s32 $0x2, s7;
	p2 =	slt.u32 @!p1 s16, $0x27;
	[sflag:s24] =	ssyncset.done @!p1 $0x0  }
.Ltmp1:
0x125: {  	p2 =	por !p2, p1;
	[sflag:s24] =	ssyncadd.s32 @!p1 $0xFFFFFF80;
	(pc) =	sbr.rel @p0 .LBB2_4-.Ltmp1, $4  }
0x126: {  	s16 =	simm.s32 @!p2 $0x80;
	s11 =	sadd.s32 $0x400, s11;
	s1 =	simm.s32 @!p2 $0x0  }
0x127: {  	[spmem:s2] =	stream.indirect.scatter.add.f32 @!p1 [tilespmem:s18], [sflag:$0x4], $0x80, s6, s17, $0xb8;
	[tilespmem:$0x1C200] =	vst v63  }
0x128: {  	s15 =	sadd.s32 $0x400, s15;
	s9 =	sadd.s32 $0x400, s9;
	s17 =	simm.s32 @!p2 $0x5  }
0x129: {  	[tilespmem:s16], [sflag:$0x5] =	stream.linear.gather @!p2 [hbm4b:s19+s1], $0x80, $0x38;
	[tilespmem:$0x1C200] =	vst v63  }
0x12a: {  	_ =	swait.ge @!p2 [sflag:s17], $0x80  }
0x12b: {  	[sflag:s17] =	ssyncset.done @!p2 $0x0  }
0x12c: {  	s14 =	simm.s32 $0x3;
	[sflag:s17] =	ssyncadd.s32 @!p2 $0xFFFFFF80  }
0x12d: {  	_ =	swait.ge [sflag:s14], $0x4000  }
0x12e: {  	[sflag:s14] =	ssyncset.done $0x0  }
0x12f: {  	s1 =	simm.s32 $0x4;
	[sflag:s14] =	ssyncadd.s32 $0xFFFFC000  }
0x130: {  	_ =	swait.ge [sflag:s1], $0x4000  }
0x131: {  	[sflag:s1] =	ssyncset.done $0x0  }
0x132: {  	[sflag:s1] =	ssyncadd.s32 $0xFFFFC000  }
0x133: {  	[bflag:$0x0] =	sbarrier.arrive $0xFFFF  }
0x134: {  	s29 =	rddreg [dreg:$0x9]  }
0x135: {  	[hbm:s29], [sflag:s8] =	dma.local [spmem:s13], $0x2800  }
0x136: {  	_ =	swait.ge [sflag:s23], $0x2800  }
0x137: {  	s12 =	sadd.s32 $0x1, s12;
	s31 =	rddreg [dreg:$0xa]  }
0x138: {  	p0 =	sne.s32 s12, s31  }
.Ltmp2:
0x139: {  	_ = 	snop;
	(pc) =	sbr.rel @p0 .LBB2_1-.Ltmp2, $3  }
0x13a: {  	[sflag:s23] =	ssyncset.done $0x0  }
0x13b: {  	[sflag:s23] =	ssyncadd.s32 $0xFFFFD800  }
0x13c: {  	[bflag:$0x0] =	sbarrier.arrive $0xFFFF;
	_ =	sdelay $0x1  }
0x13d: {  	_ =	sfence.sel $0x180000  }
0x13e: {  	[bflag:$0x0] =	sbarrier.arrive $0xFFFF  }
0x13f: {  	_ =	strace $0x9000004D  }
0x140: {  	s0 =	stileid.u32;
	[bflag:$0x2] =	sbarrier.arrive $0xFFFF  }
0x141: {  	p0 =	sne.s32 s0, $0x0;
	s0 =	rddreg [dreg:$0x2]  }
0x142: {  	s0 =	sadd.s32 @!p0 $0x100000, s0  }
0x143: {  	[sflag:s0] =	ssyncadd.tile.s32 @!p0 $0x1;
	_ =	shalt  }
.Lfunc_end2:
_tile_overlayer_lowered:
.L_overlay_start_2:
0x144: {  	(tag) =	ssettag $0x2  }
0x145: {  	s0 =	rddreg [dreg:$0x0];
	s2 =	stileid.u32  }
0x146: {  	s1 =	rddreg [dreg:$0x1];
	p0 =	sne.s32 s2, $0x0  }
0x147: {  	s3 =	rddreg [dreg:$0x2];
	[bflag:$0x3] =	sbarrier.arrive $0xFFFF;
	s2 =	simm.s32 @!p0 $0x1C05  }
0x148: {  	[timem:s3], [sflag:s2] =	dma.local @!p0 [hbm:s0], s1  }
0x149: {  	s0 =	simm.s32 @!p0 $0x5  }
0x14a: {  	_ =	swait.ge @!p0 [sflag:s0], s1  }
0x14b: {  	s1 =	ssub.s32 @!p0 $0x0, s1;
	[sflag:s0] =	ssyncset.done @!p0 $0x0  }
0x14c: {  	[sflag:s0] =	ssyncadd.s32 @!p0 s1  }
0x14d: {  	[bflag:$0x3] =	sbarrier.arrive $0xFFFF  }
0x14e: {  	_ =	shalt  }

// kernel: kernel.24.cloned.1.call-start
scs
__scs_entry_jumppad:
0x0: {  	(pc) =	sbr.rel $0x88, $3  }
0x1: {  	(tag) =	ssettag $0x0;
	lr =	simm.s32 $0x1  }
0x2: {  	[smem:$0x3F94] =	sst lr;
	_ =	strace $0xD0000000  }
0x3: {  	_ = 	snop  }
0x4: {  	_ = 	snop  }
0x5: {  	_ = 	snop  }
0x6: {  	_ = 	snop  }
0x7: {  	_ = 	snop  }
__scs_overlays_trampoline_lowered:
0x8: {  	[smem:$0x3FA3] =	sst s0  }
0x9: {  	[smem:$0x3FA4] =	sst s1  }
0xa: {  	[smem:$0x3FA5] =	sst s2  }
0xb: {  	[smem:$0x3FA6] =	sst s3  }
0xc: {  	[smem:$0x3FA7] =	sst s4  }
0xd: {  	[smem:$0x3FA8] =	sst s5  }
0xe: {  	[smem:$0x3FA9] =	sst s6  }
0xf: {  	[smem:$0x3FAA] =	sst s7  }
0x10: {  	[smem:$0x3FAB] =	sst s8  }
0x11: {  	[smem:$0x3FAC] =	sst s9;
	s0 =	simm.s32 @!p0 $0x0  }
0x12: {  	s1 =	sld [smem:$0x3F92];
	s0 =	simm.s32 @p0 $0x1  }
0x13: {  	[smem:$0x3FAD] =	sst s0;
	s0 =	simm.s32 @!p1 $0x0  }
0x14: {  	s2 =	sld [smem:$0x3F91];
	s0 =	simm.s32 @p1 $0x1  }
0x15: {  	[smem:$0x3FAE] =	sst s0;
	s0 =	simm.s32 @!p2 $0x0  }
0x16: {  	s3 =	sld [smem:$0x3FDB];
	s0 =	simm.s32 @p2 $0x1  }
0x17: {  	s4 =	simm.s32 $0x1BF5;
	[smem:$0x3FB0] =	sst s0  }
0x18: {  	s0 =	sld [smem:$0x3F93];
	_ =	swait.ge [sflag:s4], $0x0  }
0x19: {  	s7 =	sld [smem:$0x3F94]  }
0x1a: {  	s8 =	sadd.s32 $0xFFFFE003, lr  }
0x1b: {  	s9 =	sadd.s32 $0xFFFFFEF7, lr;
	s5 =	simm.s32 $0xFFFFFFFF;
	p2 =	slt.u32 s8, $0xFFFFF086  }
0x1c: {  	p1 =	slt.u32 s9, $0xF7A;
	s5 =	simm.s32 @!p2 $0x0  }
0x1d: {  	s5 =	simm.s32 @p1 $0x1;
	p0 =	seq.s32 s7, s2  }
0x1e: {  	s7 =	smul.u32 @!p0 $0xF7A, s2;
	p2 =	seq.s32 @!p0 s5, $0x0  }
0x1f: {  	s9 =	smul.u32 $0xF7A, s1;
	s8 =	simm.s32 @!p0 $0x1BF5;
	p2 =	por !p2, p0  }
0x20: {  	[sflag:s8] =	ssyncset.s32 @!p0 $0xFFFFF086;
	s6 =	sadd.s32 @!p0 s3, s7;
	s7 =	simm.s32 @!p0 $0x108  }
0x21: {  	s3 =	sadd.s32 s3, s9;
	s6 =	sadd.s32 @!p0 $0x88, s6;
	s7 =	simm.s32 @p2 $0x1082  }
0x22: {  	[simem:s7], [sflag:s8] =	dma.local @!p0 [hbm:s6], $0xF7A  }
0x23: {  	s9 =	sor.u32 $0xD0000000, s2;
	s6 =	simm.s32 $0x108;
	_ =	swait.ge @!p0 [sflag:s8], $0x0  }
0x24: {  	s3 =	sadd.s32 $0x88, s3;
	s6 =	simm.s32 @!p1 $0x1082;
	[sflag:s4] =	ssyncset.s32 $0xFFFFF086  }
0x25: {  	[simem:s6], [sflag:s4] =	dma.local [hbm:s3], $0xF7A  }
0x26: {  	[smem:$0x3F94] =	sst s1;
	(tag) =	ssettag s2;
	_ =	strace s9  }
0x27: {  	s1 =	sld [smem:$0x3FA4]  }
0x28: {  	s2 =	sld [smem:$0x3FA5]  }
0x29: {  	s4 =	sld [smem:$0x3FA7]  }
0x2a: {  	p0 =	seq.s32 s5, $0x0;
	s5 =	sld [smem:$0x3FA8]  }
0x2b: {  	s6 =	sld [smem:$0x3FA9]  }
0x2c: {  	s7 =	sld [smem:$0x3FAA]  }
0x2d: {  	s3 =	simm.s32 $0x108;
	s8 =	sld [smem:$0x3FAB]  }
0x2e: {  	s3 =	simm.s32 @!p0 $0x1082;
	s9 =	sld [smem:$0x3FAC]  }
0x2f: {  	lr =	sadd.s32 s0, s3;
	s0 =	sld [smem:$0x3FA3]  }
0x30: {  	s3 =	sld [smem:$0x3FA6]  }
0x31: {  	[smem:$0x3FAF] =	sst s10  }
0x32: {  	s10 =	sld [smem:$0x3FAD];
	_ =	sdelay $0x3  }
0x33: {  	p0 =	seq.s32 s10, $0x1;
	s10 =	sld [smem:$0x3FAF];
	_ =	sdelay $0x3  }
0x34: {  	[smem:$0x3FAF] =	sst s10  }
0x35: {  	s10 =	sld [smem:$0x3FAE];
	_ =	sdelay $0x3  }
0x36: {  	p1 =	seq.s32 s10, $0x1;
	s10 =	sld [smem:$0x3FAF];
	_ =	sdelay $0x3  }
0x37: {  	[smem:$0x3FAF] =	sst s10  }
0x38: {  	s10 =	sld [smem:$0x3FB0]  }
0x39: {  	_ = 	snop;
	(pc) =	sbr.ind lr, $3  }
0x3a: {  	_ = 	snop  }
0x3b: {  	_ = 	snop  }
0x3c: {  	p2 =	seq.s32 s10, $0x1;
	s10 =	sld [smem:$0x3FAF]  }
0x3d: {  	_ =	shalt  }
0x3e: {  	_ =	shalt  }
0x3f: {  	_ =	shalt  }
0x40: {  	_ =	shalt  }
0x41: {  	_ =	shalt  }
0x42: {  	_ =	shalt  }
0x43: {  	_ =	shalt  }
0x44: {  	_ =	shalt  }
0x45: {  	_ =	shalt  }
0x46: {  	_ =	shalt  }
0x47: {  	_ =	shalt  }
0x48: {  	_ =	shalt  }
0x49: {  	_ =	shalt  }
0x4a: {  	_ =	shalt  }
0x4b: {  	_ =	shalt  }
0x4c: {  	_ =	shalt  }
0x4d: {  	_ =	shalt  }
0x4e: {  	_ =	shalt  }
0x4f: {  	_ =	shalt  }
0x50: {  	_ =	shalt  }
0x51: {  	_ =	shalt  }
0x52: {  	_ =	shalt  }
0x53: {  	_ =	shalt  }
0x54: {  	_ =	shalt  }
0x55: {  	_ =	shalt  }
0x56: {  	_ =	shalt  }
0x57: {  	_ =	shalt  }
0x58: {  	_ =	shalt  }
0x59: {  	_ =	shalt  }
0x5a: {  	_ =	shalt  }
0x5b: {  	_ =	shalt  }
0x5c: {  	_ =	shalt  }
0x5d: {  	_ =	shalt  }
0x5e: {  	_ =	shalt  }
0x5f: {  	_ =	shalt  }
0x60: {  	_ =	shalt  }
0x61: {  	_ =	shalt  }
0x62: {  	_ =	shalt  }
0x63: {  	_ =	shalt  }
0x64: {  	_ =	shalt  }
0x65: {  	_ =	shalt  }
0x66: {  	_ =	shalt  }
0x67: {  	_ =	shalt  }
0x68: {  	_ =	shalt  }
0x69: {  	_ =	shalt  }
0x6a: {  	_ =	shalt  }
0x6b: {  	_ =	shalt  }
0x6c: {  	_ =	shalt  }
0x6d: {  	_ =	shalt  }
0x6e: {  	_ =	shalt  }
0x6f: {  	_ =	shalt  }
0x70: {  	_ =	shalt  }
0x71: {  	_ =	shalt  }
0x72: {  	_ =	shalt  }
0x73: {  	_ =	shalt  }
0x74: {  	_ =	shalt  }
0x75: {  	_ =	shalt  }
0x76: {  	_ =	shalt  }
0x77: {  	_ =	shalt  }
0x78: {  	_ =	shalt  }
0x79: {  	_ =	shalt  }
0x7a: {  	_ =	shalt  }
0x7b: {  	_ =	shalt  }
0x7c: {  	_ =	shalt  }
0x7d: {  	_ =	shalt  }
0x7e: {  	_ =	shalt  }
0x7f: {  	_ =	shalt  }
0x80: {  	_ =	shalt  }
0x81: {  	_ =	shalt  }
0x82: {  	_ =	shalt  }
0x83: {  	_ =	shalt  }
0x84: {  	_ =	shalt  }
0x85: {  	_ =	shalt  }
0x86: {  	_ =	shalt  }
0x87: {  	_ =	shalt  }
.Lfunc_end0:
.L_simem_size_0:
called_computation.3_lowered:
.L_overlay_start_0:
0x88: {  	s2 =	sld [smem:$0x3FD9]  }
0x89: {  	s3 =	sld [smem:$0x3FFE];
	_ =	sdelay $0x1  }
0x8a: {  	s1 =	srdreg.scid  }
0x8b: {  	s0 =	sand.u32 $0x1, s1  }
0x8c: {  	s16 =	sshll.u32 s0, $0xA;
	s2 =	sadd.s32 s3, s2  }
0x8d: {  	s2 =	sadd.s32 s2, s16  }
0x8e: {  	[smem:$0x3FBB] =	sst s2  }
0x8f: {  	_ = 	snop  }
0x90: {  	(tm) =	ssettm $0x1  }
0x91: {  	s17 =	sld [smem:$0x3FFB];
	_ =	sdelay $0x3  }
0x92: {  	_ =	strace s17  }
0x93: {  	s2 =	sld [smem:$0x3FFC];
	_ =	sdelay $0x3  }
0x94: {  	_ =	strace s2  }
0x95: {  	s2 =	sld [smem:$0x3FFD];
	_ =	sdelay $0x3  }
0x96: {  	_ =	strace s2  }
0x97: {  	_ =	strace $0x8FFFFFFF  }
0x98: {  	s18 =	sld [smem:$0x3FDB];
	_ =	sdelay $0x1  }
0x99: {  	s19 =	simm.s32 $_scs_section_size  }
0x9a: {  	s4 =	simm.s32 $_size__tile_overlayer_lowered;
	s5 =	simm.s32 $_tile_overlayer_lowered  }
0x9b: {  	s22 =	simm.s32 $0x1BFF;
	s21 =	sshll.u32 s5, $0x1;
	s2 =	sadd.s32 s19, s18  }
0x9c: {  	s6 =	simm.s32 $0x0;
	s20 =	sshll.u32 s4, $0x1;
	s4 =	sadd.s32 s21, s2  }
0x9d: {  	[timem:s6], [sflag:s22] =	dma.local [hbm:s4], s20  }
0x9e: {  	_ =	swait.ge [sflag:s22], s20  }
0x9f: {  	s3 =	ssub.s32 $0x0, s20;
	[sflag:s22] =	ssyncset.done $0x0  }
0xa0: {  	[sflag:s22] =	ssyncadd.s32 s3;
	_ =	sdelay $0x1  }
0xa1: {  	s23 =	simm.s32 $0x1B8B  }
0xa2: {  	_ =	swait.ge [sflag:s23], $0x1  }
0xa3: {  	[sflag:s23] =	ssyncset.done $0x0  }
0xa4: {  	s25 =	simm.s32 $0x1B8E;
	s24 =	sld [smem:$0x3FFE];
	[sflag:s23] =	ssyncadd.s32 $0xFFFFFFFF  }
0xa5: {  	s26 =	simm.s32 $execute0_lowered;
	[smem:$0x3FD2] =	sst s25  }
0xa6: {  	s4 =	sshll.u32 s26, $0x1;
	_ =	strace $0x8000004F;
	[dreg:$0x1] =	wrdreg $0xFFFFFFFF  }
0xa7: {  	s28 =	simm.s32 $_size_execute0_lowered;
	s2 =	sadd.s32 s2, s4;
	[dreg:$0x0] =	wrdreg $0x0  }
0xa8: {  	s4 =	sshll.u32 s28, $0x1;
	[dreg:$0x2] =	wrdreg s2  }
0xa9: {  	[dreg:$0x3] =	wrdreg s4  }
0xaa: {  	[dreg:$0x4] =	wrdreg $0xC0  }
0xab: {  	_ =	task [dreg:s6], $0x5FFFF  }
0xac: {  	[dreg:$0x1] =	wrdreg $0xFFFFFFFF  }
0xad: {  	[dreg:$0x0] =	wrdreg $0x60  }
0xae: {  	[dreg:$0x2] =	wrdreg s24  }
0xaf: {  	[dreg:$0x3] =	wrdreg $0x82000  }
0xb0: {  	[dreg:$0x4] =	wrdreg $0x9  }
0xb1: {  	_ =	task.clear_ibuf [dreg:s6], $0x5FFFF;
	_ =	strace $0x9000004F  }
0xb2: {  	s29 =	simm.s32 $0x9;
	_ =	strace $0x80000051  }
0xb3: {  	_ =	swait.ge [sflag:s29], $0x1  }
0xb4: {  	[sflag:s29] =	ssyncadd.s32 $0xFFFFFFFF  }
0xb5: {  	_ =	strace $0x90000051  }
0xb6: {  	_ =	sfence  }
0xb7: {  	s30 =	sld [smem:$0x0];
	_ =	sdelay $0x2  }
0xb8: {  	s31 =	sshll.u32 s1, $0xD;
	s1 =	sshrl.u32 s1, $0x2  }
0xb9: {  	s3 =	sand.u32 $0x4000, s31;
	s1 =	sadd.s32 s1, s30  }
0xba: {  	s0 =	sor.u32 s3, s0;
	s1 =	sshll.u32 s1, $0x11  }
0xbb: {  	s0 =	sor.u32 s1, s0  }
0xbc: {  	s0 =	sadd.s32 $0x8F2B, s0  }
0xbd: {  	[sflag:s0] =	ssyncadd.remote.s32 $0x1  }
0xbe: {  	_ =	sfence.sel $0xFFFF  }
0xbf: {  	[dreg:$0x0] =	wrdreg $0xFFFFFFFF;
	(pc) =	sbr.abs _section_cstart, $3  }
0xc0: {  	[dreg:$0x1] =	wrdreg $0xFFFFFFFF  }
0xc1: {  	_ =	task.clear_ibuf [dreg:s6], $0x2FFFF;
	_ =	strace $0x9FFFFFFF  }
0xc2: {  	(tm) =	ssettm $0x7FFFFFFF  }
0xc3: {  	_ =	shalt  }
tec
execute0_lowered:
.L_overlay_start_1:
0x0: {  	(tag) =	ssettag $0x1  }
0x1: {  	s0 =	rddreg [dreg:$0x0]  }
0x2: {  	s1 =	rddreg [dreg:$0x1];
	s3 =	simm.s32 $0x0;
	s15 =	stileid.u32  }
0x3: {  	s2 =	srdreg.scid;
	s28 =	simm.s32 $0x5;
	s30 =	simm.s32 $0x80  }
0x4: {  	[smem:$0x7FF] =	sst s3;
	s4 =	sadd.s32 $0x158200, s0;
	s8 =	smul.u32 $0x14000, s15  }
0x5: {  	s2 =	sand.u32 $0x1, s2;
	s5 =	sadd.s32 $0x130200, s0;
	s6 =	sadd.s32 $0x5E000, s0  }
0x6: {  	s7 =	sadd.s32 $0x36000, s0;
	s11 =	sadd.s32 $0x86000, s0;
	s12 =	sadd.s32 $0x3E00, s0  }
0x7: {  	s14 =	smul.u32 $0x50000, s15;
	s29 =	sshll.u32 s15, $0x7;
	s15 =	sshll.u32 s15, $0x6  }
0x8: {  	_ =	strace $0x80000050;
	s9 =	smul.u32 $0x140000, s2;
	s26 =	ssub.s32 $0x2, s2  }
0x9: {  	s2 =	sshll.u32 s2, $0xB;
	s10 =	sshrl.u32 s8, $0x3;
	s13 =	sshrl.u32 s26, $0x1  }
0xa: {  	s31 =	sshrl.u32 s14, $0x2;
	s2 =	sor.u32 s29, s2;
	s8 =	sadd.s32 s8, s9  }
0xb: {  	s10 =	sadd.s32 s10, s0;
	s14 =	sadd.s32 s31, s1;
	s16 =	sshrl.u32 s2, $0x3  }
0xc: {  	s19 =	sor.u32 $0x2000, s2;
	s20 =	sor.u32 $0x3000, s2;
	s24 =	sor.u32 $0x5000, s2  }
0xd: {  	s8 =	sshrl.u32 s8, $0x3;
	[dreg:$0x3] =	wrdreg s14;
	s10 =	sadd.s32 $0xE000, s10  }
0xe: {  	s17 =	sadd.s32 s11, s16;
	s18 =	sadd.s32 s12, s16;
	[dreg:$0x4] =	wrdreg s10  }
0xf: {  	s9 =	sshrl.u32 s19, $0x3;
	s0 =	sadd.s32 s8, s0;
	[dreg:$0x6] =	wrdreg s17  }
0x10: {  	s8 =	ssub.s32 s26, s13;
	s13 =	sadd.s32 $0x200, s17;
	[dreg:$0x7] =	wrdreg s18  }
0x11: {  	s2 =	sor.u32 $0x4000, s2;
	s23 =	sadd.s32 s11, s9;
	[dreg:$0x8] =	wrdreg s13  }
0x12: {  	s2 =	sshrl.u32 s2, $0x3;
	s9 =	sadd.s32 s12, s9;
	[dreg:$0xb] =	wrdreg s23  }
0x13: {  	s10 =	sor.u32 $0x1C05, s15;
	s31 =	sadd.s32 $0x200, s18;
	[dreg:$0xc] =	wrdreg s9  }
0x14: {  	s15 =	simm.s32 $0x1;
	s21 =	sadd.s32 $0x90200, s0;
	[dreg:$0x11] =	wrdreg s31  }
0x15: {  	s22 =	sadd.s32 $0xE0200, s0;
	s13 =	sshrl.u32 s20, $0x3;
	[dreg:$0x5] =	wrdreg s10  }
0x16: {  	s9 =	sshrl.u32 s24, $0x3;
	s20 =	sadd.s32 s2, s11;
	[dreg:$0x9] =	wrdreg s21  }
0x17: {  	s26 =	sadd.s32 $0x180200, s0;
	s0 =	sadd.s32 $0x1D0200, s0;
	[dreg:$0xa] =	wrdreg s22  }
0x18: {  	s29 =	smax.u32 s8, $0x1;
	s8 =	simm.s32 $0x6;
	[dreg:$0xe] =	wrdreg s26  }
0x19: {  	s25 =	sadd.s32 s11, s13;
	s17 =	sadd.s32 s9, s11;
	[dreg:$0xf] =	wrdreg s0  }
0x1a: {  	s21 =	sadd.s32 s2, s12;
	s22 =	sadd.s32 s13, s12;
	[dreg:$0x10] =	wrdreg s29  }
0x1b: {  	s12 =	simm.s32 $0x3;
	s2 =	simm.s32 $0x0;
	[dreg:$0xd] =	wrdreg s25  }
.LBB2_1:
0x1c: {  	[dreg:$0x12] =	wrdreg s2  }
0x1d: {  	s0 =	rddreg [dreg:$0x3]  }
0x1e: {  	s11 =	rddreg [dreg:$0x4];
	s24 =	sshrl.u32 s0, $0x3  }
0x1f: {  	[spmem:s24], [sflag:s10] =	dma.local [hbm:s11], $0x2800  }
0x20: {  	_ =	swait.ge [sflag:s28], $0x2800  }
0x21: {  	[sflag:s28] =	ssyncset.done $0x0  }
0x22: {  	[sflag:s28] =	ssyncadd.s32 $0xFFFFD800  }
0x23: {  	[bflag:$0x0] =	sbarrier.arrive $0xFFFF  }
0x24: {  	s13 =	rddreg [dreg:$0x6]  }
0x25: {  	[tilespmem:s3], [sflag:$0x5] =	stream.linear.gather [hbm4b:s13+s3], $0x80, $0x38;
	[tilespmem:$0x1C200] =	vst v63  }
0x26: {  	_ =	swait.ge [sflag:s28], $0x80  }
0x27: {  	[sflag:s28] =	ssyncset.done $0x0  }
0x28: {  	s16 =	simm.s32 $0x100;
	s14 =	rddreg [dreg:$0x7];
	[sflag:s28] =	ssyncadd.s32 $0xFFFFFF80  }
0x29: {  	[tilespmem:s16], [sflag:$0x5] =	stream.linear.gather [hbm4b:s14+s3], $0x80, $0x38;
	[tilespmem:$0x1C200] =	vst v63  }
0x2a: {  	_ =	swait.ge [sflag:s28], $0x80  }
0x2b: {  	[sflag:s28] =	ssyncset.done $0x0  }
0x2c: {  	s9 =	simm.s32 $0x200;
	[sflag:s28] =	ssyncadd.s32 $0xFFFFFF80  }
0x2d: {  	[tilespmem:s9], [sflag:$0x1] =	stream.indirect.gather [hbm4b:s4+s30], $0x80, s3, s30, $0xb8;
	[tilespmem:$0x1C200] =	vst v63  }
0x2e: {  	s18 =	rddreg [dreg:$0x8]  }
0x2f: {  	[tilespmem:s30], [sflag:$0x5] =	stream.linear.gather [hbm4b:s18+s3], $0x80, $0x38;
	[tilespmem:$0x1C200] =	vst v63  }
0x30: {  	_ =	swait.ge [sflag:s28], $0x80  }
0x31: {  	[sflag:s28] =	ssyncset.done $0x0  }
0x32: {  	[sflag:s28] =	ssyncadd.s32 $0xFFFFFF80  }
0x33: {  	_ =	swait.ge [sflag:s15], $0x4000  }
0x34: {  	[sflag:s15] =	ssyncset.done $0x0  }
0x35: {  	s19 =	simm.s32 $0x4200;
	[sflag:s15] =	ssyncadd.s32 $0xFFFFC000  }
0x36: {  	[tilespmem:s19], [sflag:$0x2] =	stream.indirect.gather [hbm4b:s4+s30], $0x80, s30, s30, $0xb8;
	[tilespmem:$0x1C200] =	vst v63  }
0x37: {  	s11 =	simm.s32 $0x180;
	s23 =	rddreg [dreg:$0x11]  }
0x38: {  	[tilespmem:s11], [sflag:$0x6] =	stream.linear.gather [hbm4b:s23+s3], $0x80, $0x38;
	[tilespmem:$0x1C200] =	vst v63  }
0x39: {  	_ =	swait.ge [sflag:s8], $0x80  }
0x3a: {  	[sflag:s8] =	ssyncset.done $0x0  }
0x3b: {  	[sflag:s8] =	ssyncadd.s32 $0xFFFFFF80  }
0x3c: {  	[spmem:s1] =	stream.indirect.scatter.add.f32 [tilespmem:s9], [sflag:$0x3], $0x80, s16, s30, $0xb8;
	[tilespmem:$0x1C200] =	vst v63  }
0x3d: {  	s25 =	rddreg [dreg:$0xb]  }
0x3e: {  	[tilespmem:s3], [sflag:$0x6] =	stream.linear.gather [hbm4b:s25+s3], $0x80, $0x38;
	[tilespmem:$0x1C200] =	vst v63  }
0x3f: {  	_ =	swait.ge [sflag:s8], $0x80  }
0x40: {  	[sflag:s8] =	ssyncset.done $0x0  }
0x41: {  	s26 =	simm.s32 $0x2;
	[sflag:s8] =	ssyncadd.s32 $0xFFFFFF80  }
0x42: {  	_ =	swait.ge [sflag:s26], $0x4000  }
0x43: {  	[sflag:s26] =	ssyncset.done $0x0  }
0x44: {  	[sflag:s26] =	ssyncadd.s32 $0xFFFFC000  }
0x45: {  	_ =	swait.ge [sflag:s12], $0x4000  }
0x46: {  	[sflag:s12] =	ssyncset.done $0x0  }
0x47: {  	[sflag:s12] =	ssyncadd.s32 $0xFFFFC000  }
0x48: {  	[tilespmem:s9], [sflag:$0x1] =	stream.indirect.gather [hbm4b:s4+s30], $0x80, s3, s30, $0xb8;
	[tilespmem:$0x1C200] =	vst v63  }
0x49: {  	s29 =	rddreg [dreg:$0xc]  }
0x4a: {  	[tilespmem:s16], [sflag:$0x6] =	stream.linear.gather [hbm4b:s29+s3], $0x80, $0x38;
	[tilespmem:$0x1C200] =	vst v63  }
0x4b: {  	_ =	swait.ge [sflag:s8], $0x80  }
0x4c: {  	[sflag:s8] =	ssyncset.done $0x0  }
0x4d: {  	[sflag:s8] =	ssyncadd.s32 $0xFFFFFF80  }
0x4e: {  	[spmem:s1] =	stream.indirect.scatter.add.f32 [tilespmem:s19], [sflag:$0x4], $0x80, s11, s30, $0xb8;
	[tilespmem:$0x1C200] =	vst v63  }
0x4f: {  	s31 =	rddreg [dreg:$0xd]  }
0x50: {  	[tilespmem:s30], [sflag:$0x5] =	stream.linear.gather [hbm4b:s31+s3], $0x80, $0x38;
	[tilespmem:$0x1C200] =	vst v63  }
0x51: {  	_ =	swait.ge [sflag:s28], $0x80  }
0x52: {  	[sflag:s28] =	ssyncset.done $0x0  }
0x53: {  	[sflag:s28] =	ssyncadd.s32 $0xFFFFFF80  }
0x54: {  	p0 =	por $0x0, $0x0;
	_ =	swait.ge [sflag:s15], $0x4000  }
0x55: {  	s0 =	simm.s32 @p0 $0x80;
	s12 =	simm.s32 @!p0 $0x4;
	[sflag:s15] =	ssyncset.done $0x0  }
0x56: {  	s9 =	simm.s32 @p0 $0x100;
	s11 =	simm.s32 @p0 $0x200;
	[sflag:s15] =	ssyncadd.s32 $0xFFFFC000  }
0x57: {  	[spmem:s1] =	stream.indirect.scatter.add.f32 @p0 [tilespmem:s11], [sflag:$0x3], $0x80, s9, s0, $0xb8;
	[tilespmem:$0x1C200] =	vst v63  }
0x58: {  	_ =	swait.ge @!p0 [sflag:s12], $0x4000  }
0x59: {  	[sflag:s12] =	ssyncset.done @!p0 $0x0  }
0x5a: {  	s0 =	simm.s32 @!p0 $0x80;
	s9 =	simm.s32 @!p0 $0x4200;
	[sflag:s12] =	ssyncadd.s32 @!p0 $0xFFFFC000  }
0x5b: {  	[tilespmem:s9], [sflag:$0x2] =	stream.indirect.gather @!p0 [hbm4b:s4+s0], $0x80, s0, s0, $0xb8;
	[tilespmem:$0x1C200] =	vst v63  }
0x5c: {  	s13 =	simm.s32 @!p0 $0x6;
	s11 =	simm.s32 @!p0 $0x0;
	s12 =	simm.s32 @!p0 $0x180  }
0x5d: {  	[tilespmem:s12], [sflag:$0x6] =	stream.linear.gather @!p0 [hbm4b:s22+s11], $0x80, $0x38;
	[tilespmem:$0x1C200] =	vst v63  }
0x5e: {  	_ =	swait.ge @!p0 [sflag:s13], $0x80  }
0x5f: {  	[sflag:s13] =	ssyncset.done @!p0 $0x0  }
0x60: {  	s18 =	simm.s32 @!p0 $0x200;
	s16 =	simm.s32 @!p0 $0x100;
	[sflag:s13] =	ssyncadd.s32 @!p0 $0xFFFFFF80  }
0x61: {  	[spmem:s1] =	stream.indirect.scatter.add.f32 @!p0 [tilespmem:s18], [sflag:$0x3], $0x80, s16, s0, $0xb8;
	[tilespmem:$0x1C200] =	vst v63  }
0x62: {  	_ = 	snop  }
0x63: {  	[tilespmem:s11], [sflag:$0x6] =	stream.linear.gather @!p0 [hbm4b:s20+s11], $0x80, $0x38;
	[tilespmem:$0x1C200] =	vst v63  }
0x64: {  	_ =	swait.ge @!p0 [sflag:s13], $0x80  }
0x65: {  	[sflag:s13] =	ssyncset.done @!p0 $0x0  }
0x66: {  	s19 =	simm.s32 @!p0 $0x2;
	[sflag:s13] =	ssyncadd.s32 @!p0 $0xFFFFFF80  }
0x67: {  	_ =	swait.ge @!p0 [sflag:s19], $0x4000  }
0x68: {  	[sflag:s19] =	ssyncset.done @!p0 $0x0  }
0x69: {  	[sflag:s19] =	ssyncadd.s32 @!p0 $0xFFFFC000;
	s19 =	simm.s32 @!p0 $0x3  }
0x6a: {  	_ =	swait.ge @!p0 [sflag:s19], $0x4000  }
0x6b: {  	[sflag:s19] =	ssyncset.done @!p0 $0x0  }
0x6c: {  	[sflag:s19] =	ssyncadd.s32 @!p0 $0xFFFFC000  }
0x6d: {  	[tilespmem:s18], [sflag:$0x1] =	stream.indirect.gather @!p0 [hbm4b:s4+s0], $0x80, s11, s0, $0xb8;
	[tilespmem:$0x1C200] =	vst v63  }
0x6e: {  	_ = 	snop  }
0x6f: {  	[tilespmem:s16], [sflag:$0x6] =	stream.linear.gather @!p0 [hbm4b:s21+s11], $0x80, $0x38;
	[tilespmem:$0x1C200] =	vst v63  }
0x70: {  	p1 =	por @!p0 $0x1, $0x1;
	_ =	swait.ge @!p0 [sflag:s13], $0x80  }
0x71: {  	p2 =	por !p1, p0;
	s19 =	smov.u32 s17;
	[sflag:s13] =	ssyncset.done @!p0 $0x0  }
0x72: {  	s11 =	sadd.s32 $0x400, s22;
	s16 =	sadd.s32 $0x400, s21;
	[sflag:s13] =	ssyncadd.s32 @!p0 $0xFFFFFF80  }
0x73: {  	[spmem:s1] =	stream.indirect.scatter.add.f32 @!p0 [tilespmem:s9], [sflag:$0x4], $0x80, s12, s0, $0xb8;
	[tilespmem:$0x1C200] =	vst v63  }
0x74: {  	s13 =	simm.s32 $0x5;
	s0 =	simm.s32 @!p2 $0x0;
	s9 =	simm.s32 @!p2 $0x80  }
0x75: {  	[tilespmem:s9], [sflag:$0x5] =	stream.linear.gather @!p2 [hbm4b:s17+s0], $0x80, $0x38;
	[tilespmem:$0x1C200] =	vst v63  }
0x76: {  	s12 =	sadd.s32 $0x400, s20;
	s9 =	simm.s32 $0x2;
	s0 =	simm.s32 @!p2 $0x5  }
.LBB2_2:
0x77: {  	_ =	swait.ge @!p2 [sflag:s0], $0x80  }
0x78: {  	s19 =	sadd.s32 $0x400, s19;
	s18 =	smov.u32 s9;
	s9 =	sadd.s32 $0x1, s9  }
0x79: {  	p0 =	sne.s32 s9, $0x29;
	[sflag:s0] =	ssyncset.done @!p2 $0x0  }
0x7a: {  	[sflag:s0] =	ssyncadd.s32 @!p2 $0xFFFFFF80  }
0x7b: {  	p1 =	sgt.u32 s13, $0x50;
	_ =	swait.ge [sflag:s15], $0x4000  }
0x7c: {  	s26 =	simm.s32 @p1 $0x100;
	s0 =	simm.s32 @p1 $0x80;
	[sflag:s15] =	ssyncset.done $0x0  }
0x7d: {  	s2 =	simm.s32 @p1 $0x200;
	s29 =	simm.s32 @!p1 $0x4;
	[sflag:s15] =	ssyncadd.s32 $0xFFFFC000  }
0x7e: {  	[spmem:s1] =	stream.indirect.scatter.add.f32 @p1 [tilespmem:s2], [sflag:$0x3], $0x80, s26, s0, $0xb8;
	[tilespmem:$0x1C200] =	vst v63  }
0x7f: {  	_ =	swait.ge @!p1 [sflag:s29], $0x4000  }
0x80: {  	s26 =	simm.s32 @!p1 $0x80;
	s0 =	simm.s32 @!p1 $0x4200;
	[sflag:s29] =	ssyncset.done @!p1 $0x0  }
0x81: {  	s2 =	simm.s32 @!p1 $0x0;
	[sflag:s29] =	ssyncadd.s32 @!p1 $0xFFFFC000;
	s29 =	simm.s32 @!p1 $0x180  }
0x82: {  	[tilespmem:s0], [sflag:$0x2] =	stream.indirect.gather @!p1 [hbm4b:s4+s26], $0x80, s26, s26, $0xb8;
	[tilespmem:$0x1C200] =	vst v63  }
0x83: {  	s31 =	simm.s32 @!p1 $0x6  }
0x84: {  	[tilespmem:s29], [sflag:$0x6] =	stream.linear.gather @!p1 [hbm4b:s11+s2], $0x80, $0x38;
	[tilespmem:$0x1C200] =	vst v63  }
0x85: {  	_ =	swait.ge @!p1 [sflag:s31], $0x80  }
0x86: {  	s14 =	simm.s32 @!p1 $0x100;
	s23 =	simm.s32 @!p1 $0x200;
	[sflag:s31] =	ssyncset.done @!p1 $0x0  }
0x87: {  	[sflag:s31] =	ssyncadd.s32 @!p1 $0xFFFFFF80  }
0x88: {  	[spmem:s1] =	stream.indirect.scatter.add.f32 @!p1 [tilespmem:s23], [sflag:$0x3], $0x80, s14, s26, $0xb8;
	[tilespmem:$0x1C200] =	vst v63  }
0x89: {  	_ = 	snop  }
0x8a: {  	[tilespmem:s2], [sflag:$0x6] =	stream.linear.gather @!p1 [hbm4b:s12+s2], $0x80, $0x38;
	[tilespmem:$0x1C200] =	vst v63  }
0x8b: {  	_ =	swait.ge @!p1 [sflag:s31], $0x80  }
0x8c: {  	s25 =	simm.s32 @!p1 $0x2;
	[sflag:s31] =	ssyncset.done @!p1 $0x0  }
0x8d: {  	[sflag:s31] =	ssyncadd.s32 @!p1 $0xFFFFFF80  }
0x8e: {  	_ =	swait.ge @!p1 [sflag:s25], $0x4000  }
0x8f: {  	s10 =	simm.s32 @!p1 $0x3;
	[sflag:s25] =	ssyncset.done @!p1 $0x0  }
0x90: {  	[sflag:s25] =	ssyncadd.s32 @!p1 $0xFFFFC000  }
0x91: {  	_ =	swait.ge @!p1 [sflag:s10], $0x4000  }
0x92: {  	[sflag:s10] =	ssyncset.done @!p1 $0x0  }
0x93: {  	[sflag:s10] =	ssyncadd.s32 @!p1 $0xFFFFC000  }
0x94: {  	[tilespmem:s23], [sflag:$0x1] =	stream.indirect.gather @!p1 [hbm4b:s4+s26], $0x80, s2, s26, $0xb8;
	[tilespmem:$0x1C200] =	vst v63  }
0x95: {  	_ = 	snop  }
0x96: {  	[tilespmem:s14], [sflag:$0x6] =	stream.linear.gather @!p1 [hbm4b:s16+s2], $0x80, $0x38;
	[tilespmem:$0x1C200] =	vst v63  }
0x97: {  	_ =	swait.ge @!p1 [sflag:s31], $0x80  }
0x98: {  	s13 =	sadd.s32 $0x2, s13;
	p2 =	slt.u32 @!p1 s18, $0x27;
	[sflag:s31] =	ssyncset.done @!p1 $0x0  }
.Ltmp0:
0x99: {  	p2 =	por !p2, p1;
	[sflag:s31] =	ssyncadd.s32 @!p1 $0xFFFFFF80;
	(pc) =	sbr.rel @p0 .LBB2_2-.Ltmp0, $4  }
0x9a: {  	s11 =	sadd.s32 $0x400, s11;
	s10 =	simm.s32 @!p2 $0x80;
	s2 =	simm.s32 @!p2 $0x0  }
0x9b: {  	[spmem:s1] =	stream.indirect.scatter.add.f32 @!p1 [tilespmem:s0], [sflag:$0x4], $0x80, s29, s26, $0xb8;
	[tilespmem:$0x1C200] =	vst v63  }
0x9c: {  	s12 =	sadd.s32 $0x400, s12;
	s16 =	sadd.s32 $0x400, s16;
	s0 =	simm.s32 @!p2 $0x5  }
0x9d: {  	[tilespmem:s10], [sflag:$0x5] =	stream.linear.gather @!p2 [hbm4b:s19+s2], $0x80, $0x38;
	[tilespmem:$0x1C200] =	vst v63  }
0x9e: {  	_ =	swait.ge @!p2 [sflag:s0], $0x80  }
0x9f: {  	[sflag:s0] =	ssyncset.done @!p2 $0x0  }
0xa0: {  	s31 =	simm.s32 $0x3;
	[sflag:s0] =	ssyncadd.s32 @!p2 $0xFFFFFF80  }
0xa1: {  	_ =	swait.ge [sflag:s31], $0x4000  }
0xa2: {  	[sflag:s31] =	ssyncset.done $0x0  }
0xa3: {  	s2 =	simm.s32 $0x4;
	[sflag:s31] =	ssyncadd.s32 $0xFFFFC000  }
0xa4: {  	_ =	swait.ge [sflag:s2], $0x4000  }
0xa5: {  	[sflag:s2] =	ssyncset.done $0x0  }
0xa6: {  	[sflag:s2] =	ssyncadd.s32 $0xFFFFC000  }
0xa7: {  	[bflag:$0x0] =	sbarrier.arrive $0xFFFF  }
0xa8: {  	s9 =	rddreg [dreg:$0x5]  }
0xa9: {  	s11 =	rddreg [dreg:$0x9]  }
0xaa: {  	[hbm:s11], [sflag:s9] =	dma.local [spmem:s24], $0x2800  }
0xab: {  	_ =	swait.ge [sflag:s28], $0x2800  }
0xac: {  	[sflag:s28] =	ssyncset.done $0x0  }
0xad: {  	[sflag:s28] =	ssyncadd.s32 $0xFFFFD800  }
0xae: {  	[bflag:$0x0] =	sbarrier.arrive $0xFFFF  }
0xaf: {  	s12 =	rddreg [dreg:$0x4]  }
0xb0: {  	[spmem:s24], [sflag:s9] =	dma.local [hbm:s12], $0x2800  }
0xb1: {  	_ =	swait.ge [sflag:s28], $0x2800  }
0xb2: {  	[sflag:s28] =	ssyncset.done $0x0  }
0xb3: {  	[sflag:s28] =	ssyncadd.s32 $0xFFFFD800  }
0xb4: {  	[bflag:$0x0] =	sbarrier.arrive $0xFFFF  }
0xb5: {  	s13 =	rddreg [dreg:$0x6]  }
0xb6: {  	[tilespmem:s3], [sflag:$0x5] =	stream.linear.gather [hbm4b:s13+s3], $0x80, $0x38;
	[tilespmem:$0x1C200] =	vst v63  }
0xb7: {  	_ =	swait.ge [sflag:s28], $0x80  }
0xb8: {  	[sflag:s28] =	ssyncset.done $0x0  }
0xb9: {  	s16 =	simm.s32 $0x100;
	s14 =	rddreg [dreg:$0x7];
	[sflag:s28] =	ssyncadd.s32 $0xFFFFFF80  }
0xba: {  	[tilespmem:s16], [sflag:$0x5] =	stream.linear.gather [hbm4b:s14+s3], $0x80, $0x38;
	[tilespmem:$0x1C200] =	vst v63  }
0xbb: {  	_ =	swait.ge [sflag:s28], $0x80  }
0xbc: {  	[sflag:s28] =	ssyncset.done $0x0  }
0xbd: {  	s10 =	simm.s32 $0x200;
	[sflag:s28] =	ssyncadd.s32 $0xFFFFFF80  }
0xbe: {  	[tilespmem:s10], [sflag:$0x1] =	stream.indirect.gather [hbm4b:s5+s30], $0x80, s3, s30, $0xb8;
	[tilespmem:$0x1C200] =	vst v63  }
0xbf: {  	s18 =	rddreg [dreg:$0x8]  }
0xc0: {  	[tilespmem:s30], [sflag:$0x5] =	stream.linear.gather [hbm4b:s18+s3], $0x80, $0x38;
	[tilespmem:$0x1C200] =	vst v63  }
0xc1: {  	_ =	swait.ge [sflag:s28], $0x80  }
0xc2: {  	[sflag:s28] =	ssyncset.done $0x0  }
0xc3: {  	s19 =	simm.s32 $0x1;
	[sflag:s28] =	ssyncadd.s32 $0xFFFFFF80  }
0xc4: {  	_ =	swait.ge [sflag:s19], $0x4000  }
0xc5: {  	[sflag:s19] =	ssyncset.done $0x0  }
0xc6: {  	s11 =	simm.s32 $0x4200;
	[sflag:s19] =	ssyncadd.s32 $0xFFFFC000  }
0xc7: {  	[tilespmem:s11], [sflag:$0x2] =	stream.indirect.gather [hbm4b:s5+s30], $0x80, s30, s30, $0xb8;
	[tilespmem:$0x1C200] =	vst v63  }
0xc8: {  	s12 =	simm.s32 $0x180;
	s23 =	rddreg [dreg:$0x11]  }
0xc9: {  	[tilespmem:s12], [sflag:$0x6] =	stream.linear.gather [hbm4b:s23+s3], $0x80, $0x38;
	[tilespmem:$0x1C200] =	vst v63  }
0xca: {  	_ =	swait.ge [sflag:s8], $0x80  }
0xcb: {  	[sflag:s8] =	ssyncset.done $0x0  }
0xcc: {  	[sflag:s8] =	ssyncadd.s32 $0xFFFFFF80  }
0xcd: {  	[spmem:s1] =	stream.indirect.scatter.add.f32 [tilespmem:s10], [sflag:$0x3], $0x80, s16, s30, $0xb8;
	[tilespmem:$0x1C200] =	vst v63  }
0xce: {  	s25 =	rddreg [dreg:$0xb]  }
0xcf: {  	[tilespmem:s3], [sflag:$0x6] =	stream.linear.gather [hbm4b:s25+s3], $0x80, $0x38;
	[tilespmem:$0x1C200] =	vst v63  }
0xd0: {  	_ =	swait.ge [sflag:s8], $0x80  }
0xd1: {  	[sflag:s8] =	ssyncset.done $0x0  }
0xd2: {  	s26 =	simm.s32 $0x2;
	[sflag:s8] =	ssyncadd.s32 $0xFFFFFF80  }
0xd3: {  	_ =	swait.ge [sflag:s26], $0x4000  }
0xd4: {  	[sflag:s26] =	ssyncset.done $0x0  }
0xd5: {  	[sflag:s26] =	ssyncadd.s32 $0xFFFFC000  }
0xd6: {  	_ =	swait.ge [sflag:s31], $0x4000  }
0xd7: {  	[sflag:s31] =	ssyncset.done $0x0  }
0xd8: {  	[sflag:s31] =	ssyncadd.s32 $0xFFFFC000  }
0xd9: {  	[tilespmem:s10], [sflag:$0x1] =	stream.indirect.gather [hbm4b:s5+s30], $0x80, s3, s30, $0xb8;
	[tilespmem:$0x1C200] =	vst v63  }
0xda: {  	s29 =	rddreg [dreg:$0xc]  }
0xdb: {  	[tilespmem:s16], [sflag:$0x6] =	stream.linear.gather [hbm4b:s29+s3], $0x80, $0x38;
	[tilespmem:$0x1C200] =	vst v63  }
0xdc: {  	_ =	swait.ge [sflag:s8], $0x80  }
0xdd: {  	[sflag:s8] =	ssyncset.done $0x0  }
0xde: {  	[sflag:s8] =	ssyncadd.s32 $0xFFFFFF80  }
0xdf: {  	[spmem:s1] =	stream.indirect.scatter.add.f32 [tilespmem:s11], [sflag:$0x4], $0x80, s12, s30, $0xb8;
	[tilespmem:$0x1C200] =	vst v63  }
0xe0: {  	s31 =	rddreg [dreg:$0xd]  }
0xe1: {  	[tilespmem:s30], [sflag:$0x5] =	stream.linear.gather [hbm4b:s31+s3], $0x80, $0x38;
	[tilespmem:$0x1C200] =	vst v63  }
0xe2: {  	_ =	swait.ge [sflag:s28], $0x80  }
0xe3: {  	[sflag:s28] =	ssyncset.done $0x0  }
0xe4: {  	[sflag:s28] =	ssyncadd.s32 $0xFFFFFF80  }
0xe5: {  	p0 =	por $0x0, $0x0;
	_ =	swait.ge [sflag:s15], $0x4000  }
0xe6: {  	s0 =	simm.s32 @p0 $0x80;
	s2 =	simm.s32 @p0 $0x100;
	[sflag:s15] =	ssyncset.done $0x0  }
0xe7: {  	s9 =	simm.s32 @p0 $0x200;
	s10 =	simm.s32 @!p0 $0x4;
	[sflag:s15] =	ssyncadd.s32 $0xFFFFC000  }
0xe8: {  	[spmem:s1] =	stream.indirect.scatter.add.f32 @p0 [tilespmem:s9], [sflag:$0x3], $0x80, s2, s0, $0xb8;
	[tilespmem:$0x1C200] =	vst v63  }
0xe9: {  	_ =	swait.ge @!p0 [sflag:s10], $0x4000  }
0xea: {  	[sflag:s10] =	ssyncset.done @!p0 $0x0  }
0xeb: {  	s0 =	simm.s32 @!p0 $0x80;
	s2 =	simm.s32 @!p0 $0x4200;
	[sflag:s10] =	ssyncadd.s32 @!p0 $0xFFFFC000  }
0xec: {  	[tilespmem:s2], [sflag:$0x2] =	stream.indirect.gather @!p0 [hbm4b:s5+s0], $0x80, s0, s0, $0xb8;
	[tilespmem:$0x1C200] =	vst v63  }
0xed: {  	s11 =	simm.s32 @!p0 $0x6;
	s9 =	simm.s32 @!p0 $0x0;
	s10 =	simm.s32 @!p0 $0x180  }
0xee: {  	[tilespmem:s10], [sflag:$0x6] =	stream.linear.gather @!p0 [hbm4b:s22+s9], $0x80, $0x38;
	[tilespmem:$0x1C200] =	vst v63  }
0xef: {  	_ =	swait.ge @!p0 [sflag:s11], $0x80  }
0xf0: {  	[sflag:s11] =	ssyncset.done @!p0 $0x0  }
0xf1: {  	s13 =	simm.s32 @!p0 $0x200;
	s12 =	simm.s32 @!p0 $0x100;
	[sflag:s11] =	ssyncadd.s32 @!p0 $0xFFFFFF80  }
0xf2: {  	[spmem:s1] =	stream.indirect.scatter.add.f32 @!p0 [tilespmem:s13], [sflag:$0x3], $0x80, s12, s0, $0xb8;
	[tilespmem:$0x1C200] =	vst v63  }
0xf3: {  	_ = 	snop  }
0xf4: {  	[tilespmem:s9], [sflag:$0x6] =	stream.linear.gather @!p0 [hbm4b:s20+s9], $0x80, $0x38;
	[tilespmem:$0x1C200] =	vst v63  }
0xf5: {  	_ =	swait.ge @!p0 [sflag:s11], $0x80  }
0xf6: {  	[sflag:s11] =	ssyncset.done @!p0 $0x0  }
0xf7: {  	s14 =	simm.s32 @!p0 $0x2;
	[sflag:s11] =	ssyncadd.s32 @!p0 $0xFFFFFF80  }
0xf8: {  	_ =	swait.ge @!p0 [sflag:s14], $0x4000  }
0xf9: {  	[sflag:s14] =	ssyncset.done @!p0 $0x0  }
0xfa: {  	[sflag:s14] =	ssyncadd.s32 @!p0 $0xFFFFC000;
	s14 =	simm.s32 @!p0 $0x3  }
0xfb: {  	_ =	swait.ge @!p0 [sflag:s14], $0x4000  }
0xfc: {  	[sflag:s14] =	ssyncset.done @!p0 $0x0  }
0xfd: {  	[sflag:s14] =	ssyncadd.s32 @!p0 $0xFFFFC000  }
0xfe: {  	[tilespmem:s13], [sflag:$0x1] =	stream.indirect.gather @!p0 [hbm4b:s5+s0], $0x80, s9, s0, $0xb8;
	[tilespmem:$0x1C200] =	vst v63  }
0xff: {  	_ = 	snop  }
0x100: {  	[tilespmem:s12], [sflag:$0x6] =	stream.linear.gather @!p0 [hbm4b:s21+s9], $0x80, $0x38;
	[tilespmem:$0x1C200] =	vst v63  }
0x101: {  	p1 =	por @!p0 $0x1, $0x1;
	_ =	swait.ge @!p0 [sflag:s11], $0x80  }
0x102: {  	p2 =	por !p1, p0;
	s19 =	smov.u32 s17;
	[sflag:s11] =	ssyncset.done @!p0 $0x0  }
0x103: {  	s16 =	sadd.s32 $0x400, s21;
	s13 =	simm.s32 $0x5;
	[sflag:s11] =	ssyncadd.s32 @!p0 $0xFFFFFF80  }
0x104: {  	[spmem:s1] =	stream.indirect.scatter.add.f32 @!p0 [tilespmem:s2], [sflag:$0x4], $0x80, s10, s0, $0xb8;
	[tilespmem:$0x1C200] =	vst v63  }
0x105: {  	s9 =	simm.s32 $0x2;
	s0 =	simm.s32 @!p2 $0x0;
	s2 =	simm.s32 @!p2 $0x80  }
0x106: {  	[tilespmem:s2], [sflag:$0x5] =	stream.linear.gather @!p2 [hbm4b:s17+s0], $0x80, $0x38;
	[tilespmem:$0x1C200] =	vst v63  }
0x107: {  	s12 =	sadd.s32 $0x400, s20;
	s11 =	sadd.s32 $0x400, s22;
	s0 =	simm.s32 @!p2 $0x5  }
.LBB2_4:
0x108: {  	_ =	swait.ge @!p2 [sflag:s0], $0x80  }
0x109: {  	s19 =	sadd.s32 $0x400, s19;
	s18 =	smov.u32 s9;
	s9 =	sadd.s32 $0x1, s9  }
0x10a: {  	p0 =	sne.s32 s9, $0x29;
	[sflag:s0] =	ssyncset.done @!p2 $0x0  }
0x10b: {  	[sflag:s0] =	ssyncadd.s32 @!p2 $0xFFFFFF80  }
0x10c: {  	p1 =	sgt.u32 s13, $0x50;
	_ =	swait.ge [sflag:s15], $0x4000  }
0x10d: {  	s2 =	simm.s32 @p1 $0x100;
	s0 =	simm.s32 @p1 $0x80;
	[sflag:s15] =	ssyncset.done $0x0  }
0x10e: {  	s10 =	simm.s32 @p1 $0x200;
	s14 =	simm.s32 @!p1 $0x4;
	[sflag:s15] =	ssyncadd.s32 $0xFFFFC000  }
0x10f: {  	[spmem:s1] =	stream.indirect.scatter.add.f32 @p1 [tilespmem:s10], [sflag:$0x3], $0x80, s2, s0, $0xb8;
	[tilespmem:$0x1C200] =	vst v63  }
0x110: {  	_ =	swait.ge @!p1 [sflag:s14], $0x4000  }
0x111: {  	s26 =	simm.s32 @!p1 $0x80;
	s0 =	simm.s32 @!p1 $0x4200;
	[sflag:s14] =	ssyncset.done @!p1 $0x0  }
0x112: {  	s2 =	simm.s32 @!p1 $0x0;
	s10 =	simm.s32 @!p1 $0x180;
	[sflag:s14] =	ssyncadd.s32 @!p1 $0xFFFFC000  }
0x113: {  	[tilespmem:s0], [sflag:$0x2] =	stream.indirect.gather @!p1 [hbm4b:s5+s26], $0x80, s26, s26, $0xb8;
	[tilespmem:$0x1C200] =	vst v63  }
0x114: {  	s14 =	simm.s32 @!p1 $0x6  }
0x115: {  	[tilespmem:s10], [sflag:$0x6] =	stream.linear.gather @!p1 [hbm4b:s11+s2], $0x80, $0x38;
	[tilespmem:$0x1C200] =	vst v63  }
0x116: {  	_ =	swait.ge @!p1 [sflag:s14], $0x80  }
0x117: {  	s23 =	simm.s32 @!p1 $0x100;
	s25 =	simm.s32 @!p1 $0x200;
	[sflag:s14] =	ssyncset.done @!p1 $0x0  }
0x118: {  	[sflag:s14] =	ssyncadd.s32 @!p1 $0xFFFFFF80  }
0x119: {  	[spmem:s1] =	stream.indirect.scatter.add.f32 @!p1 [tilespmem:s25], [sflag:$0x3], $0x80, s23, s26, $0xb8;
	[tilespmem:$0x1C200] =	vst v63  }
0x11a: {  	_ = 	snop  }
0x11b: {  	[tilespmem:s2], [sflag:$0x6] =	stream.linear.gather @!p1 [hbm4b:s12+s2], $0x80, $0x38;
	[tilespmem:$0x1C200] =	vst v63  }
0x11c: {  	_ =	swait.ge @!p1 [sflag:s14], $0x80  }
0x11d: {  	s29 =	simm.s32 @!p1 $0x2;
	[sflag:s14] =	ssyncset.done @!p1 $0x0  }
0x11e: {  	[sflag:s14] =	ssyncadd.s32 @!p1 $0xFFFFFF80  }
0x11f: {  	_ =	swait.ge @!p1 [sflag:s29], $0x4000  }
0x120: {  	s31 =	simm.s32 @!p1 $0x3;
	[sflag:s29] =	ssyncset.done @!p1 $0x0  }
0x121: {  	[sflag:s29] =	ssyncadd.s32 @!p1 $0xFFFFC000  }
0x122: {  	_ =	swait.ge @!p1 [sflag:s31], $0x4000  }
0x123: {  	[sflag:s31] =	ssyncset.done @!p1 $0x0  }
0x124: {  	[sflag:s31] =	ssyncadd.s32 @!p1 $0xFFFFC000  }
0x125: {  	[tilespmem:s25], [sflag:$0x1] =	stream.indirect.gather @!p1 [hbm4b:s5+s26], $0x80, s2, s26, $0xb8;
	[tilespmem:$0x1C200] =	vst v63  }
0x126: {  	_ = 	snop  }
0x127: {  	[tilespmem:s23], [sflag:$0x6] =	stream.linear.gather @!p1 [hbm4b:s16+s2], $0x80, $0x38;
	[tilespmem:$0x1C200] =	vst v63  }
0x128: {  	_ =	swait.ge @!p1 [sflag:s14], $0x80  }
0x129: {  	s13 =	sadd.s32 $0x2, s13;
	p2 =	slt.u32 @!p1 s18, $0x27;
	[sflag:s14] =	ssyncset.done @!p1 $0x0  }
.Ltmp1:
0x12a: {  	p2 =	por !p2, p1;
	[sflag:s14] =	ssyncadd.s32 @!p1 $0xFFFFFF80;
	(pc) =	sbr.rel @p0 .LBB2_4-.Ltmp1, $4  }
0x12b: {  	s11 =	sadd.s32 $0x400, s11;
	s2 =	simm.s32 @!p2 $0x0;
	s14 =	simm.s32 @!p2 $0x80  }
0x12c: {  	[spmem:s1] =	stream.indirect.scatter.add.f32 @!p1 [tilespmem:s0], [sflag:$0x4], $0x80, s10, s26, $0xb8;
	[tilespmem:$0x1C200] =	vst v63  }
0x12d: {  	s12 =	sadd.s32 $0x400, s12;
	s16 =	sadd.s32 $0x400, s16;
	s0 =	simm.s32 @!p2 $0x5  }
0x12e: {  	[tilespmem:s14], [sflag:$0x5] =	stream.linear.gather @!p2 [hbm4b:s19+s2], $0x80, $0x38;
	[tilespmem:$0x1C200] =	vst v63  }
0x12f: {  	_ =	swait.ge @!p2 [sflag:s0], $0x80  }
0x130: {  	[sflag:s0] =	ssyncset.done @!p2 $0x0  }
0x131: {  	s31 =	simm.s32 $0x3;
	[sflag:s0] =	ssyncadd.s32 @!p2 $0xFFFFFF80  }
0x132: {  	_ =	swait.ge [sflag:s31], $0x4000  }
0x133: {  	[sflag:s31] =	ssyncset.done $0x0  }
0x134: {  	s2 =	simm.s32 $0x4;
	[sflag:s31] =	ssyncadd.s32 $0xFFFFC000  }
0x135: {  	_ =	swait.ge [sflag:s2], $0x4000  }
0x136: {  	[sflag:s2] =	ssyncset.done $0x0  }
0x137: {  	[sflag:s2] =	ssyncadd.s32 $0xFFFFC000  }
0x138: {  	[bflag:$0x0] =	sbarrier.arrive $0xFFFF  }
0x139: {  	s9 =	rddreg [dreg:$0x5]  }
0x13a: {  	s11 =	rddreg [dreg:$0xa]  }
0x13b: {  	[hbm:s11], [sflag:s9] =	dma.local [spmem:s24], $0x2800  }
0x13c: {  	_ =	swait.ge [sflag:s28], $0x2800  }
0x13d: {  	[sflag:s28] =	ssyncset.done $0x0  }
0x13e: {  	[sflag:s28] =	ssyncadd.s32 $0xFFFFD800  }
0x13f: {  	[bflag:$0x0] =	sbarrier.arrive $0xFFFF  }
0x140: {  	s12 =	rddreg [dreg:$0x4]  }
0x141: {  	[spmem:s24], [sflag:s9] =	dma.local [hbm:s12], $0x2800  }
0x142: {  	_ =	swait.ge [sflag:s28], $0x2800  }
0x143: {  	[sflag:s28] =	ssyncset.done $0x0  }
0x144: {  	[sflag:s28] =	ssyncadd.s32 $0xFFFFD800  }
0x145: {  	[bflag:$0x0] =	sbarrier.arrive $0xFFFF  }
0x146: {  	s13 =	rddreg [dreg:$0x6]  }
0x147: {  	[tilespmem:s3], [sflag:$0x5] =	stream.linear.gather [hbm4b:s13+s3], $0x80, $0x38;
	[tilespmem:$0x1C200] =	vst v63  }
0x148: {  	_ =	swait.ge [sflag:s28], $0x80  }
0x149: {  	[sflag:s28] =	ssyncset.done $0x0  }
0x14a: {  	s16 =	simm.s32 $0x100;
	s14 =	rddreg [dreg:$0x7];
	[sflag:s28] =	ssyncadd.s32 $0xFFFFFF80  }
0x14b: {  	[tilespmem:s16], [sflag:$0x5] =	stream.linear.gather [hbm4b:s14+s3], $0x80, $0x38;
	[tilespmem:$0x1C200] =	vst v63  }
0x14c: {  	_ =	swait.ge [sflag:s28], $0x80  }
0x14d: {  	[sflag:s28] =	ssyncset.done $0x0  }
0x14e: {  	s10 =	simm.s32 $0x200;
	[sflag:s28] =	ssyncadd.s32 $0xFFFFFF80  }
0x14f: {  	[tilespmem:s10], [sflag:$0x1] =	stream.indirect.gather [hbm4b:s6+s30], $0x80, s3, s30, $0xb8;
	[tilespmem:$0x1C200] =	vst v63  }
0x150: {  	s18 =	rddreg [dreg:$0x8]  }
0x151: {  	[tilespmem:s30], [sflag:$0x5] =	stream.linear.gather [hbm4b:s18+s3], $0x80, $0x38;
	[tilespmem:$0x1C200] =	vst v63  }
0x152: {  	_ =	swait.ge [sflag:s28], $0x80  }
0x153: {  	[sflag:s28] =	ssyncset.done $0x0  }
0x154: {  	s19 =	simm.s32 $0x1;
	[sflag:s28] =	ssyncadd.s32 $0xFFFFFF80  }
0x155: {  	_ =	swait.ge [sflag:s19], $0x4000  }
0x156: {  	[sflag:s19] =	ssyncset.done $0x0  }
0x157: {  	s11 =	simm.s32 $0x4200;
	[sflag:s19] =	ssyncadd.s32 $0xFFFFC000  }
0x158: {  	[tilespmem:s11], [sflag:$0x2] =	stream.indirect.gather [hbm4b:s6+s30], $0x80, s30, s30, $0xb8;
	[tilespmem:$0x1C200] =	vst v63  }
0x159: {  	s12 =	simm.s32 $0x180;
	s23 =	rddreg [dreg:$0x11]  }
0x15a: {  	[tilespmem:s12], [sflag:$0x6] =	stream.linear.gather [hbm4b:s23+s3], $0x80, $0x38;
	[tilespmem:$0x1C200] =	vst v63  }
0x15b: {  	_ =	swait.ge [sflag:s8], $0x80  }
0x15c: {  	[sflag:s8] =	ssyncset.done $0x0  }
0x15d: {  	[sflag:s8] =	ssyncadd.s32 $0xFFFFFF80  }
0x15e: {  	[spmem:s1] =	stream.indirect.scatter.add.f32 [tilespmem:s10], [sflag:$0x3], $0x80, s16, s30, $0xb8;
	[tilespmem:$0x1C200] =	vst v63  }
0x15f: {  	s25 =	rddreg [dreg:$0xb]  }
0x160: {  	[tilespmem:s3], [sflag:$0x6] =	stream.linear.gather [hbm4b:s25+s3], $0x80, $0x38;
	[tilespmem:$0x1C200] =	vst v63  }
0x161: {  	_ =	swait.ge [sflag:s8], $0x80  }
0x162: {  	[sflag:s8] =	ssyncset.done $0x0  }
0x163: {  	s26 =	simm.s32 $0x2;
	[sflag:s8] =	ssyncadd.s32 $0xFFFFFF80  }
0x164: {  	_ =	swait.ge [sflag:s26], $0x4000  }
0x165: {  	[sflag:s26] =	ssyncset.done $0x0  }
0x166: {  	[sflag:s26] =	ssyncadd.s32 $0xFFFFC000  }
0x167: {  	_ =	swait.ge [sflag:s31], $0x4000  }
0x168: {  	[sflag:s31] =	ssyncset.done $0x0  }
0x169: {  	[sflag:s31] =	ssyncadd.s32 $0xFFFFC000  }
0x16a: {  	[tilespmem:s10], [sflag:$0x1] =	stream.indirect.gather [hbm4b:s6+s30], $0x80, s3, s30, $0xb8;
	[tilespmem:$0x1C200] =	vst v63  }
0x16b: {  	s29 =	rddreg [dreg:$0xc]  }
0x16c: {  	[tilespmem:s16], [sflag:$0x6] =	stream.linear.gather [hbm4b:s29+s3], $0x80, $0x38;
	[tilespmem:$0x1C200] =	vst v63  }
0x16d: {  	_ =	swait.ge [sflag:s8], $0x80  }
0x16e: {  	[sflag:s8] =	ssyncset.done $0x0  }
0x16f: {  	[sflag:s8] =	ssyncadd.s32 $0xFFFFFF80  }
0x170: {  	[spmem:s1] =	stream.indirect.scatter.add.f32 [tilespmem:s11], [sflag:$0x4], $0x80, s12, s30, $0xb8;
	[tilespmem:$0x1C200] =	vst v63  }
0x171: {  	s31 =	rddreg [dreg:$0xd]  }
0x172: {  	[tilespmem:s30], [sflag:$0x5] =	stream.linear.gather [hbm4b:s31+s3], $0x80, $0x38;
	[tilespmem:$0x1C200] =	vst v63  }
0x173: {  	_ =	swait.ge [sflag:s28], $0x80  }
0x174: {  	[sflag:s28] =	ssyncset.done $0x0  }
0x175: {  	[sflag:s28] =	ssyncadd.s32 $0xFFFFFF80  }
0x176: {  	p0 =	por $0x0, $0x0;
	_ =	swait.ge [sflag:s15], $0x4000  }
0x177: {  	s0 =	simm.s32 @p0 $0x80;
	s2 =	simm.s32 @p0 $0x100;
	[sflag:s15] =	ssyncset.done $0x0  }
0x178: {  	s9 =	simm.s32 @p0 $0x200;
	s10 =	simm.s32 @!p0 $0x4;
	[sflag:s15] =	ssyncadd.s32 $0xFFFFC000  }
0x179: {  	[spmem:s1] =	stream.indirect.scatter.add.f32 @p0 [tilespmem:s9], [sflag:$0x3], $0x80, s2, s0, $0xb8;
	[tilespmem:$0x1C200] =	vst v63  }
0x17a: {  	_ =	swait.ge @!p0 [sflag:s10], $0x4000  }
0x17b: {  	[sflag:s10] =	ssyncset.done @!p0 $0x0  }
0x17c: {  	s0 =	simm.s32 @!p0 $0x80;
	s2 =	simm.s32 @!p0 $0x4200;
	[sflag:s10] =	ssyncadd.s32 @!p0 $0xFFFFC000  }
0x17d: {  	[tilespmem:s2], [sflag:$0x2] =	stream.indirect.gather @!p0 [hbm4b:s6+s0], $0x80, s0, s0, $0xb8;
	[tilespmem:$0x1C200] =	vst v63  }
0x17e: {  	s11 =	simm.s32 @!p0 $0x6;
	s9 =	simm.s32 @!p0 $0x0;
	s10 =	simm.s32 @!p0 $0x180  }
0x17f: {  	[tilespmem:s10], [sflag:$0x6] =	stream.linear.gather @!p0 [hbm4b:s22+s9], $0x80, $0x38;
	[tilespmem:$0x1C200] =	vst v63  }
0x180: {  	_ =	swait.ge @!p0 [sflag:s11], $0x80  }
0x181: {  	[sflag:s11] =	ssyncset.done @!p0 $0x0  }
0x182: {  	s13 =	simm.s32 @!p0 $0x200;
	s12 =	simm.s32 @!p0 $0x100;
	[sflag:s11] =	ssyncadd.s32 @!p0 $0xFFFFFF80  }
0x183: {  	[spmem:s1] =	stream.indirect.scatter.add.f32 @!p0 [tilespmem:s13], [sflag:$0x3], $0x80, s12, s0, $0xb8;
	[tilespmem:$0x1C200] =	vst v63  }
0x184: {  	_ = 	snop  }
0x185: {  	[tilespmem:s9], [sflag:$0x6] =	stream.linear.gather @!p0 [hbm4b:s20+s9], $0x80, $0x38;
	[tilespmem:$0x1C200] =	vst v63  }
0x186: {  	_ =	swait.ge @!p0 [sflag:s11], $0x80  }
0x187: {  	[sflag:s11] =	ssyncset.done @!p0 $0x0  }
0x188: {  	s14 =	simm.s32 @!p0 $0x2;
	[sflag:s11] =	ssyncadd.s32 @!p0 $0xFFFFFF80  }
0x189: {  	_ =	swait.ge @!p0 [sflag:s14], $0x4000  }
0x18a: {  	[sflag:s14] =	ssyncset.done @!p0 $0x0  }
0x18b: {  	[sflag:s14] =	ssyncadd.s32 @!p0 $0xFFFFC000;
	s14 =	simm.s32 @!p0 $0x3  }
0x18c: {  	_ =	swait.ge @!p0 [sflag:s14], $0x4000  }
0x18d: {  	[sflag:s14] =	ssyncset.done @!p0 $0x0  }
0x18e: {  	[sflag:s14] =	ssyncadd.s32 @!p0 $0xFFFFC000  }
0x18f: {  	[tilespmem:s13], [sflag:$0x1] =	stream.indirect.gather @!p0 [hbm4b:s6+s0], $0x80, s9, s0, $0xb8;
	[tilespmem:$0x1C200] =	vst v63  }
0x190: {  	_ = 	snop  }
0x191: {  	[tilespmem:s12], [sflag:$0x6] =	stream.linear.gather @!p0 [hbm4b:s21+s9], $0x80, $0x38;
	[tilespmem:$0x1C200] =	vst v63  }
0x192: {  	p1 =	por @!p0 $0x1, $0x1;
	_ =	swait.ge @!p0 [sflag:s11], $0x80  }
0x193: {  	p2 =	por !p1, p0;
	s19 =	smov.u32 s17;
	[sflag:s11] =	ssyncset.done @!p0 $0x0  }
0x194: {  	s16 =	sadd.s32 $0x400, s21;
	s13 =	simm.s32 $0x5;
	[sflag:s11] =	ssyncadd.s32 @!p0 $0xFFFFFF80  }
0x195: {  	[spmem:s1] =	stream.indirect.scatter.add.f32 @!p0 [tilespmem:s2], [sflag:$0x4], $0x80, s10, s0, $0xb8;
	[tilespmem:$0x1C200] =	vst v63  }
0x196: {  	s9 =	simm.s32 $0x2;
	s0 =	simm.s32 @!p2 $0x0;
	s2 =	simm.s32 @!p2 $0x80  }
0x197: {  	[tilespmem:s2], [sflag:$0x5] =	stream.linear.gather @!p2 [hbm4b:s17+s0], $0x80, $0x38;
	[tilespmem:$0x1C200] =	vst v63  }
0x198: {  	s12 =	sadd.s32 $0x400, s20;
	s11 =	sadd.s32 $0x400, s22;
	s0 =	simm.s32 @!p2 $0x5  }
.LBB2_6:
0x199: {  	_ =	swait.ge @!p2 [sflag:s0], $0x80  }
0x19a: {  	s19 =	sadd.s32 $0x400, s19;
	s18 =	smov.u32 s9;
	s9 =	sadd.s32 $0x1, s9  }
0x19b: {  	p0 =	sne.s32 s9, $0x29;
	[sflag:s0] =	ssyncset.done @!p2 $0x0  }
0x19c: {  	[sflag:s0] =	ssyncadd.s32 @!p2 $0xFFFFFF80  }
0x19d: {  	p1 =	sgt.u32 s13, $0x50;
	_ =	swait.ge [sflag:s15], $0x4000  }
0x19e: {  	s2 =	simm.s32 @p1 $0x100;
	s0 =	simm.s32 @p1 $0x80;
	[sflag:s15] =	ssyncset.done $0x0  }
0x19f: {  	s10 =	simm.s32 @p1 $0x200;
	s14 =	simm.s32 @!p1 $0x4;
	[sflag:s15] =	ssyncadd.s32 $0xFFFFC000  }
0x1a0: {  	[spmem:s1] =	stream.indirect.scatter.add.f32 @p1 [tilespmem:s10], [sflag:$0x3], $0x80, s2, s0, $0xb8;
	[tilespmem:$0x1C200] =	vst v63  }
0x1a1: {  	_ =	swait.ge @!p1 [sflag:s14], $0x4000  }
0x1a2: {  	s26 =	simm.s32 @!p1 $0x80;
	s0 =	simm.s32 @!p1 $0x4200;
	[sflag:s14] =	ssyncset.done @!p1 $0x0  }
0x1a3: {  	s2 =	simm.s32 @!p1 $0x0;
	s10 =	simm.s32 @!p1 $0x180;
	[sflag:s14] =	ssyncadd.s32 @!p1 $0xFFFFC000  }
0x1a4: {  	[tilespmem:s0], [sflag:$0x2] =	stream.indirect.gather @!p1 [hbm4b:s6+s26], $0x80, s26, s26, $0xb8;
	[tilespmem:$0x1C200] =	vst v63  }
0x1a5: {  	s14 =	simm.s32 @!p1 $0x6  }
0x1a6: {  	[tilespmem:s10], [sflag:$0x6] =	stream.linear.gather @!p1 [hbm4b:s11+s2], $0x80, $0x38;
	[tilespmem:$0x1C200] =	vst v63  }
0x1a7: {  	_ =	swait.ge @!p1 [sflag:s14], $0x80  }
0x1a8: {  	s23 =	simm.s32 @!p1 $0x100;
	s25 =	simm.s32 @!p1 $0x200;
	[sflag:s14] =	ssyncset.done @!p1 $0x0  }
0x1a9: {  	[sflag:s14] =	ssyncadd.s32 @!p1 $0xFFFFFF80  }
0x1aa: {  	[spmem:s1] =	stream.indirect.scatter.add.f32 @!p1 [tilespmem:s25], [sflag:$0x3], $0x80, s23, s26, $0xb8;
	[tilespmem:$0x1C200] =	vst v63  }
0x1ab: {  	_ = 	snop  }
0x1ac: {  	[tilespmem:s2], [sflag:$0x6] =	stream.linear.gather @!p1 [hbm4b:s12+s2], $0x80, $0x38;
	[tilespmem:$0x1C200] =	vst v63  }
0x1ad: {  	_ =	swait.ge @!p1 [sflag:s14], $0x80  }
0x1ae: {  	s29 =	simm.s32 @!p1 $0x2;
	[sflag:s14] =	ssyncset.done @!p1 $0x0  }
0x1af: {  	[sflag:s14] =	ssyncadd.s32 @!p1 $0xFFFFFF80  }
0x1b0: {  	_ =	swait.ge @!p1 [sflag:s29], $0x4000  }
0x1b1: {  	s31 =	simm.s32 @!p1 $0x3;
	[sflag:s29] =	ssyncset.done @!p1 $0x0  }
0x1b2: {  	[sflag:s29] =	ssyncadd.s32 @!p1 $0xFFFFC000  }
0x1b3: {  	_ =	swait.ge @!p1 [sflag:s31], $0x4000  }
0x1b4: {  	[sflag:s31] =	ssyncset.done @!p1 $0x0  }
0x1b5: {  	[sflag:s31] =	ssyncadd.s32 @!p1 $0xFFFFC000  }
0x1b6: {  	[tilespmem:s25], [sflag:$0x1] =	stream.indirect.gather @!p1 [hbm4b:s6+s26], $0x80, s2, s26, $0xb8;
	[tilespmem:$0x1C200] =	vst v63  }
0x1b7: {  	_ = 	snop  }
0x1b8: {  	[tilespmem:s23], [sflag:$0x6] =	stream.linear.gather @!p1 [hbm4b:s16+s2], $0x80, $0x38;
	[tilespmem:$0x1C200] =	vst v63  }
0x1b9: {  	_ =	swait.ge @!p1 [sflag:s14], $0x80  }
0x1ba: {  	s13 =	sadd.s32 $0x2, s13;
	p2 =	slt.u32 @!p1 s18, $0x27;
	[sflag:s14] =	ssyncset.done @!p1 $0x0  }
.Ltmp2:
0x1bb: {  	p2 =	por !p2, p1;
	[sflag:s14] =	ssyncadd.s32 @!p1 $0xFFFFFF80;
	(pc) =	sbr.rel @p0 .LBB2_6-.Ltmp2, $4  }
0x1bc: {  	s11 =	sadd.s32 $0x400, s11;
	s2 =	simm.s32 @!p2 $0x0;
	s14 =	simm.s32 @!p2 $0x80  }
0x1bd: {  	[spmem:s1] =	stream.indirect.scatter.add.f32 @!p1 [tilespmem:s0], [sflag:$0x4], $0x80, s10, s26, $0xb8;
	[tilespmem:$0x1C200] =	vst v63  }
0x1be: {  	s12 =	sadd.s32 $0x400, s12;
	s16 =	sadd.s32 $0x400, s16;
	s0 =	simm.s32 @!p2 $0x5  }
0x1bf: {  	[tilespmem:s14], [sflag:$0x5] =	stream.linear.gather @!p2 [hbm4b:s19+s2], $0x80, $0x38;
	[tilespmem:$0x1C200] =	vst v63  }
0x1c0: {  	_ =	swait.ge @!p2 [sflag:s0], $0x80  }
0x1c1: {  	[sflag:s0] =	ssyncset.done @!p2 $0x0  }
0x1c2: {  	s31 =	simm.s32 $0x3;
	[sflag:s0] =	ssyncadd.s32 @!p2 $0xFFFFFF80  }
0x1c3: {  	_ =	swait.ge [sflag:s31], $0x4000  }
0x1c4: {  	[sflag:s31] =	ssyncset.done $0x0  }
0x1c5: {  	s2 =	simm.s32 $0x4;
	[sflag:s31] =	ssyncadd.s32 $0xFFFFC000  }
0x1c6: {  	_ =	swait.ge [sflag:s2], $0x4000  }
0x1c7: {  	[sflag:s2] =	ssyncset.done $0x0  }
0x1c8: {  	[sflag:s2] =	ssyncadd.s32 $0xFFFFC000  }
0x1c9: {  	[bflag:$0x0] =	sbarrier.arrive $0xFFFF  }
0x1ca: {  	s9 =	rddreg [dreg:$0x5]  }
0x1cb: {  	s11 =	rddreg [dreg:$0xe]  }
0x1cc: {  	[hbm:s11], [sflag:s9] =	dma.local [spmem:s24], $0x2800  }
0x1cd: {  	_ =	swait.ge [sflag:s28], $0x2800  }
0x1ce: {  	[sflag:s28] =	ssyncset.done $0x0  }
0x1cf: {  	[sflag:s28] =	ssyncadd.s32 $0xFFFFD800  }
0x1d0: {  	[bflag:$0x0] =	sbarrier.arrive $0xFFFF  }
0x1d1: {  	s12 =	rddreg [dreg:$0x4]  }
0x1d2: {  	[spmem:s24], [sflag:s9] =	dma.local [hbm:s12], $0x2800  }
0x1d3: {  	_ =	swait.ge [sflag:s28], $0x2800  }
0x1d4: {  	[sflag:s28] =	ssyncset.done $0x0  }
0x1d5: {  	[sflag:s28] =	ssyncadd.s32 $0xFFFFD800  }
0x1d6: {  	[bflag:$0x0] =	sbarrier.arrive $0xFFFF  }
0x1d7: {  	s13 =	rddreg [dreg:$0x6]  }
0x1d8: {  	[tilespmem:s3], [sflag:$0x5] =	stream.linear.gather [hbm4b:s13+s3], $0x80, $0x38;
	[tilespmem:$0x1C200] =	vst v63  }
0x1d9: {  	_ =	swait.ge [sflag:s28], $0x80  }
0x1da: {  	[sflag:s28] =	ssyncset.done $0x0  }
0x1db: {  	s16 =	simm.s32 $0x100;
	s14 =	rddreg [dreg:$0x7];
	[sflag:s28] =	ssyncadd.s32 $0xFFFFFF80  }
0x1dc: {  	[tilespmem:s16], [sflag:$0x5] =	stream.linear.gather [hbm4b:s14+s3], $0x80, $0x38;
	[tilespmem:$0x1C200] =	vst v63  }
0x1dd: {  	_ =	swait.ge [sflag:s28], $0x80  }
0x1de: {  	[sflag:s28] =	ssyncset.done $0x0  }
0x1df: {  	s10 =	simm.s32 $0x200;
	[sflag:s28] =	ssyncadd.s32 $0xFFFFFF80  }
0x1e0: {  	[tilespmem:s10], [sflag:$0x1] =	stream.indirect.gather [hbm4b:s7+s30], $0x80, s3, s30, $0xb8;
	[tilespmem:$0x1C200] =	vst v63  }
0x1e1: {  	s18 =	rddreg [dreg:$0x8]  }
0x1e2: {  	[tilespmem:s30], [sflag:$0x5] =	stream.linear.gather [hbm4b:s18+s3], $0x80, $0x38;
	[tilespmem:$0x1C200] =	vst v63  }
0x1e3: {  	_ =	swait.ge [sflag:s28], $0x80  }
0x1e4: {  	[sflag:s28] =	ssyncset.done $0x0  }
0x1e5: {  	s19 =	simm.s32 $0x1;
	[sflag:s28] =	ssyncadd.s32 $0xFFFFFF80  }
0x1e6: {  	_ =	swait.ge [sflag:s19], $0x4000  }
0x1e7: {  	[sflag:s19] =	ssyncset.done $0x0  }
0x1e8: {  	s11 =	simm.s32 $0x4200;
	[sflag:s19] =	ssyncadd.s32 $0xFFFFC000  }
0x1e9: {  	[tilespmem:s11], [sflag:$0x2] =	stream.indirect.gather [hbm4b:s7+s30], $0x80, s30, s30, $0xb8;
	[tilespmem:$0x1C200] =	vst v63  }
0x1ea: {  	s12 =	simm.s32 $0x180;
	s23 =	rddreg [dreg:$0x11]  }
0x1eb: {  	[tilespmem:s12], [sflag:$0x6] =	stream.linear.gather [hbm4b:s23+s3], $0x80, $0x38;
	[tilespmem:$0x1C200] =	vst v63  }
0x1ec: {  	_ =	swait.ge [sflag:s8], $0x80  }
0x1ed: {  	[sflag:s8] =	ssyncset.done $0x0  }
0x1ee: {  	[sflag:s8] =	ssyncadd.s32 $0xFFFFFF80  }
0x1ef: {  	[spmem:s1] =	stream.indirect.scatter.add.f32 [tilespmem:s10], [sflag:$0x3], $0x80, s16, s30, $0xb8;
	[tilespmem:$0x1C200] =	vst v63  }
0x1f0: {  	s25 =	rddreg [dreg:$0xb]  }
0x1f1: {  	[tilespmem:s3], [sflag:$0x6] =	stream.linear.gather [hbm4b:s25+s3], $0x80, $0x38;
	[tilespmem:$0x1C200] =	vst v63  }
0x1f2: {  	_ =	swait.ge [sflag:s8], $0x80  }
0x1f3: {  	[sflag:s8] =	ssyncset.done $0x0  }
0x1f4: {  	s26 =	simm.s32 $0x2;
	[sflag:s8] =	ssyncadd.s32 $0xFFFFFF80  }
0x1f5: {  	_ =	swait.ge [sflag:s26], $0x4000  }
0x1f6: {  	[sflag:s26] =	ssyncset.done $0x0  }
0x1f7: {  	[sflag:s26] =	ssyncadd.s32 $0xFFFFC000  }
0x1f8: {  	_ =	swait.ge [sflag:s31], $0x4000  }
0x1f9: {  	[sflag:s31] =	ssyncset.done $0x0  }
0x1fa: {  	[sflag:s31] =	ssyncadd.s32 $0xFFFFC000  }
0x1fb: {  	[tilespmem:s10], [sflag:$0x1] =	stream.indirect.gather [hbm4b:s7+s30], $0x80, s3, s30, $0xb8;
	[tilespmem:$0x1C200] =	vst v63  }
0x1fc: {  	s29 =	rddreg [dreg:$0xc]  }
0x1fd: {  	[tilespmem:s16], [sflag:$0x6] =	stream.linear.gather [hbm4b:s29+s3], $0x80, $0x38;
	[tilespmem:$0x1C200] =	vst v63  }
0x1fe: {  	_ =	swait.ge [sflag:s8], $0x80  }
0x1ff: {  	[sflag:s8] =	ssyncset.done $0x0  }
0x200: {  	[sflag:s8] =	ssyncadd.s32 $0xFFFFFF80  }
0x201: {  	[spmem:s1] =	stream.indirect.scatter.add.f32 [tilespmem:s11], [sflag:$0x4], $0x80, s12, s30, $0xb8;
	[tilespmem:$0x1C200] =	vst v63  }
0x202: {  	s31 =	rddreg [dreg:$0xd]  }
0x203: {  	[tilespmem:s30], [sflag:$0x5] =	stream.linear.gather [hbm4b:s31+s3], $0x80, $0x38;
	[tilespmem:$0x1C200] =	vst v63  }
0x204: {  	_ =	swait.ge [sflag:s28], $0x80  }
0x205: {  	[sflag:s28] =	ssyncset.done $0x0  }
0x206: {  	[sflag:s28] =	ssyncadd.s32 $0xFFFFFF80  }
0x207: {  	p0 =	por $0x0, $0x0;
	_ =	swait.ge [sflag:s15], $0x4000  }
0x208: {  	s0 =	simm.s32 @p0 $0x80;
	s2 =	simm.s32 @p0 $0x100;
	[sflag:s15] =	ssyncset.done $0x0  }
0x209: {  	s9 =	simm.s32 @p0 $0x200;
	s10 =	simm.s32 @!p0 $0x4;
	[sflag:s15] =	ssyncadd.s32 $0xFFFFC000  }
0x20a: {  	[spmem:s1] =	stream.indirect.scatter.add.f32 @p0 [tilespmem:s9], [sflag:$0x3], $0x80, s2, s0, $0xb8;
	[tilespmem:$0x1C200] =	vst v63  }
0x20b: {  	_ =	swait.ge @!p0 [sflag:s10], $0x4000  }
0x20c: {  	[sflag:s10] =	ssyncset.done @!p0 $0x0  }
0x20d: {  	s0 =	simm.s32 @!p0 $0x80;
	s2 =	simm.s32 @!p0 $0x4200;
	[sflag:s10] =	ssyncadd.s32 @!p0 $0xFFFFC000  }
0x20e: {  	[tilespmem:s2], [sflag:$0x2] =	stream.indirect.gather @!p0 [hbm4b:s7+s0], $0x80, s0, s0, $0xb8;
	[tilespmem:$0x1C200] =	vst v63  }
0x20f: {  	s11 =	simm.s32 @!p0 $0x6;
	s9 =	simm.s32 @!p0 $0x0;
	s10 =	simm.s32 @!p0 $0x180  }
0x210: {  	[tilespmem:s10], [sflag:$0x6] =	stream.linear.gather @!p0 [hbm4b:s22+s9], $0x80, $0x38;
	[tilespmem:$0x1C200] =	vst v63  }
0x211: {  	_ =	swait.ge @!p0 [sflag:s11], $0x80  }
0x212: {  	[sflag:s11] =	ssyncset.done @!p0 $0x0  }
0x213: {  	s13 =	simm.s32 @!p0 $0x200;
	s12 =	simm.s32 @!p0 $0x100;
	[sflag:s11] =	ssyncadd.s32 @!p0 $0xFFFFFF80  }
0x214: {  	[spmem:s1] =	stream.indirect.scatter.add.f32 @!p0 [tilespmem:s13], [sflag:$0x3], $0x80, s12, s0, $0xb8;
	[tilespmem:$0x1C200] =	vst v63  }
0x215: {  	_ = 	snop  }
0x216: {  	[tilespmem:s9], [sflag:$0x6] =	stream.linear.gather @!p0 [hbm4b:s20+s9], $0x80, $0x38;
	[tilespmem:$0x1C200] =	vst v63  }
0x217: {  	_ =	swait.ge @!p0 [sflag:s11], $0x80  }
0x218: {  	[sflag:s11] =	ssyncset.done @!p0 $0x0  }
0x219: {  	s14 =	simm.s32 @!p0 $0x2;
	[sflag:s11] =	ssyncadd.s32 @!p0 $0xFFFFFF80  }
0x21a: {  	_ =	swait.ge @!p0 [sflag:s14], $0x4000  }
0x21b: {  	[sflag:s14] =	ssyncset.done @!p0 $0x0  }
0x21c: {  	[sflag:s14] =	ssyncadd.s32 @!p0 $0xFFFFC000;
	s14 =	simm.s32 @!p0 $0x3  }
0x21d: {  	_ =	swait.ge @!p0 [sflag:s14], $0x4000  }
0x21e: {  	[sflag:s14] =	ssyncset.done @!p0 $0x0  }
0x21f: {  	[sflag:s14] =	ssyncadd.s32 @!p0 $0xFFFFC000  }
0x220: {  	[tilespmem:s13], [sflag:$0x1] =	stream.indirect.gather @!p0 [hbm4b:s7+s0], $0x80, s9, s0, $0xb8;
	[tilespmem:$0x1C200] =	vst v63  }
0x221: {  	_ = 	snop  }
0x222: {  	[tilespmem:s12], [sflag:$0x6] =	stream.linear.gather @!p0 [hbm4b:s21+s9], $0x80, $0x38;
	[tilespmem:$0x1C200] =	vst v63  }
0x223: {  	p1 =	por @!p0 $0x1, $0x1;
	_ =	swait.ge @!p0 [sflag:s11], $0x80  }
0x224: {  	p2 =	por !p1, p0;
	s19 =	smov.u32 s17;
	[sflag:s11] =	ssyncset.done @!p0 $0x0  }
0x225: {  	s16 =	sadd.s32 $0x400, s21;
	s13 =	simm.s32 $0x5;
	[sflag:s11] =	ssyncadd.s32 @!p0 $0xFFFFFF80  }
0x226: {  	[spmem:s1] =	stream.indirect.scatter.add.f32 @!p0 [tilespmem:s2], [sflag:$0x4], $0x80, s10, s0, $0xb8;
	[tilespmem:$0x1C200] =	vst v63  }
0x227: {  	s9 =	simm.s32 $0x2;
	s0 =	simm.s32 @!p2 $0x0;
	s2 =	simm.s32 @!p2 $0x80  }
0x228: {  	[tilespmem:s2], [sflag:$0x5] =	stream.linear.gather @!p2 [hbm4b:s17+s0], $0x80, $0x38;
	[tilespmem:$0x1C200] =	vst v63  }
0x229: {  	s12 =	sadd.s32 $0x400, s20;
	s11 =	sadd.s32 $0x400, s22;
	s0 =	simm.s32 @!p2 $0x5  }
.LBB2_8:
0x22a: {  	_ =	swait.ge @!p2 [sflag:s0], $0x80  }
0x22b: {  	s19 =	sadd.s32 $0x400, s19;
	s18 =	smov.u32 s9;
	s9 =	sadd.s32 $0x1, s9  }
0x22c: {  	p0 =	sne.s32 s9, $0x29;
	[sflag:s0] =	ssyncset.done @!p2 $0x0  }
0x22d: {  	[sflag:s0] =	ssyncadd.s32 @!p2 $0xFFFFFF80  }
0x22e: {  	p1 =	sgt.u32 s13, $0x50;
	_ =	swait.ge [sflag:s15], $0x4000  }
0x22f: {  	s2 =	simm.s32 @p1 $0x100;
	s0 =	simm.s32 @p1 $0x80;
	[sflag:s15] =	ssyncset.done $0x0  }
0x230: {  	s10 =	simm.s32 @p1 $0x200;
	s14 =	simm.s32 @!p1 $0x4;
	[sflag:s15] =	ssyncadd.s32 $0xFFFFC000  }
0x231: {  	[spmem:s1] =	stream.indirect.scatter.add.f32 @p1 [tilespmem:s10], [sflag:$0x3], $0x80, s2, s0, $0xb8;
	[tilespmem:$0x1C200] =	vst v63  }
0x232: {  	_ =	swait.ge @!p1 [sflag:s14], $0x4000  }
0x233: {  	s26 =	simm.s32 @!p1 $0x80;
	s0 =	simm.s32 @!p1 $0x4200;
	[sflag:s14] =	ssyncset.done @!p1 $0x0  }
0x234: {  	s2 =	simm.s32 @!p1 $0x0;
	s10 =	simm.s32 @!p1 $0x180;
	[sflag:s14] =	ssyncadd.s32 @!p1 $0xFFFFC000  }
0x235: {  	[tilespmem:s0], [sflag:$0x2] =	stream.indirect.gather @!p1 [hbm4b:s7+s26], $0x80, s26, s26, $0xb8;
	[tilespmem:$0x1C200] =	vst v63  }
0x236: {  	s14 =	simm.s32 @!p1 $0x6  }
0x237: {  	[tilespmem:s10], [sflag:$0x6] =	stream.linear.gather @!p1 [hbm4b:s11+s2], $0x80, $0x38;
	[tilespmem:$0x1C200] =	vst v63  }
0x238: {  	_ =	swait.ge @!p1 [sflag:s14], $0x80  }
0x239: {  	s23 =	simm.s32 @!p1 $0x100;
	s25 =	simm.s32 @!p1 $0x200;
	[sflag:s14] =	ssyncset.done @!p1 $0x0  }
0x23a: {  	[sflag:s14] =	ssyncadd.s32 @!p1 $0xFFFFFF80  }
0x23b: {  	[spmem:s1] =	stream.indirect.scatter.add.f32 @!p1 [tilespmem:s25], [sflag:$0x3], $0x80, s23, s26, $0xb8;
	[tilespmem:$0x1C200] =	vst v63  }
0x23c: {  	_ = 	snop  }
0x23d: {  	[tilespmem:s2], [sflag:$0x6] =	stream.linear.gather @!p1 [hbm4b:s12+s2], $0x80, $0x38;
	[tilespmem:$0x1C200] =	vst v63  }
0x23e: {  	_ =	swait.ge @!p1 [sflag:s14], $0x80  }
0x23f: {  	s29 =	simm.s32 @!p1 $0x2;
	[sflag:s14] =	ssyncset.done @!p1 $0x0  }
0x240: {  	[sflag:s14] =	ssyncadd.s32 @!p1 $0xFFFFFF80  }
0x241: {  	_ =	swait.ge @!p1 [sflag:s29], $0x4000  }
0x242: {  	s31 =	simm.s32 @!p1 $0x3;
	[sflag:s29] =	ssyncset.done @!p1 $0x0  }
0x243: {  	[sflag:s29] =	ssyncadd.s32 @!p1 $0xFFFFC000  }
0x244: {  	_ =	swait.ge @!p1 [sflag:s31], $0x4000  }
0x245: {  	[sflag:s31] =	ssyncset.done @!p1 $0x0  }
0x246: {  	[sflag:s31] =	ssyncadd.s32 @!p1 $0xFFFFC000  }
0x247: {  	[tilespmem:s25], [sflag:$0x1] =	stream.indirect.gather @!p1 [hbm4b:s7+s26], $0x80, s2, s26, $0xb8;
	[tilespmem:$0x1C200] =	vst v63  }
0x248: {  	_ = 	snop  }
0x249: {  	[tilespmem:s23], [sflag:$0x6] =	stream.linear.gather @!p1 [hbm4b:s16+s2], $0x80, $0x38;
	[tilespmem:$0x1C200] =	vst v63  }
0x24a: {  	_ =	swait.ge @!p1 [sflag:s14], $0x80  }
0x24b: {  	s13 =	sadd.s32 $0x2, s13;
	p2 =	slt.u32 @!p1 s18, $0x27;
	[sflag:s14] =	ssyncset.done @!p1 $0x0  }
.Ltmp3:
0x24c: {  	p2 =	por !p2, p1;
	[sflag:s14] =	ssyncadd.s32 @!p1 $0xFFFFFF80;
	(pc) =	sbr.rel @p0 .LBB2_8-.Ltmp3, $4  }
0x24d: {  	s11 =	sadd.s32 $0x400, s11;
	s2 =	simm.s32 @!p2 $0x0;
	s14 =	simm.s32 @!p2 $0x80  }
0x24e: {  	[spmem:s1] =	stream.indirect.scatter.add.f32 @!p1 [tilespmem:s0], [sflag:$0x4], $0x80, s10, s26, $0xb8;
	[tilespmem:$0x1C200] =	vst v63  }
0x24f: {  	s12 =	sadd.s32 $0x400, s12;
	s16 =	sadd.s32 $0x400, s16;
	s0 =	simm.s32 @!p2 $0x5  }
0x250: {  	[tilespmem:s14], [sflag:$0x5] =	stream.linear.gather @!p2 [hbm4b:s19+s2], $0x80, $0x38;
	[tilespmem:$0x1C200] =	vst v63  }
0x251: {  	_ =	swait.ge @!p2 [sflag:s0], $0x80  }
0x252: {  	[sflag:s0] =	ssyncset.done @!p2 $0x0  }
0x253: {  	s12 =	simm.s32 $0x3;
	[sflag:s0] =	ssyncadd.s32 @!p2 $0xFFFFFF80  }
0x254: {  	_ =	swait.ge [sflag:s12], $0x4000  }
0x255: {  	[sflag:s12] =	ssyncset.done $0x0  }
0x256: {  	s26 =	simm.s32 $0x4;
	[sflag:s12] =	ssyncadd.s32 $0xFFFFC000  }
0x257: {  	_ =	swait.ge [sflag:s26], $0x4000  }
0x258: {  	[sflag:s26] =	ssyncset.done $0x0  }
0x259: {  	[sflag:s26] =	ssyncadd.s32 $0xFFFFC000  }
0x25a: {  	[bflag:$0x0] =	sbarrier.arrive $0xFFFF  }
0x25b: {  	s10 =	rddreg [dreg:$0x5]  }
0x25c: {  	s29 =	rddreg [dreg:$0xf]  }
0x25d: {  	[hbm:s29], [sflag:s10] =	dma.local [spmem:s24], $0x2800  }
0x25e: {  	_ =	swait.ge [sflag:s28], $0x2800  }
0x25f: {  	s2 =	rddreg [dreg:$0x12]  }
0x260: {  	s31 =	rddreg [dreg:$0x10];
	s2 =	sadd.s32 $0x1, s2  }
0x261: {  	p0 =	sne.s32 s2, s31  }
.Ltmp4:
0x262: {  	_ = 	snop;
	(pc) =	sbr.rel @p0 .LBB2_1-.Ltmp4, $3  }
0x263: {  	[sflag:s28] =	ssyncset.done $0x0  }
0x264: {  	[sflag:s28] =	ssyncadd.s32 $0xFFFFD800  }
0x265: {  	[bflag:$0x0] =	sbarrier.arrive $0xFFFF;
	_ =	sdelay $0x1  }
0x266: {  	_ =	sfence.sel $0x180000  }
0x267: {  	[bflag:$0x0] =	sbarrier.arrive $0xFFFF  }
0x268: {  	_ =	strace $0x90000050  }
0x269: {  	s0 =	stileid.u32;
	[bflag:$0x2] =	sbarrier.arrive $0xFFFF  }
0x26a: {  	p0 =	sne.s32 s0, $0x0;
	s0 =	rddreg [dreg:$0x2]  }
0x26b: {  	s0 =	sadd.s32 @!p0 $0x100000, s0  }
0x26c: {  	[sflag:s0] =	ssyncadd.tile.s32 @!p0 $0x1;
	_ =	shalt  }
.Lfunc_end2:
_tile_overlayer_lowered:
.L_overlay_start_2:
0x26d: {  	(tag) =	ssettag $0x2  }
0x26e: {  	s0 =	rddreg [dreg:$0x0];
	s2 =	stileid.u32  }
0x26f: {  	s1 =	rddreg [dreg:$0x1];
	p0 =	sne.s32 s2, $0x0  }
0x270: {  	s3 =	rddreg [dreg:$0x2];
	[bflag:$0x3] =	sbarrier.arrive $0xFFFF;
	s2 =	simm.s32 @!p0 $0x1C05  }
0x271: {  	[timem:s3], [sflag:s2] =	dma.local @!p0 [hbm:s0], s1  }
0x272: {  	s0 =	simm.s32 @!p0 $0x5  }
0x273: {  	_ =	swait.ge @!p0 [sflag:s0], s1  }
0x274: {  	s1 =	ssub.s32 @!p0 $0x0, s1;
	[sflag:s0] =	ssyncset.done @!p0 $0x0  }
0x275: {  	[sflag:s0] =	ssyncadd.s32 @!p0 s1  }
0x276: {  	[bflag:$0x3] =	sbarrier.arrive $0xFFFF  }
0x277: {  	_ =	shalt  }

</sc_bundles>
